<compile_context>
chip_gen: v7x
topology: tpu7x:2x2x1
jax: 0.10.2.dev20260603
libtpu: 0.0.44.dev20260713+nightly
codegen_flags: <defaults>
</compile_context>

<pallas_src>
import functools

import jax
import jax.numpy as jnp
from jax import lax
from jax.experimental import pallas as pl
from jax.experimental.pallas import tpu as pltpu
from jax.experimental.pallas import tpu_sc as plsc

N_ATOM = 10000
N_BOND = 10000
N_GLOBAL = 64
E_BOND = 320000
E_GLOBAL = 10000
D = 128

NC = 2
NS = 16
NW = NC * NS

PAD_N = 10240
ZROWS = PAD_N // NS
DROWS = PAD_N // D
L = 16

CH = 80
GRP = 25
NGRP_A = 5
NGRP_B = 1
GRP_B = 4
NBUF = 2
E_GLOBAL_P = NW * GRP_B * CH

BLK = 2048


def _sc_aggregate(tab_a, tab_b, sd_a, sd_b, zeros_sl):
    mesh = plsc.VectorSubcoreMesh(
        core_axis_name="c", subcore_axis_name="s", num_cores=NC, num_subcores=NS
    )

    @functools.partial(
        pl.kernel,
        out_type=[
            jax.ShapeDtypeStruct((NC, PAD_N, D), jnp.float32),
            jax.ShapeDtypeStruct((NC, PAD_N, D), jnp.float32),
            jax.ShapeDtypeStruct((NC, NS, DROWS, D), jnp.float32),
            jax.ShapeDtypeStruct((NC, NS, DROWS, D), jnp.float32),
        ],
        mesh=mesh,
        compiler_params=pltpu.CompilerParams(needs_layout_passes=False),
        scratch_types=[
            pltpu.VMEM_SHARED((PAD_N, D), jnp.float32),
            pltpu.VMEM((GRP, CH), jnp.int32),
            pltpu.VMEM((GRP, CH), jnp.int32),
            *[pltpu.VMEM((CH, D), jnp.float32) for _ in range(NBUF)],
            pltpu.VMEM((DROWS, D), jnp.float32),
            *[pltpu.SemaphoreType.DMA for _ in range(NBUF)],
            pltpu.SemaphoreType.DMA,
            pltpu.SemaphoreType.DMA,
        ],
    )
    def body(tab_a_h, tab_b_h, sd_a_h, sd_b_h, zz_h,
             out_a_h, out_b_h, deg_a_h, deg_b_h,
             acc, srcv, dstv, *rest):
        rowbufs = rest[:NBUF]
        ldeg = rest[NBUF]
        gsems_l = rest[NBUF + 1:NBUF + 1 + NBUF]
        sems0, sems1 = rest[NBUF + 1 + NBUF:]
        c = lax.axis_index("c")
        s = lax.axis_index("s")
        wid = c * NS + s
        ones = jnp.full((L,), 1.0, jnp.float32)

        def do_phase(table_h, sd_h, out_h, deg_h, ngrp, grp):
            pltpu.sync_copy(zz_h, acc.at[pl.ds(s * ZROWS, ZROWS)])
            pltpu.sync_copy(zz_h.at[pl.ds(0, DROWS)], ldeg)
            plsc.subcore_barrier()

            bufs = tuple(rowbufs)
            gsems = tuple(gsems_l)
            ssems = (sems0, sems1)

            def group(g, carry):
                pltpu.sync_copy(sd_h.at[0, wid, g], srcv.at[pl.ds(0, grp)])
                pltpu.sync_copy(sd_h.at[1, wid, g], dstv.at[pl.ds(0, grp)])
                gat = [None, None]
                scat = [None, None]
                gat[0] = pltpu.async_copy(table_h.at[srcv.at[0]], bufs[0], gsems[0])
                for i in range(grp):
                    p = i % 2
                    for j in range(CH // L):
                        dd = dstv[i, pl.ds(j * L, L)]
                        plsc.addupdate_scatter(
                            ldeg,
                            [lax.shift_right_logical(dd, 7),
                             lax.bitwise_and(dd, 127)], ones)
                    if i + 1 < grp:
                        if scat[1 - p] is not None:
                            scat[1 - p].wait()
                        gat[1 - p] = pltpu.async_copy(
                            table_h.at[srcv.at[i + 1]], bufs[1 - p], gsems[1 - p])
                    gat[p].wait()
                    scat[p] = pltpu.async_copy(
                        bufs[p], acc.at[dstv.at[i]], ssems[p], add=True)
                if grp >= 2 and scat[(grp - 2) % 2] is not None:
                    scat[(grp - 2) % 2].wait()
                scat[(grp - 1) % 2].wait()
                return carry

            lax.fori_loop(0, ngrp, group, 0)
            pltpu.sync_copy(ldeg, deg_h.at[c, s])
            plsc.subcore_barrier()
            pltpu.sync_copy(
                acc.at[pl.ds(s * ZROWS, ZROWS)],
                out_h.at[c, pl.ds(s * ZROWS, ZROWS)],
            )
            plsc.subcore_barrier()

        do_phase(tab_a_h, sd_a_h, out_a_h, deg_a_h, NGRP_A, GRP)
        do_phase(tab_b_h, sd_b_h, out_b_h, deg_b_h, NGRP_B, GRP_B)

    return body(tab_a, tab_b, sd_a, sd_b, zeros_sl)


def _deg_sum_body(da, db, oa, ob):
    oa[...] = jnp.sum(da[...], axis=0)
    ob[...] = jnp.sum(db[...], axis=0)


def _tc_deg_sum(deg_a, deg_b):
    return pl.pallas_call(
        _deg_sum_body,
        out_shape=[
            jax.ShapeDtypeStruct((DROWS, D), jnp.float32),
            jax.ShapeDtypeStruct((DROWS, D), jnp.float32),
        ],
    )(deg_a, deg_b)


def _softplus(x):
    mx = jnp.maximum(x, 0.0)
    return mx + jnp.log(jnp.exp(-mx) + jnp.exp(x - mx))


def _mlp_body(mf, a0, a1, g0, g1, da, dg,
              w1a, w1b, w1c, bb1, w2, bb2, w3, bb3, out):
    m1 = (a0 + a1) / jnp.maximum(da, 1.0)
    m2 = (g0 + g1) / jnp.maximum(dg, 1.0)
    h = (
        jnp.dot(mf, w1a, preferred_element_type=jnp.float32)
        + jnp.dot(m1, w1b, preferred_element_type=jnp.float32)
        + jnp.dot(m2, w1c, preferred_element_type=jnp.float32)
        + bb1
    )
    h = _softplus(h)
    h = _softplus(jnp.dot(h, w2, preferred_element_type=jnp.float32) + bb2)
    out[...] = jnp.dot(h, w3, preferred_element_type=jnp.float32) + bb3


def _tc_mlp(mfp, acc_a, acc_b, deg_a, deg_b, w1a, w1b, w1c, bb1, w2, bb2, w3, bb3):
    n_out = w3.shape[1]
    grid = (PAD_N // BLK,)
    blk_rows = lambda i: (i, 0)
    full = lambda i: (0, 0)
    slab = lambda k: pl.BlockSpec((1, BLK, D), lambda i, k=k: (k, i, 0))
    return pl.pallas_call(
        lambda mf, a0, a1, g0, g1, da, dg, *rest: _mlp_body(
            mf[...], a0[0], a1[0], g0[0], g1[0], da[...], dg[...],
            *(r[...] for r in rest[:-1]), rest[-1]
        ),
        grid=grid,
        in_specs=[
            pl.BlockSpec((BLK, D), blk_rows),
            slab(0), slab(1), slab(0), slab(1),
            pl.BlockSpec((BLK, 1), blk_rows),
            pl.BlockSpec((BLK, 1), blk_rows),
            pl.BlockSpec((D, 64), full),
            pl.BlockSpec((D, 64), full),
            pl.BlockSpec((D, 64), full),
            pl.BlockSpec((1, 64), full),
            pl.BlockSpec((64, 64), full),
            pl.BlockSpec((1, 64), full),
            pl.BlockSpec((64, n_out), full),
            pl.BlockSpec((1, n_out), full),
        ],
        out_specs=pl.BlockSpec((BLK, n_out), blk_rows),
        out_shape=jax.ShapeDtypeStruct((N_ATOM, n_out), jnp.float32),
    )(mfp, acc_a, acc_a, acc_b, acc_b, deg_a, deg_b,
      w1a, w1b, w1c, bb1, w2, bb2, w3, bb3)


def kernel(master_feats, bond_feats, global_feats, edge_index_bond,
           src_global, dst_global, W1, b1, W2, b2, W3, b3):
    f32 = jnp.float32
    i32 = jnp.int32

    sd_a = edge_index_bond.reshape(2, NW, NGRP_A, GRP, CH)

    n_pad = E_GLOBAL_P - E_GLOBAL
    sd_b = jnp.stack([
        jnp.concatenate([src_global, jnp.zeros((n_pad,), i32)]),
        jnp.concatenate([dst_global, jnp.full((n_pad,), N_ATOM, i32)]),
    ]).reshape(2, NW, NGRP_B, GRP_B, CH)

    zeros_sl = jnp.zeros((ZROWS, D), f32)

    acc_a, acc_b, deg_a, deg_b = _sc_aggregate(
        bond_feats, global_feats, sd_a, sd_b, zeros_sl
    )
    deg_a, deg_b = _tc_deg_sum(
        deg_a.reshape(NW, DROWS, D), deg_b.reshape(NW, DROWS, D)
    )
    deg_a = deg_a.reshape(PAD_N, 1)
    deg_b = deg_b.reshape(PAD_N, 1)

    w1a, w1b, w1c = W1[:D], W1[D:2 * D], W1[2 * D:]
    return _tc_mlp(
        master_feats, acc_a, acc_b, deg_a, deg_b, w1a, w1b, w1c,
        b1.reshape(1, -1), W2, b2.reshape(1, -1), W3, b3.reshape(1, -1),
    )

# --- scband reference (transcript-rebuilt; emitter-appended) ---
"""Pipeline reference for scband-atom-update-layer-18373870092601 (READ-ONLY COPY).

The authoritative reference and input builder live on the scoring server;
editing this copy changes nothing except your own understanding.
"""

import jax, jax.numpy as jnp
import numpy as np

N_ATOM = 10000
N_BOND = 10000
N_GLOBAL = 64
E_BOND = 320000
E_GLOBAL = 10000
D = 128
IN_SIZE = 3 * D  # atom + bond + global after two concat-mean aggregations
OUT_SIZES = [64, 64, 32]


def setup_inputs(seed: int = 0) -> dict:
    key = jax.random.key(seed)
    ks = [jax.random.fold_in(key, i) for i in range(16)]
    inp = {}
    inp["master_feats"] = jax.random.normal(ks[0], (N_ATOM, D), dtype=jnp.float32)
    inp["bond_feats"] = jax.random.normal(ks[1], (N_BOND, D), dtype=jnp.float32)
    inp["global_feats"] = jax.random.normal(ks[2], (N_GLOBAL, D), dtype=jnp.float32)
    inp["edge_index_bond"] = jax.random.randint(ks[3], (2, E_BOND), 0, N_BOND, dtype=jnp.int64 if jax.config.jax_enable_x64 else jnp.int32).astype(jnp.int32)
    inp["src_global"] = jax.random.randint(ks[4], (E_GLOBAL,), 0, N_GLOBAL).astype(jnp.int32)
    inp["dst_global"] = jax.random.randint(ks[5], (E_GLOBAL,), 0, N_ATOM).astype(jnp.int32)
    # LinearN parameters: in_size -> 64 -> 64 -> 32, bias on all layers
    sizes = [IN_SIZE] + OUT_SIZES
    for i in range(3):
        fan_in = sizes[i]
        inp[f"W{i+1}"] = jax.random.normal(ks[6 + 2 * i], (sizes[i], sizes[i + 1]), dtype=jnp.float32) * (1.0 / np.sqrt(fan_in))
        inp[f"b{i+1}"] = jax.random.normal(ks[7 + 2 * i], (sizes[i + 1],), dtype=jnp.float32) * 0.01
    return inp


def _segment_mean(msg, dst, num_segments):
    summed = jax.ops.segment_sum(msg, dst, num_segments=num_segments)
    deg = jax.ops.segment_sum(jnp.ones((dst.shape[0],), dtype=msg.dtype), dst, num_segments=num_segments)
    return summed / jnp.maximum(deg, 1.0)[:, None]


def reference(master_feats, bond_feats, global_feats, edge_index_bond, src_global, dst_global, W1, b1, W2, b2, W3, b3):
    N = master_feats.shape[0]
    # etype (bond, b2a, atom): copy_u('ft','m'), mean('m','m'), then ft = cat([ft, m])
    src_b = edge_index_bond[0]
    dst_b = edge_index_bond[1]
    m1 = _segment_mean(bond_feats[src_b], dst_b, N)
    ft = jnp.concatenate([master_feats, m1], axis=1)
    # etype (global, g2a, atom): same pattern, ft = cat([ft, m])
    m2 = _segment_mean(global_feats[src_global], dst_global, N)
    ft = jnp.concatenate([ft, m2], axis=1)
    # LinearN: Linear -> Softplus -> Linear -> Softplus -> Linear -> Identity
    h = jax.nn.softplus(ft @ W1 + b1)
    h = jax.nn.softplus(h @ W2 + b2)
    out = h @ W3 + b3
    return out

if __name__ == "__main__":
    import jax
    _d = setup_inputs()
    print(jax.jit(kernel)(*tuple(_d.values())))

</pallas_src>

<mosaic_0001>
#map = affine_map<(d0, d1) -> (0, 0)>
#map1 = affine_map<(d0, d1) -> (0, 0, 0, 0, 0)>
#map2 = affine_map<(d0, d1) -> (0, 0, 0)>
#map3 = affine_map<(d0, d1) -> (0, 0, 0, 0)>
module attributes {stable_mosaic.version = 14 : i64} {
  func.func @body(%arg0: i32, %arg1: i32, %arg2: memref<10000x128xf32, #tpu.memory_space<hbm>>, %arg3: memref<64x128xf32, #tpu.memory_space<hbm>>, %arg4: memref<2x32x5x25x80xi32, #tpu.memory_space<hbm>>, %arg5: memref<2x32x1x4x80xi32, #tpu.memory_space<hbm>>, %arg6: memref<640x128xf32, #tpu.memory_space<hbm>>, %arg7: memref<2x10240x128xf32, #tpu.memory_space<hbm>>, %arg8: memref<2x10240x128xf32, #tpu.memory_space<hbm>>, %arg9: memref<2x16x80x128xf32, #tpu.memory_space<hbm>>, %arg10: memref<2x16x80x128xf32, #tpu.memory_space<hbm>>, %arg11: memref<10240x128xf32, #tpu.memory_space<vmem_shared>>, %arg12: memref<25x80xi32, #tpu.memory_space<vmem>>, %arg13: memref<25x80xi32, #tpu.memory_space<vmem>>, %arg14: memref<80x128xf32, #tpu.memory_space<vmem>>, %arg15: memref<80x128xf32, #tpu.memory_space<vmem>>, %arg16: memref<80x128xf32, #tpu.memory_space<vmem>>, %arg17: memref<!tpu.dma_semaphore, #tpu.memory_space<semaphore_mem>>, %arg18: memref<!tpu.dma_semaphore, #tpu.memory_space<semaphore_mem>>, %arg19: memref<!tpu.dma_semaphore, #tpu.memory_space<semaphore_mem>>, %arg20: memref<!tpu.dma_semaphore, #tpu.memory_space<semaphore_mem>>) attributes {dimension_semantics = [#tpu.dimension_semantics<core_parallel>, #tpu.dimension_semantics<subcore_parallel>], iteration_bounds = array<i64: 2, 16>, scalar_prefetch = 0 : i64, scratch_operands = 10 : i64, tpu.core_type = #tpu.core_type<sc_vector_subcore>, window_params = [{transform_indices = #map}, {transform_indices = #map}, {transform_indices = #map1}, {transform_indices = #map1}, {transform_indices = #map}, {transform_indices = #map2}, {transform_indices = #map2}, {transform_indices = #map3}, {transform_indices = #map3}]} {
    %mul3A = arith.constant 16 : i32
    %mul3A_0 = arith.muli %arg0, %mul3A : i32
    %add3A = arith.addi %mul3A_0, %arg1 : i32
    %broadcast_in_dim3A = arith.constant 1.000000e+00 : f32
    %broadcast_in_dim3A_1 = vector.broadcast %broadcast_in_dim3A : f32 to vector<16xf32>
    %mul3A_2 = arith.constant 640 : i32
    %mul3A_3 = arith.muli %arg1, %mul3A_2 : i32
    "tpu.region"() ({
      %run_scoped3A_335 = tpu.sem_alloc : memref<!tpu.dma_semaphore, #tpu.memory_space<semaphore_mem>>
      %dma_start3A_336 = arith.constant 0 : i32
      %dma_start3A_337 = tpu.memref_slice %arg11[%mul3A_3, %dma_start3A_336] : memref<10240x128xf32, #tpu.memory_space<vmem_shared>> -> memref<640x128xf32, #tpu.memory_space<vmem_shared>>
      tpu.enqueue_dma source(%arg6 : memref<640x128xf32, #tpu.memory_space<hbm>>) target(%dma_start3A_337 : memref<640x128xf32, #tpu.memory_space<vmem_shared>>) target_semaphore(%run_scoped3A_335 : memref<!tpu.dma_semaphore, #tpu.memory_space<semaphore_mem>>)
      %dma_wait3A_338 = arith.constant 0 : i32
      %dma_wait3A_339 = tpu.memref_slice %arg11[%mul3A_3, %dma_wait3A_338] : memref<10240x128xf32, #tpu.memory_space<vmem_shared>> -> memref<640x128xf32, #tpu.memory_space<vmem_shared>>
      tpu.wait_dma2 semaphore(%run_scoped3A_335 : memref<!tpu.dma_semaphore, #tpu.memory_space<semaphore_mem>>) src(%arg6 : memref<640x128xf32, #tpu.memory_space<hbm>>) dst(%dma_wait3A_339 : memref<640x128xf32, #tpu.memory_space<vmem_shared>>)
      tpu.yield
    }) : () -> ()
    "tpu.region"() ({
      %run_scoped3A_335 = tpu.sem_alloc : memref<!tpu.dma_semaphore, #tpu.memory_space<semaphore_mem>>
      %dma_start3A_336 = arith.constant 0 : i32
      %dma_start3A_337 = arith.constant 0 : i32
      %dma_start3A_338 = tpu.memref_slice %arg6[%dma_start3A_336, %dma_start3A_337] : memref<640x128xf32, #tpu.memory_space<hbm>> -> memref<80x128xf32, #tpu.memory_space<hbm>>
      %dma_start3A_339 = arith.constant 0 : i32
      %dma_start3A_340 = arith.constant 0 : i32
      %dma_start3A_341 = tpu.memref_slice %arg6[%dma_start3A_339, %dma_start3A_340] : memref<640x128xf32, #tpu.memory_space<hbm>> -> memref<80x128xf32, #tpu.memory_space<hbm>>
      tpu.enqueue_dma source(%dma_start3A_341 : memref<80x128xf32, #tpu.memory_space<hbm>>) target(%arg16 : memref<80x128xf32, #tpu.memory_space<vmem>>) target_semaphore(%run_scoped3A_335 : memref<!tpu.dma_semaphore, #tpu.memory_space<semaphore_mem>>)
      %dma_wait3A_342 = arith.constant 0 : i32
      %dma_wait3A_343 = arith.constant 0 : i32
      %dma_wait3A_344 = tpu.memref_slice %arg6[%dma_wait3A_342, %dma_wait3A_343] : memref<640x128xf32, #tpu.memory_space<hbm>> -> memref<80x128xf32, #tpu.memory_space<hbm>>
      %dma_wait3A_345 = arith.constant 0 : i32
      %dma_wait3A_346 = arith.constant 0 : i32
      %dma_wait3A_347 = tpu.memref_slice %arg6[%dma_wait3A_345, %dma_wait3A_346] : memref<640x128xf32, #tpu.memory_space<hbm>> -> memref<80x128xf32, #tpu.memory_space<hbm>>
      tpu.wait_dma2 semaphore(%run_scoped3A_335 : memref<!tpu.dma_semaphore, #tpu.memory_space<semaphore_mem>>) src(%dma_wait3A_347 : memref<80x128xf32, #tpu.memory_space<hbm>>) dst(%arg16 : memref<80x128xf32, #tpu.memory_space<vmem>>)
      tpu.yield
    }) : () -> ()
    %barrier3A = arith.constant 0 : index
    tpu.barrier barrier_id(%barrier3A)
    %scan3A = arith.constant 0 : i32
    %scan3A_4 = arith.constant 0 : i32
    %scan3A_5 = arith.constant 5 : i32
    %scan3A_6 = arith.addi %scan3A_4, %scan3A_5 : i32
    %scan3A_7 = arith.constant 1 : i32
    scf.for %scan3A_335 = %scan3A_4 to %scan3A_6 step %scan3A_7  : i32 {
      %run_scoped3A_336 = arith.constant 0 : i32
      "tpu.region"() ({
        %run_scoped3A_2288 = tpu.sem_alloc : memref<!tpu.dma_semaphore, #tpu.memory_space<semaphore_mem>>
        %dma_start3A_2289 = arith.constant 0 : i32
        %dma_start3A_2290 = arith.constant 0 : i32
        %dma_start3A_2291 = tpu.memref_slice %arg12[%dma_start3A_2289, %dma_start3A_2290] : memref<25x80xi32, #tpu.memory_space<vmem>> -> memref<25x80xi32, #tpu.memory_space<vmem>>
        %dma_start3A_2292 = arith.constant 0 : i32
        %dma_start3A_2293 = arith.constant 0 : i32
        %dma_start3A_2294 = tpu.memref_slice %arg4[%run_scoped3A_336, %add3A, %scan3A_335, %dma_start3A_2292, %dma_start3A_2293] : memref<2x32x5x25x80xi32, #tpu.memory_space<hbm>> -> memref<1x1x1x25x80xi32, #tpu.memory_space<hbm>>
        %dma_start3A_2295 = tpu.memref_squeeze %dma_start3A_2294 : memref<1x1x1x25x80xi32, #tpu.memory_space<hbm>> -> memref<25x80xi32, #tpu.memory_space<hbm>>
        %dma_start3A_2296 = arith.constant 0 : i32
        %dma_start3A_2297 = arith.constant 0 : i32
        %dma_start3A_2298 = tpu.memref_slice %arg12[%dma_start3A_2296, %dma_start3A_2297] : memref<25x80xi32, #tpu.memory_space<vmem>> -> memref<25x80xi32, #tpu.memory_space<vmem>>
        %dma_start3A_2299 = arith.constant 0 : i32
        %dma_start3A_2300 = arith.constant 0 : i32
        %dma_start3A_2301 = tpu.memref_slice %arg4[%run_scoped3A_336, %add3A, %scan3A_335, %dma_start3A_2299, %dma_start3A_2300] : memref<2x32x5x25x80xi32, #tpu.memory_space<hbm>> -> memref<1x1x1x25x80xi32, #tpu.memory_space<hbm>>
        %dma_start3A_2302 = tpu.memref_squeeze %dma_start3A_2301 : memref<1x1x1x25x80xi32, #tpu.memory_space<hbm>> -> memref<25x80xi32, #tpu.memory_space<hbm>>
        tpu.enqueue_dma source(%dma_start3A_2302 : memref<25x80xi32, #tpu.memory_space<hbm>>) target(%dma_start3A_2298 : memref<25x80xi32, #tpu.memory_space<vmem>>) target_semaphore(%run_scoped3A_2288 : memref<!tpu.dma_semaphore, #tpu.memory_space<semaphore_mem>>)
        %dma_wait3A_2303 = arith.constant 0 : i32
        %dma_wait3A_2304 = arith.constant 0 : i32
        %dma_wait3A_2305 = tpu.memref_slice %arg12[%dma_wait3A_2303, %dma_wait3A_2304] : memref<25x80xi32, #tpu.memory_space<vmem>> -> memref<25x80xi32, #tpu.memory_space<vmem>>
        %dma_wait3A_2306 = arith.constant 0 : i32
        %dma_wait3A_2307 = arith.constant 0 : i32
        %dma_wait3A_2308 = tpu.memref_slice %arg4[%run_scoped3A_336, %add3A, %scan3A_335, %dma_wait3A_2306, %dma_wait3A_2307] : memref<2x32x5x25x80xi32, #tpu.memory_space<hbm>> -> memref<1x1x1x25x80xi32, #tpu.memory_space<hbm>>
        %dma_wait3A_2309 = tpu.memref_squeeze %dma_wait3A_2308 : memref<1x1x1x25x80xi32, #tpu.memory_space<hbm>> -> memref<25x80xi32, #tpu.memory_space<hbm>>
        %dma_wait3A_2310 = arith.constant 0 : i32
        %dma_wait3A_2311 = arith.constant 0 : i32
        %dma_wait3A_2312 = tpu.memref_slice %arg12[%dma_wait3A_2310, %dma_wait3A_2311] : memref<25x80xi32, #tpu.memory_space<vmem>> -> memref<25x80xi32, #tpu.memory_space<vmem>>
        %dma_wait3A_2313 = arith.constant 0 : i32
        %dma_wait3A_2314 = arith.constant 0 : i32
        %dma_wait3A_2315 = tpu.memref_slice %arg4[%run_scoped3A_336, %add3A, %scan3A_335, %dma_wait3A_2313, %dma_wait3A_2314] : memref<2x32x5x25x80xi32, #tpu.memory_space<hbm>> -> memref<1x1x1x25x80xi32, #tpu.memory_space<hbm>>
        %dma_wait3A_2316 = tpu.memref_squeeze %dma_wait3A_2315 : memref<1x1x1x25x80xi32, #tpu.memory_space<hbm>> -> memref<25x80xi32, #tpu.memory_space<hbm>>
        tpu.wait_dma2 semaphore(%run_scoped3A_2288 : memref<!tpu.dma_semaphore, #tpu.memory_space<semaphore_mem>>) src(%dma_wait3A_2316 : memref<25x80xi32, #tpu.memory_space<hbm>>) dst(%dma_wait3A_2312 : memref<25x80xi32, #tpu.memory_space<vmem>>)
        tpu.yield
      }) : () -> ()
      %run_scoped3A_337 = arith.constant 1 : i32
      "tpu.region"() ({
        %run_scoped3A_2288 = tpu.sem_alloc : memref<!tpu.dma_semaphore, #tpu.memory_space<semaphore_mem>>
        %dma_start3A_2289 = arith.constant 0 : i32
        %dma_start3A_2290 = arith.constant 0 : i32
        %dma_start3A_2291 = tpu.memref_slice %arg13[%dma_start3A_2289, %dma_start3A_2290] : memref<25x80xi32, #tpu.memory_space<vmem>> -> memref<25x80xi32, #tpu.memory_space<vmem>>
        %dma_start3A_2292 = arith.constant 0 : i32
        %dma_start3A_2293 = arith.constant 0 : i32
        %dma_start3A_2294 = tpu.memref_slice %arg4[%run_scoped3A_337, %add3A, %scan3A_335, %dma_start3A_2292, %dma_start3A_2293] : memref<2x32x5x25x80xi32, #tpu.memory_space<hbm>> -> memref<1x1x1x25x80xi32, #tpu.memory_space<hbm>>
        %dma_start3A_2295 = tpu.memref_squeeze %dma_start3A_2294 : memref<1x1x1x25x80xi32, #tpu.memory_space<hbm>> -> memref<25x80xi32, #tpu.memory_space<hbm>>
        %dma_start3A_2296 = arith.constant 0 : i32
        %dma_start3A_2297 = arith.constant 0 : i32
        %dma_start3A_2298 = tpu.memref_slice %arg13[%dma_start3A_2296, %dma_start3A_2297] : memref<25x80xi32, #tpu.memory_space<vmem>> -> memref<25x80xi32, #tpu.memory_space<vmem>>
        %dma_start3A_2299 = arith.constant 0 : i32
        %dma_start3A_2300 = arith.constant 0 : i32
        %dma_start3A_2301 = tpu.memref_slice %arg4[%run_scoped3A_337, %add3A, %scan3A_335, %dma_start3A_2299, %dma_start3A_2300] : memref<2x32x5x25x80xi32, #tpu.memory_space<hbm>> -> memref<1x1x1x25x80xi32, #tpu.memory_space<hbm>>
        %dma_start3A_2302 = tpu.memref_squeeze %dma_start3A_2301 : memref<1x1x1x25x80xi32, #tpu.memory_space<hbm>> -> memref<25x80xi32, #tpu.memory_space<hbm>>
        tpu.enqueue_dma source(%dma_start3A_2302 : memref<25x80xi32, #tpu.memory_space<hbm>>) target(%dma_start3A_2298 : memref<25x80xi32, #tpu.memory_space<vmem>>) target_semaphore(%run_scoped3A_2288 : memref<!tpu.dma_semaphore, #tpu.memory_space<semaphore_mem>>)
        %dma_wait3A_2303 = arith.constant 0 : i32
        %dma_wait3A_2304 = arith.constant 0 : i32
        %dma_wait3A_2305 = tpu.memref_slice %arg13[%dma_wait3A_2303, %dma_wait3A_2304] : memref<25x80xi32, #tpu.memory_space<vmem>> -> memref<25x80xi32, #tpu.memory_space<vmem>>
        %dma_wait3A_2306 = arith.constant 0 : i32
        %dma_wait3A_2307 = arith.constant 0 : i32
        %dma_wait3A_2308 = tpu.memref_slice %arg4[%run_scoped3A_337, %add3A, %scan3A_335, %dma_wait3A_2306, %dma_wait3A_2307] : memref<2x32x5x25x80xi32, #tpu.memory_space<hbm>> -> memref<1x1x1x25x80xi32, #tpu.memory_space<hbm>>
        %dma_wait3A_2309 = tpu.memref_squeeze %dma_wait3A_2308 : memref<1x1x1x25x80xi32, #tpu.memory_space<hbm>> -> memref<25x80xi32, #tpu.memory_space<hbm>>
        %dma_wait3A_2310 = arith.constant 0 : i32
        %dma_wait3A_2311 = arith.constant 0 : i32
        %dma_wait3A_2312 = tpu.memref_slice %arg13[%dma_wait3A_2310, %dma_wait3A_2311] : memref<25x80xi32, #tpu.memory_space<vmem>> -> memref<25x80xi32, #tpu.memory_space<vmem>>
        %dma_wait3A_2313 = arith.constant 0 : i32
        %dma_wait3A_2314 = arith.constant 0 : i32
        %dma_wait3A_2315 = tpu.memref_slice %arg4[%run_scoped3A_337, %add3A, %scan3A_335, %dma_wait3A_2313, %dma_wait3A_2314] : memref<2x32x5x25x80xi32, #tpu.memory_space<hbm>> -> memref<1x1x1x25x80xi32, #tpu.memory_space<hbm>>
        %dma_wait3A_2316 = tpu.memref_squeeze %dma_wait3A_2315 : memref<1x1x1x25x80xi32, #tpu.memory_space<hbm>> -> memref<25x80xi32, #tpu.memory_space<hbm>>
        tpu.wait_dma2 semaphore(%run_scoped3A_2288 : memref<!tpu.dma_semaphore, #tpu.memory_space<semaphore_mem>>) src(%dma_wait3A_2316 : memref<25x80xi32, #tpu.memory_space<hbm>>) dst(%dma_wait3A_2312 : memref<25x80xi32, #tpu.memory_space<vmem>>)
        tpu.yield
      }) : () -> ()
      %dma_start3A_338 = arith.constant 0 : i32
      %dma_start3A_339 = arith.constant 0 : i32
      %dma_start3A_340 = tpu.memref_slice %arg12[%dma_start3A_338, %dma_start3A_339] : memref<25x80xi32, #tpu.memory_space<vmem>> -> memref<1x80xi32, #tpu.memory_space<vmem>>
      %dma_start3A_341 = tpu.memref_squeeze %dma_start3A_340 : memref<1x80xi32, #tpu.memory_space<vmem>> -> memref<80xi32, #tpu.memory_space<vmem>>
      %dma_start3A_342 = arith.constant 0 : i32
      %dma_start3A_343 = arith.constant 0 : i32
      %dma_start3A_344 = tpu.memref_slice %arg2[%dma_start3A_342, %dma_start3A_343] : memref<10000x128xf32, #tpu.memory_space<hbm>> -> memref<10000x128xf32, #tpu.memory_space<hbm>>
      tpu.enqueue_indirect_dma source(%dma_start3A_344 : memref<10000x128xf32, #tpu.memory_space<hbm>>) target(%arg14 : memref<80x128xf32, #tpu.memory_space<vmem>>) offsets(%dma_start3A_341 : memref<80xi32, #tpu.memory_space<vmem>>) semaphore(%arg17 : memref<!tpu.dma_semaphore, #tpu.memory_space<semaphore_mem>>)
      %get3A_345 = arith.constant 0 : i32
      %get3A_346 = arith.index_cast %get3A_345 : i32 to index
      %get3A_347 = arith.constant 0 : index
      %get3A_348 = tpu.vector_load %arg13[%get3A_346, %get3A_347] {strides = array<i32>} : memref<25x80xi32, #tpu.memory_space<vmem>>, vector<16xi32>,
      %shift_right_logical3A_349 = arith.constant 7 : i32
      %shift_right_logical3A_350 = vector.broadcast %shift_right_logical3A_349 : i32 to vector<16xi32>
      %shift_right_logical3A_351 = arith.shrui %get3A_348, %shift_right_logical3A_350 : vector<16xi32>
      %and3A_352 = arith.constant 127 : i32
      %and3A_353 = vector.broadcast %and3A_352 : i32 to vector<16xi32>
      %and3A_354 = arith.andi %get3A_348, %and3A_353 : vector<16xi32>
      tpu.vector_store_idx %arg16[%shift_right_logical3A_351, %and3A_354], %broadcast_in_dim3A_1 {add = true} : memref<80x128xf32, #tpu.memory_space<vmem>>[vector<16xi32>, vector<16xi32>], vector<16xf32>,
      %get3A_355 = arith.constant 0 : i32
      %get3A_356 = arith.index_cast %get3A_355 : i32 to index
      %get3A_357 = arith.constant 16 : index
      %get3A_358 = tpu.vector_load %arg13[%get3A_356, %get3A_357] {strides = array<i32>} : memref<25x80xi32, #tpu.memory_space<vmem>>, vector<16xi32>,
      %shift_right_logical3A_359 = arith.constant 7 : i32
      %shift_right_logical3A_360 = vector.broadcast %shift_right_logical3A_359 : i32 to vector<16xi32>
      %shift_right_logical3A_361 = arith.shrui %get3A_358, %shift_right_logical3A_360 : vector<16xi32>
      %and3A_362 = arith.constant 127 : i32
      %and3A_363 = vector.broadcast %and3A_362 : i32 to vector<16xi32>
      %and3A_364 = arith.andi %get3A_358, %and3A_363 : vector<16xi32>
      tpu.vector_store_idx %arg16[%shift_right_logical3A_361, %and3A_364], %broadcast_in_dim3A_1 {add = true} : memref<80x128xf32, #tpu.memory_space<vmem>>[vector<16xi32>, vector<16xi32>], vector<16xf32>,
      %get3A_365 = arith.constant 0 : i32
      %get3A_366 = arith.index_cast %get3A_365 : i32 to index
      %get3A_367 = arith.constant 32 : index
      %get3A_368 = tpu.vector_load %arg13[%get3A_366, %get3A_367] {strides = array<i32>} : memref<25x80xi32, #tpu.memory_space<vmem>>, vector<16xi32>,
      %shift_right_logical3A_369 = arith.constant 7 : i32
      %shift_right_logical3A_370 = vector.broadcast %shift_right_logical3A_369 : i32 to vector<16xi32>
      %shift_right_logical3A_371 = arith.shrui %get3A_368, %shift_right_logical3A_370 : vector<16xi32>
      %and3A_372 = arith.constant 127 : i32
      %and3A_373 = vector.broadcast %and3A_372 : i32 to vector<16xi32>
      %and3A_374 = arith.andi %get3A_368, %and3A_373 : vector<16xi32>
      tpu.vector_store_idx %arg16[%shift_right_logical3A_371, %and3A_374], %broadcast_in_dim3A_1 {add = true} : memref<80x128xf32, #tpu.memory_space<vmem>>[vector<16xi32>, vector<16xi32>], vector<16xf32>,
      %get3A_375 = arith.constant 0 : i32
      %get3A_376 = arith.index_cast %get3A_375 : i32 to index
      %get3A_377 = arith.constant 48 : index
      %get3A_378 = tpu.vector_load %arg13[%get3A_376, %get3A_377] {strides = array<i32>} : memref<25x80xi32, #tpu.memory_space<vmem>>, vector<16xi32>,
      %shift_right_logical3A_379 = arith.constant 7 : i32
      %shift_right_logical3A_380 = vector.broadcast %shift_right_logical3A_379 : i32 to vector<16xi32>
      %shift_right_logical3A_381 = arith.shrui %get3A_378, %shift_right_logical3A_380 : vector<16xi32>
      %and3A_382 = arith.constant 127 : i32
      %and3A_383 = vector.broadcast %and3A_382 : i32 to vector<16xi32>
      %and3A_384 = arith.andi %get3A_378, %and3A_383 : vector<16xi32>
      tpu.vector_store_idx %arg16[%shift_right_logical3A_381, %and3A_384], %broadcast_in_dim3A_1 {add = true} : memref<80x128xf32, #tpu.memory_space<vmem>>[vector<16xi32>, vector<16xi32>], vector<16xf32>,
      %get3A_385 = arith.constant 0 : i32
      %get3A_386 = arith.index_cast %get3A_385 : i32 to index
      %get3A_387 = arith.constant 64 : index
      %get3A_388 = tpu.vector_load %arg13[%get3A_386, %get3A_387] {strides = array<i32>} : memref<25x80xi32, #tpu.memory_space<vmem>>, vector<16xi32>,
      %shift_right_logical3A_389 = arith.constant 7 : i32
      %shift_right_logical3A_390 = vector.broadcast %shift_right_logical3A_389 : i32 to vector<16xi32>
      %shift_right_logical3A_391 = arith.shrui %get3A_388, %shift_right_logical3A_390 : vector<16xi32>
      %and3A_392 = arith.constant 127 : i32
      %and3A_393 = vector.broadcast %and3A_392 : i32 to vector<16xi32>
      %and3A_394 = arith.andi %get3A_388, %and3A_393 : vector<16xi32>
      tpu.vector_store_idx %arg16[%shift_right_logical3A_391, %and3A_394], %broadcast_in_dim3A_1 {add = true} : memref<80x128xf32, #tpu.memory_space<vmem>>[vector<16xi32>, vector<16xi32>], vector<16xf32>,
      %dma_start3A_395 = arith.constant 1 : i32
      %dma_start3A_396 = arith.constant 0 : i32
      %dma_start3A_397 = tpu.memref_slice %arg12[%dma_start3A_395, %dma_start3A_396] : memref<25x80xi32, #tpu.memory_space<vmem>> -> memref<1x80xi32, #tpu.memory_space<vmem>>
      %dma_start3A_398 = tpu.memref_squeeze %dma_start3A_397 : memref<1x80xi32, #tpu.memory_space<vmem>> -> memref<80xi32, #tpu.memory_space<vmem>>
      %dma_start3A_399 = arith.constant 0 : i32
      %dma_start3A_400 = arith.constant 0 : i32
      %dma_start3A_401 = tpu.memref_slice %arg2[%dma_start3A_399, %dma_start3A_400] : memref<10000x128xf32, #tpu.memory_space<hbm>> -> memref<10000x128xf32, #tpu.memory_space<hbm>>
      tpu.enqueue_indirect_dma source(%dma_start3A_401 : memref<10000x128xf32, #tpu.memory_space<hbm>>) target(%arg15 : memref<80x128xf32, #tpu.memory_space<vmem>>) offsets(%dma_start3A_398 : memref<80xi32, #tpu.memory_space<vmem>>) semaphore(%arg18 : memref<!tpu.dma_semaphore, #tpu.memory_space<semaphore_mem>>)
      %dma_wait3A_402 = arith.constant 0 : i32
      %dma_wait3A_403 = arith.constant 0 : i32
      %dma_wait3A_404 = tpu.memref_slice %arg12[%dma_wait3A_402, %dma_wait3A_403] : memref<25x80xi32, #tpu.memory_space<vmem>> -> memref<1x80xi32, #tpu.memory_space<vmem>>
      %dma_wait3A_405 = tpu.memref_squeeze %dma_wait3A_404 : memref<1x80xi32, #tpu.memory_space<vmem>> -> memref<80xi32, #tpu.memory_space<vmem>>
      %dma_wait3A_406 = arith.constant 0 : i32
      %dma_wait3A_407 = arith.constant 0 : i32
      %dma_wait3A_408 = tpu.memref_slice %arg2[%dma_wait3A_406, %dma_wait3A_407] : memref<10000x128xf32, #tpu.memory_space<hbm>> -> memref<10000x128xf32, #tpu.memory_space<hbm>>
      tpu.wait_indirect_dma semaphore(%arg17 : memref<!tpu.dma_semaphore, #tpu.memory_space<semaphore_mem>>) src(%dma_wait3A_408 : memref<10000x128xf32, #tpu.memory_space<hbm>>) dst(%arg14 : memref<80x128xf32, #tpu.memory_space<vmem>>)
      %dma_start3A_409 = arith.constant 0 : i32
      %dma_start3A_410 = arith.constant 0 : i32
      %dma_start3A_411 = tpu.memref_slice %arg13[%dma_start3A_409, %dma_start3A_410] : memref<25x80xi32, #tpu.memory_space<vmem>> -> memref<1x80xi32, #tpu.memory_space<vmem>>
      %dma_start3A_412 = tpu.memref_squeeze %dma_start3A_411 : memref<1x80xi32, #tpu.memory_space<vmem>> -> memref<80xi32, #tpu.memory_space<vmem>>
      %dma_start3A_413 = arith.constant 0 : i32
      %dma_start3A_414 = arith.constant 0 : i32
      %dma_start3A_415 = tpu.memref_slice %arg11[%dma_start3A_413, %dma_start3A_414] : memref<10240x128xf32, #tpu.memory_space<vmem_shared>> -> memref<10240x128xf32, #tpu.memory_space<vmem_shared>>
      tpu.enqueue_indirect_dma source(%arg14 : memref<80x128xf32, #tpu.memory_space<vmem>>) target(%dma_start3A_415 : memref<10240x128xf32, #tpu.memory_space<vmem_shared>>) offsets(%dma_start3A_412 : memref<80xi32, #tpu.memory_space<vmem>>) semaphore(%arg19 : memref<!tpu.dma_semaphore, #tpu.memory_space<semaphore_mem>>) {add = true}
      %get3A_416 = arith.constant 1 : i32
      %get3A_417 = arith.index_cast %get3A_416 : i32 to index
      %get3A_418 = arith.constant 0 : index
      %get3A_419 = tpu.vector_load %arg13[%get3A_417, %get3A_418] {strides = array<i32>} : memref<25x80xi32, #tpu.memory_space<vmem>>, vector<16xi32>,
      %shift_right_logical3A_420 = arith.constant 7 : i32
      %shift_right_logical3A_421 = vector.broadcast %shift_right_logical3A_420 : i32 to vector<16xi32>
      %shift_right_logical3A_422 = arith.shrui %get3A_419, %shift_right_logical3A_421 : vector<16xi32>
      %and3A_423 = arith.constant 127 : i32
      %and3A_424 = vector.broadcast %and3A_423 : i32 to vector<16xi32>
      %and3A_425 = arith.andi %get3A_419, %and3A_424 : vector<16xi32>
      tpu.vector_store_idx %arg16[%shift_right_logical3A_422, %and3A_425], %broadcast_in_dim3A_1 {add = true} : memref<80x128xf32, #tpu.memory_space<vmem>>[vector<16xi32>, vector<16xi32>], vector<16xf32>,
      %get3A_426 = arith.constant 1 : i32
      %get3A_427 = arith.index_cast %get3A_426 : i32 to index
      %get3A_428 = arith.constant 16 : index
      %get3A_429 = tpu.vector_load %arg13[%get3A_427, %get3A_428] {strides = array<i32>} : memref<25x80xi32, #tpu.memory_space<vmem>>, vector<16xi32>,
      %shift_right_logical3A_430 = arith.constant 7 : i32
      %shift_right_logical3A_431 = vector.broadcast %shift_right_logical3A_430 : i32 to vector<16xi32>
      %shift_right_logical3A_432 = arith.shrui %get3A_429, %shift_right_logical3A_431 : vector<16xi32>
      %and3A_433 = arith.constant 127 : i32
      %and3A_434 = vector.broadcast %and3A_433 : i32 to vector<16xi32>
      %and3A_435 = arith.andi %get3A_429, %and3A_434 : vector<16xi32>
      tpu.vector_store_idx %arg16[%shift_right_logical3A_432, %and3A_435], %broadcast_in_dim3A_1 {add = true} : memref<80x128xf32, #tpu.memory_space<vmem>>[vector<16xi32>, vector<16xi32>], vector<16xf32>,
      %get3A_436 = arith.constant 1 : i32
      %get3A_437 = arith.index_cast %get3A_436 : i32 to index
      %get3A_438 = arith.constant 32 : index
      %get3A_439 = tpu.vector_load %arg13[%get3A_437, %get3A_438] {strides = array<i32>} : memref<25x80xi32, #tpu.memory_space<vmem>>, vector<16xi32>,
      %shift_right_logical3A_440 = arith.constant 7 : i32
      %shift_right_logical3A_441 = vector.broadcast %shift_right_logical3A_440 : i32 to vector<16xi32>
      %shift_right_logical3A_442 = arith.shrui %get3A_439, %shift_right_logical3A_441 : vector<16xi32>
      %and3A_443 = arith.constant 127 : i32
      %and3A_444 = vector.broadcast %and3A_443 : i32 to vector<16xi32>
      %and3A_445 = arith.andi %get3A_439, %and3A_444 : vector<16xi32>
      tpu.vector_store_idx %arg16[%shift_right_logical3A_442, %and3A_445], %broadcast_in_dim3A_1 {add = true} : memref<80x128xf32, #tpu.memory_space<vmem>>[vector<16xi32>, vector<16xi32>], vector<16xf32>,
      %get3A_446 = arith.constant 1 : i32
      %get3A_447 = arith.index_cast %get3A_446 : i32 to index
      %get3A_448 = arith.constant 48 : index
      %get3A_449 = tpu.vector_load %arg13[%get3A_447, %get3A_448] {strides = array<i32>} : memref<25x80xi32, #tpu.memory_space<vmem>>, vector<16xi32>,
      %shift_right_logical3A_450 = arith.constant 7 : i32
      %shift_right_logical3A_451 = vector.broadcast %shift_right_logical3A_450 : i32 to vector<16xi32>
      %shift_right_logical3A_452 = arith.shrui %get3A_449, %shift_right_logical3A_451 : vector<16xi32>
      %and3A_453 = arith.constant 127 : i32
      %and3A_454 = vector.broadcast %and3A_453 : i32 to vector<16xi32>
      %and3A_455 = arith.andi %get3A_449, %and3A_454 : vector<16xi32>
      tpu.vector_store_idx %arg16[%shift_right_logical3A_452, %and3A_455], %broadcast_in_dim3A_1 {add = true} : memref<80x128xf32, #tpu.memory_space<vmem>>[vector<16xi32>, vector<16xi32>], vector<16xf32>,
      %get3A_456 = arith.constant 1 : i32
      %get3A_457 = arith.index_cast %get3A_456 : i32 to index
      %get3A_458 = arith.constant 64 : index
      %get3A_459 = tpu.vector_load %arg13[%get3A_457, %get3A_458] {strides = array<i32>} : memref<25x80xi32, #tpu.memory_space<vmem>>, vector<16xi32>,
      %shift_right_logical3A_460 = arith.constant 7 : i32
      %shift_right_logical3A_461 = vector.broadcast %shift_right_logical3A_460 : i32 to vector<16xi32>
      %shift_right_logical3A_462 = arith.shrui %get3A_459, %shift_right_logical3A_461 : vector<16xi32>
      %and3A_463 = arith.constant 127 : i32
      %and3A_464 = vector.broadcast %and3A_463 : i32 to vector<16xi32>
      %and3A_465 = arith.andi %get3A_459, %and3A_464 : vector<16xi32>
      tpu.vector_store_idx %arg16[%shift_right_logical3A_462, %and3A_465], %broadcast_in_dim3A_1 {add = true} : memref<80x128xf32, #tpu.memory_space<vmem>>[vector<16xi32>, vector<16xi32>], vector<16xf32>,
      %dma_wait3A_466 = arith.constant 0 : i32
      %dma_wait3A_467 = arith.constant 0 : i32
      %dma_wait3A_468 = tpu.memref_slice %arg13[%dma_wait3A_466, %dma_wait3A_467] : memref<25x80xi32, #tpu.memory_space<vmem>> -> memref<1x80xi32, #tpu.memory_space<vmem>>
      %dma_wait3A_469 = tpu.memref_squeeze %dma_wait3A_468 : memref<1x80xi32, #tpu.memory_space<vmem>> -> memref<80xi32, #tpu.memory_space<vmem>>
      %dma_wait3A_470 = arith.constant 0 : i32
      %dma_wait3A_471 = arith.constant 0 : i32
      %dma_wait3A_472 = tpu.memref_slice %arg11[%dma_wait3A_470, %dma_wait3A_471] : memref<10240x128xf32, #tpu.memory_space<vmem_shared>> -> memref<10240x128xf32, #tpu.memory_space<vmem_shared>>
      tpu.wait_indirect_dma semaphore(%arg19 : memref<!tpu.dma_semaphore, #tpu.memory_space<semaphore_mem>>) src(%arg14 : memref<80x128xf32, #tpu.memory_space<vmem>>) dst(%dma_wait3A_472 : memref<10240x128xf32, #tpu.memory_space<vmem_shared>>)
      %dma_start3A_473 = arith.constant 2 : i32
      %dma_start3A_474 = arith.constant 0 : i32
      %dma_start3A_475 = tpu.memref_slice %arg12[%dma_start3A_473, %dma_start3A_474] : memref<25x80xi32, #tpu.memory_space<vmem>> -> memref<1x80xi32, #tpu.memory_space<vmem>>
      %dma_start3A_476 = tpu.memref_squeeze %dma_start3A_475 : memref<1x80xi32, #tpu.memory_space<vmem>> -> memref<80xi32, #tpu.memory_space<vmem>>
      %dma_start3A_477 = arith.constant 0 : i32
      %dma_start3A_478 = arith.constant 0 : i32
      %dma_start3A_479 = tpu.memref_slice %arg2[%dma_start3A_477, %dma_start3A_478] : memref<10000x128xf32, #tpu.memory_space<hbm>> -> memref<10000x128xf32, #tpu.memory_space<hbm>>
      tpu.enqueue_indirect_dma source(%dma_start3A_479 : memref<10000x128xf32, #tpu.memory_space<hbm>>) target(%arg14 : memref<80x128xf32, #tpu.memory_space<vmem>>) offsets(%dma_start3A_476 : memref<80xi32, #tpu.memory_space<vmem>>) semaphore(%arg17 : memref<!tpu.dma_semaphore, #tpu.memory_space<semaphore_mem>>)
      %dma_wait3A_480 = arith.constant 1 : i32
      %dma_wait3A_481 = arith.constant 0 : i32
      %dma_wait3A_482 = tpu.memref_slice %arg12[%dma_wait3A_480, %dma_wait3A_481] : memref<25x80xi32, #tpu.memory_space<vmem>> -> memref<1x80xi32, #tpu.memory_space<vmem>>
      %dma_wait3A_483 = tpu.memref_squeeze %dma_wait3A_482 : memref<1x80xi32, #tpu.memory_space<vmem>> -> memref<80xi32, #tpu.memory_space<vmem>>
      %dma_wait3A_484 = arith.constant 0 : i32
      %dma_wait3A_485 = arith.constant 0 : i32
      %dma_wait3A_486 = tpu.memref_slice %arg2[%dma_wait3A_484, %dma_wait3A_485] : memref<10000x128xf32, #tpu.memory_space<hbm>> -> memref<10000x128xf32, #tpu.memory_space<hbm>>
      tpu.wait_indirect_dma semaphore(%arg18 : memref<!tpu.dma_semaphore, #tpu.memory_space<semaphore_mem>>) src(%dma_wait3A_486 : memref<10000x128xf32, #tpu.memory_space<hbm>>) dst(%arg15 : memref<80x128xf32, #tpu.memory_space<vmem>>)
      %dma_start3A_487 = arith.constant 1 : i32
      %dma_start3A_488 = arith.constant 0 : i32
      %dma_start3A_489 = tpu.memref_slice %arg13[%dma_start3A_487, %dma_start3A_488] : memref<25x80xi32, #tpu.memory_space<vmem>> -> memref<1x80xi32, #tpu.memory_space<vmem>>
      %dma_start3A_490 = tpu.memref_squeeze %dma_start3A_489 : memref<1x80xi32, #tpu.memory_space<vmem>> -> memref<80xi32, #tpu.memory_space<vmem>>
      %dma_start3A_491 = arith.constant 0 : i32
      %dma_start3A_492 = arith.constant 0 : i32
      %dma_start3A_493 = tpu.memref_slice %arg11[%dma_start3A_491, %dma_start3A_492] : memref<10240x128xf32, #tpu.memory_space<vmem_shared>> -> memref<10240x128xf32, #tpu.memory_space<vmem_shared>>
      tpu.enqueue_indirect_dma source(%arg15 : memref<80x128xf32, #tpu.memory_space<vmem>>) target(%dma_start3A_493 : memref<10240x128xf32, #tpu.memory_space<vmem_shared>>) offsets(%dma_start3A_490 : memref<80xi32, #tpu.memory_space<vmem>>) semaphore(%arg20 : memref<!tpu.dma_semaphore, #tpu.memory_space<semaphore_mem>>) {add = true}
      %get3A_494 = arith.constant 2 : i32
      %get3A_495 = arith.index_cast %get3A_494 : i32 to index
      %get3A_496 = arith.constant 0 : index
      %get3A_497 = tpu.vector_load %arg13[%get3A_495, %get3A_496] {strides = array<i32>} : memref<25x80xi32, #tpu.memory_space<vmem>>, vector<16xi32>,
      %shift_right_logical3A_498 = arith.constant 7 : i32
      %shift_right_logical3A_499 = vector.broadcast %shift_right_logical3A_498 : i32 to vector<16xi32>
      %shift_right_logical3A_500 = arith.shrui %get3A_497, %shift_right_logical3A_499 : vector<16xi32>
      %and3A_501 = arith.constant 127 : i32
      %and3A_502 = vector.broadcast %and3A_501 : i32 to vector<16xi32>
      %and3A_503 = arith.andi %get3A_497, %and3A_502 : vector<16xi32>
      tpu.vector_store_idx %arg16[%shift_right_logical3A_500, %and3A_503], %broadcast_in_dim3A_1 {add = true} : memref<80x128xf32, #tpu.memory_space<vmem>>[vector<16xi32>, vector<16xi32>], vector<16xf32>,
      %get3A_504 = arith.constant 2 : i32
      %get3A_505 = arith.index_cast %get3A_504 : i32 to index
      %get3A_506 = arith.constant 16 : index
      %get3A_507 = tpu.vector_load %arg13[%get3A_505, %get3A_506] {strides = array<i32>} : memref<25x80xi32, #tpu.memory_space<vmem>>, vector<16xi32>,
      %shift_right_logical3A_508 = arith.constant 7 : i32
      %shift_right_logical3A_509 = vector.broadcast %shift_right_logical3A_508 : i32 to vector<16xi32>
      %shift_right_logical3A_510 = arith.shrui %get3A_507, %shift_right_logical3A_509 : vector<16xi32>
      %and3A_511 = arith.constant 127 : i32
      %and3A_512 = vector.broadcast %and3A_511 : i32 to vector<16xi32>
      %and3A_513 = arith.andi %get3A_507, %and3A_512 : vector<16xi32>
      tpu.vector_store_idx %arg16[%shift_right_logical3A_510, %and3A_513], %broadcast_in_dim3A_1 {add = true} : memref<80x128xf32, #tpu.memory_space<vmem>>[vector<16xi32>, vector<16xi32>], vector<16xf32>,
      %get3A_514 = arith.constant 2 : i32
      %get3A_515 = arith.index_cast %get3A_514 : i32 to index
      %get3A_516 = arith.constant 32 : index
      %get3A_517 = tpu.vector_load %arg13[%get3A_515, %get3A_516] {strides = array<i32>} : memref<25x80xi32, #tpu.memory_space<vmem>>, vector<16xi32>,
      %shift_right_logical3A_518 = arith.constant 7 : i32
      %shift_right_logical3A_519 = vector.broadcast %shift_right_logical3A_518 : i32 to vector<16xi32>
      %shift_right_logical3A_520 = arith.shrui %get3A_517, %shift_right_logical3A_519 : vector<16xi32>
      %and3A_521 = arith.constant 127 : i32
      %and3A_522 = vector.broadcast %and3A_521 : i32 to vector<16xi32>
      %and3A_523 = arith.andi %get3A_517, %and3A_522 : vector<16xi32>
      tpu.vector_store_idx %arg16[%shift_right_logical3A_520, %and3A_523], %broadcast_in_dim3A_1 {add = true} : memref<80x128xf32, #tpu.memory_space<vmem>>[vector<16xi32>, vector<16xi32>], vector<16xf32>,
      %get3A_524 = arith.constant 2 : i32
      %get3A_525 = arith.index_cast %get3A_524 : i32 to index
      %get3A_526 = arith.constant 48 : index
      %get3A_527 = tpu.vector_load %arg13[%get3A_525, %get3A_526] {strides = array<i32>} : memref<25x80xi32, #tpu.memory_space<vmem>>, vector<16xi32>,
      %shift_right_logical3A_528 = arith.constant 7 : i32
      %shift_right_logical3A_529 = vector.broadcast %shift_right_logical3A_528 : i32 to vector<16xi32>
      %shift_right_logical3A_530 = arith.shrui %get3A_527, %shift_right_logical3A_529 : vector<16xi32>
      %and3A_531 = arith.constant 127 : i32
      %and3A_532 = vector.broadcast %and3A_531 : i32 to vector<16xi32>
      %and3A_533 = arith.andi %get3A_527, %and3A_532 : vector<16xi32>
      tpu.vector_store_idx %arg16[%shift_right_logical3A_530, %and3A_533], %broadcast_in_dim3A_1 {add = true} : memref<80x128xf32, #tpu.memory_space<vmem>>[vector<16xi32>, vector<16xi32>], vector<16xf32>,
      %get3A_534 = arith.constant 2 : i32
      %get3A_535 = arith.index_cast %get3A_534 : i32 to index
      %get3A_536 = arith.constant 64 : index
      %get3A_537 = tpu.vector_load %arg13[%get3A_535, %get3A_536] {strides = array<i32>} : memref<25x80xi32, #tpu.memory_space<vmem>>, vector<16xi32>,
      %shift_right_logical3A_538 = arith.constant 7 : i32
      %shift_right_logical3A_539 = vector.broadcast %shift_right_logical3A_538 : i32 to vector<16xi32>
      %shift_right_logical3A_540 = arith.shrui %get3A_537, %shift_right_logical3A_539 : vector<16xi32>
      %and3A_541 = arith.constant 127 : i32
      %and3A_542 = vector.broadcast %and3A_541 : i32 to vector<16xi32>
      %and3A_543 = arith.andi %get3A_537, %and3A_542 : vector<16xi32>
      tpu.vector_store_idx %arg16[%shift_right_logical3A_540, %and3A_543], %broadcast_in_dim3A_1 {add = true} : memref<80x128xf32, #tpu.memory_space<vmem>>[vector<16xi32>, vector<16xi32>], vector<16xf32>,
      %dma_wait3A_544 = arith.constant 1 : i32
      %dma_wait3A_545 = arith.constant 0 : i32
      %dma_wait3A_546 = tpu.memref_slice %arg13[%dma_wait3A_544, %dma_wait3A_545] : memref<25x80xi32, #tpu.memory_space<vmem>> -> memref<1x80xi32, #tpu.memory_space<vmem>>
      %dma_wait3A_547 = tpu.memref_squeeze %dma_wait3A_546 : memref<1x80xi32, #tpu.memory_space<vmem>> -> memref<80xi32, #tpu.memory_space<vmem>>
      %dma_wait3A_548 = arith.constant 0 : i32
      %dma_wait3A_549 = arith.constant 0 : i32
      %dma_wait3A_550 = tpu.memref_slice %arg11[%dma_wait3A_548, %dma_wait3A_549] : memref<10240x128xf32, #tpu.memory_space<vmem_shared>> -> memref<10240x128xf32, #tpu.memory_space<vmem_shared>>
      tpu.wait_indirect_dma semaphore(%arg20 : memref<!tpu.dma_semaphore, #tpu.memory_space<semaphore_mem>>) src(%arg15 : memref<80x128xf32, #tpu.memory_space<vmem>>) dst(%dma_wait3A_550 : memref<10240x128xf32, #tpu.memory_space<vmem_shared>>)
      %dma_start3A_551 = arith.constant 3 : i32
      %dma_start3A_552 = arith.constant 0 : i32
      %dma_start3A_553 = tpu.memref_slice %arg12[%dma_start3A_551, %dma_start3A_552] : memref<25x80xi32, #tpu.memory_space<vmem>> -> memref<1x80xi32, #tpu.memory_space<vmem>>
      %dma_start3A_554 = tpu.memref_squeeze %dma_start3A_553 : memref<1x80xi32, #tpu.memory_space<vmem>> -> memref<80xi32, #tpu.memory_space<vmem>>
      %dma_start3A_555 = arith.constant 0 : i32
      %dma_start3A_556 = arith.constant 0 : i32
      %dma_start3A_557 = tpu.memref_slice %arg2[%dma_start3A_555, %dma_start3A_556] : memref<10000x128xf32, #tpu.memory_space<hbm>> -> memref<10000x128xf32, #tpu.memory_space<hbm>>
      tpu.enqueue_indirect_dma source(%dma_start3A_557 : memref<10000x128xf32, #tpu.memory_space<hbm>>) target(%arg15 : memref<80x128xf32, #tpu.memory_space<vmem>>) offsets(%dma_start3A_554 : memref<80xi32, #tpu.memory_space<vmem>>) semaphore(%arg18 : memref<!tpu.dma_semaphore, #tpu.memory_space<semaphore_mem>>)
      %dma_wait3A_558 = arith.constant 2 : i32
      %dma_wait3A_559 = arith.constant 0 : i32
      %dma_wait3A_560 = tpu.memref_slice %arg12[%dma_wait3A_558, %dma_wait3A_559] : memref<25x80xi32, #tpu.memory_space<vmem>> -> memref<1x80xi32, #tpu.memory_space<vmem>>
      %dma_wait3A_561 = tpu.memref_squeeze %dma_wait3A_560 : memref<1x80xi32, #tpu.memory_space<vmem>> -> memref<80xi32, #tpu.memory_space<vmem>>
      %dma_wait3A_562 = arith.constant 0 : i32
      %dma_wait3A_563 = arith.constant 0 : i32
      %dma_wait3A_564 = tpu.memref_slice %arg2[%dma_wait3A_562, %dma_wait3A_563] : memref<10000x128xf32, #tpu.memory_space<hbm>> -> memref<10000x128xf32, #tpu.memory_space<hbm>>
      tpu.wait_indirect_dma semaphore(%arg17 : memref<!tpu.dma_semaphore, #tpu.memory_space<semaphore_mem>>) src(%dma_wait3A_564 : memref<10000x128xf32, #tpu.memory_space<hbm>>) dst(%arg14 : memref<80x128xf32, #tpu.memory_space<vmem>>)
      %dma_start3A_565 = arith.constant 2 : i32
      %dma_start3A_566 = arith.constant 0 : i32
      %dma_start3A_567 = tpu.memref_slice %arg13[%dma_start3A_565, %dma_start3A_566] : memref<25x80xi32, #tpu.memory_space<vmem>> -> memref<1x80xi32, #tpu.memory_space<vmem>>
      %dma_start3A_568 = tpu.memref_squeeze %dma_start3A_567 : memref<1x80xi32, #tpu.memory_space<vmem>> -> memref<80xi32, #tpu.memory_space<vmem>>
      %dma_start3A_569 = arith.constant 0 : i32
      %dma_start3A_570 = arith.constant 0 : i32
      %dma_start3A_571 = tpu.memref_slice %arg11[%dma_start3A_569, %dma_start3A_570] : memref<10240x128xf32, #tpu.memory_space<vmem_shared>> -> memref<10240x128xf32, #tpu.memory_space<vmem_shared>>
      tpu.enqueue_indirect_dma source(%arg14 : memref<80x128xf32, #tpu.memory_space<vmem>>) target(%dma_start3A_571 : memref<10240x128xf32, #tpu.memory_space<vmem_shared>>) offsets(%dma_start3A_568 : memref<80xi32, #tpu.memory_space<vmem>>) semaphore(%arg19 : memref<!tpu.dma_semaphore, #tpu.memory_space<semaphore_mem>>) {add = true}
      %get3A_572 = arith.constant 3 : i32
      %get3A_573 = arith.index_cast %get3A_572 : i32 to index
      %get3A_574 = arith.constant 0 : index
      %get3A_575 = tpu.vector_load %arg13[%get3A_573, %get3A_574] {strides = array<i32>} : memref<25x80xi32, #tpu.memory_space<vmem>>, vector<16xi32>,
      %shift_right_logical3A_576 = arith.constant 7 : i32
      %shift_right_logical3A_577 = vector.broadcast %shift_right_logical3A_576 : i32 to vector<16xi32>
      %shift_right_logical3A_578 = arith.shrui %get3A_575, %shift_right_logical3A_577 : vector<16xi32>
      %and3A_579 = arith.constant 127 : i32
      %and3A_580 = vector.broadcast %and3A_579 : i32 to vector<16xi32>
      %and3A_581 = arith.andi %get3A_575, %and3A_580 : vector<16xi32>
      tpu.vector_store_idx %arg16[%shift_right_logical3A_578, %and3A_581], %broadcast_in_dim3A_1 {add = true} : memref<80x128xf32, #tpu.memory_space<vmem>>[vector<16xi32>, vector<16xi32>], vector<16xf32>,
      %get3A_582 = arith.constant 3 : i32
      %get3A_583 = arith.index_cast %get3A_582 : i32 to index
      %get3A_584 = arith.constant 16 : index
      %get3A_585 = tpu.vector_load %arg13[%get3A_583, %get3A_584] {strides = array<i32>} : memref<25x80xi32, #tpu.memory_space<vmem>>, vector<16xi32>,
      %shift_right_logical3A_586 = arith.constant 7 : i32
      %shift_right_logical3A_587 = vector.broadcast %shift_right_logical3A_586 : i32 to vector<16xi32>
      %shift_right_logical3A_588 = arith.shrui %get3A_585, %shift_right_logical3A_587 : vector<16xi32>
      %and3A_589 = arith.constant 127 : i32
      %and3A_590 = vector.broadcast %and3A_589 : i32 to vector<16xi32>
      %and3A_591 = arith.andi %get3A_585, %and3A_590 : vector<16xi32>
      tpu.vector_store_idx %arg16[%shift_right_logical3A_588, %and3A_591], %broadcast_in_dim3A_1 {add = true} : memref<80x128xf32, #tpu.memory_space<vmem>>[vector<16xi32>, vector<16xi32>], vector<16xf32>,
      %get3A_592 = arith.constant 3 : i32
      %get3A_593 = arith.index_cast %get3A_592 : i32 to index
      %get3A_594 = arith.constant 32 : index
      %get3A_595 = tpu.vector_load %arg13[%get3A_593, %get3A_594] {strides = array<i32>} : memref<25x80xi32, #tpu.memory_space<vmem>>, vector<16xi32>,
      %shift_right_logical3A_596 = arith.constant 7 : i32
      %shift_right_logical3A_597 = vector.broadcast %shift_right_logical3A_596 : i32 to vector<16xi32>
      %shift_right_logical3A_598 = arith.shrui %get3A_595, %shift_right_logical3A_597 : vector<16xi32>
      %and3A_599 = arith.constant 127 : i32
      %and3A_600 = vector.broadcast %and3A_599 : i32 to vector<16xi32>
      %and3A_601 = arith.andi %get3A_595, %and3A_600 : vector<16xi32>
      tpu.vector_store_idx %arg16[%shift_right_logical3A_598, %and3A_601], %broadcast_in_dim3A_1 {add = true} : memref<80x128xf32, #tpu.memory_space<vmem>>[vector<16xi32>, vector<16xi32>], vector<16xf32>,
      %get3A_602 = arith.constant 3 : i32
      %get3A_603 = arith.index_cast %get3A_602 : i32 to index
      %get3A_604 = arith.constant 48 : index
      %get3A_605 = tpu.vector_load %arg13[%get3A_603, %get3A_604] {strides = array<i32>} : memref<25x80xi32, #tpu.memory_space<vmem>>, vector<16xi32>,
      %shift_right_logical3A_606 = arith.constant 7 : i32
      %shift_right_logical3A_607 = vector.broadcast %shift_right_logical3A_606 : i32 to vector<16xi32>
      %shift_right_logical3A_608 = arith.shrui %get3A_605, %shift_right_logical3A_607 : vector<16xi32>
      %and3A_609 = arith.constant 127 : i32
      %and3A_610 = vector.broadcast %and3A_609 : i32 to vector<16xi32>
      %and3A_611 = arith.andi %get3A_605, %and3A_610 : vector<16xi32>
      tpu.vector_store_idx %arg16[%shift_right_logical3A_608, %and3A_611], %broadcast_in_dim3A_1 {add = true} : memref<80x128xf32, #tpu.memory_space<vmem>>[vector<16xi32>, vector<16xi32>], vector<16xf32>,
      %get3A_612 = arith.constant 3 : i32
      %get3A_613 = arith.index_cast %get3A_612 : i32 to index
      %get3A_614 = arith.constant 64 : index
      %get3A_615 = tpu.vector_load %arg13[%get3A_613, %get3A_614] {strides = array<i32>} : memref<25x80xi32, #tpu.memory_space<vmem>>, vector<16xi32>,
      %shift_right_logical3A_616 = arith.constant 7 : i32
      %shift_right_logical3A_617 = vector.broadcast %shift_right_logical3A_616 : i32 to vector<16xi32>
      %shift_right_logical3A_618 = arith.shrui %get3A_615, %shift_right_logical3A_617 : vector<16xi32>
      %and3A_619 = arith.constant 127 : i32
      %and3A_620 = vector.broadcast %and3A_619 : i32 to vector<16xi32>
      %and3A_621 = arith.andi %get3A_615, %and3A_620 : vector<16xi32>
      tpu.vector_store_idx %arg16[%shift_right_logical3A_618, %and3A_621], %broadcast_in_dim3A_1 {add = true} : memref<80x128xf32, #tpu.memory_space<vmem>>[vector<16xi32>, vector<16xi32>], vector<16xf32>,
      %dma_wait3A_622 = arith.constant 2 : i32
      %dma_wait3A_623 = arith.constant 0 : i32
      %dma_wait3A_624 = tpu.memref_slice %arg13[%dma_wait3A_622, %dma_wait3A_623] : memref<25x80xi32, #tpu.memory_space<vmem>> -> memref<1x80xi32, #tpu.memory_space<vmem>>
      %dma_wait3A_625 = tpu.memref_squeeze %dma_wait3A_624 : memref<1x80xi32, #tpu.memory_space<vmem>> -> memref<80xi32, #tpu.memory_space<vmem>>
      %dma_wait3A_626 = arith.constant 0 : i32
      %dma_wait3A_627 = arith.constant 0 : i32
      %dma_wait3A_628 = tpu.memref_slice %arg11[%dma_wait3A_626, %dma_wait3A_627] : memref<10240x128xf32, #tpu.memory_space<vmem_shared>> -> memref<10240x128xf32, #tpu.memory_space<vmem_shared>>
      tpu.wait_indirect_dma semaphore(%arg19 : memref<!tpu.dma_semaphore, #tpu.memory_space<semaphore_mem>>) src(%arg14 : memref<80x128xf32, #tpu.memory_space<vmem>>) dst(%dma_wait3A_628 : memref<10240x128xf32, #tpu.memory_space<vmem_shared>>)
      %dma_start3A_629 = arith.constant 4 : i32
      %dma_start3A_630 = arith.constant 0 : i32
      %dma_start3A_631 = tpu.memref_slice %arg12[%dma_start3A_629, %dma_start3A_630] : memref<25x80xi32, #tpu.memory_space<vmem>> -> memref<1x80xi32, #tpu.memory_space<vmem>>
      %dma_start3A_632 = tpu.memref_squeeze %dma_start3A_631 : memref<1x80xi32, #tpu.memory_space<vmem>> -> memref<80xi32, #tpu.memory_space<vmem>>
      %dma_start3A_633 = arith.constant 0 : i32
      %dma_start3A_634 = arith.constant 0 : i32
      %dma_start3A_635 = tpu.memref_slice %arg2[%dma_start3A_633, %dma_start3A_634] : memref<10000x128xf32, #tpu.memory_space<hbm>> -> memref<10000x128xf32, #tpu.memory_space<hbm>>
      tpu.enqueue_indirect_dma source(%dma_start3A_635 : memref<10000x128xf32, #tpu.memory_space<hbm>>) target(%arg14 : memref<80x128xf32, #tpu.memory_space<vmem>>) offsets(%dma_start3A_632 : memref<80xi32, #tpu.memory_space<vmem>>) semaphore(%arg17 : memref<!tpu.dma_semaphore, #tpu.memory_space<semaphore_mem>>)
      %dma_wait3A_636 = arith.constant 3 : i32
      %dma_wait3A_637 = arith.constant 0 : i32
      %dma_wait3A_638 = tpu.memref_slice %arg12[%dma_wait3A_636, %dma_wait3A_637] : memref<25x80xi32, #tpu.memory_space<vmem>> -> memref<1x80xi32, #tpu.memory_space<vmem>>
      %dma_wait3A_639 = tpu.memref_squeeze %dma_wait3A_638 : memref<1x80xi32, #tpu.memory_space<vmem>> -> memref<80xi32, #tpu.memory_space<vmem>>
      %dma_wait3A_640 = arith.constant 0 : i32
      %dma_wait3A_641 = arith.constant 0 : i32
      %dma_wait3A_642 = tpu.memref_slice %arg2[%dma_wait3A_640, %dma_wait3A_641] : memref<10000x128xf32, #tpu.memory_space<hbm>> -> memref<10000x128xf32, #tpu.memory_space<hbm>>
      tpu.wait_indirect_dma semaphore(%arg18 : memref<!tpu.dma_semaphore, #tpu.memory_space<semaphore_mem>>) src(%dma_wait3A_642 : memref<10000x128xf32, #tpu.memory_space<hbm>>) dst(%arg15 : memref<80x128xf32, #tpu.memory_space<vmem>>)
      %dma_start3A_643 = arith.constant 3 : i32
      %dma_start3A_644 = arith.constant 0 : i32
      %dma_start3A_645 = tpu.memref_slice %arg13[%dma_start3A_643, %dma_start3A_644] : memref<25x80xi32, #tpu.memory_space<vmem>> -> memref<1x80xi32, #tpu.memory_space<vmem>>
      %dma_start3A_646 = tpu.memref_squeeze %dma_start3A_645 : memref<1x80xi32, #tpu.memory_space<vmem>> -> memref<80xi32, #tpu.memory_space<vmem>>
      %dma_start3A_647 = arith.constant 0 : i32
      %dma_start3A_648 = arith.constant 0 : i32
      %dma_start3A_649 = tpu.memref_slice %arg11[%dma_start3A_647, %dma_start3A_648] : memref<10240x128xf32, #tpu.memory_space<vmem_shared>> -> memref<10240x128xf32, #tpu.memory_space<vmem_shared>>
      tpu.enqueue_indirect_dma source(%arg15 : memref<80x128xf32, #tpu.memory_space<vmem>>) target(%dma_start3A_649 : memref<10240x128xf32, #tpu.memory_space<vmem_shared>>) offsets(%dma_start3A_646 : memref<80xi32, #tpu.memory_space<vmem>>) semaphore(%arg20 : memref<!tpu.dma_semaphore, #tpu.memory_space<semaphore_mem>>) {add = true}
      %get3A_650 = arith.constant 4 : i32
      %get3A_651 = arith.index_cast %get3A_650 : i32 to index
      %get3A_652 = arith.constant 0 : index
      %get3A_653 = tpu.vector_load %arg13[%get3A_651, %get3A_652] {strides = array<i32>} : memref<25x80xi32, #tpu.memory_space<vmem>>, vector<16xi32>,
      %shift_right_logical3A_654 = arith.constant 7 : i32
      %shift_right_logical3A_655 = vector.broadcast %shift_right_logical3A_654 : i32 to vector<16xi32>
      %shift_right_logical3A_656 = arith.shrui %get3A_653, %shift_right_logical3A_655 : vector<16xi32>
      %and3A_657 = arith.constant 127 : i32
      %and3A_658 = vector.broadcast %and3A_657 : i32 to vector<16xi32>
      %and3A_659 = arith.andi %get3A_653, %and3A_658 : vector<16xi32>
      tpu.vector_store_idx %arg16[%shift_right_logical3A_656, %and3A_659], %broadcast_in_dim3A_1 {add = true} : memref<80x128xf32, #tpu.memory_space<vmem>>[vector<16xi32>, vector<16xi32>], vector<16xf32>,
      %get3A_660 = arith.constant 4 : i32
      %get3A_661 = arith.index_cast %get3A_660 : i32 to index
      %get3A_662 = arith.constant 16 : index
      %get3A_663 = tpu.vector_load %arg13[%get3A_661, %get3A_662] {strides = array<i32>} : memref<25x80xi32, #tpu.memory_space<vmem>>, vector<16xi32>,
      %shift_right_logical3A_664 = arith.constant 7 : i32
      %shift_right_logical3A_665 = vector.broadcast %shift_right_logical3A_664 : i32 to vector<16xi32>
      %shift_right_logical3A_666 = arith.shrui %get3A_663, %shift_right_logical3A_665 : vector<16xi32>
      %and3A_667 = arith.constant 127 : i32
      %and3A_668 = vector.broadcast %and3A_667 : i32 to vector<16xi32>
      %and3A_669 = arith.andi %get3A_663, %and3A_668 : vector<16xi32>
      tpu.vector_store_idx %arg16[%shift_right_logical3A_666, %and3A_669], %broadcast_in_dim3A_1 {add = true} : memref<80x128xf32, #tpu.memory_space<vmem>>[vector<16xi32>, vector<16xi32>], vector<16xf32>,
      %get3A_670 = arith.constant 4 : i32
      %get3A_671 = arith.index_cast %get3A_670 : i32 to index
      %get3A_672 = arith.constant 32 : index
      %get3A_673 = tpu.vector_load %arg13[%get3A_671, %get3A_672] {strides = array<i32>} : memref<25x80xi32, #tpu.memory_space<vmem>>, vector<16xi32>,
      %shift_right_logical3A_674 = arith.constant 7 : i32
      %shift_right_logical3A_675 = vector.broadcast %shift_right_logical3A_674 : i32 to vector<16xi32>
      %shift_right_logical3A_676 = arith.shrui %get3A_673, %shift_right_logical3A_675 : vector<16xi32>
      %and3A_677 = arith.constant 127 : i32
      %and3A_678 = vector.broadcast %and3A_677 : i32 to vector<16xi32>
      %and3A_679 = arith.andi %get3A_673, %and3A_678 : vector<16xi32>
      tpu.vector_store_idx %arg16[%shift_right_logical3A_676, %and3A_679], %broadcast_in_dim3A_1 {add = true} : memref<80x128xf32, #tpu.memory_space<vmem>>[vector<16xi32>, vector<16xi32>], vector<16xf32>,
      %get3A_680 = arith.constant 4 : i32
      %get3A_681 = arith.index_cast %get3A_680 : i32 to index
      %get3A_682 = arith.constant 48 : index
      %get3A_683 = tpu.vector_load %arg13[%get3A_681, %get3A_682] {strides = array<i32>} : memref<25x80xi32, #tpu.memory_space<vmem>>, vector<16xi32>,
      %shift_right_logical3A_684 = arith.constant 7 : i32
      %shift_right_logical3A_685 = vector.broadcast %shift_right_logical3A_684 : i32 to vector<16xi32>
      %shift_right_logical3A_686 = arith.shrui %get3A_683, %shift_right_logical3A_685 : vector<16xi32>
      %and3A_687 = arith.constant 127 : i32
      %and3A_688 = vector.broadcast %and3A_687 : i32 to vector<16xi32>
      %and3A_689 = arith.andi %get3A_683, %and3A_688 : vector<16xi32>
      tpu.vector_store_idx %arg16[%shift_right_logical3A_686, %and3A_689], %broadcast_in_dim3A_1 {add = true} : memref<80x128xf32, #tpu.memory_space<vmem>>[vector<16xi32>, vector<16xi32>], vector<16xf32>,
      %get3A_690 = arith.constant 4 : i32
      %get3A_691 = arith.index_cast %get3A_690 : i32 to index
      %get3A_692 = arith.constant 64 : index
      %get3A_693 = tpu.vector_load %arg13[%get3A_691, %get3A_692] {strides = array<i32>} : memref<25x80xi32, #tpu.memory_space<vmem>>, vector<16xi32>,
      %shift_right_logical3A_694 = arith.constant 7 : i32
      %shift_right_logical3A_695 = vector.broadcast %shift_right_logical3A_694 : i32 to vector<16xi32>
      %shift_right_logical3A_696 = arith.shrui %get3A_693, %shift_right_logical3A_695 : vector<16xi32>
      %and3A_697 = arith.constant 127 : i32
      %and3A_698 = vector.broadcast %and3A_697 : i32 to vector<16xi32>
      %and3A_699 = arith.andi %get3A_693, %and3A_698 : vector<16xi32>
      tpu.vector_store_idx %arg16[%shift_right_logical3A_696, %and3A_699], %broadcast_in_dim3A_1 {add = true} : memref<80x128xf32, #tpu.memory_space<vmem>>[vector<16xi32>, vector<16xi32>], vector<16xf32>,
      %dma_wait3A_700 = arith.constant 3 : i32
      %dma_wait3A_701 = arith.constant 0 : i32
      %dma_wait3A_702 = tpu.memref_slice %arg13[%dma_wait3A_700, %dma_wait3A_701] : memref<25x80xi32, #tpu.memory_space<vmem>> -> memref<1x80xi32, #tpu.memory_space<vmem>>
      %dma_wait3A_703 = tpu.memref_squeeze %dma_wait3A_702 : memref<1x80xi32, #tpu.memory_space<vmem>> -> memref<80xi32, #tpu.memory_space<vmem>>
      %dma_wait3A_704 = arith.constant 0 : i32
      %dma_wait3A_705 = arith.constant 0 : i32
      %dma_wait3A_706 = tpu.memref_slice %arg11[%dma_wait3A_704, %dma_wait3A_705] : memref<10240x128xf32, #tpu.memory_space<vmem_shared>> -> memref<10240x128xf32, #tpu.memory_space<vmem_shared>>
      tpu.wait_indirect_dma semaphore(%arg20 : memref<!tpu.dma_semaphore, #tpu.memory_space<semaphore_mem>>) src(%arg15 : memref<80x128xf32, #tpu.memory_space<vmem>>) dst(%dma_wait3A_706 : memref<10240x128xf32, #tpu.memory_space<vmem_shared>>)
      %dma_start3A_707 = arith.constant 5 : i32
      %dma_start3A_708 = arith.constant 0 : i32
      %dma_start3A_709 = tpu.memref_slice %arg12[%dma_start3A_707, %dma_start3A_708] : memref<25x80xi32, #tpu.memory_space<vmem>> -> memref<1x80xi32, #tpu.memory_space<vmem>>
      %dma_start3A_710 = tpu.memref_squeeze %dma_start3A_709 : memref<1x80xi32, #tpu.memory_space<vmem>> -> memref<80xi32, #tpu.memory_space<vmem>>
      %dma_start3A_711 = arith.constant 0 : i32
      %dma_start3A_712 = arith.constant 0 : i32
      %dma_start3A_713 = tpu.memref_slice %arg2[%dma_start3A_711, %dma_start3A_712] : memref<10000x128xf32, #tpu.memory_space<hbm>> -> memref<10000x128xf32, #tpu.memory_space<hbm>>
      tpu.enqueue_indirect_dma source(%dma_start3A_713 : memref<10000x128xf32, #tpu.memory_space<hbm>>) target(%arg15 : memref<80x128xf32, #tpu.memory_space<vmem>>) offsets(%dma_start3A_710 : memref<80xi32, #tpu.memory_space<vmem>>) semaphore(%arg18 : memref<!tpu.dma_semaphore, #tpu.memory_space<semaphore_mem>>)
      %dma_wait3A_714 = arith.constant 4 : i32
      %dma_wait3A_715 = arith.constant 0 : i32
      %dma_wait3A_716 = tpu.memref_slice %arg12[%dma_wait3A_714, %dma_wait3A_715] : memref<25x80xi32, #tpu.memory_space<vmem>> -> memref<1x80xi32, #tpu.memory_space<vmem>>
      %dma_wait3A_717 = tpu.memref_squeeze %dma_wait3A_716 : memref<1x80xi32, #tpu.memory_space<vmem>> -> memref<80xi32, #tpu.memory_space<vmem>>
      %dma_wait3A_718 = arith.constant 0 : i32
      %dma_wait3A_719 = arith.constant 0 : i32
      %dma_wait3A_720 = tpu.memref_slice %arg2[%dma_wait3A_718, %dma_wait3A_719] : memref<10000x128xf32, #tpu.memory_space<hbm>> -> memref<10000x128xf32, #tpu.memory_space<hbm>>
      tpu.wait_indirect_dma semaphore(%arg17 : memref<!tpu.dma_semaphore, #tpu.memory_space<semaphore_mem>>) src(%dma_wait3A_720 : memref<10000x128xf32, #tpu.memory_space<hbm>>) dst(%arg14 : memref<80x128xf32, #tpu.memory_space<vmem>>)
      %dma_start3A_721 = arith.constant 4 : i32
      %dma_start3A_722 = arith.constant 0 : i32
      %dma_start3A_723 = tpu.memref_slice %arg13[%dma_start3A_721, %dma_start3A_722] : memref<25x80xi32, #tpu.memory_space<vmem>> -> memref<1x80xi32, #tpu.memory_space<vmem>>
      %dma_start3A_724 = tpu.memref_squeeze %dma_start3A_723 : memref<1x80xi32, #tpu.memory_space<vmem>> -> memref<80xi32, #tpu.memory_space<vmem>>
      %dma_start3A_725 = arith.constant 0 : i32
      %dma_start3A_726 = arith.constant 0 : i32
      %dma_start3A_727 = tpu.memref_slice %arg11[%dma_start3A_725, %dma_start3A_726] : memref<10240x128xf32, #tpu.memory_space<vmem_shared>> -> memref<10240x128xf32, #tpu.memory_space<vmem_shared>>
      tpu.enqueue_indirect_dma source(%arg14 : memref<80x128xf32, #tpu.memory_space<vmem>>) target(%dma_start3A_727 : memref<10240x128xf32, #tpu.memory_space<vmem_shared>>) offsets(%dma_start3A_724 : memref<80xi32, #tpu.memory_space<vmem>>) semaphore(%arg19 : memref<!tpu.dma_semaphore, #tpu.memory_space<semaphore_mem>>) {add = true}
      %get3A_728 = arith.constant 5 : i32
      %get3A_729 = arith.index_cast %get3A_728 : i32 to index
      %get3A_730 = arith.constant 0 : index
      %get3A_731 = tpu.vector_load %arg13[%get3A_729, %get3A_730] {strides = array<i32>} : memref<25x80xi32, #tpu.memory_space<vmem>>, vector<16xi32>,
      %shift_right_logical3A_732 = arith.constant 7 : i32
      %shift_right_logical3A_733 = vector.broadcast %shift_right_logical3A_732 : i32 to vector<16xi32>
      %shift_right_logical3A_734 = arith.shrui %get3A_731, %shift_right_logical3A_733 : vector<16xi32>
      %and3A_735 = arith.constant 127 : i32
      %and3A_736 = vector.broadcast %and3A_735 : i32 to vector<16xi32>
      %and3A_737 = arith.andi %get3A_731, %and3A_736 : vector<16xi32>
      tpu.vector_store_idx %arg16[%shift_right_logical3A_734, %and3A_737], %broadcast_in_dim3A_1 {add = true} : memref<80x128xf32, #tpu.memory_space<vmem>>[vector<16xi32>, vector<16xi32>], vector<16xf32>,
      %get3A_738 = arith.constant 5 : i32
      %get3A_739 = arith.index_cast %get3A_738 : i32 to index
      %get3A_740 = arith.constant 16 : index
      %get3A_741 = tpu.vector_load %arg13[%get3A_739, %get3A_740] {strides = array<i32>} : memref<25x80xi32, #tpu.memory_space<vmem>>, vector<16xi32>,
      %shift_right_logical3A_742 = arith.constant 7 : i32
      %shift_right_logical3A_743 = vector.broadcast %shift_right_logical3A_742 : i32 to vector<16xi32>
      %shift_right_logical3A_744 = arith.shrui %get3A_741, %shift_right_logical3A_743 : vector<16xi32>
      %and3A_745 = arith.constant 127 : i32
      %and3A_746 = vector.broadcast %and3A_745 : i32 to vector<16xi32>
      %and3A_747 = arith.andi %get3A_741, %and3A_746 : vector<16xi32>
      tpu.vector_store_idx %arg16[%shift_right_logical3A_744, %and3A_747], %broadcast_in_dim3A_1 {add = true} : memref<80x128xf32, #tpu.memory_space<vmem>>[vector<16xi32>, vector<16xi32>], vector<16xf32>,
      %get3A_748 = arith.constant 5 : i32
      %get3A_749 = arith.index_cast %get3A_748 : i32 to index
      %get3A_750 = arith.constant 32 : index
      %get3A_751 = tpu.vector_load %arg13[%get3A_749, %get3A_750] {strides = array<i32>} : memref<25x80xi32, #tpu.memory_space<vmem>>, vector<16xi32>,
      %shift_right_logical3A_752 = arith.constant 7 : i32
      %shift_right_logical3A_753 = vector.broadcast %shift_right_logical3A_752 : i32 to vector<16xi32>
      %shift_right_logical3A_754 = arith.shrui %get3A_751, %shift_right_logical3A_753 : vector<16xi32>
      %and3A_755 = arith.constant 127 : i32
      %and3A_756 = vector.broadcast %and3A_755 : i32 to vector<16xi32>
      %and3A_757 = arith.andi %get3A_751, %and3A_756 : vector<16xi32>
      tpu.vector_store_idx %arg16[%shift_right_logical3A_754, %and3A_757], %broadcast_in_dim3A_1 {add = true} : memref<80x128xf32, #tpu.memory_space<vmem>>[vector<16xi32>, vector<16xi32>], vector<16xf32>,
      %get3A_758 = arith.constant 5 : i32
      %get3A_759 = arith.index_cast %get3A_758 : i32 to index
      %get3A_760 = arith.constant 48 : index
      %get3A_761 = tpu.vector_load %arg13[%get3A_759, %get3A_760] {strides = array<i32>} : memref<25x80xi32, #tpu.memory_space<vmem>>, vector<16xi32>,
      %shift_right_logical3A_762 = arith.constant 7 : i32
      %shift_right_logical3A_763 = vector.broadcast %shift_right_logical3A_762 : i32 to vector<16xi32>
      %shift_right_logical3A_764 = arith.shrui %get3A_761, %shift_right_logical3A_763 : vector<16xi32>
      %and3A_765 = arith.constant 127 : i32
      %and3A_766 = vector.broadcast %and3A_765 : i32 to vector<16xi32>
      %and3A_767 = arith.andi %get3A_761, %and3A_766 : vector<16xi32>
      tpu.vector_store_idx %arg16[%shift_right_logical3A_764, %and3A_767], %broadcast_in_dim3A_1 {add = true} : memref<80x128xf32, #tpu.memory_space<vmem>>[vector<16xi32>, vector<16xi32>], vector<16xf32>,
      %get3A_768 = arith.constant 5 : i32
      %get3A_769 = arith.index_cast %get3A_768 : i32 to index
      %get3A_770 = arith.constant 64 : index
      %get3A_771 = tpu.vector_load %arg13[%get3A_769, %get3A_770] {strides = array<i32>} : memref<25x80xi32, #tpu.memory_space<vmem>>, vector<16xi32>,
      %shift_right_logical3A_772 = arith.constant 7 : i32
      %shift_right_logical3A_773 = vector.broadcast %shift_right_logical3A_772 : i32 to vector<16xi32>
      %shift_right_logical3A_774 = arith.shrui %get3A_771, %shift_right_logical3A_773 : vector<16xi32>
      %and3A_775 = arith.constant 127 : i32
      %and3A_776 = vector.broadcast %and3A_775 : i32 to vector<16xi32>
      %and3A_777 = arith.andi %get3A_771, %and3A_776 : vector<16xi32>
      tpu.vector_store_idx %arg16[%shift_right_logical3A_774, %and3A_777], %broadcast_in_dim3A_1 {add = true} : memref<80x128xf32, #tpu.memory_space<vmem>>[vector<16xi32>, vector<16xi32>], vector<16xf32>,
      %dma_wait3A_778 = arith.constant 4 : i32
      %dma_wait3A_779 = arith.constant 0 : i32
      %dma_wait3A_780 = tpu.memref_slice %arg13[%dma_wait3A_778, %dma_wait3A_779] : memref<25x80xi32, #tpu.memory_space<vmem>> -> memref<1x80xi32, #tpu.memory_space<vmem>>
      %dma_wait3A_781 = tpu.memref_squeeze %dma_wait3A_780 : memref<1x80xi32, #tpu.memory_space<vmem>> -> memref<80xi32, #tpu.memory_space<vmem>>
      %dma_wait3A_782 = arith.constant 0 : i32
      %dma_wait3A_783 = arith.constant 0 : i32
      %dma_wait3A_784 = tpu.memref_slice %arg11[%dma_wait3A_782, %dma_wait3A_783] : memref<10240x128xf32, #tpu.memory_space<vmem_shared>> -> memref<10240x128xf32, #tpu.memory_space<vmem_shared>>
      tpu.wait_indirect_dma semaphore(%arg19 : memref<!tpu.dma_semaphore, #tpu.memory_space<semaphore_mem>>) src(%arg14 : memref<80x128xf32, #tpu.memory_space<vmem>>) dst(%dma_wait3A_784 : memref<10240x128xf32, #tpu.memory_space<vmem_shared>>)
      %dma_start3A_785 = arith.constant 6 : i32
      %dma_start3A_786 = arith.constant 0 : i32
      %dma_start3A_787 = tpu.memref_slice %arg12[%dma_start3A_785, %dma_start3A_786] : memref<25x80xi32, #tpu.memory_space<vmem>> -> memref<1x80xi32, #tpu.memory_space<vmem>>
      %dma_start3A_788 = tpu.memref_squeeze %dma_start3A_787 : memref<1x80xi32, #tpu.memory_space<vmem>> -> memref<80xi32, #tpu.memory_space<vmem>>
      %dma_start3A_789 = arith.constant 0 : i32
      %dma_start3A_790 = arith.constant 0 : i32
      %dma_start3A_791 = tpu.memref_slice %arg2[%dma_start3A_789, %dma_start3A_790] : memref<10000x128xf32, #tpu.memory_space<hbm>> -> memref<10000x128xf32, #tpu.memory_space<hbm>>
      tpu.enqueue_indirect_dma source(%dma_start3A_791 : memref<10000x128xf32, #tpu.memory_space<hbm>>) target(%arg14 : memref<80x128xf32, #tpu.memory_space<vmem>>) offsets(%dma_start3A_788 : memref<80xi32, #tpu.memory_space<vmem>>) semaphore(%arg17 : memref<!tpu.dma_semaphore, #tpu.memory_space<semaphore_mem>>)
      %dma_wait3A_792 = arith.constant 5 : i32
      %dma_wait3A_793 = arith.constant 0 : i32
      %dma_wait3A_794 = tpu.memref_slice %arg12[%dma_wait3A_792, %dma_wait3A_793] : memref<25x80xi32, #tpu.memory_space<vmem>> -> memref<1x80xi32, #tpu.memory_space<vmem>>
      %dma_wait3A_795 = tpu.memref_squeeze %dma_wait3A_794 : memref<1x80xi32, #tpu.memory_space<vmem>> -> memref<80xi32, #tpu.memory_space<vmem>>
      %dma_wait3A_796 = arith.constant 0 : i32
      %dma_wait3A_797 = arith.constant 0 : i32
      %dma_wait3A_798 = tpu.memref_slice %arg2[%dma_wait3A_796, %dma_wait3A_797] : memref<10000x128xf32, #tpu.memory_space<hbm>> -> memref<10000x128xf32, #tpu.memory_space<hbm>>
      tpu.wait_indirect_dma semaphore(%arg18 : memref<!tpu.dma_semaphore, #tpu.memory_space<semaphore_mem>>) src(%dma_wait3A_798 : memref<10000x128xf32, #tpu.memory_space<hbm>>) dst(%arg15 : memref<80x128xf32, #tpu.memory_space<vmem>>)
      %dma_start3A_799 = arith.constant 5 : i32
      %dma_start3A_800 = arith.constant 0 : i32
      %dma_start3A_801 = tpu.memref_slice %arg13[%dma_start3A_799, %dma_start3A_800] : memref<25x80xi32, #tpu.memory_space<vmem>> -> memref<1x80xi32, #tpu.memory_space<vmem>>
      %dma_start3A_802 = tpu.memref_squeeze %dma_start3A_801 : memref<1x80xi32, #tpu.memory_space<vmem>> -> memref<80xi32, #tpu.memory_space<vmem>>
      %dma_start3A_803 = arith.constant 0 : i32
      %dma_start3A_804 = arith.constant 0 : i32
      %dma_start3A_805 = tpu.memref_slice %arg11[%dma_start3A_803, %dma_start3A_804] : memref<10240x128xf32, #tpu.memory_space<vmem_shared>> -> memref<10240x128xf32, #tpu.memory_space<vmem_shared>>
      tpu.enqueue_indirect_dma source(%arg15 : memref<80x128xf32, #tpu.memory_space<vmem>>) target(%dma_start3A_805 : memref<10240x128xf32, #tpu.memory_space<vmem_shared>>) offsets(%dma_start3A_802 : memref<80xi32, #tpu.memory_space<vmem>>) semaphore(%arg20 : memref<!tpu.dma_semaphore, #tpu.memory_space<semaphore_mem>>) {add = true}
      %get3A_806 = arith.constant 6 : i32
      %get3A_807 = arith.index_cast %get3A_806 : i32 to index
      %get3A_808 = arith.constant 0 : index
      %get3A_809 = tpu.vector_load %arg13[%get3A_807, %get3A_808] {strides = array<i32>} : memref<25x80xi32, #tpu.memory_space<vmem>>, vector<16xi32>,
      %shift_right_logical3A_810 = arith.constant 7 : i32
      %shift_right_logical3A_811 = vector.broadcast %shift_right_logical3A_810 : i32 to vector<16xi32>
      %shift_right_logical3A_812 = arith.shrui %get3A_809, %shift_right_logical3A_811 : vector<16xi32>
      %and3A_813 = arith.constant 127 : i32
      %and3A_814 = vector.broadcast %and3A_813 : i32 to vector<16xi32>
      %and3A_815 = arith.andi %get3A_809, %and3A_814 : vector<16xi32>
      tpu.vector_store_idx %arg16[%shift_right_logical3A_812, %and3A_815], %broadcast_in_dim3A_1 {add = true} : memref<80x128xf32, #tpu.memory_space<vmem>>[vector<16xi32>, vector<16xi32>], vector<16xf32>,
      %get3A_816 = arith.constant 6 : i32
      %get3A_817 = arith.index_cast %get3A_816 : i32 to index
      %get3A_818 = arith.constant 16 : index
      %get3A_819 = tpu.vector_load %arg13[%get3A_817, %get3A_818] {strides = array<i32>} : memref<25x80xi32, #tpu.memory_space<vmem>>, vector<16xi32>,
      %shift_right_logical3A_820 = arith.constant 7 : i32
      %shift_right_logical3A_821 = vector.broadcast %shift_right_logical3A_820 : i32 to vector<16xi32>
      %shift_right_logical3A_822 = arith.shrui %get3A_819, %shift_right_logical3A_821 : vector<16xi32>
      %and3A_823 = arith.constant 127 : i32
      %and3A_824 = vector.broadcast %and3A_823 : i32 to vector<16xi32>
      %and3A_825 = arith.andi %get3A_819, %and3A_824 : vector<16xi32>
      tpu.vector_store_idx %arg16[%shift_right_logical3A_822, %and3A_825], %broadcast_in_dim3A_1 {add = true} : memref<80x128xf32, #tpu.memory_space<vmem>>[vector<16xi32>, vector<16xi32>], vector<16xf32>,
      %get3A_826 = arith.constant 6 : i32
      %get3A_827 = arith.index_cast %get3A_826 : i32 to index
      %get3A_828 = arith.constant 32 : index
      %get3A_829 = tpu.vector_load %arg13[%get3A_827, %get3A_828] {strides = array<i32>} : memref<25x80xi32, #tpu.memory_space<vmem>>, vector<16xi32>,
      %shift_right_logical3A_830 = arith.constant 7 : i32
      %shift_right_logical3A_831 = vector.broadcast %shift_right_logical3A_830 : i32 to vector<16xi32>
      %shift_right_logical3A_832 = arith.shrui %get3A_829, %shift_right_logical3A_831 : vector<16xi32>
      %and3A_833 = arith.constant 127 : i32
      %and3A_834 = vector.broadcast %and3A_833 : i32 to vector<16xi32>
      %and3A_835 = arith.andi %get3A_829, %and3A_834 : vector<16xi32>
      tpu.vector_store_idx %arg16[%shift_right_logical3A_832, %and3A_835], %broadcast_in_dim3A_1 {add = true} : memref<80x128xf32, #tpu.memory_space<vmem>>[vector<16xi32>, vector<16xi32>], vector<16xf32>,
      %get3A_836 = arith.constant 6 : i32
      %get3A_837 = arith.index_cast %get3A_836 : i32 to index
      %get3A_838 = arith.constant 48 : index
      %get3A_839 = tpu.vector_load %arg13[%get3A_837, %get3A_838] {strides = array<i32>} : memref<25x80xi32, #tpu.memory_space<vmem>>, vector<16xi32>,
      %shift_right_logical3A_840 = arith.constant 7 : i32
      %shift_right_logical3A_841 = vector.broadcast %shift_right_logical3A_840 : i32 to vector<16xi32>
      %shift_right_logical3A_842 = arith.shrui %get3A_839, %shift_right_logical3A_841 : vector<16xi32>
      %and3A_843 = arith.constant 127 : i32
      %and3A_844 = vector.broadcast %and3A_843 : i32 to vector<16xi32>
      %and3A_845 = arith.andi %get3A_839, %and3A_844 : vector<16xi32>
      tpu.vector_store_idx %arg16[%shift_right_logical3A_842, %and3A_845], %broadcast_in_dim3A_1 {add = true} : memref<80x128xf32, #tpu.memory_space<vmem>>[vector<16xi32>, vector<16xi32>], vector<16xf32>,
      %get3A_846 = arith.constant 6 : i32
      %get3A_847 = arith.index_cast %get3A_846 : i32 to index
      %get3A_848 = arith.constant 64 : index
      %get3A_849 = tpu.vector_load %arg13[%get3A_847, %get3A_848] {strides = array<i32>} : memref<25x80xi32, #tpu.memory_space<vmem>>, vector<16xi32>,
      %shift_right_logical3A_850 = arith.constant 7 : i32
      %shift_right_logical3A_851 = vector.broadcast %shift_right_logical3A_850 : i32 to vector<16xi32>
      %shift_right_logical3A_852 = arith.shrui %get3A_849, %shift_right_logical3A_851 : vector<16xi32>
      %and3A_853 = arith.constant 127 : i32
      %and3A_854 = vector.broadcast %and3A_853 : i32 to vector<16xi32>
      %and3A_855 = arith.andi %get3A_849, %and3A_854 : vector<16xi32>
      tpu.vector_store_idx %arg16[%shift_right_logical3A_852, %and3A_855], %broadcast_in_dim3A_1 {add = true} : memref<80x128xf32, #tpu.memory_space<vmem>>[vector<16xi32>, vector<16xi32>], vector<16xf32>,
      %dma_wait3A_856 = arith.constant 5 : i32
      %dma_wait3A_857 = arith.constant 0 : i32
      %dma_wait3A_858 = tpu.memref_slice %arg13[%dma_wait3A_856, %dma_wait3A_857] : memref<25x80xi32, #tpu.memory_space<vmem>> -> memref<1x80xi32, #tpu.memory_space<vmem>>
      %dma_wait3A_859 = tpu.memref_squeeze %dma_wait3A_858 : memref<1x80xi32, #tpu.memory_space<vmem>> -> memref<80xi32, #tpu.memory_space<vmem>>
      %dma_wait3A_860 = arith.constant 0 : i32
      %dma_wait3A_861 = arith.constant 0 : i32
      %dma_wait3A_862 = tpu.memref_slice %arg11[%dma_wait3A_860, %dma_wait3A_861] : memref<10240x128xf32, #tpu.memory_space<vmem_shared>> -> memref<10240x128xf32, #tpu.memory_space<vmem_shared>>
      tpu.wait_indirect_dma semaphore(%arg20 : memref<!tpu.dma_semaphore, #tpu.memory_space<semaphore_mem>>) src(%arg15 : memref<80x128xf32, #tpu.memory_space<vmem>>) dst(%dma_wait3A_862 : memref<10240x128xf32, #tpu.memory_space<vmem_shared>>)
      %dma_start3A_863 = arith.constant 7 : i32
      %dma_start3A_864 = arith.constant 0 : i32
      %dma_start3A_865 = tpu.memref_slice %arg12[%dma_start3A_863, %dma_start3A_864] : memref<25x80xi32, #tpu.memory_space<vmem>> -> memref<1x80xi32, #tpu.memory_space<vmem>>
      %dma_start3A_866 = tpu.memref_squeeze %dma_start3A_865 : memref<1x80xi32, #tpu.memory_space<vmem>> -> memref<80xi32, #tpu.memory_space<vmem>>
      %dma_start3A_867 = arith.constant 0 : i32
      %dma_start3A_868 = arith.constant 0 : i32
      %dma_start3A_869 = tpu.memref_slice %arg2[%dma_start3A_867, %dma_start3A_868] : memref<10000x128xf32, #tpu.memory_space<hbm>> -> memref<10000x128xf32, #tpu.memory_space<hbm>>
      tpu.enqueue_indirect_dma source(%dma_start3A_869 : memref<10000x128xf32, #tpu.memory_space<hbm>>) target(%arg15 : memref<80x128xf32, #tpu.memory_space<vmem>>) offsets(%dma_start3A_866 : memref<80xi32, #tpu.memory_space<vmem>>) semaphore(%arg18 : memref<!tpu.dma_semaphore, #tpu.memory_space<semaphore_mem>>)
      %dma_wait3A_870 = arith.constant 6 : i32
      %dma_wait3A_871 = arith.constant 0 : i32
      %dma_wait3A_872 = tpu.memref_slice %arg12[%dma_wait3A_870, %dma_wait3A_871] : memref<25x80xi32, #tpu.memory_space<vmem>> -> memref<1x80xi32, #tpu.memory_space<vmem>>
      %dma_wait3A_873 = tpu.memref_squeeze %dma_wait3A_872 : memref<1x80xi32, #tpu.memory_space<vmem>> -> memref<80xi32, #tpu.memory_space<vmem>>
      %dma_wait3A_874 = arith.constant 0 : i32
      %dma_wait3A_875 = arith.constant 0 : i32
      %dma_wait3A_876 = tpu.memref_slice %arg2[%dma_wait3A_874, %dma_wait3A_875] : memref<10000x128xf32, #tpu.memory_space<hbm>> -> memref<10000x128xf32, #tpu.memory_space<hbm>>
      tpu.wait_indirect_dma semaphore(%arg17 : memref<!tpu.dma_semaphore, #tpu.memory_space<semaphore_mem>>) src(%dma_wait3A_876 : memref<10000x128xf32, #tpu.memory_space<hbm>>) dst(%arg14 : memref<80x128xf32, #tpu.memory_space<vmem>>)
      %dma_start3A_877 = arith.constant 6 : i32
      %dma_start3A_878 = arith.constant 0 : i32
      %dma_start3A_879 = tpu.memref_slice %arg13[%dma_start3A_877, %dma_start3A_878] : memref<25x80xi32, #tpu.memory_space<vmem>> -> memref<1x80xi32, #tpu.memory_space<vmem>>
      %dma_start3A_880 = tpu.memref_squeeze %dma_start3A_879 : memref<1x80xi32, #tpu.memory_space<vmem>> -> memref<80xi32, #tpu.memory_space<vmem>>
      %dma_start3A_881 = arith.constant 0 : i32
      %dma_start3A_882 = arith.constant 0 : i32
      %dma_start3A_883 = tpu.memref_slice %arg11[%dma_start3A_881, %dma_start3A_882] : memref<10240x128xf32, #tpu.memory_space<vmem_shared>> -> memref<10240x128xf32, #tpu.memory_space<vmem_shared>>
      tpu.enqueue_indirect_dma source(%arg14 : memref<80x128xf32, #tpu.memory_space<vmem>>) target(%dma_start3A_883 : memref<10240x128xf32, #tpu.memory_space<vmem_shared>>) offsets(%dma_start3A_880 : memref<80xi32, #tpu.memory_space<vmem>>) semaphore(%arg19 : memref<!tpu.dma_semaphore, #tpu.memory_space<semaphore_mem>>) {add = true}
      %get3A_884 = arith.constant 7 : i32
      %get3A_885 = arith.index_cast %get3A_884 : i32 to index
      %get3A_886 = arith.constant 0 : index
      %get3A_887 = tpu.vector_load %arg13[%get3A_885, %get3A_886] {strides = array<i32>} : memref<25x80xi32, #tpu.memory_space<vmem>>, vector<16xi32>,
      %shift_right_logical3A_888 = arith.constant 7 : i32
      %shift_right_logical3A_889 = vector.broadcast %shift_right_logical3A_888 : i32 to vector<16xi32>
      %shift_right_logical3A_890 = arith.shrui %get3A_887, %shift_right_logical3A_889 : vector<16xi32>
      %and3A_891 = arith.constant 127 : i32
      %and3A_892 = vector.broadcast %and3A_891 : i32 to vector<16xi32>
      %and3A_893 = arith.andi %get3A_887, %and3A_892 : vector<16xi32>
      tpu.vector_store_idx %arg16[%shift_right_logical3A_890, %and3A_893], %broadcast_in_dim3A_1 {add = true} : memref<80x128xf32, #tpu.memory_space<vmem>>[vector<16xi32>, vector<16xi32>], vector<16xf32>,
      %get3A_894 = arith.constant 7 : i32
      %get3A_895 = arith.index_cast %get3A_894 : i32 to index
      %get3A_896 = arith.constant 16 : index
      %get3A_897 = tpu.vector_load %arg13[%get3A_895, %get3A_896] {strides = array<i32>} : memref<25x80xi32, #tpu.memory_space<vmem>>, vector<16xi32>,
      %shift_right_logical3A_898 = arith.constant 7 : i32
      %shift_right_logical3A_899 = vector.broadcast %shift_right_logical3A_898 : i32 to vector<16xi32>
      %shift_right_logical3A_900 = arith.shrui %get3A_897, %shift_right_logical3A_899 : vector<16xi32>
      %and3A_901 = arith.constant 127 : i32
      %and3A_902 = vector.broadcast %and3A_901 : i32 to vector<16xi32>
      %and3A_903 = arith.andi %get3A_897, %and3A_902 : vector<16xi32>
      tpu.vector_store_idx %arg16[%shift_right_logical3A_900, %and3A_903], %broadcast_in_dim3A_1 {add = true} : memref<80x128xf32, #tpu.memory_space<vmem>>[vector<16xi32>, vector<16xi32>], vector<16xf32>,
      %get3A_904 = arith.constant 7 : i32
      %get3A_905 = arith.index_cast %get3A_904 : i32 to index
      %get3A_906 = arith.constant 32 : index
      %get3A_907 = tpu.vector_load %arg13[%get3A_905, %get3A_906] {strides = array<i32>} : memref<25x80xi32, #tpu.memory_space<vmem>>, vector<16xi32>,
      %shift_right_logical3A_908 = arith.constant 7 : i32
      %shift_right_logical3A_909 = vector.broadcast %shift_right_logical3A_908 : i32 to vector<16xi32>
      %shift_right_logical3A_910 = arith.shrui %get3A_907, %shift_right_logical3A_909 : vector<16xi32>
      %and3A_911 = arith.constant 127 : i32
      %and3A_912 = vector.broadcast %and3A_911 : i32 to vector<16xi32>
      %and3A_913 = arith.andi %get3A_907, %and3A_912 : vector<16xi32>
      tpu.vector_store_idx %arg16[%shift_right_logical3A_910, %and3A_913], %broadcast_in_dim3A_1 {add = true} : memref<80x128xf32, #tpu.memory_space<vmem>>[vector<16xi32>, vector<16xi32>], vector<16xf32>,
      %get3A_914 = arith.constant 7 : i32
      %get3A_915 = arith.index_cast %get3A_914 : i32 to index
      %get3A_916 = arith.constant 48 : index
      %get3A_917 = tpu.vector_load %arg13[%get3A_915, %get3A_916] {strides = array<i32>} : memref<25x80xi32, #tpu.memory_space<vmem>>, vector<16xi32>,
      %shift_right_logical3A_918 = arith.constant 7 : i32
      %shift_right_logical3A_919 = vector.broadcast %shift_right_logical3A_918 : i32 to vector<16xi32>
      %shift_right_logical3A_920 = arith.shrui %get3A_917, %shift_right_logical3A_919 : vector<16xi32>
      %and3A_921 = arith.constant 127 : i32
      %and3A_922 = vector.broadcast %and3A_921 : i32 to vector<16xi32>
      %and3A_923 = arith.andi %get3A_917, %and3A_922 : vector<16xi32>
      tpu.vector_store_idx %arg16[%shift_right_logical3A_920, %and3A_923], %broadcast_in_dim3A_1 {add = true} : memref<80x128xf32, #tpu.memory_space<vmem>>[vector<16xi32>, vector<16xi32>], vector<16xf32>,
      %get3A_924 = arith.constant 7 : i32
      %get3A_925 = arith.index_cast %get3A_924 : i32 to index
      %get3A_926 = arith.constant 64 : index
      %get3A_927 = tpu.vector_load %arg13[%get3A_925, %get3A_926] {strides = array<i32>} : memref<25x80xi32, #tpu.memory_space<vmem>>, vector<16xi32>,
      %shift_right_logical3A_928 = arith.constant 7 : i32
      %shift_right_logical3A_929 = vector.broadcast %shift_right_logical3A_928 : i32 to vector<16xi32>
      %shift_right_logical3A_930 = arith.shrui %get3A_927, %shift_right_logical3A_929 : vector<16xi32>
      %and3A_931 = arith.constant 127 : i32
      %and3A_932 = vector.broadcast %and3A_931 : i32 to vector<16xi32>
      %and3A_933 = arith.andi %get3A_927, %and3A_932 : vector<16xi32>
      tpu.vector_store_idx %arg16[%shift_right_logical3A_930, %and3A_933], %broadcast_in_dim3A_1 {add = true} : memref<80x128xf32, #tpu.memory_space<vmem>>[vector<16xi32>, vector<16xi32>], vector<16xf32>,
      %dma_wait3A_934 = arith.constant 6 : i32
      %dma_wait3A_935 = arith.constant 0 : i32
      %dma_wait3A_936 = tpu.memref_slice %arg13[%dma_wait3A_934, %dma_wait3A_935] : memref<25x80xi32, #tpu.memory_space<vmem>> -> memref<1x80xi32, #tpu.memory_space<vmem>>
      %dma_wait3A_937 = tpu.memref_squeeze %dma_wait3A_936 : memref<1x80xi32, #tpu.memory_space<vmem>> -> memref<80xi32, #tpu.memory_space<vmem>>
      %dma_wait3A_938 = arith.constant 0 : i32
      %dma_wait3A_939 = arith.constant 0 : i32
      %dma_wait3A_940 = tpu.memref_slice %arg11[%dma_wait3A_938, %dma_wait3A_939] : memref<10240x128xf32, #tpu.memory_space<vmem_shared>> -> memref<10240x128xf32, #tpu.memory_space<vmem_shared>>
      tpu.wait_indirect_dma semaphore(%arg19 : memref<!tpu.dma_semaphore, #tpu.memory_space<semaphore_mem>>) src(%arg14 : memref<80x128xf32, #tpu.memory_space<vmem>>) dst(%dma_wait3A_940 : memref<10240x128xf32, #tpu.memory_space<vmem_shared>>)
      %dma_start3A_941 = arith.constant 8 : i32
      %dma_start3A_942 = arith.constant 0 : i32
      %dma_start3A_943 = tpu.memref_slice %arg12[%dma_start3A_941, %dma_start3A_942] : memref<25x80xi32, #tpu.memory_space<vmem>> -> memref<1x80xi32, #tpu.memory_space<vmem>>
      %dma_start3A_944 = tpu.memref_squeeze %dma_start3A_943 : memref<1x80xi32, #tpu.memory_space<vmem>> -> memref<80xi32, #tpu.memory_space<vmem>>
      %dma_start3A_945 = arith.constant 0 : i32
      %dma_start3A_946 = arith.constant 0 : i32
      %dma_start3A_947 = tpu.memref_slice %arg2[%dma_start3A_945, %dma_start3A_946] : memref<10000x128xf32, #tpu.memory_space<hbm>> -> memref<10000x128xf32, #tpu.memory_space<hbm>>
      tpu.enqueue_indirect_dma source(%dma_start3A_947 : memref<10000x128xf32, #tpu.memory_space<hbm>>) target(%arg14 : memref<80x128xf32, #tpu.memory_space<vmem>>) offsets(%dma_start3A_944 : memref<80xi32, #tpu.memory_space<vmem>>) semaphore(%arg17 : memref<!tpu.dma_semaphore, #tpu.memory_space<semaphore_mem>>)
      %dma_wait3A_948 = arith.constant 7 : i32
      %dma_wait3A_949 = arith.constant 0 : i32
      %dma_wait3A_950 = tpu.memref_slice %arg12[%dma_wait3A_948, %dma_wait3A_949] : memref<25x80xi32, #tpu.memory_space<vmem>> -> memref<1x80xi32, #tpu.memory_space<vmem>>
      %dma_wait3A_951 = tpu.memref_squeeze %dma_wait3A_950 : memref<1x80xi32, #tpu.memory_space<vmem>> -> memref<80xi32, #tpu.memory_space<vmem>>
      %dma_wait3A_952 = arith.constant 0 : i32
      %dma_wait3A_953 = arith.constant 0 : i32
      %dma_wait3A_954 = tpu.memref_slice %arg2[%dma_wait3A_952, %dma_wait3A_953] : memref<10000x128xf32, #tpu.memory_space<hbm>> -> memref<10000x128xf32, #tpu.memory_space<hbm>>
      tpu.wait_indirect_dma semaphore(%arg18 : memref<!tpu.dma_semaphore, #tpu.memory_space<semaphore_mem>>) src(%dma_wait3A_954 : memref<10000x128xf32, #tpu.memory_space<hbm>>) dst(%arg15 : memref<80x128xf32, #tpu.memory_space<vmem>>)
      %dma_start3A_955 = arith.constant 7 : i32
      %dma_start3A_956 = arith.constant 0 : i32
      %dma_start3A_957 = tpu.memref_slice %arg13[%dma_start3A_955, %dma_start3A_956] : memref<25x80xi32, #tpu.memory_space<vmem>> -> memref<1x80xi32, #tpu.memory_space<vmem>>
      %dma_start3A_958 = tpu.memref_squeeze %dma_start3A_957 : memref<1x80xi32, #tpu.memory_space<vmem>> -> memref<80xi32, #tpu.memory_space<vmem>>
      %dma_start3A_959 = arith.constant 0 : i32
      %dma_start3A_960 = arith.constant 0 : i32
      %dma_start3A_961 = tpu.memref_slice %arg11[%dma_start3A_959, %dma_start3A_960] : memref<10240x128xf32, #tpu.memory_space<vmem_shared>> -> memref<10240x128xf32, #tpu.memory_space<vmem_shared>>
      tpu.enqueue_indirect_dma source(%arg15 : memref<80x128xf32, #tpu.memory_space<vmem>>) target(%dma_start3A_961 : memref<10240x128xf32, #tpu.memory_space<vmem_shared>>) offsets(%dma_start3A_958 : memref<80xi32, #tpu.memory_space<vmem>>) semaphore(%arg20 : memref<!tpu.dma_semaphore, #tpu.memory_space<semaphore_mem>>) {add = true}
      %get3A_962 = arith.constant 8 : i32
      %get3A_963 = arith.index_cast %get3A_962 : i32 to index
      %get3A_964 = arith.constant 0 : index
      %get3A_965 = tpu.vector_load %arg13[%get3A_963, %get3A_964] {strides = array<i32>} : memref<25x80xi32, #tpu.memory_space<vmem>>, vector<16xi32>,
      %shift_right_logical3A_966 = arith.constant 7 : i32
      %shift_right_logical3A_967 = vector.broadcast %shift_right_logical3A_966 : i32 to vector<16xi32>
      %shift_right_logical3A_968 = arith.shrui %get3A_965, %shift_right_logical3A_967 : vector<16xi32>
      %and3A_969 = arith.constant 127 : i32
      %and3A_970 = vector.broadcast %and3A_969 : i32 to vector<16xi32>
      %and3A_971 = arith.andi %get3A_965, %and3A_970 : vector<16xi32>
      tpu.vector_store_idx %arg16[%shift_right_logical3A_968, %and3A_971], %broadcast_in_dim3A_1 {add = true} : memref<80x128xf32, #tpu.memory_space<vmem>>[vector<16xi32>, vector<16xi32>], vector<16xf32>,
      %get3A_972 = arith.constant 8 : i32
      %get3A_973 = arith.index_cast %get3A_972 : i32 to index
      %get3A_974 = arith.constant 16 : index
      %get3A_975 = tpu.vector_load %arg13[%get3A_973, %get3A_974] {strides = array<i32>} : memref<25x80xi32, #tpu.memory_space<vmem>>, vector<16xi32>,
      %shift_right_logical3A_976 = arith.constant 7 : i32
      %shift_right_logical3A_977 = vector.broadcast %shift_right_logical3A_976 : i32 to vector<16xi32>
      %shift_right_logical3A_978 = arith.shrui %get3A_975, %shift_right_logical3A_977 : vector<16xi32>
      %and3A_979 = arith.constant 127 : i32
      %and3A_980 = vector.broadcast %and3A_979 : i32 to vector<16xi32>
      %and3A_981 = arith.andi %get3A_975, %and3A_980 : vector<16xi32>
      tpu.vector_store_idx %arg16[%shift_right_logical3A_978, %and3A_981], %broadcast_in_dim3A_1 {add = true} : memref<80x128xf32, #tpu.memory_space<vmem>>[vector<16xi32>, vector<16xi32>], vector<16xf32>,
      %get3A_982 = arith.constant 8 : i32
      %get3A_983 = arith.index_cast %get3A_982 : i32 to index
      %get3A_984 = arith.constant 32 : index
      %get3A_985 = tpu.vector_load %arg13[%get3A_983, %get3A_984] {strides = array<i32>} : memref<25x80xi32, #tpu.memory_space<vmem>>, vector<16xi32>,
      %shift_right_logical3A_986 = arith.constant 7 : i32
      %shift_right_logical3A_987 = vector.broadcast %shift_right_logical3A_986 : i32 to vector<16xi32>
      %shift_right_logical3A_988 = arith.shrui %get3A_985, %shift_right_logical3A_987 : vector<16xi32>
      %and3A_989 = arith.constant 127 : i32
      %and3A_990 = vector.broadcast %and3A_989 : i32 to vector<16xi32>
      %and3A_991 = arith.andi %get3A_985, %and3A_990 : vector<16xi32>
      tpu.vector_store_idx %arg16[%shift_right_logical3A_988, %and3A_991], %broadcast_in_dim3A_1 {add = true} : memref<80x128xf32, #tpu.memory_space<vmem>>[vector<16xi32>, vector<16xi32>], vector<16xf32>,
      %get3A_992 = arith.constant 8 : i32
      %get3A_993 = arith.index_cast %get3A_992 : i32 to index
      %get3A_994 = arith.constant 48 : index
      %get3A_995 = tpu.vector_load %arg13[%get3A_993, %get3A_994] {strides = array<i32>} : memref<25x80xi32, #tpu.memory_space<vmem>>, vector<16xi32>,
      %shift_right_logical3A_996 = arith.constant 7 : i32
      %shift_right_logical3A_997 = vector.broadcast %shift_right_logical3A_996 : i32 to vector<16xi32>
      %shift_right_logical3A_998 = arith.shrui %get3A_995, %shift_right_logical3A_997 : vector<16xi32>
      %and3A_999 = arith.constant 127 : i32
      %and3A_1000 = vector.broadcast %and3A_999 : i32 to vector<16xi32>
      %and3A_1001 = arith.andi %get3A_995, %and3A_1000 : vector<16xi32>
      tpu.vector_store_idx %arg16[%shift_right_logical3A_998, %and3A_1001], %broadcast_in_dim3A_1 {add = true} : memref<80x128xf32, #tpu.memory_space<vmem>>[vector<16xi32>, vector<16xi32>], vector<16xf32>,
      %get3A_1002 = arith.constant 8 : i32
      %get3A_1003 = arith.index_cast %get3A_1002 : i32 to index
      %get3A_1004 = arith.constant 64 : index
      %get3A_1005 = tpu.vector_load %arg13[%get3A_1003, %get3A_1004] {strides = array<i32>} : memref<25x80xi32, #tpu.memory_space<vmem>>, vector<16xi32>,
      %shift_right_logical3A_1006 = arith.constant 7 : i32
      %shift_right_logical3A_1007 = vector.broadcast %shift_right_logical3A_1006 : i32 to vector<16xi32>
      %shift_right_logical3A_1008 = arith.shrui %get3A_1005, %shift_right_logical3A_1007 : vector<16xi32>
      %and3A_1009 = arith.constant 127 : i32
      %and3A_1010 = vector.broadcast %and3A_1009 : i32 to vector<16xi32>
      %and3A_1011 = arith.andi %get3A_1005, %and3A_1010 : vector<16xi32>
      tpu.vector_store_idx %arg16[%shift_right_logical3A_1008, %and3A_1011], %broadcast_in_dim3A_1 {add = true} : memref<80x128xf32, #tpu.memory_space<vmem>>[vector<16xi32>, vector<16xi32>], vector<16xf32>,
      %dma_wait3A_1012 = arith.constant 7 : i32
      %dma_wait3A_1013 = arith.constant 0 : i32
      %dma_wait3A_1014 = tpu.memref_slice %arg13[%dma_wait3A_1012, %dma_wait3A_1013] : memref<25x80xi32, #tpu.memory_space<vmem>> -> memref<1x80xi32, #tpu.memory_space<vmem>>
      %dma_wait3A_1015 = tpu.memref_squeeze %dma_wait3A_1014 : memref<1x80xi32, #tpu.memory_space<vmem>> -> memref<80xi32, #tpu.memory_space<vmem>>
      %dma_wait3A_1016 = arith.constant 0 : i32
      %dma_wait3A_1017 = arith.constant 0 : i32
      %dma_wait3A_1018 = tpu.memref_slice %arg11[%dma_wait3A_1016, %dma_wait3A_1017] : memref<10240x128xf32, #tpu.memory_space<vmem_shared>> -> memref<10240x128xf32, #tpu.memory_space<vmem_shared>>
      tpu.wait_indirect_dma semaphore(%arg20 : memref<!tpu.dma_semaphore, #tpu.memory_space<semaphore_mem>>) src(%arg15 : memref<80x128xf32, #tpu.memory_space<vmem>>) dst(%dma_wait3A_1018 : memref<10240x128xf32, #tpu.memory_space<vmem_shared>>)
      %dma_start3A_1019 = arith.constant 9 : i32
      %dma_start3A_1020 = arith.constant 0 : i32
      %dma_start3A_1021 = tpu.memref_slice %arg12[%dma_start3A_1019, %dma_start3A_1020] : memref<25x80xi32, #tpu.memory_space<vmem>> -> memref<1x80xi32, #tpu.memory_space<vmem>>
      %dma_start3A_1022 = tpu.memref_squeeze %dma_start3A_1021 : memref<1x80xi32, #tpu.memory_space<vmem>> -> memref<80xi32, #tpu.memory_space<vmem>>
      %dma_start3A_1023 = arith.constant 0 : i32
      %dma_start3A_1024 = arith.constant 0 : i32
      %dma_start3A_1025 = tpu.memref_slice %arg2[%dma_start3A_1023, %dma_start3A_1024] : memref<10000x128xf32, #tpu.memory_space<hbm>> -> memref<10000x128xf32, #tpu.memory_space<hbm>>
      tpu.enqueue_indirect_dma source(%dma_start3A_1025 : memref<10000x128xf32, #tpu.memory_space<hbm>>) target(%arg15 : memref<80x128xf32, #tpu.memory_space<vmem>>) offsets(%dma_start3A_1022 : memref<80xi32, #tpu.memory_space<vmem>>) semaphore(%arg18 : memref<!tpu.dma_semaphore, #tpu.memory_space<semaphore_mem>>)
      %dma_wait3A_1026 = arith.constant 8 : i32
      %dma_wait3A_1027 = arith.constant 0 : i32
      %dma_wait3A_1028 = tpu.memref_slice %arg12[%dma_wait3A_1026, %dma_wait3A_1027] : memref<25x80xi32, #tpu.memory_space<vmem>> -> memref<1x80xi32, #tpu.memory_space<vmem>>
      %dma_wait3A_1029 = tpu.memref_squeeze %dma_wait3A_1028 : memref<1x80xi32, #tpu.memory_space<vmem>> -> memref<80xi32, #tpu.memory_space<vmem>>
      %dma_wait3A_1030 = arith.constant 0 : i32
      %dma_wait3A_1031 = arith.constant 0 : i32
      %dma_wait3A_1032 = tpu.memref_slice %arg2[%dma_wait3A_1030, %dma_wait3A_1031] : memref<10000x128xf32, #tpu.memory_space<hbm>> -> memref<10000x128xf32, #tpu.memory_space<hbm>>
      tpu.wait_indirect_dma semaphore(%arg17 : memref<!tpu.dma_semaphore, #tpu.memory_space<semaphore_mem>>) src(%dma_wait3A_1032 : memref<10000x128xf32, #tpu.memory_space<hbm>>) dst(%arg14 : memref<80x128xf32, #tpu.memory_space<vmem>>)
      %dma_start3A_1033 = arith.constant 8 : i32
      %dma_start3A_1034 = arith.constant 0 : i32
      %dma_start3A_1035 = tpu.memref_slice %arg13[%dma_start3A_1033, %dma_start3A_1034] : memref<25x80xi32, #tpu.memory_space<vmem>> -> memref<1x80xi32, #tpu.memory_space<vmem>>
      %dma_start3A_1036 = tpu.memref_squeeze %dma_start3A_1035 : memref<1x80xi32, #tpu.memory_space<vmem>> -> memref<80xi32, #tpu.memory_space<vmem>>
      %dma_start3A_1037 = arith.constant 0 : i32
      %dma_start3A_1038 = arith.constant 0 : i32
      %dma_start3A_1039 = tpu.memref_slice %arg11[%dma_start3A_1037, %dma_start3A_1038] : memref<10240x128xf32, #tpu.memory_space<vmem_shared>> -> memref<10240x128xf32, #tpu.memory_space<vmem_shared>>
      tpu.enqueue_indirect_dma source(%arg14 : memref<80x128xf32, #tpu.memory_space<vmem>>) target(%dma_start3A_1039 : memref<10240x128xf32, #tpu.memory_space<vmem_shared>>) offsets(%dma_start3A_1036 : memref<80xi32, #tpu.memory_space<vmem>>) semaphore(%arg19 : memref<!tpu.dma_semaphore, #tpu.memory_space<semaphore_mem>>) {add = true}
      %get3A_1040 = arith.constant 9 : i32
      %get3A_1041 = arith.index_cast %get3A_1040 : i32 to index
      %get3A_1042 = arith.constant 0 : index
      %get3A_1043 = tpu.vector_load %arg13[%get3A_1041, %get3A_1042] {strides = array<i32>} : memref<25x80xi32, #tpu.memory_space<vmem>>, vector<16xi32>,
      %shift_right_logical3A_1044 = arith.constant 7 : i32
      %shift_right_logical3A_1045 = vector.broadcast %shift_right_logical3A_1044 : i32 to vector<16xi32>
      %shift_right_logical3A_1046 = arith.shrui %get3A_1043, %shift_right_logical3A_1045 : vector<16xi32>
      %and3A_1047 = arith.constant 127 : i32
      %and3A_1048 = vector.broadcast %and3A_1047 : i32 to vector<16xi32>
      %and3A_1049 = arith.andi %get3A_1043, %and3A_1048 : vector<16xi32>
      tpu.vector_store_idx %arg16[%shift_right_logical3A_1046, %and3A_1049], %broadcast_in_dim3A_1 {add = true} : memref<80x128xf32, #tpu.memory_space<vmem>>[vector<16xi32>, vector<16xi32>], vector<16xf32>,
      %get3A_1050 = arith.constant 9 : i32
      %get3A_1051 = arith.index_cast %get3A_1050 : i32 to index
      %get3A_1052 = arith.constant 16 : index
      %get3A_1053 = tpu.vector_load %arg13[%get3A_1051, %get3A_1052] {strides = array<i32>} : memref<25x80xi32, #tpu.memory_space<vmem>>, vector<16xi32>,
      %shift_right_logical3A_1054 = arith.constant 7 : i32
      %shift_right_logical3A_1055 = vector.broadcast %shift_right_logical3A_1054 : i32 to vector<16xi32>
      %shift_right_logical3A_1056 = arith.shrui %get3A_1053, %shift_right_logical3A_1055 : vector<16xi32>
      %and3A_1057 = arith.constant 127 : i32
      %and3A_1058 = vector.broadcast %and3A_1057 : i32 to vector<16xi32>
      %and3A_1059 = arith.andi %get3A_1053, %and3A_1058 : vector<16xi32>
      tpu.vector_store_idx %arg16[%shift_right_logical3A_1056, %and3A_1059], %broadcast_in_dim3A_1 {add = true} : memref<80x128xf32, #tpu.memory_space<vmem>>[vector<16xi32>, vector<16xi32>], vector<16xf32>,
      %get3A_1060 = arith.constant 9 : i32
      %get3A_1061 = arith.index_cast %get3A_1060 : i32 to index
      %get3A_1062 = arith.constant 32 : index
      %get3A_1063 = tpu.vector_load %arg13[%get3A_1061, %get3A_1062] {strides = array<i32>} : memref<25x80xi32, #tpu.memory_space<vmem>>, vector<16xi32>,
      %shift_right_logical3A_1064 = arith.constant 7 : i32
      %shift_right_logical3A_1065 = vector.broadcast %shift_right_logical3A_1064 : i32 to vector<16xi32>
      %shift_right_logical3A_1066 = arith.shrui %get3A_1063, %shift_right_logical3A_1065 : vector<16xi32>
      %and3A_1067 = arith.constant 127 : i32
      %and3A_1068 = vector.broadcast %and3A_1067 : i32 to vector<16xi32>
      %and3A_1069 = arith.andi %get3A_1063, %and3A_1068 : vector<16xi32>
      tpu.vector_store_idx %arg16[%shift_right_logical3A_1066, %and3A_1069], %broadcast_in_dim3A_1 {add = true} : memref<80x128xf32, #tpu.memory_space<vmem>>[vector<16xi32>, vector<16xi32>], vector<16xf32>,
      %get3A_1070 = arith.constant 9 : i32
      %get3A_1071 = arith.index_cast %get3A_1070 : i32 to index
      %get3A_1072 = arith.constant 48 : index
      %get3A_1073 = tpu.vector_load %arg13[%get3A_1071, %get3A_1072] {strides = array<i32>} : memref<25x80xi32, #tpu.memory_space<vmem>>, vector<16xi32>,
      %shift_right_logical3A_1074 = arith.constant 7 : i32
      %shift_right_logical3A_1075 = vector.broadcast %shift_right_logical3A_1074 : i32 to vector<16xi32>
      %shift_right_logical3A_1076 = arith.shrui %get3A_1073, %shift_right_logical3A_1075 : vector<16xi32>
      %and3A_1077 = arith.constant 127 : i32
      %and3A_1078 = vector.broadcast %and3A_1077 : i32 to vector<16xi32>
      %and3A_1079 = arith.andi %get3A_1073, %and3A_1078 : vector<16xi32>
      tpu.vector_store_idx %arg16[%shift_right_logical3A_1076, %and3A_1079], %broadcast_in_dim3A_1 {add = true} : memref<80x128xf32, #tpu.memory_space<vmem>>[vector<16xi32>, vector<16xi32>], vector<16xf32>,
      %get3A_1080 = arith.constant 9 : i32
      %get3A_1081 = arith.index_cast %get3A_1080 : i32 to index
      %get3A_1082 = arith.constant 64 : index
      %get3A_1083 = tpu.vector_load %arg13[%get3A_1081, %get3A_1082] {strides = array<i32>} : memref<25x80xi32, #tpu.memory_space<vmem>>, vector<16xi32>,
      %shift_right_logical3A_1084 = arith.constant 7 : i32
      %shift_right_logical3A_1085 = vector.broadcast %shift_right_logical3A_1084 : i32 to vector<16xi32>
      %shift_right_logical3A_1086 = arith.shrui %get3A_1083, %shift_right_logical3A_1085 : vector<16xi32>
      %and3A_1087 = arith.constant 127 : i32
      %and3A_1088 = vector.broadcast %and3A_1087 : i32 to vector<16xi32>
      %and3A_1089 = arith.andi %get3A_1083, %and3A_1088 : vector<16xi32>
      tpu.vector_store_idx %arg16[%shift_right_logical3A_1086, %and3A_1089], %broadcast_in_dim3A_1 {add = true} : memref<80x128xf32, #tpu.memory_space<vmem>>[vector<16xi32>, vector<16xi32>], vector<16xf32>,
      %dma_wait3A_1090 = arith.constant 8 : i32
      %dma_wait3A_1091 = arith.constant 0 : i32
      %dma_wait3A_1092 = tpu.memref_slice %arg13[%dma_wait3A_1090, %dma_wait3A_1091] : memref<25x80xi32, #tpu.memory_space<vmem>> -> memref<1x80xi32, #tpu.memory_space<vmem>>
      %dma_wait3A_1093 = tpu.memref_squeeze %dma_wait3A_1092 : memref<1x80xi32, #tpu.memory_space<vmem>> -> memref<80xi32, #tpu.memory_space<vmem>>
      %dma_wait3A_1094 = arith.constant 0 : i32
      %dma_wait3A_1095 = arith.constant 0 : i32
      %dma_wait3A_1096 = tpu.memref_slice %arg11[%dma_wait3A_1094, %dma_wait3A_1095] : memref<10240x128xf32, #tpu.memory_space<vmem_shared>> -> memref<10240x128xf32, #tpu.memory_space<vmem_shared>>
      tpu.wait_indirect_dma semaphore(%arg19 : memref<!tpu.dma_semaphore, #tpu.memory_space<semaphore_mem>>) src(%arg14 : memref<80x128xf32, #tpu.memory_space<vmem>>) dst(%dma_wait3A_1096 : memref<10240x128xf32, #tpu.memory_space<vmem_shared>>)
      %dma_start3A_1097 = arith.constant 10 : i32
      %dma_start3A_1098 = arith.constant 0 : i32
      %dma_start3A_1099 = tpu.memref_slice %arg12[%dma_start3A_1097, %dma_start3A_1098] : memref<25x80xi32, #tpu.memory_space<vmem>> -> memref<1x80xi32, #tpu.memory_space<vmem>>
      %dma_start3A_1100 = tpu.memref_squeeze %dma_start3A_1099 : memref<1x80xi32, #tpu.memory_space<vmem>> -> memref<80xi32, #tpu.memory_space<vmem>>
      %dma_start3A_1101 = arith.constant 0 : i32
      %dma_start3A_1102 = arith.constant 0 : i32
      %dma_start3A_1103 = tpu.memref_slice %arg2[%dma_start3A_1101, %dma_start3A_1102] : memref<10000x128xf32, #tpu.memory_space<hbm>> -> memref<10000x128xf32, #tpu.memory_space<hbm>>
      tpu.enqueue_indirect_dma source(%dma_start3A_1103 : memref<10000x128xf32, #tpu.memory_space<hbm>>) target(%arg14 : memref<80x128xf32, #tpu.memory_space<vmem>>) offsets(%dma_start3A_1100 : memref<80xi32, #tpu.memory_space<vmem>>) semaphore(%arg17 : memref<!tpu.dma_semaphore, #tpu.memory_space<semaphore_mem>>)
      %dma_wait3A_1104 = arith.constant 9 : i32
      %dma_wait3A_1105 = arith.constant 0 : i32
      %dma_wait3A_1106 = tpu.memref_slice %arg12[%dma_wait3A_1104, %dma_wait3A_1105] : memref<25x80xi32, #tpu.memory_space<vmem>> -> memref<1x80xi32, #tpu.memory_space<vmem>>
      %dma_wait3A_1107 = tpu.memref_squeeze %dma_wait3A_1106 : memref<1x80xi32, #tpu.memory_space<vmem>> -> memref<80xi32, #tpu.memory_space<vmem>>
      %dma_wait3A_1108 = arith.constant 0 : i32
      %dma_wait3A_1109 = arith.constant 0 : i32
      %dma_wait3A_1110 = tpu.memref_slice %arg2[%dma_wait3A_1108, %dma_wait3A_1109] : memref<10000x128xf32, #tpu.memory_space<hbm>> -> memref<10000x128xf32, #tpu.memory_space<hbm>>
      tpu.wait_indirect_dma semaphore(%arg18 : memref<!tpu.dma_semaphore, #tpu.memory_space<semaphore_mem>>) src(%dma_wait3A_1110 : memref<10000x128xf32, #tpu.memory_space<hbm>>) dst(%arg15 : memref<80x128xf32, #tpu.memory_space<vmem>>)
      %dma_start3A_1111 = arith.constant 9 : i32
      %dma_start3A_1112 = arith.constant 0 : i32
      %dma_start3A_1113 = tpu.memref_slice %arg13[%dma_start3A_1111, %dma_start3A_1112] : memref<25x80xi32, #tpu.memory_space<vmem>> -> memref<1x80xi32, #tpu.memory_space<vmem>>
      %dma_start3A_1114 = tpu.memref_squeeze %dma_start3A_1113 : memref<1x80xi32, #tpu.memory_space<vmem>> -> memref<80xi32, #tpu.memory_space<vmem>>
      %dma_start3A_1115 = arith.constant 0 : i32
      %dma_start3A_1116 = arith.constant 0 : i32
      %dma_start3A_1117 = tpu.memref_slice %arg11[%dma_start3A_1115, %dma_start3A_1116] : memref<10240x128xf32, #tpu.memory_space<vmem_shared>> -> memref<10240x128xf32, #tpu.memory_space<vmem_shared>>
      tpu.enqueue_indirect_dma source(%arg15 : memref<80x128xf32, #tpu.memory_space<vmem>>) target(%dma_start3A_1117 : memref<10240x128xf32, #tpu.memory_space<vmem_shared>>) offsets(%dma_start3A_1114 : memref<80xi32, #tpu.memory_space<vmem>>) semaphore(%arg20 : memref<!tpu.dma_semaphore, #tpu.memory_space<semaphore_mem>>) {add = true}
      %get3A_1118 = arith.constant 10 : i32
      %get3A_1119 = arith.index_cast %get3A_1118 : i32 to index
      %get3A_1120 = arith.constant 0 : index
      %get3A_1121 = tpu.vector_load %arg13[%get3A_1119, %get3A_1120] {strides = array<i32>} : memref<25x80xi32, #tpu.memory_space<vmem>>, vector<16xi32>,
      %shift_right_logical3A_1122 = arith.constant 7 : i32
      %shift_right_logical3A_1123 = vector.broadcast %shift_right_logical3A_1122 : i32 to vector<16xi32>
      %shift_right_logical3A_1124 = arith.shrui %get3A_1121, %shift_right_logical3A_1123 : vector<16xi32>
      %and3A_1125 = arith.constant 127 : i32
      %and3A_1126 = vector.broadcast %and3A_1125 : i32 to vector<16xi32>
      %and3A_1127 = arith.andi %get3A_1121, %and3A_1126 : vector<16xi32>
      tpu.vector_store_idx %arg16[%shift_right_logical3A_1124, %and3A_1127], %broadcast_in_dim3A_1 {add = true} : memref<80x128xf32, #tpu.memory_space<vmem>>[vector<16xi32>, vector<16xi32>], vector<16xf32>,
      %get3A_1128 = arith.constant 10 : i32
      %get3A_1129 = arith.index_cast %get3A_1128 : i32 to index
      %get3A_1130 = arith.constant 16 : index
      %get3A_1131 = tpu.vector_load %arg13[%get3A_1129, %get3A_1130] {strides = array<i32>} : memref<25x80xi32, #tpu.memory_space<vmem>>, vector<16xi32>,
      %shift_right_logical3A_1132 = arith.constant 7 : i32
      %shift_right_logical3A_1133 = vector.broadcast %shift_right_logical3A_1132 : i32 to vector<16xi32>
      %shift_right_logical3A_1134 = arith.shrui %get3A_1131, %shift_right_logical3A_1133 : vector<16xi32>
      %and3A_1135 = arith.constant 127 : i32
      %and3A_1136 = vector.broadcast %and3A_1135 : i32 to vector<16xi32>
      %and3A_1137 = arith.andi %get3A_1131, %and3A_1136 : vector<16xi32>
      tpu.vector_store_idx %arg16[%shift_right_logical3A_1134, %and3A_1137], %broadcast_in_dim3A_1 {add = true} : memref<80x128xf32, #tpu.memory_space<vmem>>[vector<16xi32>, vector<16xi32>], vector<16xf32>,
      %get3A_1138 = arith.constant 10 : i32
      %get3A_1139 = arith.index_cast %get3A_1138 : i32 to index
      %get3A_1140 = arith.constant 32 : index
      %get3A_1141 = tpu.vector_load %arg13[%get3A_1139, %get3A_1140] {strides = array<i32>} : memref<25x80xi32, #tpu.memory_space<vmem>>, vector<16xi32>,
      %shift_right_logical3A_1142 = arith.constant 7 : i32
      %shift_right_logical3A_1143 = vector.broadcast %shift_right_logical3A_1142 : i32 to vector<16xi32>
      %shift_right_logical3A_1144 = arith.shrui %get3A_1141, %shift_right_logical3A_1143 : vector<16xi32>
      %and3A_1145 = arith.constant 127 : i32
      %and3A_1146 = vector.broadcast %and3A_1145 : i32 to vector<16xi32>
      %and3A_1147 = arith.andi %get3A_1141, %and3A_1146 : vector<16xi32>
      tpu.vector_store_idx %arg16[%shift_right_logical3A_1144, %and3A_1147], %broadcast_in_dim3A_1 {add = true} : memref<80x128xf32, #tpu.memory_space<vmem>>[vector<16xi32>, vector<16xi32>], vector<16xf32>,
      %get3A_1148 = arith.constant 10 : i32
      %get3A_1149 = arith.index_cast %get3A_1148 : i32 to index
      %get3A_1150 = arith.constant 48 : index
      %get3A_1151 = tpu.vector_load %arg13[%get3A_1149, %get3A_1150] {strides = array<i32>} : memref<25x80xi32, #tpu.memory_space<vmem>>, vector<16xi32>,
      %shift_right_logical3A_1152 = arith.constant 7 : i32
      %shift_right_logical3A_1153 = vector.broadcast %shift_right_logical3A_1152 : i32 to vector<16xi32>
      %shift_right_logical3A_1154 = arith.shrui %get3A_1151, %shift_right_logical3A_1153 : vector<16xi32>
      %and3A_1155 = arith.constant 127 : i32
      %and3A_1156 = vector.broadcast %and3A_1155 : i32 to vector<16xi32>
      %and3A_1157 = arith.andi %get3A_1151, %and3A_1156 : vector<16xi32>
      tpu.vector_store_idx %arg16[%shift_right_logical3A_1154, %and3A_1157], %broadcast_in_dim3A_1 {add = true} : memref<80x128xf32, #tpu.memory_space<vmem>>[vector<16xi32>, vector<16xi32>], vector<16xf32>,
      %get3A_1158 = arith.constant 10 : i32
      %get3A_1159 = arith.index_cast %get3A_1158 : i32 to index
      %get3A_1160 = arith.constant 64 : index
      %get3A_1161 = tpu.vector_load %arg13[%get3A_1159, %get3A_1160] {strides = array<i32>} : memref<25x80xi32, #tpu.memory_space<vmem>>, vector<16xi32>,
      %shift_right_logical3A_1162 = arith.constant 7 : i32
      %shift_right_logical3A_1163 = vector.broadcast %shift_right_logical3A_1162 : i32 to vector<16xi32>
      %shift_right_logical3A_1164 = arith.shrui %get3A_1161, %shift_right_logical3A_1163 : vector<16xi32>
      %and3A_1165 = arith.constant 127 : i32
      %and3A_1166 = vector.broadcast %and3A_1165 : i32 to vector<16xi32>
      %and3A_1167 = arith.andi %get3A_1161, %and3A_1166 : vector<16xi32>
      tpu.vector_store_idx %arg16[%shift_right_logical3A_1164, %and3A_1167], %broadcast_in_dim3A_1 {add = true} : memref<80x128xf32, #tpu.memory_space<vmem>>[vector<16xi32>, vector<16xi32>], vector<16xf32>,
      %dma_wait3A_1168 = arith.constant 9 : i32
      %dma_wait3A_1169 = arith.constant 0 : i32
      %dma_wait3A_1170 = tpu.memref_slice %arg13[%dma_wait3A_1168, %dma_wait3A_1169] : memref<25x80xi32, #tpu.memory_space<vmem>> -> memref<1x80xi32, #tpu.memory_space<vmem>>
      %dma_wait3A_1171 = tpu.memref_squeeze %dma_wait3A_1170 : memref<1x80xi32, #tpu.memory_space<vmem>> -> memref<80xi32, #tpu.memory_space<vmem>>
      %dma_wait3A_1172 = arith.constant 0 : i32
      %dma_wait3A_1173 = arith.constant 0 : i32
      %dma_wait3A_1174 = tpu.memref_slice %arg11[%dma_wait3A_1172, %dma_wait3A_1173] : memref<10240x128xf32, #tpu.memory_space<vmem_shared>> -> memref<10240x128xf32, #tpu.memory_space<vmem_shared>>
      tpu.wait_indirect_dma semaphore(%arg20 : memref<!tpu.dma_semaphore, #tpu.memory_space<semaphore_mem>>) src(%arg15 : memref<80x128xf32, #tpu.memory_space<vmem>>) dst(%dma_wait3A_1174 : memref<10240x128xf32, #tpu.memory_space<vmem_shared>>)
      %dma_start3A_1175 = arith.constant 11 : i32
      %dma_start3A_1176 = arith.constant 0 : i32
      %dma_start3A_1177 = tpu.memref_slice %arg12[%dma_start3A_1175, %dma_start3A_1176] : memref<25x80xi32, #tpu.memory_space<vmem>> -> memref<1x80xi32, #tpu.memory_space<vmem>>
      %dma_start3A_1178 = tpu.memref_squeeze %dma_start3A_1177 : memref<1x80xi32, #tpu.memory_space<vmem>> -> memref<80xi32, #tpu.memory_space<vmem>>
      %dma_start3A_1179 = arith.constant 0 : i32
      %dma_start3A_1180 = arith.constant 0 : i32
      %dma_start3A_1181 = tpu.memref_slice %arg2[%dma_start3A_1179, %dma_start3A_1180] : memref<10000x128xf32, #tpu.memory_space<hbm>> -> memref<10000x128xf32, #tpu.memory_space<hbm>>
      tpu.enqueue_indirect_dma source(%dma_start3A_1181 : memref<10000x128xf32, #tpu.memory_space<hbm>>) target(%arg15 : memref<80x128xf32, #tpu.memory_space<vmem>>) offsets(%dma_start3A_1178 : memref<80xi32, #tpu.memory_space<vmem>>) semaphore(%arg18 : memref<!tpu.dma_semaphore, #tpu.memory_space<semaphore_mem>>)
      %dma_wait3A_1182 = arith.constant 10 : i32
      %dma_wait3A_1183 = arith.constant 0 : i32
      %dma_wait3A_1184 = tpu.memref_slice %arg12[%dma_wait3A_1182, %dma_wait3A_1183] : memref<25x80xi32, #tpu.memory_space<vmem>> -> memref<1x80xi32, #tpu.memory_space<vmem>>
      %dma_wait3A_1185 = tpu.memref_squeeze %dma_wait3A_1184 : memref<1x80xi32, #tpu.memory_space<vmem>> -> memref<80xi32, #tpu.memory_space<vmem>>
      %dma_wait3A_1186 = arith.constant 0 : i32
      %dma_wait3A_1187 = arith.constant 0 : i32
      %dma_wait3A_1188 = tpu.memref_slice %arg2[%dma_wait3A_1186, %dma_wait3A_1187] : memref<10000x128xf32, #tpu.memory_space<hbm>> -> memref<10000x128xf32, #tpu.memory_space<hbm>>
      tpu.wait_indirect_dma semaphore(%arg17 : memref<!tpu.dma_semaphore, #tpu.memory_space<semaphore_mem>>) src(%dma_wait3A_1188 : memref<10000x128xf32, #tpu.memory_space<hbm>>) dst(%arg14 : memref<80x128xf32, #tpu.memory_space<vmem>>)
      %dma_start3A_1189 = arith.constant 10 : i32
      %dma_start3A_1190 = arith.constant 0 : i32
      %dma_start3A_1191 = tpu.memref_slice %arg13[%dma_start3A_1189, %dma_start3A_1190] : memref<25x80xi32, #tpu.memory_space<vmem>> -> memref<1x80xi32, #tpu.memory_space<vmem>>
      %dma_start3A_1192 = tpu.memref_squeeze %dma_start3A_1191 : memref<1x80xi32, #tpu.memory_space<vmem>> -> memref<80xi32, #tpu.memory_space<vmem>>
      %dma_start3A_1193 = arith.constant 0 : i32
      %dma_start3A_1194 = arith.constant 0 : i32
      %dma_start3A_1195 = tpu.memref_slice %arg11[%dma_start3A_1193, %dma_start3A_1194] : memref<10240x128xf32, #tpu.memory_space<vmem_shared>> -> memref<10240x128xf32, #tpu.memory_space<vmem_shared>>
      tpu.enqueue_indirect_dma source(%arg14 : memref<80x128xf32, #tpu.memory_space<vmem>>) target(%dma_start3A_1195 : memref<10240x128xf32, #tpu.memory_space<vmem_shared>>) offsets(%dma_start3A_1192 : memref<80xi32, #tpu.memory_space<vmem>>) semaphore(%arg19 : memref<!tpu.dma_semaphore, #tpu.memory_space<semaphore_mem>>) {add = true}
      %get3A_1196 = arith.constant 11 : i32
      %get3A_1197 = arith.index_cast %get3A_1196 : i32 to index
      %get3A_1198 = arith.constant 0 : index
      %get3A_1199 = tpu.vector_load %arg13[%get3A_1197, %get3A_1198] {strides = array<i32>} : memref<25x80xi32, #tpu.memory_space<vmem>>, vector<16xi32>,
      %shift_right_logical3A_1200 = arith.constant 7 : i32
      %shift_right_logical3A_1201 = vector.broadcast %shift_right_logical3A_1200 : i32 to vector<16xi32>
      %shift_right_logical3A_1202 = arith.shrui %get3A_1199, %shift_right_logical3A_1201 : vector<16xi32>
      %and3A_1203 = arith.constant 127 : i32
      %and3A_1204 = vector.broadcast %and3A_1203 : i32 to vector<16xi32>
      %and3A_1205 = arith.andi %get3A_1199, %and3A_1204 : vector<16xi32>
      tpu.vector_store_idx %arg16[%shift_right_logical3A_1202, %and3A_1205], %broadcast_in_dim3A_1 {add = true} : memref<80x128xf32, #tpu.memory_space<vmem>>[vector<16xi32>, vector<16xi32>], vector<16xf32>,
      %get3A_1206 = arith.constant 11 : i32
      %get3A_1207 = arith.index_cast %get3A_1206 : i32 to index
      %get3A_1208 = arith.constant 16 : index
      %get3A_1209 = tpu.vector_load %arg13[%get3A_1207, %get3A_1208] {strides = array<i32>} : memref<25x80xi32, #tpu.memory_space<vmem>>, vector<16xi32>,
      %shift_right_logical3A_1210 = arith.constant 7 : i32
      %shift_right_logical3A_1211 = vector.broadcast %shift_right_logical3A_1210 : i32 to vector<16xi32>
      %shift_right_logical3A_1212 = arith.shrui %get3A_1209, %shift_right_logical3A_1211 : vector<16xi32>
      %and3A_1213 = arith.constant 127 : i32
      %and3A_1214 = vector.broadcast %and3A_1213 : i32 to vector<16xi32>
      %and3A_1215 = arith.andi %get3A_1209, %and3A_1214 : vector<16xi32>
      tpu.vector_store_idx %arg16[%shift_right_logical3A_1212, %and3A_1215], %broadcast_in_dim3A_1 {add = true} : memref<80x128xf32, #tpu.memory_space<vmem>>[vector<16xi32>, vector<16xi32>], vector<16xf32>,
      %get3A_1216 = arith.constant 11 : i32
      %get3A_1217 = arith.index_cast %get3A_1216 : i32 to index
      %get3A_1218 = arith.constant 32 : index
      %get3A_1219 = tpu.vector_load %arg13[%get3A_1217, %get3A_1218] {strides = array<i32>} : memref<25x80xi32, #tpu.memory_space<vmem>>, vector<16xi32>,
      %shift_right_logical3A_1220 = arith.constant 7 : i32
      %shift_right_logical3A_1221 = vector.broadcast %shift_right_logical3A_1220 : i32 to vector<16xi32>
      %shift_right_logical3A_1222 = arith.shrui %get3A_1219, %shift_right_logical3A_1221 : vector<16xi32>
      %and3A_1223 = arith.constant 127 : i32
      %and3A_1224 = vector.broadcast %and3A_1223 : i32 to vector<16xi32>
      %and3A_1225 = arith.andi %get3A_1219, %and3A_1224 : vector<16xi32>
      tpu.vector_store_idx %arg16[%shift_right_logical3A_1222, %and3A_1225], %broadcast_in_dim3A_1 {add = true} : memref<80x128xf32, #tpu.memory_space<vmem>>[vector<16xi32>, vector<16xi32>], vector<16xf32>,
      %get3A_1226 = arith.constant 11 : i32
      %get3A_1227 = arith.index_cast %get3A_1226 : i32 to index
      %get3A_1228 = arith.constant 48 : index
      %get3A_1229 = tpu.vector_load %arg13[%get3A_1227, %get3A_1228] {strides = array<i32>} : memref<25x80xi32, #tpu.memory_space<vmem>>, vector<16xi32>,
      %shift_right_logical3A_1230 = arith.constant 7 : i32
      %shift_right_logical3A_1231 = vector.broadcast %shift_right_logical3A_1230 : i32 to vector<16xi32>
      %shift_right_logical3A_1232 = arith.shrui %get3A_1229, %shift_right_logical3A_1231 : vector<16xi32>
      %and3A_1233 = arith.constant 127 : i32
      %and3A_1234 = vector.broadcast %and3A_1233 : i32 to vector<16xi32>
      %and3A_1235 = arith.andi %get3A_1229, %and3A_1234 : vector<16xi32>
      tpu.vector_store_idx %arg16[%shift_right_logical3A_1232, %and3A_1235], %broadcast_in_dim3A_1 {add = true} : memref<80x128xf32, #tpu.memory_space<vmem>>[vector<16xi32>, vector<16xi32>], vector<16xf32>,
      %get3A_1236 = arith.constant 11 : i32
      %get3A_1237 = arith.index_cast %get3A_1236 : i32 to index
      %get3A_1238 = arith.constant 64 : index
      %get3A_1239 = tpu.vector_load %arg13[%get3A_1237, %get3A_1238] {strides = array<i32>} : memref<25x80xi32, #tpu.memory_space<vmem>>, vector<16xi32>,
      %shift_right_logical3A_1240 = arith.constant 7 : i32
      %shift_right_logical3A_1241 = vector.broadcast %shift_right_logical3A_1240 : i32 to vector<16xi32>
      %shift_right_logical3A_1242 = arith.shrui %get3A_1239, %shift_right_logical3A_1241 : vector<16xi32>
      %and3A_1243 = arith.constant 127 : i32
      %and3A_1244 = vector.broadcast %and3A_1243 : i32 to vector<16xi32>
      %and3A_1245 = arith.andi %get3A_1239, %and3A_1244 : vector<16xi32>
      tpu.vector_store_idx %arg16[%shift_right_logical3A_1242, %and3A_1245], %broadcast_in_dim3A_1 {add = true} : memref<80x128xf32, #tpu.memory_space<vmem>>[vector<16xi32>, vector<16xi32>], vector<16xf32>,
      %dma_wait3A_1246 = arith.constant 10 : i32
      %dma_wait3A_1247 = arith.constant 0 : i32
      %dma_wait3A_1248 = tpu.memref_slice %arg13[%dma_wait3A_1246, %dma_wait3A_1247] : memref<25x80xi32, #tpu.memory_space<vmem>> -> memref<1x80xi32, #tpu.memory_space<vmem>>
      %dma_wait3A_1249 = tpu.memref_squeeze %dma_wait3A_1248 : memref<1x80xi32, #tpu.memory_space<vmem>> -> memref<80xi32, #tpu.memory_space<vmem>>
      %dma_wait3A_1250 = arith.constant 0 : i32
      %dma_wait3A_1251 = arith.constant 0 : i32
      %dma_wait3A_1252 = tpu.memref_slice %arg11[%dma_wait3A_1250, %dma_wait3A_1251] : memref<10240x128xf32, #tpu.memory_space<vmem_shared>> -> memref<10240x128xf32, #tpu.memory_space<vmem_shared>>
      tpu.wait_indirect_dma semaphore(%arg19 : memref<!tpu.dma_semaphore, #tpu.memory_space<semaphore_mem>>) src(%arg14 : memref<80x128xf32, #tpu.memory_space<vmem>>) dst(%dma_wait3A_1252 : memref<10240x128xf32, #tpu.memory_space<vmem_shared>>)
      %dma_start3A_1253 = arith.constant 12 : i32
      %dma_start3A_1254 = arith.constant 0 : i32
      %dma_start3A_1255 = tpu.memref_slice %arg12[%dma_start3A_1253, %dma_start3A_1254] : memref<25x80xi32, #tpu.memory_space<vmem>> -> memref<1x80xi32, #tpu.memory_space<vmem>>
      %dma_start3A_1256 = tpu.memref_squeeze %dma_start3A_1255 : memref<1x80xi32, #tpu.memory_space<vmem>> -> memref<80xi32, #tpu.memory_space<vmem>>
      %dma_start3A_1257 = arith.constant 0 : i32
      %dma_start3A_1258 = arith.constant 0 : i32
      %dma_start3A_1259 = tpu.memref_slice %arg2[%dma_start3A_1257, %dma_start3A_1258] : memref<10000x128xf32, #tpu.memory_space<hbm>> -> memref<10000x128xf32, #tpu.memory_space<hbm>>
      tpu.enqueue_indirect_dma source(%dma_start3A_1259 : memref<10000x128xf32, #tpu.memory_space<hbm>>) target(%arg14 : memref<80x128xf32, #tpu.memory_space<vmem>>) offsets(%dma_start3A_1256 : memref<80xi32, #tpu.memory_space<vmem>>) semaphore(%arg17 : memref<!tpu.dma_semaphore, #tpu.memory_space<semaphore_mem>>)
      %dma_wait3A_1260 = arith.constant 11 : i32
      %dma_wait3A_1261 = arith.constant 0 : i32
      %dma_wait3A_1262 = tpu.memref_slice %arg12[%dma_wait3A_1260, %dma_wait3A_1261] : memref<25x80xi32, #tpu.memory_space<vmem>> -> memref<1x80xi32, #tpu.memory_space<vmem>>
      %dma_wait3A_1263 = tpu.memref_squeeze %dma_wait3A_1262 : memref<1x80xi32, #tpu.memory_space<vmem>> -> memref<80xi32, #tpu.memory_space<vmem>>
      %dma_wait3A_1264 = arith.constant 0 : i32
      %dma_wait3A_1265 = arith.constant 0 : i32
      %dma_wait3A_1266 = tpu.memref_slice %arg2[%dma_wait3A_1264, %dma_wait3A_1265] : memref<10000x128xf32, #tpu.memory_space<hbm>> -> memref<10000x128xf32, #tpu.memory_space<hbm>>
      tpu.wait_indirect_dma semaphore(%arg18 : memref<!tpu.dma_semaphore, #tpu.memory_space<semaphore_mem>>) src(%dma_wait3A_1266 : memref<10000x128xf32, #tpu.memory_space<hbm>>) dst(%arg15 : memref<80x128xf32, #tpu.memory_space<vmem>>)
      %dma_start3A_1267 = arith.constant 11 : i32
      %dma_start3A_1268 = arith.constant 0 : i32
      %dma_start3A_1269 = tpu.memref_slice %arg13[%dma_start3A_1267, %dma_start3A_1268] : memref<25x80xi32, #tpu.memory_space<vmem>> -> memref<1x80xi32, #tpu.memory_space<vmem>>
      %dma_start3A_1270 = tpu.memref_squeeze %dma_start3A_1269 : memref<1x80xi32, #tpu.memory_space<vmem>> -> memref<80xi32, #tpu.memory_space<vmem>>
      %dma_start3A_1271 = arith.constant 0 : i32
      %dma_start3A_1272 = arith.constant 0 : i32
      %dma_start3A_1273 = tpu.memref_slice %arg11[%dma_start3A_1271, %dma_start3A_1272] : memref<10240x128xf32, #tpu.memory_space<vmem_shared>> -> memref<10240x128xf32, #tpu.memory_space<vmem_shared>>
      tpu.enqueue_indirect_dma source(%arg15 : memref<80x128xf32, #tpu.memory_space<vmem>>) target(%dma_start3A_1273 : memref<10240x128xf32, #tpu.memory_space<vmem_shared>>) offsets(%dma_start3A_1270 : memref<80xi32, #tpu.memory_space<vmem>>) semaphore(%arg20 : memref<!tpu.dma_semaphore, #tpu.memory_space<semaphore_mem>>) {add = true}
      %get3A_1274 = arith.constant 12 : i32
      %get3A_1275 = arith.index_cast %get3A_1274 : i32 to index
      %get3A_1276 = arith.constant 0 : index
      %get3A_1277 = tpu.vector_load %arg13[%get3A_1275, %get3A_1276] {strides = array<i32>} : memref<25x80xi32, #tpu.memory_space<vmem>>, vector<16xi32>,
      %shift_right_logical3A_1278 = arith.constant 7 : i32
      %shift_right_logical3A_1279 = vector.broadcast %shift_right_logical3A_1278 : i32 to vector<16xi32>
      %shift_right_logical3A_1280 = arith.shrui %get3A_1277, %shift_right_logical3A_1279 : vector<16xi32>
      %and3A_1281 = arith.constant 127 : i32
      %and3A_1282 = vector.broadcast %and3A_1281 : i32 to vector<16xi32>
      %and3A_1283 = arith.andi %get3A_1277, %and3A_1282 : vector<16xi32>
      tpu.vector_store_idx %arg16[%shift_right_logical3A_1280, %and3A_1283], %broadcast_in_dim3A_1 {add = true} : memref<80x128xf32, #tpu.memory_space<vmem>>[vector<16xi32>, vector<16xi32>], vector<16xf32>,
      %get3A_1284 = arith.constant 12 : i32
      %get3A_1285 = arith.index_cast %get3A_1284 : i32 to index
      %get3A_1286 = arith.constant 16 : index
      %get3A_1287 = tpu.vector_load %arg13[%get3A_1285, %get3A_1286] {strides = array<i32>} : memref<25x80xi32, #tpu.memory_space<vmem>>, vector<16xi32>,
      %shift_right_logical3A_1288 = arith.constant 7 : i32
      %shift_right_logical3A_1289 = vector.broadcast %shift_right_logical3A_1288 : i32 to vector<16xi32>
      %shift_right_logical3A_1290 = arith.shrui %get3A_1287, %shift_right_logical3A_1289 : vector<16xi32>
      %and3A_1291 = arith.constant 127 : i32
      %and3A_1292 = vector.broadcast %and3A_1291 : i32 to vector<16xi32>
      %and3A_1293 = arith.andi %get3A_1287, %and3A_1292 : vector<16xi32>
      tpu.vector_store_idx %arg16[%shift_right_logical3A_1290, %and3A_1293], %broadcast_in_dim3A_1 {add = true} : memref<80x128xf32, #tpu.memory_space<vmem>>[vector<16xi32>, vector<16xi32>], vector<16xf32>,
      %get3A_1294 = arith.constant 12 : i32
      %get3A_1295 = arith.index_cast %get3A_1294 : i32 to index
      %get3A_1296 = arith.constant 32 : index
      %get3A_1297 = tpu.vector_load %arg13[%get3A_1295, %get3A_1296] {strides = array<i32>} : memref<25x80xi32, #tpu.memory_space<vmem>>, vector<16xi32>,
      %shift_right_logical3A_1298 = arith.constant 7 : i32
      %shift_right_logical3A_1299 = vector.broadcast %shift_right_logical3A_1298 : i32 to vector<16xi32>
      %shift_right_logical3A_1300 = arith.shrui %get3A_1297, %shift_right_logical3A_1299 : vector<16xi32>
      %and3A_1301 = arith.constant 127 : i32
      %and3A_1302 = vector.broadcast %and3A_1301 : i32 to vector<16xi32>
      %and3A_1303 = arith.andi %get3A_1297, %and3A_1302 : vector<16xi32>
      tpu.vector_store_idx %arg16[%shift_right_logical3A_1300, %and3A_1303], %broadcast_in_dim3A_1 {add = true} : memref<80x128xf32, #tpu.memory_space<vmem>>[vector<16xi32>, vector<16xi32>], vector<16xf32>,
      %get3A_1304 = arith.constant 12 : i32
      %get3A_1305 = arith.index_cast %get3A_1304 : i32 to index
      %get3A_1306 = arith.constant 48 : index
      %get3A_1307 = tpu.vector_load %arg13[%get3A_1305, %get3A_1306] {strides = array<i32>} : memref<25x80xi32, #tpu.memory_space<vmem>>, vector<16xi32>,
      %shift_right_logical3A_1308 = arith.constant 7 : i32
      %shift_right_logical3A_1309 = vector.broadcast %shift_right_logical3A_1308 : i32 to vector<16xi32>
      %shift_right_logical3A_1310 = arith.shrui %get3A_1307, %shift_right_logical3A_1309 : vector<16xi32>
      %and3A_1311 = arith.constant 127 : i32
      %and3A_1312 = vector.broadcast %and3A_1311 : i32 to vector<16xi32>
      %and3A_1313 = arith.andi %get3A_1307, %and3A_1312 : vector<16xi32>
      tpu.vector_store_idx %arg16[%shift_right_logical3A_1310, %and3A_1313], %broadcast_in_dim3A_1 {add = true} : memref<80x128xf32, #tpu.memory_space<vmem>>[vector<16xi32>, vector<16xi32>], vector<16xf32>,
      %get3A_1314 = arith.constant 12 : i32
      %get3A_1315 = arith.index_cast %get3A_1314 : i32 to index
      %get3A_1316 = arith.constant 64 : index
      %get3A_1317 = tpu.vector_load %arg13[%get3A_1315, %get3A_1316] {strides = array<i32>} : memref<25x80xi32, #tpu.memory_space<vmem>>, vector<16xi32>,
      %shift_right_logical3A_1318 = arith.constant 7 : i32
      %shift_right_logical3A_1319 = vector.broadcast %shift_right_logical3A_1318 : i32 to vector<16xi32>
      %shift_right_logical3A_1320 = arith.shrui %get3A_1317, %shift_right_logical3A_1319 : vector<16xi32>
      %and3A_1321 = arith.constant 127 : i32
      %and3A_1322 = vector.broadcast %and3A_1321 : i32 to vector<16xi32>
      %and3A_1323 = arith.andi %get3A_1317, %and3A_1322 : vector<16xi32>
      tpu.vector_store_idx %arg16[%shift_right_logical3A_1320, %and3A_1323], %broadcast_in_dim3A_1 {add = true} : memref<80x128xf32, #tpu.memory_space<vmem>>[vector<16xi32>, vector<16xi32>], vector<16xf32>,
      %dma_wait3A_1324 = arith.constant 11 : i32
      %dma_wait3A_1325 = arith.constant 0 : i32
      %dma_wait3A_1326 = tpu.memref_slice %arg13[%dma_wait3A_1324, %dma_wait3A_1325] : memref<25x80xi32, #tpu.memory_space<vmem>> -> memref<1x80xi32, #tpu.memory_space<vmem>>
      %dma_wait3A_1327 = tpu.memref_squeeze %dma_wait3A_1326 : memref<1x80xi32, #tpu.memory_space<vmem>> -> memref<80xi32, #tpu.memory_space<vmem>>
      %dma_wait3A_1328 = arith.constant 0 : i32
      %dma_wait3A_1329 = arith.constant 0 : i32
      %dma_wait3A_1330 = tpu.memref_slice %arg11[%dma_wait3A_1328, %dma_wait3A_1329] : memref<10240x128xf32, #tpu.memory_space<vmem_shared>> -> memref<10240x128xf32, #tpu.memory_space<vmem_shared>>
      tpu.wait_indirect_dma semaphore(%arg20 : memref<!tpu.dma_semaphore, #tpu.memory_space<semaphore_mem>>) src(%arg15 : memref<80x128xf32, #tpu.memory_space<vmem>>) dst(%dma_wait3A_1330 : memref<10240x128xf32, #tpu.memory_space<vmem_shared>>)
      %dma_start3A_1331 = arith.constant 13 : i32
      %dma_start3A_1332 = arith.constant 0 : i32
      %dma_start3A_1333 = tpu.memref_slice %arg12[%dma_start3A_1331, %dma_start3A_1332] : memref<25x80xi32, #tpu.memory_space<vmem>> -> memref<1x80xi32, #tpu.memory_space<vmem>>
      %dma_start3A_1334 = tpu.memref_squeeze %dma_start3A_1333 : memref<1x80xi32, #tpu.memory_space<vmem>> -> memref<80xi32, #tpu.memory_space<vmem>>
      %dma_start3A_1335 = arith.constant 0 : i32
      %dma_start3A_1336 = arith.constant 0 : i32
      %dma_start3A_1337 = tpu.memref_slice %arg2[%dma_start3A_1335, %dma_start3A_1336] : memref<10000x128xf32, #tpu.memory_space<hbm>> -> memref<10000x128xf32, #tpu.memory_space<hbm>>
      tpu.enqueue_indirect_dma source(%dma_start3A_1337 : memref<10000x128xf32, #tpu.memory_space<hbm>>) target(%arg15 : memref<80x128xf32, #tpu.memory_space<vmem>>) offsets(%dma_start3A_1334 : memref<80xi32, #tpu.memory_space<vmem>>) semaphore(%arg18 : memref<!tpu.dma_semaphore, #tpu.memory_space<semaphore_mem>>)
      %dma_wait3A_1338 = arith.constant 12 : i32
      %dma_wait3A_1339 = arith.constant 0 : i32
      %dma_wait3A_1340 = tpu.memref_slice %arg12[%dma_wait3A_1338, %dma_wait3A_1339] : memref<25x80xi32, #tpu.memory_space<vmem>> -> memref<1x80xi32, #tpu.memory_space<vmem>>
      %dma_wait3A_1341 = tpu.memref_squeeze %dma_wait3A_1340 : memref<1x80xi32, #tpu.memory_space<vmem>> -> memref<80xi32, #tpu.memory_space<vmem>>
      %dma_wait3A_1342 = arith.constant 0 : i32
      %dma_wait3A_1343 = arith.constant 0 : i32
      %dma_wait3A_1344 = tpu.memref_slice %arg2[%dma_wait3A_1342, %dma_wait3A_1343] : memref<10000x128xf32, #tpu.memory_space<hbm>> -> memref<10000x128xf32, #tpu.memory_space<hbm>>
      tpu.wait_indirect_dma semaphore(%arg17 : memref<!tpu.dma_semaphore, #tpu.memory_space<semaphore_mem>>) src(%dma_wait3A_1344 : memref<10000x128xf32, #tpu.memory_space<hbm>>) dst(%arg14 : memref<80x128xf32, #tpu.memory_space<vmem>>)
      %dma_start3A_1345 = arith.constant 12 : i32
      %dma_start3A_1346 = arith.constant 0 : i32
      %dma_start3A_1347 = tpu.memref_slice %arg13[%dma_start3A_1345, %dma_start3A_1346] : memref<25x80xi32, #tpu.memory_space<vmem>> -> memref<1x80xi32, #tpu.memory_space<vmem>>
      %dma_start3A_1348 = tpu.memref_squeeze %dma_start3A_1347 : memref<1x80xi32, #tpu.memory_space<vmem>> -> memref<80xi32, #tpu.memory_space<vmem>>
      %dma_start3A_1349 = arith.constant 0 : i32
      %dma_start3A_1350 = arith.constant 0 : i32
      %dma_start3A_1351 = tpu.memref_slice %arg11[%dma_start3A_1349, %dma_start3A_1350] : memref<10240x128xf32, #tpu.memory_space<vmem_shared>> -> memref<10240x128xf32, #tpu.memory_space<vmem_shared>>
      tpu.enqueue_indirect_dma source(%arg14 : memref<80x128xf32, #tpu.memory_space<vmem>>) target(%dma_start3A_1351 : memref<10240x128xf32, #tpu.memory_space<vmem_shared>>) offsets(%dma_start3A_1348 : memref<80xi32, #tpu.memory_space<vmem>>) semaphore(%arg19 : memref<!tpu.dma_semaphore, #tpu.memory_space<semaphore_mem>>) {add = true}
      %get3A_1352 = arith.constant 13 : i32
      %get3A_1353 = arith.index_cast %get3A_1352 : i32 to index
      %get3A_1354 = arith.constant 0 : index
      %get3A_1355 = tpu.vector_load %arg13[%get3A_1353, %get3A_1354] {strides = array<i32>} : memref<25x80xi32, #tpu.memory_space<vmem>>, vector<16xi32>,
      %shift_right_logical3A_1356 = arith.constant 7 : i32
      %shift_right_logical3A_1357 = vector.broadcast %shift_right_logical3A_1356 : i32 to vector<16xi32>
      %shift_right_logical3A_1358 = arith.shrui %get3A_1355, %shift_right_logical3A_1357 : vector<16xi32>
      %and3A_1359 = arith.constant 127 : i32
      %and3A_1360 = vector.broadcast %and3A_1359 : i32 to vector<16xi32>
      %and3A_1361 = arith.andi %get3A_1355, %and3A_1360 : vector<16xi32>
      tpu.vector_store_idx %arg16[%shift_right_logical3A_1358, %and3A_1361], %broadcast_in_dim3A_1 {add = true} : memref<80x128xf32, #tpu.memory_space<vmem>>[vector<16xi32>, vector<16xi32>], vector<16xf32>,
      %get3A_1362 = arith.constant 13 : i32
      %get3A_1363 = arith.index_cast %get3A_1362 : i32 to index
      %get3A_1364 = arith.constant 16 : index
      %get3A_1365 = tpu.vector_load %arg13[%get3A_1363, %get3A_1364] {strides = array<i32>} : memref<25x80xi32, #tpu.memory_space<vmem>>, vector<16xi32>,
      %shift_right_logical3A_1366 = arith.constant 7 : i32
      %shift_right_logical3A_1367 = vector.broadcast %shift_right_logical3A_1366 : i32 to vector<16xi32>
      %shift_right_logical3A_1368 = arith.shrui %get3A_1365, %shift_right_logical3A_1367 : vector<16xi32>
      %and3A_1369 = arith.constant 127 : i32
      %and3A_1370 = vector.broadcast %and3A_1369 : i32 to vector<16xi32>
      %and3A_1371 = arith.andi %get3A_1365, %and3A_1370 : vector<16xi32>
      tpu.vector_store_idx %arg16[%shift_right_logical3A_1368, %and3A_1371], %broadcast_in_dim3A_1 {add = true} : memref<80x128xf32, #tpu.memory_space<vmem>>[vector<16xi32>, vector<16xi32>], vector<16xf32>,
      %get3A_1372 = arith.constant 13 : i32
      %get3A_1373 = arith.index_cast %get3A_1372 : i32 to index
      %get3A_1374 = arith.constant 32 : index
      %get3A_1375 = tpu.vector_load %arg13[%get3A_1373, %get3A_1374] {strides = array<i32>} : memref<25x80xi32, #tpu.memory_space<vmem>>, vector<16xi32>,
      %shift_right_logical3A_1376 = arith.constant 7 : i32
      %shift_right_logical3A_1377 = vector.broadcast %shift_right_logical3A_1376 : i32 to vector<16xi32>
      %shift_right_logical3A_1378 = arith.shrui %get3A_1375, %shift_right_logical3A_1377 : vector<16xi32>
      %and3A_1379 = arith.constant 127 : i32
      %and3A_1380 = vector.broadcast %and3A_1379 : i32 to vector<16xi32>
      %and3A_1381 = arith.andi %get3A_1375, %and3A_1380 : vector<16xi32>
      tpu.vector_store_idx %arg16[%shift_right_logical3A_1378, %and3A_1381], %broadcast_in_dim3A_1 {add = true} : memref<80x128xf32, #tpu.memory_space<vmem>>[vector<16xi32>, vector<16xi32>], vector<16xf32>,
      %get3A_1382 = arith.constant 13 : i32
      %get3A_1383 = arith.index_cast %get3A_1382 : i32 to index
      %get3A_1384 = arith.constant 48 : index
      %get3A_1385 = tpu.vector_load %arg13[%get3A_1383, %get3A_1384] {strides = array<i32>} : memref<25x80xi32, #tpu.memory_space<vmem>>, vector<16xi32>,
      %shift_right_logical3A_1386 = arith.constant 7 : i32
      %shift_right_logical3A_1387 = vector.broadcast %shift_right_logical3A_1386 : i32 to vector<16xi32>
      %shift_right_logical3A_1388 = arith.shrui %get3A_1385, %shift_right_logical3A_1387 : vector<16xi32>
      %and3A_1389 = arith.constant 127 : i32
      %and3A_1390 = vector.broadcast %and3A_1389 : i32 to vector<16xi32>
      %and3A_1391 = arith.andi %get3A_1385, %and3A_1390 : vector<16xi32>
      tpu.vector_store_idx %arg16[%shift_right_logical3A_1388, %and3A_1391], %broadcast_in_dim3A_1 {add = true} : memref<80x128xf32, #tpu.memory_space<vmem>>[vector<16xi32>, vector<16xi32>], vector<16xf32>,
      %get3A_1392 = arith.constant 13 : i32
      %get3A_1393 = arith.index_cast %get3A_1392 : i32 to index
      %get3A_1394 = arith.constant 64 : index
      %get3A_1395 = tpu.vector_load %arg13[%get3A_1393, %get3A_1394] {strides = array<i32>} : memref<25x80xi32, #tpu.memory_space<vmem>>, vector<16xi32>,
      %shift_right_logical3A_1396 = arith.constant 7 : i32
      %shift_right_logical3A_1397 = vector.broadcast %shift_right_logical3A_1396 : i32 to vector<16xi32>
      %shift_right_logical3A_1398 = arith.shrui %get3A_1395, %shift_right_logical3A_1397 : vector<16xi32>
      %and3A_1399 = arith.constant 127 : i32
      %and3A_1400 = vector.broadcast %and3A_1399 : i32 to vector<16xi32>
      %and3A_1401 = arith.andi %get3A_1395, %and3A_1400 : vector<16xi32>
      tpu.vector_store_idx %arg16[%shift_right_logical3A_1398, %and3A_1401], %broadcast_in_dim3A_1 {add = true} : memref<80x128xf32, #tpu.memory_space<vmem>>[vector<16xi32>, vector<16xi32>], vector<16xf32>,
      %dma_wait3A_1402 = arith.constant 12 : i32
      %dma_wait3A_1403 = arith.constant 0 : i32
      %dma_wait3A_1404 = tpu.memref_slice %arg13[%dma_wait3A_1402, %dma_wait3A_1403] : memref<25x80xi32, #tpu.memory_space<vmem>> -> memref<1x80xi32, #tpu.memory_space<vmem>>
      %dma_wait3A_1405 = tpu.memref_squeeze %dma_wait3A_1404 : memref<1x80xi32, #tpu.memory_space<vmem>> -> memref<80xi32, #tpu.memory_space<vmem>>
      %dma_wait3A_1406 = arith.constant 0 : i32
      %dma_wait3A_1407 = arith.constant 0 : i32
      %dma_wait3A_1408 = tpu.memref_slice %arg11[%dma_wait3A_1406, %dma_wait3A_1407] : memref<10240x128xf32, #tpu.memory_space<vmem_shared>> -> memref<10240x128xf32, #tpu.memory_space<vmem_shared>>
      tpu.wait_indirect_dma semaphore(%arg19 : memref<!tpu.dma_semaphore, #tpu.memory_space<semaphore_mem>>) src(%arg14 : memref<80x128xf32, #tpu.memory_space<vmem>>) dst(%dma_wait3A_1408 : memref<10240x128xf32, #tpu.memory_space<vmem_shared>>)
      %dma_start3A_1409 = arith.constant 14 : i32
      %dma_start3A_1410 = arith.constant 0 : i32
      %dma_start3A_1411 = tpu.memref_slice %arg12[%dma_start3A_1409, %dma_start3A_1410] : memref<25x80xi32, #tpu.memory_space<vmem>> -> memref<1x80xi32, #tpu.memory_space<vmem>>
      %dma_start3A_1412 = tpu.memref_squeeze %dma_start3A_1411 : memref<1x80xi32, #tpu.memory_space<vmem>> -> memref<80xi32, #tpu.memory_space<vmem>>
      %dma_start3A_1413 = arith.constant 0 : i32
      %dma_start3A_1414 = arith.constant 0 : i32
      %dma_start3A_1415 = tpu.memref_slice %arg2[%dma_start3A_1413, %dma_start3A_1414] : memref<10000x128xf32, #tpu.memory_space<hbm>> -> memref<10000x128xf32, #tpu.memory_space<hbm>>
      tpu.enqueue_indirect_dma source(%dma_start3A_1415 : memref<10000x128xf32, #tpu.memory_space<hbm>>) target(%arg14 : memref<80x128xf32, #tpu.memory_space<vmem>>) offsets(%dma_start3A_1412 : memref<80xi32, #tpu.memory_space<vmem>>) semaphore(%arg17 : memref<!tpu.dma_semaphore, #tpu.memory_space<semaphore_mem>>)
      %dma_wait3A_1416 = arith.constant 13 : i32
      %dma_wait3A_1417 = arith.constant 0 : i32
      %dma_wait3A_1418 = tpu.memref_slice %arg12[%dma_wait3A_1416, %dma_wait3A_1417] : memref<25x80xi32, #tpu.memory_space<vmem>> -> memref<1x80xi32, #tpu.memory_space<vmem>>
      %dma_wait3A_1419 = tpu.memref_squeeze %dma_wait3A_1418 : memref<1x80xi32, #tpu.memory_space<vmem>> -> memref<80xi32, #tpu.memory_space<vmem>>
      %dma_wait3A_1420 = arith.constant 0 : i32
      %dma_wait3A_1421 = arith.constant 0 : i32
      %dma_wait3A_1422 = tpu.memref_slice %arg2[%dma_wait3A_1420, %dma_wait3A_1421] : memref<10000x128xf32, #tpu.memory_space<hbm>> -> memref<10000x128xf32, #tpu.memory_space<hbm>>
      tpu.wait_indirect_dma semaphore(%arg18 : memref<!tpu.dma_semaphore, #tpu.memory_space<semaphore_mem>>) src(%dma_wait3A_1422 : memref<10000x128xf32, #tpu.memory_space<hbm>>) dst(%arg15 : memref<80x128xf32, #tpu.memory_space<vmem>>)
      %dma_start3A_1423 = arith.constant 13 : i32
      %dma_start3A_1424 = arith.constant 0 : i32
      %dma_start3A_1425 = tpu.memref_slice %arg13[%dma_start3A_1423, %dma_start3A_1424] : memref<25x80xi32, #tpu.memory_space<vmem>> -> memref<1x80xi32, #tpu.memory_space<vmem>>
      %dma_start3A_1426 = tpu.memref_squeeze %dma_start3A_1425 : memref<1x80xi32, #tpu.memory_space<vmem>> -> memref<80xi32, #tpu.memory_space<vmem>>
      %dma_start3A_1427 = arith.constant 0 : i32
      %dma_start3A_1428 = arith.constant 0 : i32
      %dma_start3A_1429 = tpu.memref_slice %arg11[%dma_start3A_1427, %dma_start3A_1428] : memref<10240x128xf32, #tpu.memory_space<vmem_shared>> -> memref<10240x128xf32, #tpu.memory_space<vmem_shared>>
      tpu.enqueue_indirect_dma source(%arg15 : memref<80x128xf32, #tpu.memory_space<vmem>>) target(%dma_start3A_1429 : memref<10240x128xf32, #tpu.memory_space<vmem_shared>>) offsets(%dma_start3A_1426 : memref<80xi32, #tpu.memory_space<vmem>>) semaphore(%arg20 : memref<!tpu.dma_semaphore, #tpu.memory_space<semaphore_mem>>) {add = true}
      %get3A_1430 = arith.constant 14 : i32
      %get3A_1431 = arith.index_cast %get3A_1430 : i32 to index
      %get3A_1432 = arith.constant 0 : index
      %get3A_1433 = tpu.vector_load %arg13[%get3A_1431, %get3A_1432] {strides = array<i32>} : memref<25x80xi32, #tpu.memory_space<vmem>>, vector<16xi32>,
      %shift_right_logical3A_1434 = arith.constant 7 : i32
      %shift_right_logical3A_1435 = vector.broadcast %shift_right_logical3A_1434 : i32 to vector<16xi32>
      %shift_right_logical3A_1436 = arith.shrui %get3A_1433, %shift_right_logical3A_1435 : vector<16xi32>
      %and3A_1437 = arith.constant 127 : i32
      %and3A_1438 = vector.broadcast %and3A_1437 : i32 to vector<16xi32>
      %and3A_1439 = arith.andi %get3A_1433, %and3A_1438 : vector<16xi32>
      tpu.vector_store_idx %arg16[%shift_right_logical3A_1436, %and3A_1439], %broadcast_in_dim3A_1 {add = true} : memref<80x128xf32, #tpu.memory_space<vmem>>[vector<16xi32>, vector<16xi32>], vector<16xf32>,
      %get3A_1440 = arith.constant 14 : i32
      %get3A_1441 = arith.index_cast %get3A_1440 : i32 to index
      %get3A_1442 = arith.constant 16 : index
      %get3A_1443 = tpu.vector_load %arg13[%get3A_1441, %get3A_1442] {strides = array<i32>} : memref<25x80xi32, #tpu.memory_space<vmem>>, vector<16xi32>,
      %shift_right_logical3A_1444 = arith.constant 7 : i32
      %shift_right_logical3A_1445 = vector.broadcast %shift_right_logical3A_1444 : i32 to vector<16xi32>
      %shift_right_logical3A_1446 = arith.shrui %get3A_1443, %shift_right_logical3A_1445 : vector<16xi32>
      %and3A_1447 = arith.constant 127 : i32
      %and3A_1448 = vector.broadcast %and3A_1447 : i32 to vector<16xi32>
      %and3A_1449 = arith.andi %get3A_1443, %and3A_1448 : vector<16xi32>
      tpu.vector_store_idx %arg16[%shift_right_logical3A_1446, %and3A_1449], %broadcast_in_dim3A_1 {add = true} : memref<80x128xf32, #tpu.memory_space<vmem>>[vector<16xi32>, vector<16xi32>], vector<16xf32>,
      %get3A_1450 = arith.constant 14 : i32
      %get3A_1451 = arith.index_cast %get3A_1450 : i32 to index
      %get3A_1452 = arith.constant 32 : index
      %get3A_1453 = tpu.vector_load %arg13[%get3A_1451, %get3A_1452] {strides = array<i32>} : memref<25x80xi32, #tpu.memory_space<vmem>>, vector<16xi32>,
      %shift_right_logical3A_1454 = arith.constant 7 : i32
      %shift_right_logical3A_1455 = vector.broadcast %shift_right_logical3A_1454 : i32 to vector<16xi32>
      %shift_right_logical3A_1456 = arith.shrui %get3A_1453, %shift_right_logical3A_1455 : vector<16xi32>
      %and3A_1457 = arith.constant 127 : i32
      %and3A_1458 = vector.broadcast %and3A_1457 : i32 to vector<16xi32>
      %and3A_1459 = arith.andi %get3A_1453, %and3A_1458 : vector<16xi32>
      tpu.vector_store_idx %arg16[%shift_right_logical3A_1456, %and3A_1459], %broadcast_in_dim3A_1 {add = true} : memref<80x128xf32, #tpu.memory_space<vmem>>[vector<16xi32>, vector<16xi32>], vector<16xf32>,
      %get3A_1460 = arith.constant 14 : i32
      %get3A_1461 = arith.index_cast %get3A_1460 : i32 to index
      %get3A_1462 = arith.constant 48 : index
      %get3A_1463 = tpu.vector_load %arg13[%get3A_1461, %get3A_1462] {strides = array<i32>} : memref<25x80xi32, #tpu.memory_space<vmem>>, vector<16xi32>,
      %shift_right_logical3A_1464 = arith.constant 7 : i32
      %shift_right_logical3A_1465 = vector.broadcast %shift_right_logical3A_1464 : i32 to vector<16xi32>
      %shift_right_logical3A_1466 = arith.shrui %get3A_1463, %shift_right_logical3A_1465 : vector<16xi32>
      %and3A_1467 = arith.constant 127 : i32
      %and3A_1468 = vector.broadcast %and3A_1467 : i32 to vector<16xi32>
      %and3A_1469 = arith.andi %get3A_1463, %and3A_1468 : vector<16xi32>
      tpu.vector_store_idx %arg16[%shift_right_logical3A_1466, %and3A_1469], %broadcast_in_dim3A_1 {add = true} : memref<80x128xf32, #tpu.memory_space<vmem>>[vector<16xi32>, vector<16xi32>], vector<16xf32>,
      %get3A_1470 = arith.constant 14 : i32
      %get3A_1471 = arith.index_cast %get3A_1470 : i32 to index
      %get3A_1472 = arith.constant 64 : index
      %get3A_1473 = tpu.vector_load %arg13[%get3A_1471, %get3A_1472] {strides = array<i32>} : memref<25x80xi32, #tpu.memory_space<vmem>>, vector<16xi32>,
      %shift_right_logical3A_1474 = arith.constant 7 : i32
      %shift_right_logical3A_1475 = vector.broadcast %shift_right_logical3A_1474 : i32 to vector<16xi32>
      %shift_right_logical3A_1476 = arith.shrui %get3A_1473, %shift_right_logical3A_1475 : vector<16xi32>
      %and3A_1477 = arith.constant 127 : i32
      %and3A_1478 = vector.broadcast %and3A_1477 : i32 to vector<16xi32>
      %and3A_1479 = arith.andi %get3A_1473, %and3A_1478 : vector<16xi32>
      tpu.vector_store_idx %arg16[%shift_right_logical3A_1476, %and3A_1479], %broadcast_in_dim3A_1 {add = true} : memref<80x128xf32, #tpu.memory_space<vmem>>[vector<16xi32>, vector<16xi32>], vector<16xf32>,
      %dma_wait3A_1480 = arith.constant 13 : i32
      %dma_wait3A_1481 = arith.constant 0 : i32
      %dma_wait3A_1482 = tpu.memref_slice %arg13[%dma_wait3A_1480, %dma_wait3A_1481] : memref<25x80xi32, #tpu.memory_space<vmem>> -> memref<1x80xi32, #tpu.memory_space<vmem>>
      %dma_wait3A_1483 = tpu.memref_squeeze %dma_wait3A_1482 : memref<1x80xi32, #tpu.memory_space<vmem>> -> memref<80xi32, #tpu.memory_space<vmem>>
      %dma_wait3A_1484 = arith.constant 0 : i32
      %dma_wait3A_1485 = arith.constant 0 : i32
      %dma_wait3A_1486 = tpu.memref_slice %arg11[%dma_wait3A_1484, %dma_wait3A_1485] : memref<10240x128xf32, #tpu.memory_space<vmem_shared>> -> memref<10240x128xf32, #tpu.memory_space<vmem_shared>>
      tpu.wait_indirect_dma semaphore(%arg20 : memref<!tpu.dma_semaphore, #tpu.memory_space<semaphore_mem>>) src(%arg15 : memref<80x128xf32, #tpu.memory_space<vmem>>) dst(%dma_wait3A_1486 : memref<10240x128xf32, #tpu.memory_space<vmem_shared>>)
      %dma_start3A_1487 = arith.constant 15 : i32
      %dma_start3A_1488 = arith.constant 0 : i32
      %dma_start3A_1489 = tpu.memref_slice %arg12[%dma_start3A_1487, %dma_start3A_1488] : memref<25x80xi32, #tpu.memory_space<vmem>> -> memref<1x80xi32, #tpu.memory_space<vmem>>
      %dma_start3A_1490 = tpu.memref_squeeze %dma_start3A_1489 : memref<1x80xi32, #tpu.memory_space<vmem>> -> memref<80xi32, #tpu.memory_space<vmem>>
      %dma_start3A_1491 = arith.constant 0 : i32
      %dma_start3A_1492 = arith.constant 0 : i32
      %dma_start3A_1493 = tpu.memref_slice %arg2[%dma_start3A_1491, %dma_start3A_1492] : memref<10000x128xf32, #tpu.memory_space<hbm>> -> memref<10000x128xf32, #tpu.memory_space<hbm>>
      tpu.enqueue_indirect_dma source(%dma_start3A_1493 : memref<10000x128xf32, #tpu.memory_space<hbm>>) target(%arg15 : memref<80x128xf32, #tpu.memory_space<vmem>>) offsets(%dma_start3A_1490 : memref<80xi32, #tpu.memory_space<vmem>>) semaphore(%arg18 : memref<!tpu.dma_semaphore, #tpu.memory_space<semaphore_mem>>)
      %dma_wait3A_1494 = arith.constant 14 : i32
      %dma_wait3A_1495 = arith.constant 0 : i32
      %dma_wait3A_1496 = tpu.memref_slice %arg12[%dma_wait3A_1494, %dma_wait3A_1495] : memref<25x80xi32, #tpu.memory_space<vmem>> -> memref<1x80xi32, #tpu.memory_space<vmem>>
      %dma_wait3A_1497 = tpu.memref_squeeze %dma_wait3A_1496 : memref<1x80xi32, #tpu.memory_space<vmem>> -> memref<80xi32, #tpu.memory_space<vmem>>
      %dma_wait3A_1498 = arith.constant 0 : i32
      %dma_wait3A_1499 = arith.constant 0 : i32
      %dma_wait3A_1500 = tpu.memref_slice %arg2[%dma_wait3A_1498, %dma_wait3A_1499] : memref<10000x128xf32, #tpu.memory_space<hbm>> -> memref<10000x128xf32, #tpu.memory_space<hbm>>
      tpu.wait_indirect_dma semaphore(%arg17 : memref<!tpu.dma_semaphore, #tpu.memory_space<semaphore_mem>>) src(%dma_wait3A_1500 : memref<10000x128xf32, #tpu.memory_space<hbm>>) dst(%arg14 : memref<80x128xf32, #tpu.memory_space<vmem>>)
      %dma_start3A_1501 = arith.constant 14 : i32
      %dma_start3A_1502 = arith.constant 0 : i32
      %dma_start3A_1503 = tpu.memref_slice %arg13[%dma_start3A_1501, %dma_start3A_1502] : memref<25x80xi32, #tpu.memory_space<vmem>> -> memref<1x80xi32, #tpu.memory_space<vmem>>
      %dma_start3A_1504 = tpu.memref_squeeze %dma_start3A_1503 : memref<1x80xi32, #tpu.memory_space<vmem>> -> memref<80xi32, #tpu.memory_space<vmem>>
      %dma_start3A_1505 = arith.constant 0 : i32
      %dma_start3A_1506 = arith.constant 0 : i32
      %dma_start3A_1507 = tpu.memref_slice %arg11[%dma_start3A_1505, %dma_start3A_1506] : memref<10240x128xf32, #tpu.memory_space<vmem_shared>> -> memref<10240x128xf32, #tpu.memory_space<vmem_shared>>
      tpu.enqueue_indirect_dma source(%arg14 : memref<80x128xf32, #tpu.memory_space<vmem>>) target(%dma_start3A_1507 : memref<10240x128xf32, #tpu.memory_space<vmem_shared>>) offsets(%dma_start3A_1504 : memref<80xi32, #tpu.memory_space<vmem>>) semaphore(%arg19 : memref<!tpu.dma_semaphore, #tpu.memory_space<semaphore_mem>>) {add = true}
      %get3A_1508 = arith.constant 15 : i32
      %get3A_1509 = arith.index_cast %get3A_1508 : i32 to index
      %get3A_1510 = arith.constant 0 : index
      %get3A_1511 = tpu.vector_load %arg13[%get3A_1509, %get3A_1510] {strides = array<i32>} : memref<25x80xi32, #tpu.memory_space<vmem>>, vector<16xi32>,
      %shift_right_logical3A_1512 = arith.constant 7 : i32
      %shift_right_logical3A_1513 = vector.broadcast %shift_right_logical3A_1512 : i32 to vector<16xi32>
      %shift_right_logical3A_1514 = arith.shrui %get3A_1511, %shift_right_logical3A_1513 : vector<16xi32>
      %and3A_1515 = arith.constant 127 : i32
      %and3A_1516 = vector.broadcast %and3A_1515 : i32 to vector<16xi32>
      %and3A_1517 = arith.andi %get3A_1511, %and3A_1516 : vector<16xi32>
      tpu.vector_store_idx %arg16[%shift_right_logical3A_1514, %and3A_1517], %broadcast_in_dim3A_1 {add = true} : memref<80x128xf32, #tpu.memory_space<vmem>>[vector<16xi32>, vector<16xi32>], vector<16xf32>,
      %get3A_1518 = arith.constant 15 : i32
      %get3A_1519 = arith.index_cast %get3A_1518 : i32 to index
      %get3A_1520 = arith.constant 16 : index
      %get3A_1521 = tpu.vector_load %arg13[%get3A_1519, %get3A_1520] {strides = array<i32>} : memref<25x80xi32, #tpu.memory_space<vmem>>, vector<16xi32>,
      %shift_right_logical3A_1522 = arith.constant 7 : i32
      %shift_right_logical3A_1523 = vector.broadcast %shift_right_logical3A_1522 : i32 to vector<16xi32>
      %shift_right_logical3A_1524 = arith.shrui %get3A_1521, %shift_right_logical3A_1523 : vector<16xi32>
      %and3A_1525 = arith.constant 127 : i32
      %and3A_1526 = vector.broadcast %and3A_1525 : i32 to vector<16xi32>
      %and3A_1527 = arith.andi %get3A_1521, %and3A_1526 : vector<16xi32>
      tpu.vector_store_idx %arg16[%shift_right_logical3A_1524, %and3A_1527], %broadcast_in_dim3A_1 {add = true} : memref<80x128xf32, #tpu.memory_space<vmem>>[vector<16xi32>, vector<16xi32>], vector<16xf32>,
      %get3A_1528 = arith.constant 15 : i32
      %get3A_1529 = arith.index_cast %get3A_1528 : i32 to index
      %get3A_1530 = arith.constant 32 : index
      %get3A_1531 = tpu.vector_load %arg13[%get3A_1529, %get3A_1530] {strides = array<i32>} : memref<25x80xi32, #tpu.memory_space<vmem>>, vector<16xi32>,
      %shift_right_logical3A_1532 = arith.constant 7 : i32
      %shift_right_logical3A_1533 = vector.broadcast %shift_right_logical3A_1532 : i32 to vector<16xi32>
      %shift_right_logical3A_1534 = arith.shrui %get3A_1531, %shift_right_logical3A_1533 : vector<16xi32>
      %and3A_1535 = arith.constant 127 : i32
      %and3A_1536 = vector.broadcast %and3A_1535 : i32 to vector<16xi32>
      %and3A_1537 = arith.andi %get3A_1531, %and3A_1536 : vector<16xi32>
      tpu.vector_store_idx %arg16[%shift_right_logical3A_1534, %and3A_1537], %broadcast_in_dim3A_1 {add = true} : memref<80x128xf32, #tpu.memory_space<vmem>>[vector<16xi32>, vector<16xi32>], vector<16xf32>,
      %get3A_1538 = arith.constant 15 : i32
      %get3A_1539 = arith.index_cast %get3A_1538 : i32 to index
      %get3A_1540 = arith.constant 48 : index
      %get3A_1541 = tpu.vector_load %arg13[%get3A_1539, %get3A_1540] {strides = array<i32>} : memref<25x80xi32, #tpu.memory_space<vmem>>, vector<16xi32>,
      %shift_right_logical3A_1542 = arith.constant 7 : i32
      %shift_right_logical3A_1543 = vector.broadcast %shift_right_logical3A_1542 : i32 to vector<16xi32>
      %shift_right_logical3A_1544 = arith.shrui %get3A_1541, %shift_right_logical3A_1543 : vector<16xi32>
      %and3A_1545 = arith.constant 127 : i32
      %and3A_1546 = vector.broadcast %and3A_1545 : i32 to vector<16xi32>
      %and3A_1547 = arith.andi %get3A_1541, %and3A_1546 : vector<16xi32>
      tpu.vector_store_idx %arg16[%shift_right_logical3A_1544, %and3A_1547], %broadcast_in_dim3A_1 {add = true} : memref<80x128xf32, #tpu.memory_space<vmem>>[vector<16xi32>, vector<16xi32>], vector<16xf32>,
      %get3A_1548 = arith.constant 15 : i32
      %get3A_1549 = arith.index_cast %get3A_1548 : i32 to index
      %get3A_1550 = arith.constant 64 : index
      %get3A_1551 = tpu.vector_load %arg13[%get3A_1549, %get3A_1550] {strides = array<i32>} : memref<25x80xi32, #tpu.memory_space<vmem>>, vector<16xi32>,
      %shift_right_logical3A_1552 = arith.constant 7 : i32
      %shift_right_logical3A_1553 = vector.broadcast %shift_right_logical3A_1552 : i32 to vector<16xi32>
      %shift_right_logical3A_1554 = arith.shrui %get3A_1551, %shift_right_logical3A_1553 : vector<16xi32>
      %and3A_1555 = arith.constant 127 : i32
      %and3A_1556 = vector.broadcast %and3A_1555 : i32 to vector<16xi32>
      %and3A_1557 = arith.andi %get3A_1551, %and3A_1556 : vector<16xi32>
      tpu.vector_store_idx %arg16[%shift_right_logical3A_1554, %and3A_1557], %broadcast_in_dim3A_1 {add = true} : memref<80x128xf32, #tpu.memory_space<vmem>>[vector<16xi32>, vector<16xi32>], vector<16xf32>,
      %dma_wait3A_1558 = arith.constant 14 : i32
      %dma_wait3A_1559 = arith.constant 0 : i32
      %dma_wait3A_1560 = tpu.memref_slice %arg13[%dma_wait3A_1558, %dma_wait3A_1559] : memref<25x80xi32, #tpu.memory_space<vmem>> -> memref<1x80xi32, #tpu.memory_space<vmem>>
      %dma_wait3A_1561 = tpu.memref_squeeze %dma_wait3A_1560 : memref<1x80xi32, #tpu.memory_space<vmem>> -> memref<80xi32, #tpu.memory_space<vmem>>
      %dma_wait3A_1562 = arith.constant 0 : i32
      %dma_wait3A_1563 = arith.constant 0 : i32
      %dma_wait3A_1564 = tpu.memref_slice %arg11[%dma_wait3A_1562, %dma_wait3A_1563] : memref<10240x128xf32, #tpu.memory_space<vmem_shared>> -> memref<10240x128xf32, #tpu.memory_space<vmem_shared>>
      tpu.wait_indirect_dma semaphore(%arg19 : memref<!tpu.dma_semaphore, #tpu.memory_space<semaphore_mem>>) src(%arg14 : memref<80x128xf32, #tpu.memory_space<vmem>>) dst(%dma_wait3A_1564 : memref<10240x128xf32, #tpu.memory_space<vmem_shared>>)
      %dma_start3A_1565 = arith.constant 16 : i32
      %dma_start3A_1566 = arith.constant 0 : i32
      %dma_start3A_1567 = tpu.memref_slice %arg12[%dma_start3A_1565, %dma_start3A_1566] : memref<25x80xi32, #tpu.memory_space<vmem>> -> memref<1x80xi32, #tpu.memory_space<vmem>>
      %dma_start3A_1568 = tpu.memref_squeeze %dma_start3A_1567 : memref<1x80xi32, #tpu.memory_space<vmem>> -> memref<80xi32, #tpu.memory_space<vmem>>
      %dma_start3A_1569 = arith.constant 0 : i32
      %dma_start3A_1570 = arith.constant 0 : i32
      %dma_start3A_1571 = tpu.memref_slice %arg2[%dma_start3A_1569, %dma_start3A_1570] : memref<10000x128xf32, #tpu.memory_space<hbm>> -> memref<10000x128xf32, #tpu.memory_space<hbm>>
      tpu.enqueue_indirect_dma source(%dma_start3A_1571 : memref<10000x128xf32, #tpu.memory_space<hbm>>) target(%arg14 : memref<80x128xf32, #tpu.memory_space<vmem>>) offsets(%dma_start3A_1568 : memref<80xi32, #tpu.memory_space<vmem>>) semaphore(%arg17 : memref<!tpu.dma_semaphore, #tpu.memory_space<semaphore_mem>>)
      %dma_wait3A_1572 = arith.constant 15 : i32
      %dma_wait3A_1573 = arith.constant 0 : i32
      %dma_wait3A_1574 = tpu.memref_slice %arg12[%dma_wait3A_1572, %dma_wait3A_1573] : memref<25x80xi32, #tpu.memory_space<vmem>> -> memref<1x80xi32, #tpu.memory_space<vmem>>
      %dma_wait3A_1575 = tpu.memref_squeeze %dma_wait3A_1574 : memref<1x80xi32, #tpu.memory_space<vmem>> -> memref<80xi32, #tpu.memory_space<vmem>>
      %dma_wait3A_1576 = arith.constant 0 : i32
      %dma_wait3A_1577 = arith.constant 0 : i32
      %dma_wait3A_1578 = tpu.memref_slice %arg2[%dma_wait3A_1576, %dma_wait3A_1577] : memref<10000x128xf32, #tpu.memory_space<hbm>> -> memref<10000x128xf32, #tpu.memory_space<hbm>>
      tpu.wait_indirect_dma semaphore(%arg18 : memref<!tpu.dma_semaphore, #tpu.memory_space<semaphore_mem>>) src(%dma_wait3A_1578 : memref<10000x128xf32, #tpu.memory_space<hbm>>) dst(%arg15 : memref<80x128xf32, #tpu.memory_space<vmem>>)
      %dma_start3A_1579 = arith.constant 15 : i32
      %dma_start3A_1580 = arith.constant 0 : i32
      %dma_start3A_1581 = tpu.memref_slice %arg13[%dma_start3A_1579, %dma_start3A_1580] : memref<25x80xi32, #tpu.memory_space<vmem>> -> memref<1x80xi32, #tpu.memory_space<vmem>>
      %dma_start3A_1582 = tpu.memref_squeeze %dma_start3A_1581 : memref<1x80xi32, #tpu.memory_space<vmem>> -> memref<80xi32, #tpu.memory_space<vmem>>
      %dma_start3A_1583 = arith.constant 0 : i32
      %dma_start3A_1584 = arith.constant 0 : i32
      %dma_start3A_1585 = tpu.memref_slice %arg11[%dma_start3A_1583, %dma_start3A_1584] : memref<10240x128xf32, #tpu.memory_space<vmem_shared>> -> memref<10240x128xf32, #tpu.memory_space<vmem_shared>>
      tpu.enqueue_indirect_dma source(%arg15 : memref<80x128xf32, #tpu.memory_space<vmem>>) target(%dma_start3A_1585 : memref<10240x128xf32, #tpu.memory_space<vmem_shared>>) offsets(%dma_start3A_1582 : memref<80xi32, #tpu.memory_space<vmem>>) semaphore(%arg20 : memref<!tpu.dma_semaphore, #tpu.memory_space<semaphore_mem>>) {add = true}
      %get3A_1586 = arith.constant 16 : i32
      %get3A_1587 = arith.index_cast %get3A_1586 : i32 to index
      %get3A_1588 = arith.constant 0 : index
      %get3A_1589 = tpu.vector_load %arg13[%get3A_1587, %get3A_1588] {strides = array<i32>} : memref<25x80xi32, #tpu.memory_space<vmem>>, vector<16xi32>,
      %shift_right_logical3A_1590 = arith.constant 7 : i32
      %shift_right_logical3A_1591 = vector.broadcast %shift_right_logical3A_1590 : i32 to vector<16xi32>
      %shift_right_logical3A_1592 = arith.shrui %get3A_1589, %shift_right_logical3A_1591 : vector<16xi32>
      %and3A_1593 = arith.constant 127 : i32
      %and3A_1594 = vector.broadcast %and3A_1593 : i32 to vector<16xi32>
      %and3A_1595 = arith.andi %get3A_1589, %and3A_1594 : vector<16xi32>
      tpu.vector_store_idx %arg16[%shift_right_logical3A_1592, %and3A_1595], %broadcast_in_dim3A_1 {add = true} : memref<80x128xf32, #tpu.memory_space<vmem>>[vector<16xi32>, vector<16xi32>], vector<16xf32>,
      %get3A_1596 = arith.constant 16 : i32
      %get3A_1597 = arith.index_cast %get3A_1596 : i32 to index
      %get3A_1598 = arith.constant 16 : index
      %get3A_1599 = tpu.vector_load %arg13[%get3A_1597, %get3A_1598] {strides = array<i32>} : memref<25x80xi32, #tpu.memory_space<vmem>>, vector<16xi32>,
      %shift_right_logical3A_1600 = arith.constant 7 : i32
      %shift_right_logical3A_1601 = vector.broadcast %shift_right_logical3A_1600 : i32 to vector<16xi32>
      %shift_right_logical3A_1602 = arith.shrui %get3A_1599, %shift_right_logical3A_1601 : vector<16xi32>
      %and3A_1603 = arith.constant 127 : i32
      %and3A_1604 = vector.broadcast %and3A_1603 : i32 to vector<16xi32>
      %and3A_1605 = arith.andi %get3A_1599, %and3A_1604 : vector<16xi32>
      tpu.vector_store_idx %arg16[%shift_right_logical3A_1602, %and3A_1605], %broadcast_in_dim3A_1 {add = true} : memref<80x128xf32, #tpu.memory_space<vmem>>[vector<16xi32>, vector<16xi32>], vector<16xf32>,
      %get3A_1606 = arith.constant 16 : i32
      %get3A_1607 = arith.index_cast %get3A_1606 : i32 to index
      %get3A_1608 = arith.constant 32 : index
      %get3A_1609 = tpu.vector_load %arg13[%get3A_1607, %get3A_1608] {strides = array<i32>} : memref<25x80xi32, #tpu.memory_space<vmem>>, vector<16xi32>,
      %shift_right_logical3A_1610 = arith.constant 7 : i32
      %shift_right_logical3A_1611 = vector.broadcast %shift_right_logical3A_1610 : i32 to vector<16xi32>
      %shift_right_logical3A_1612 = arith.shrui %get3A_1609, %shift_right_logical3A_1611 : vector<16xi32>
      %and3A_1613 = arith.constant 127 : i32
      %and3A_1614 = vector.broadcast %and3A_1613 : i32 to vector<16xi32>
      %and3A_1615 = arith.andi %get3A_1609, %and3A_1614 : vector<16xi32>
      tpu.vector_store_idx %arg16[%shift_right_logical3A_1612, %and3A_1615], %broadcast_in_dim3A_1 {add = true} : memref<80x128xf32, #tpu.memory_space<vmem>>[vector<16xi32>, vector<16xi32>], vector<16xf32>,
      %get3A_1616 = arith.constant 16 : i32
      %get3A_1617 = arith.index_cast %get3A_1616 : i32 to index
      %get3A_1618 = arith.constant 48 : index
      %get3A_1619 = tpu.vector_load %arg13[%get3A_1617, %get3A_1618] {strides = array<i32>} : memref<25x80xi32, #tpu.memory_space<vmem>>, vector<16xi32>,
      %shift_right_logical3A_1620 = arith.constant 7 : i32
      %shift_right_logical3A_1621 = vector.broadcast %shift_right_logical3A_1620 : i32 to vector<16xi32>
      %shift_right_logical3A_1622 = arith.shrui %get3A_1619, %shift_right_logical3A_1621 : vector<16xi32>
      %and3A_1623 = arith.constant 127 : i32
      %and3A_1624 = vector.broadcast %and3A_1623 : i32 to vector<16xi32>
      %and3A_1625 = arith.andi %get3A_1619, %and3A_1624 : vector<16xi32>
      tpu.vector_store_idx %arg16[%shift_right_logical3A_1622, %and3A_1625], %broadcast_in_dim3A_1 {add = true} : memref<80x128xf32, #tpu.memory_space<vmem>>[vector<16xi32>, vector<16xi32>], vector<16xf32>,
      %get3A_1626 = arith.constant 16 : i32
      %get3A_1627 = arith.index_cast %get3A_1626 : i32 to index
      %get3A_1628 = arith.constant 64 : index
      %get3A_1629 = tpu.vector_load %arg13[%get3A_1627, %get3A_1628] {strides = array<i32>} : memref<25x80xi32, #tpu.memory_space<vmem>>, vector<16xi32>,
      %shift_right_logical3A_1630 = arith.constant 7 : i32
      %shift_right_logical3A_1631 = vector.broadcast %shift_right_logical3A_1630 : i32 to vector<16xi32>
      %shift_right_logical3A_1632 = arith.shrui %get3A_1629, %shift_right_logical3A_1631 : vector<16xi32>
      %and3A_1633 = arith.constant 127 : i32
      %and3A_1634 = vector.broadcast %and3A_1633 : i32 to vector<16xi32>
      %and3A_1635 = arith.andi %get3A_1629, %and3A_1634 : vector<16xi32>
      tpu.vector_store_idx %arg16[%shift_right_logical3A_1632, %and3A_1635], %broadcast_in_dim3A_1 {add = true} : memref<80x128xf32, #tpu.memory_space<vmem>>[vector<16xi32>, vector<16xi32>], vector<16xf32>,
      %dma_wait3A_1636 = arith.constant 15 : i32
      %dma_wait3A_1637 = arith.constant 0 : i32
      %dma_wait3A_1638 = tpu.memref_slice %arg13[%dma_wait3A_1636, %dma_wait3A_1637] : memref<25x80xi32, #tpu.memory_space<vmem>> -> memref<1x80xi32, #tpu.memory_space<vmem>>
      %dma_wait3A_1639 = tpu.memref_squeeze %dma_wait3A_1638 : memref<1x80xi32, #tpu.memory_space<vmem>> -> memref<80xi32, #tpu.memory_space<vmem>>
      %dma_wait3A_1640 = arith.constant 0 : i32
      %dma_wait3A_1641 = arith.constant 0 : i32
      %dma_wait3A_1642 = tpu.memref_slice %arg11[%dma_wait3A_1640, %dma_wait3A_1641] : memref<10240x128xf32, #tpu.memory_space<vmem_shared>> -> memref<10240x128xf32, #tpu.memory_space<vmem_shared>>
      tpu.wait_indirect_dma semaphore(%arg20 : memref<!tpu.dma_semaphore, #tpu.memory_space<semaphore_mem>>) src(%arg15 : memref<80x128xf32, #tpu.memory_space<vmem>>) dst(%dma_wait3A_1642 : memref<10240x128xf32, #tpu.memory_space<vmem_shared>>)
      %dma_start3A_1643 = arith.constant 17 : i32
      %dma_start3A_1644 = arith.constant 0 : i32
      %dma_start3A_1645 = tpu.memref_slice %arg12[%dma_start3A_1643, %dma_start3A_1644] : memref<25x80xi32, #tpu.memory_space<vmem>> -> memref<1x80xi32, #tpu.memory_space<vmem>>
      %dma_start3A_1646 = tpu.memref_squeeze %dma_start3A_1645 : memref<1x80xi32, #tpu.memory_space<vmem>> -> memref<80xi32, #tpu.memory_space<vmem>>
      %dma_start3A_1647 = arith.constant 0 : i32
      %dma_start3A_1648 = arith.constant 0 : i32
      %dma_start3A_1649 = tpu.memref_slice %arg2[%dma_start3A_1647, %dma_start3A_1648] : memref<10000x128xf32, #tpu.memory_space<hbm>> -> memref<10000x128xf32, #tpu.memory_space<hbm>>
      tpu.enqueue_indirect_dma source(%dma_start3A_1649 : memref<10000x128xf32, #tpu.memory_space<hbm>>) target(%arg15 : memref<80x128xf32, #tpu.memory_space<vmem>>) offsets(%dma_start3A_1646 : memref<80xi32, #tpu.memory_space<vmem>>) semaphore(%arg18 : memref<!tpu.dma_semaphore, #tpu.memory_space<semaphore_mem>>)
      %dma_wait3A_1650 = arith.constant 16 : i32
      %dma_wait3A_1651 = arith.constant 0 : i32
      %dma_wait3A_1652 = tpu.memref_slice %arg12[%dma_wait3A_1650, %dma_wait3A_1651] : memref<25x80xi32, #tpu.memory_space<vmem>> -> memref<1x80xi32, #tpu.memory_space<vmem>>
      %dma_wait3A_1653 = tpu.memref_squeeze %dma_wait3A_1652 : memref<1x80xi32, #tpu.memory_space<vmem>> -> memref<80xi32, #tpu.memory_space<vmem>>
      %dma_wait3A_1654 = arith.constant 0 : i32
      %dma_wait3A_1655 = arith.constant 0 : i32
      %dma_wait3A_1656 = tpu.memref_slice %arg2[%dma_wait3A_1654, %dma_wait3A_1655] : memref<10000x128xf32, #tpu.memory_space<hbm>> -> memref<10000x128xf32, #tpu.memory_space<hbm>>
      tpu.wait_indirect_dma semaphore(%arg17 : memref<!tpu.dma_semaphore, #tpu.memory_space<semaphore_mem>>) src(%dma_wait3A_1656 : memref<10000x128xf32, #tpu.memory_space<hbm>>) dst(%arg14 : memref<80x128xf32, #tpu.memory_space<vmem>>)
      %dma_start3A_1657 = arith.constant 16 : i32
      %dma_start3A_1658 = arith.constant 0 : i32
      %dma_start3A_1659 = tpu.memref_slice %arg13[%dma_start3A_1657, %dma_start3A_1658] : memref<25x80xi32, #tpu.memory_space<vmem>> -> memref<1x80xi32, #tpu.memory_space<vmem>>
      %dma_start3A_1660 = tpu.memref_squeeze %dma_start3A_1659 : memref<1x80xi32, #tpu.memory_space<vmem>> -> memref<80xi32, #tpu.memory_space<vmem>>
      %dma_start3A_1661 = arith.constant 0 : i32
      %dma_start3A_1662 = arith.constant 0 : i32
      %dma_start3A_1663 = tpu.memref_slice %arg11[%dma_start3A_1661, %dma_start3A_1662] : memref<10240x128xf32, #tpu.memory_space<vmem_shared>> -> memref<10240x128xf32, #tpu.memory_space<vmem_shared>>
      tpu.enqueue_indirect_dma source(%arg14 : memref<80x128xf32, #tpu.memory_space<vmem>>) target(%dma_start3A_1663 : memref<10240x128xf32, #tpu.memory_space<vmem_shared>>) offsets(%dma_start3A_1660 : memref<80xi32, #tpu.memory_space<vmem>>) semaphore(%arg19 : memref<!tpu.dma_semaphore, #tpu.memory_space<semaphore_mem>>) {add = true}
      %get3A_1664 = arith.constant 17 : i32
      %get3A_1665 = arith.index_cast %get3A_1664 : i32 to index
      %get3A_1666 = arith.constant 0 : index
      %get3A_1667 = tpu.vector_load %arg13[%get3A_1665, %get3A_1666] {strides = array<i32>} : memref<25x80xi32, #tpu.memory_space<vmem>>, vector<16xi32>,
      %shift_right_logical3A_1668 = arith.constant 7 : i32
      %shift_right_logical3A_1669 = vector.broadcast %shift_right_logical3A_1668 : i32 to vector<16xi32>
      %shift_right_logical3A_1670 = arith.shrui %get3A_1667, %shift_right_logical3A_1669 : vector<16xi32>
      %and3A_1671 = arith.constant 127 : i32
      %and3A_1672 = vector.broadcast %and3A_1671 : i32 to vector<16xi32>
      %and3A_1673 = arith.andi %get3A_1667, %and3A_1672 : vector<16xi32>
      tpu.vector_store_idx %arg16[%shift_right_logical3A_1670, %and3A_1673], %broadcast_in_dim3A_1 {add = true} : memref<80x128xf32, #tpu.memory_space<vmem>>[vector<16xi32>, vector<16xi32>], vector<16xf32>,
      %get3A_1674 = arith.constant 17 : i32
      %get3A_1675 = arith.index_cast %get3A_1674 : i32 to index
      %get3A_1676 = arith.constant 16 : index
      %get3A_1677 = tpu.vector_load %arg13[%get3A_1675, %get3A_1676] {strides = array<i32>} : memref<25x80xi32, #tpu.memory_space<vmem>>, vector<16xi32>,
      %shift_right_logical3A_1678 = arith.constant 7 : i32
      %shift_right_logical3A_1679 = vector.broadcast %shift_right_logical3A_1678 : i32 to vector<16xi32>
      %shift_right_logical3A_1680 = arith.shrui %get3A_1677, %shift_right_logical3A_1679 : vector<16xi32>
      %and3A_1681 = arith.constant 127 : i32
      %and3A_1682 = vector.broadcast %and3A_1681 : i32 to vector<16xi32>
      %and3A_1683 = arith.andi %get3A_1677, %and3A_1682 : vector<16xi32>
      tpu.vector_store_idx %arg16[%shift_right_logical3A_1680, %and3A_1683], %broadcast_in_dim3A_1 {add = true} : memref<80x128xf32, #tpu.memory_space<vmem>>[vector<16xi32>, vector<16xi32>], vector<16xf32>,
      %get3A_1684 = arith.constant 17 : i32
      %get3A_1685 = arith.index_cast %get3A_1684 : i32 to index
      %get3A_1686 = arith.constant 32 : index
      %get3A_1687 = tpu.vector_load %arg13[%get3A_1685, %get3A_1686] {strides = array<i32>} : memref<25x80xi32, #tpu.memory_space<vmem>>, vector<16xi32>,
      %shift_right_logical3A_1688 = arith.constant 7 : i32
      %shift_right_logical3A_1689 = vector.broadcast %shift_right_logical3A_1688 : i32 to vector<16xi32>
      %shift_right_logical3A_1690 = arith.shrui %get3A_1687, %shift_right_logical3A_1689 : vector<16xi32>
      %and3A_1691 = arith.constant 127 : i32
      %and3A_1692 = vector.broadcast %and3A_1691 : i32 to vector<16xi32>
      %and3A_1693 = arith.andi %get3A_1687, %and3A_1692 : vector<16xi32>
      tpu.vector_store_idx %arg16[%shift_right_logical3A_1690, %and3A_1693], %broadcast_in_dim3A_1 {add = true} : memref<80x128xf32, #tpu.memory_space<vmem>>[vector<16xi32>, vector<16xi32>], vector<16xf32>,
      %get3A_1694 = arith.constant 17 : i32
      %get3A_1695 = arith.index_cast %get3A_1694 : i32 to index
      %get3A_1696 = arith.constant 48 : index
      %get3A_1697 = tpu.vector_load %arg13[%get3A_1695, %get3A_1696] {strides = array<i32>} : memref<25x80xi32, #tpu.memory_space<vmem>>, vector<16xi32>,
      %shift_right_logical3A_1698 = arith.constant 7 : i32
      %shift_right_logical3A_1699 = vector.broadcast %shift_right_logical3A_1698 : i32 to vector<16xi32>
      %shift_right_logical3A_1700 = arith.shrui %get3A_1697, %shift_right_logical3A_1699 : vector<16xi32>
      %and3A_1701 = arith.constant 127 : i32
      %and3A_1702 = vector.broadcast %and3A_1701 : i32 to vector<16xi32>
      %and3A_1703 = arith.andi %get3A_1697, %and3A_1702 : vector<16xi32>
      tpu.vector_store_idx %arg16[%shift_right_logical3A_1700, %and3A_1703], %broadcast_in_dim3A_1 {add = true} : memref<80x128xf32, #tpu.memory_space<vmem>>[vector<16xi32>, vector<16xi32>], vector<16xf32>,
      %get3A_1704 = arith.constant 17 : i32
      %get3A_1705 = arith.index_cast %get3A_1704 : i32 to index
      %get3A_1706 = arith.constant 64 : index
      %get3A_1707 = tpu.vector_load %arg13[%get3A_1705, %get3A_1706] {strides = array<i32>} : memref<25x80xi32, #tpu.memory_space<vmem>>, vector<16xi32>,
      %shift_right_logical3A_1708 = arith.constant 7 : i32
      %shift_right_logical3A_1709 = vector.broadcast %shift_right_logical3A_1708 : i32 to vector<16xi32>
      %shift_right_logical3A_1710 = arith.shrui %get3A_1707, %shift_right_logical3A_1709 : vector<16xi32>
      %and3A_1711 = arith.constant 127 : i32
      %and3A_1712 = vector.broadcast %and3A_1711 : i32 to vector<16xi32>
      %and3A_1713 = arith.andi %get3A_1707, %and3A_1712 : vector<16xi32>
      tpu.vector_store_idx %arg16[%shift_right_logical3A_1710, %and3A_1713], %broadcast_in_dim3A_1 {add = true} : memref<80x128xf32, #tpu.memory_space<vmem>>[vector<16xi32>, vector<16xi32>], vector<16xf32>,
      %dma_wait3A_1714 = arith.constant 16 : i32
      %dma_wait3A_1715 = arith.constant 0 : i32
      %dma_wait3A_1716 = tpu.memref_slice %arg13[%dma_wait3A_1714, %dma_wait3A_1715] : memref<25x80xi32, #tpu.memory_space<vmem>> -> memref<1x80xi32, #tpu.memory_space<vmem>>
      %dma_wait3A_1717 = tpu.memref_squeeze %dma_wait3A_1716 : memref<1x80xi32, #tpu.memory_space<vmem>> -> memref<80xi32, #tpu.memory_space<vmem>>
      %dma_wait3A_1718 = arith.constant 0 : i32
      %dma_wait3A_1719 = arith.constant 0 : i32
      %dma_wait3A_1720 = tpu.memref_slice %arg11[%dma_wait3A_1718, %dma_wait3A_1719] : memref<10240x128xf32, #tpu.memory_space<vmem_shared>> -> memref<10240x128xf32, #tpu.memory_space<vmem_shared>>
      tpu.wait_indirect_dma semaphore(%arg19 : memref<!tpu.dma_semaphore, #tpu.memory_space<semaphore_mem>>) src(%arg14 : memref<80x128xf32, #tpu.memory_space<vmem>>) dst(%dma_wait3A_1720 : memref<10240x128xf32, #tpu.memory_space<vmem_shared>>)
      %dma_start3A_1721 = arith.constant 18 : i32
      %dma_start3A_1722 = arith.constant 0 : i32
      %dma_start3A_1723 = tpu.memref_slice %arg12[%dma_start3A_1721, %dma_start3A_1722] : memref<25x80xi32, #tpu.memory_space<vmem>> -> memref<1x80xi32, #tpu.memory_space<vmem>>
      %dma_start3A_1724 = tpu.memref_squeeze %dma_start3A_1723 : memref<1x80xi32, #tpu.memory_space<vmem>> -> memref<80xi32, #tpu.memory_space<vmem>>
      %dma_start3A_1725 = arith.constant 0 : i32
      %dma_start3A_1726 = arith.constant 0 : i32
      %dma_start3A_1727 = tpu.memref_slice %arg2[%dma_start3A_1725, %dma_start3A_1726] : memref<10000x128xf32, #tpu.memory_space<hbm>> -> memref<10000x128xf32, #tpu.memory_space<hbm>>
      tpu.enqueue_indirect_dma source(%dma_start3A_1727 : memref<10000x128xf32, #tpu.memory_space<hbm>>) target(%arg14 : memref<80x128xf32, #tpu.memory_space<vmem>>) offsets(%dma_start3A_1724 : memref<80xi32, #tpu.memory_space<vmem>>) semaphore(%arg17 : memref<!tpu.dma_semaphore, #tpu.memory_space<semaphore_mem>>)
      %dma_wait3A_1728 = arith.constant 17 : i32
      %dma_wait3A_1729 = arith.constant 0 : i32
      %dma_wait3A_1730 = tpu.memref_slice %arg12[%dma_wait3A_1728, %dma_wait3A_1729] : memref<25x80xi32, #tpu.memory_space<vmem>> -> memref<1x80xi32, #tpu.memory_space<vmem>>
      %dma_wait3A_1731 = tpu.memref_squeeze %dma_wait3A_1730 : memref<1x80xi32, #tpu.memory_space<vmem>> -> memref<80xi32, #tpu.memory_space<vmem>>
      %dma_wait3A_1732 = arith.constant 0 : i32
      %dma_wait3A_1733 = arith.constant 0 : i32
      %dma_wait3A_1734 = tpu.memref_slice %arg2[%dma_wait3A_1732, %dma_wait3A_1733] : memref<10000x128xf32, #tpu.memory_space<hbm>> -> memref<10000x128xf32, #tpu.memory_space<hbm>>
      tpu.wait_indirect_dma semaphore(%arg18 : memref<!tpu.dma_semaphore, #tpu.memory_space<semaphore_mem>>) src(%dma_wait3A_1734 : memref<10000x128xf32, #tpu.memory_space<hbm>>) dst(%arg15 : memref<80x128xf32, #tpu.memory_space<vmem>>)
      %dma_start3A_1735 = arith.constant 17 : i32
      %dma_start3A_1736 = arith.constant 0 : i32
      %dma_start3A_1737 = tpu.memref_slice %arg13[%dma_start3A_1735, %dma_start3A_1736] : memref<25x80xi32, #tpu.memory_space<vmem>> -> memref<1x80xi32, #tpu.memory_space<vmem>>
      %dma_start3A_1738 = tpu.memref_squeeze %dma_start3A_1737 : memref<1x80xi32, #tpu.memory_space<vmem>> -> memref<80xi32, #tpu.memory_space<vmem>>
      %dma_start3A_1739 = arith.constant 0 : i32
      %dma_start3A_1740 = arith.constant 0 : i32
      %dma_start3A_1741 = tpu.memref_slice %arg11[%dma_start3A_1739, %dma_start3A_1740] : memref<10240x128xf32, #tpu.memory_space<vmem_shared>> -> memref<10240x128xf32, #tpu.memory_space<vmem_shared>>
      tpu.enqueue_indirect_dma source(%arg15 : memref<80x128xf32, #tpu.memory_space<vmem>>) target(%dma_start3A_1741 : memref<10240x128xf32, #tpu.memory_space<vmem_shared>>) offsets(%dma_start3A_1738 : memref<80xi32, #tpu.memory_space<vmem>>) semaphore(%arg20 : memref<!tpu.dma_semaphore, #tpu.memory_space<semaphore_mem>>) {add = true}
      %get3A_1742 = arith.constant 18 : i32
      %get3A_1743 = arith.index_cast %get3A_1742 : i32 to index
      %get3A_1744 = arith.constant 0 : index
      %get3A_1745 = tpu.vector_load %arg13[%get3A_1743, %get3A_1744] {strides = array<i32>} : memref<25x80xi32, #tpu.memory_space<vmem>>, vector<16xi32>,
      %shift_right_logical3A_1746 = arith.constant 7 : i32
      %shift_right_logical3A_1747 = vector.broadcast %shift_right_logical3A_1746 : i32 to vector<16xi32>
      %shift_right_logical3A_1748 = arith.shrui %get3A_1745, %shift_right_logical3A_1747 : vector<16xi32>
      %and3A_1749 = arith.constant 127 : i32
      %and3A_1750 = vector.broadcast %and3A_1749 : i32 to vector<16xi32>
      %and3A_1751 = arith.andi %get3A_1745, %and3A_1750 : vector<16xi32>
      tpu.vector_store_idx %arg16[%shift_right_logical3A_1748, %and3A_1751], %broadcast_in_dim3A_1 {add = true} : memref<80x128xf32, #tpu.memory_space<vmem>>[vector<16xi32>, vector<16xi32>], vector<16xf32>,
      %get3A_1752 = arith.constant 18 : i32
      %get3A_1753 = arith.index_cast %get3A_1752 : i32 to index
      %get3A_1754 = arith.constant 16 : index
      %get3A_1755 = tpu.vector_load %arg13[%get3A_1753, %get3A_1754] {strides = array<i32>} : memref<25x80xi32, #tpu.memory_space<vmem>>, vector<16xi32>,
      %shift_right_logical3A_1756 = arith.constant 7 : i32
      %shift_right_logical3A_1757 = vector.broadcast %shift_right_logical3A_1756 : i32 to vector<16xi32>
      %shift_right_logical3A_1758 = arith.shrui %get3A_1755, %shift_right_logical3A_1757 : vector<16xi32>
      %and3A_1759 = arith.constant 127 : i32
      %and3A_1760 = vector.broadcast %and3A_1759 : i32 to vector<16xi32>
      %and3A_1761 = arith.andi %get3A_1755, %and3A_1760 : vector<16xi32>
      tpu.vector_store_idx %arg16[%shift_right_logical3A_1758, %and3A_1761], %broadcast_in_dim3A_1 {add = true} : memref<80x128xf32, #tpu.memory_space<vmem>>[vector<16xi32>, vector<16xi32>], vector<16xf32>,
      %get3A_1762 = arith.constant 18 : i32
      %get3A_1763 = arith.index_cast %get3A_1762 : i32 to index
      %get3A_1764 = arith.constant 32 : index
      %get3A_1765 = tpu.vector_load %arg13[%get3A_1763, %get3A_1764] {strides = array<i32>} : memref<25x80xi32, #tpu.memory_space<vmem>>, vector<16xi32>,
      %shift_right_logical3A_1766 = arith.constant 7 : i32
      %shift_right_logical3A_1767 = vector.broadcast %shift_right_logical3A_1766 : i32 to vector<16xi32>
      %shift_right_logical3A_1768 = arith.shrui %get3A_1765, %shift_right_logical3A_1767 : vector<16xi32>
      %and3A_1769 = arith.constant 127 : i32
      %and3A_1770 = vector.broadcast %and3A_1769 : i32 to vector<16xi32>
      %and3A_1771 = arith.andi %get3A_1765, %and3A_1770 : vector<16xi32>
      tpu.vector_store_idx %arg16[%shift_right_logical3A_1768, %and3A_1771], %broadcast_in_dim3A_1 {add = true} : memref<80x128xf32, #tpu.memory_space<vmem>>[vector<16xi32>, vector<16xi32>], vector<16xf32>,
      %get3A_1772 = arith.constant 18 : i32
      %get3A_1773 = arith.index_cast %get3A_1772 : i32 to index
      %get3A_1774 = arith.constant 48 : index
      %get3A_1775 = tpu.vector_load %arg13[%get3A_1773, %get3A_1774] {strides = array<i32>} : memref<25x80xi32, #tpu.memory_space<vmem>>, vector<16xi32>,
      %shift_right_logical3A_1776 = arith.constant 7 : i32
      %shift_right_logical3A_1777 = vector.broadcast %shift_right_logical3A_1776 : i32 to vector<16xi32>
      %shift_right_logical3A_1778 = arith.shrui %get3A_1775, %shift_right_logical3A_1777 : vector<16xi32>
      %and3A_1779 = arith.constant 127 : i32
      %and3A_1780 = vector.broadcast %and3A_1779 : i32 to vector<16xi32>
      %and3A_1781 = arith.andi %get3A_1775, %and3A_1780 : vector<16xi32>
      tpu.vector_store_idx %arg16[%shift_right_logical3A_1778, %and3A_1781], %broadcast_in_dim3A_1 {add = true} : memref<80x128xf32, #tpu.memory_space<vmem>>[vector<16xi32>, vector<16xi32>], vector<16xf32>,
      %get3A_1782 = arith.constant 18 : i32
      %get3A_1783 = arith.index_cast %get3A_1782 : i32 to index
      %get3A_1784 = arith.constant 64 : index
      %get3A_1785 = tpu.vector_load %arg13[%get3A_1783, %get3A_1784] {strides = array<i32>} : memref<25x80xi32, #tpu.memory_space<vmem>>, vector<16xi32>,
      %shift_right_logical3A_1786 = arith.constant 7 : i32
      %shift_right_logical3A_1787 = vector.broadcast %shift_right_logical3A_1786 : i32 to vector<16xi32>
      %shift_right_logical3A_1788 = arith.shrui %get3A_1785, %shift_right_logical3A_1787 : vector<16xi32>
      %and3A_1789 = arith.constant 127 : i32
      %and3A_1790 = vector.broadcast %and3A_1789 : i32 to vector<16xi32>
      %and3A_1791 = arith.andi %get3A_1785, %and3A_1790 : vector<16xi32>
      tpu.vector_store_idx %arg16[%shift_right_logical3A_1788, %and3A_1791], %broadcast_in_dim3A_1 {add = true} : memref<80x128xf32, #tpu.memory_space<vmem>>[vector<16xi32>, vector<16xi32>], vector<16xf32>,
      %dma_wait3A_1792 = arith.constant 17 : i32
      %dma_wait3A_1793 = arith.constant 0 : i32
      %dma_wait3A_1794 = tpu.memref_slice %arg13[%dma_wait3A_1792, %dma_wait3A_1793] : memref<25x80xi32, #tpu.memory_space<vmem>> -> memref<1x80xi32, #tpu.memory_space<vmem>>
      %dma_wait3A_1795 = tpu.memref_squeeze %dma_wait3A_1794 : memref<1x80xi32, #tpu.memory_space<vmem>> -> memref<80xi32, #tpu.memory_space<vmem>>
      %dma_wait3A_1796 = arith.constant 0 : i32
      %dma_wait3A_1797 = arith.constant 0 : i32
      %dma_wait3A_1798 = tpu.memref_slice %arg11[%dma_wait3A_1796, %dma_wait3A_1797] : memref<10240x128xf32, #tpu.memory_space<vmem_shared>> -> memref<10240x128xf32, #tpu.memory_space<vmem_shared>>
      tpu.wait_indirect_dma semaphore(%arg20 : memref<!tpu.dma_semaphore, #tpu.memory_space<semaphore_mem>>) src(%arg15 : memref<80x128xf32, #tpu.memory_space<vmem>>) dst(%dma_wait3A_1798 : memref<10240x128xf32, #tpu.memory_space<vmem_shared>>)
      %dma_start3A_1799 = arith.constant 19 : i32
      %dma_start3A_1800 = arith.constant 0 : i32
      %dma_start3A_1801 = tpu.memref_slice %arg12[%dma_start3A_1799, %dma_start3A_1800] : memref<25x80xi32, #tpu.memory_space<vmem>> -> memref<1x80xi32, #tpu.memory_space<vmem>>
      %dma_start3A_1802 = tpu.memref_squeeze %dma_start3A_1801 : memref<1x80xi32, #tpu.memory_space<vmem>> -> memref<80xi32, #tpu.memory_space<vmem>>
      %dma_start3A_1803 = arith.constant 0 : i32
      %dma_start3A_1804 = arith.constant 0 : i32
      %dma_start3A_1805 = tpu.memref_slice %arg2[%dma_start3A_1803, %dma_start3A_1804] : memref<10000x128xf32, #tpu.memory_space<hbm>> -> memref<10000x128xf32, #tpu.memory_space<hbm>>
      tpu.enqueue_indirect_dma source(%dma_start3A_1805 : memref<10000x128xf32, #tpu.memory_space<hbm>>) target(%arg15 : memref<80x128xf32, #tpu.memory_space<vmem>>) offsets(%dma_start3A_1802 : memref<80xi32, #tpu.memory_space<vmem>>) semaphore(%arg18 : memref<!tpu.dma_semaphore, #tpu.memory_space<semaphore_mem>>)
      %dma_wait3A_1806 = arith.constant 18 : i32
      %dma_wait3A_1807 = arith.constant 0 : i32
      %dma_wait3A_1808 = tpu.memref_slice %arg12[%dma_wait3A_1806, %dma_wait3A_1807] : memref<25x80xi32, #tpu.memory_space<vmem>> -> memref<1x80xi32, #tpu.memory_space<vmem>>
      %dma_wait3A_1809 = tpu.memref_squeeze %dma_wait3A_1808 : memref<1x80xi32, #tpu.memory_space<vmem>> -> memref<80xi32, #tpu.memory_space<vmem>>
      %dma_wait3A_1810 = arith.constant 0 : i32
      %dma_wait3A_1811 = arith.constant 0 : i32
      %dma_wait3A_1812 = tpu.memref_slice %arg2[%dma_wait3A_1810, %dma_wait3A_1811] : memref<10000x128xf32, #tpu.memory_space<hbm>> -> memref<10000x128xf32, #tpu.memory_space<hbm>>
      tpu.wait_indirect_dma semaphore(%arg17 : memref<!tpu.dma_semaphore, #tpu.memory_space<semaphore_mem>>) src(%dma_wait3A_1812 : memref<10000x128xf32, #tpu.memory_space<hbm>>) dst(%arg14 : memref<80x128xf32, #tpu.memory_space<vmem>>)
      %dma_start3A_1813 = arith.constant 18 : i32
      %dma_start3A_1814 = arith.constant 0 : i32
      %dma_start3A_1815 = tpu.memref_slice %arg13[%dma_start3A_1813, %dma_start3A_1814] : memref<25x80xi32, #tpu.memory_space<vmem>> -> memref<1x80xi32, #tpu.memory_space<vmem>>
      %dma_start3A_1816 = tpu.memref_squeeze %dma_start3A_1815 : memref<1x80xi32, #tpu.memory_space<vmem>> -> memref<80xi32, #tpu.memory_space<vmem>>
      %dma_start3A_1817 = arith.constant 0 : i32
      %dma_start3A_1818 = arith.constant 0 : i32
      %dma_start3A_1819 = tpu.memref_slice %arg11[%dma_start3A_1817, %dma_start3A_1818] : memref<10240x128xf32, #tpu.memory_space<vmem_shared>> -> memref<10240x128xf32, #tpu.memory_space<vmem_shared>>
      tpu.enqueue_indirect_dma source(%arg14 : memref<80x128xf32, #tpu.memory_space<vmem>>) target(%dma_start3A_1819 : memref<10240x128xf32, #tpu.memory_space<vmem_shared>>) offsets(%dma_start3A_1816 : memref<80xi32, #tpu.memory_space<vmem>>) semaphore(%arg19 : memref<!tpu.dma_semaphore, #tpu.memory_space<semaphore_mem>>) {add = true}
      %get3A_1820 = arith.constant 19 : i32
      %get3A_1821 = arith.index_cast %get3A_1820 : i32 to index
      %get3A_1822 = arith.constant 0 : index
      %get3A_1823 = tpu.vector_load %arg13[%get3A_1821, %get3A_1822] {strides = array<i32>} : memref<25x80xi32, #tpu.memory_space<vmem>>, vector<16xi32>,
      %shift_right_logical3A_1824 = arith.constant 7 : i32
      %shift_right_logical3A_1825 = vector.broadcast %shift_right_logical3A_1824 : i32 to vector<16xi32>
      %shift_right_logical3A_1826 = arith.shrui %get3A_1823, %shift_right_logical3A_1825 : vector<16xi32>
      %and3A_1827 = arith.constant 127 : i32
      %and3A_1828 = vector.broadcast %and3A_1827 : i32 to vector<16xi32>
      %and3A_1829 = arith.andi %get3A_1823, %and3A_1828 : vector<16xi32>
      tpu.vector_store_idx %arg16[%shift_right_logical3A_1826, %and3A_1829], %broadcast_in_dim3A_1 {add = true} : memref<80x128xf32, #tpu.memory_space<vmem>>[vector<16xi32>, vector<16xi32>], vector<16xf32>,
      %get3A_1830 = arith.constant 19 : i32
      %get3A_1831 = arith.index_cast %get3A_1830 : i32 to index
      %get3A_1832 = arith.constant 16 : index
      %get3A_1833 = tpu.vector_load %arg13[%get3A_1831, %get3A_1832] {strides = array<i32>} : memref<25x80xi32, #tpu.memory_space<vmem>>, vector<16xi32>,
      %shift_right_logical3A_1834 = arith.constant 7 : i32
      %shift_right_logical3A_1835 = vector.broadcast %shift_right_logical3A_1834 : i32 to vector<16xi32>
      %shift_right_logical3A_1836 = arith.shrui %get3A_1833, %shift_right_logical3A_1835 : vector<16xi32>
      %and3A_1837 = arith.constant 127 : i32
      %and3A_1838 = vector.broadcast %and3A_1837 : i32 to vector<16xi32>
      %and3A_1839 = arith.andi %get3A_1833, %and3A_1838 : vector<16xi32>
      tpu.vector_store_idx %arg16[%shift_right_logical3A_1836, %and3A_1839], %broadcast_in_dim3A_1 {add = true} : memref<80x128xf32, #tpu.memory_space<vmem>>[vector<16xi32>, vector<16xi32>], vector<16xf32>,
      %get3A_1840 = arith.constant 19 : i32
      %get3A_1841 = arith.index_cast %get3A_1840 : i32 to index
      %get3A_1842 = arith.constant 32 : index
      %get3A_1843 = tpu.vector_load %arg13[%get3A_1841, %get3A_1842] {strides = array<i32>} : memref<25x80xi32, #tpu.memory_space<vmem>>, vector<16xi32>,
      %shift_right_logical3A_1844 = arith.constant 7 : i32
      %shift_right_logical3A_1845 = vector.broadcast %shift_right_logical3A_1844 : i32 to vector<16xi32>
      %shift_right_logical3A_1846 = arith.shrui %get3A_1843, %shift_right_logical3A_1845 : vector<16xi32>
      %and3A_1847 = arith.constant 127 : i32
      %and3A_1848 = vector.broadcast %and3A_1847 : i32 to vector<16xi32>
      %and3A_1849 = arith.andi %get3A_1843, %and3A_1848 : vector<16xi32>
      tpu.vector_store_idx %arg16[%shift_right_logical3A_1846, %and3A_1849], %broadcast_in_dim3A_1 {add = true} : memref<80x128xf32, #tpu.memory_space<vmem>>[vector<16xi32>, vector<16xi32>], vector<16xf32>,
      %get3A_1850 = arith.constant 19 : i32
      %get3A_1851 = arith.index_cast %get3A_1850 : i32 to index
      %get3A_1852 = arith.constant 48 : index
      %get3A_1853 = tpu.vector_load %arg13[%get3A_1851, %get3A_1852] {strides = array<i32>} : memref<25x80xi32, #tpu.memory_space<vmem>>, vector<16xi32>,
      %shift_right_logical3A_1854 = arith.constant 7 : i32
      %shift_right_logical3A_1855 = vector.broadcast %shift_right_logical3A_1854 : i32 to vector<16xi32>
      %shift_right_logical3A_1856 = arith.shrui %get3A_1853, %shift_right_logical3A_1855 : vector<16xi32>
      %and3A_1857 = arith.constant 127 : i32
      %and3A_1858 = vector.broadcast %and3A_1857 : i32 to vector<16xi32>
      %and3A_1859 = arith.andi %get3A_1853, %and3A_1858 : vector<16xi32>
      tpu.vector_store_idx %arg16[%shift_right_logical3A_1856, %and3A_1859], %broadcast_in_dim3A_1 {add = true} : memref<80x128xf32, #tpu.memory_space<vmem>>[vector<16xi32>, vector<16xi32>], vector<16xf32>,
      %get3A_1860 = arith.constant 19 : i32
      %get3A_1861 = arith.index_cast %get3A_1860 : i32 to index
      %get3A_1862 = arith.constant 64 : index
      %get3A_1863 = tpu.vector_load %arg13[%get3A_1861, %get3A_1862] {strides = array<i32>} : memref<25x80xi32, #tpu.memory_space<vmem>>, vector<16xi32>,
      %shift_right_logical3A_1864 = arith.constant 7 : i32
      %shift_right_logical3A_1865 = vector.broadcast %shift_right_logical3A_1864 : i32 to vector<16xi32>
      %shift_right_logical3A_1866 = arith.shrui %get3A_1863, %shift_right_logical3A_1865 : vector<16xi32>
      %and3A_1867 = arith.constant 127 : i32
      %and3A_1868 = vector.broadcast %and3A_1867 : i32 to vector<16xi32>
      %and3A_1869 = arith.andi %get3A_1863, %and3A_1868 : vector<16xi32>
      tpu.vector_store_idx %arg16[%shift_right_logical3A_1866, %and3A_1869], %broadcast_in_dim3A_1 {add = true} : memref<80x128xf32, #tpu.memory_space<vmem>>[vector<16xi32>, vector<16xi32>], vector<16xf32>,
      %dma_wait3A_1870 = arith.constant 18 : i32
      %dma_wait3A_1871 = arith.constant 0 : i32
      %dma_wait3A_1872 = tpu.memref_slice %arg13[%dma_wait3A_1870, %dma_wait3A_1871] : memref<25x80xi32, #tpu.memory_space<vmem>> -> memref<1x80xi32, #tpu.memory_space<vmem>>
      %dma_wait3A_1873 = tpu.memref_squeeze %dma_wait3A_1872 : memref<1x80xi32, #tpu.memory_space<vmem>> -> memref<80xi32, #tpu.memory_space<vmem>>
      %dma_wait3A_1874 = arith.constant 0 : i32
      %dma_wait3A_1875 = arith.constant 0 : i32
      %dma_wait3A_1876 = tpu.memref_slice %arg11[%dma_wait3A_1874, %dma_wait3A_1875] : memref<10240x128xf32, #tpu.memory_space<vmem_shared>> -> memref<10240x128xf32, #tpu.memory_space<vmem_shared>>
      tpu.wait_indirect_dma semaphore(%arg19 : memref<!tpu.dma_semaphore, #tpu.memory_space<semaphore_mem>>) src(%arg14 : memref<80x128xf32, #tpu.memory_space<vmem>>) dst(%dma_wait3A_1876 : memref<10240x128xf32, #tpu.memory_space<vmem_shared>>)
      %dma_start3A_1877 = arith.constant 20 : i32
      %dma_start3A_1878 = arith.constant 0 : i32
      %dma_start3A_1879 = tpu.memref_slice %arg12[%dma_start3A_1877, %dma_start3A_1878] : memref<25x80xi32, #tpu.memory_space<vmem>> -> memref<1x80xi32, #tpu.memory_space<vmem>>
      %dma_start3A_1880 = tpu.memref_squeeze %dma_start3A_1879 : memref<1x80xi32, #tpu.memory_space<vmem>> -> memref<80xi32, #tpu.memory_space<vmem>>
      %dma_start3A_1881 = arith.constant 0 : i32
      %dma_start3A_1882 = arith.constant 0 : i32
      %dma_start3A_1883 = tpu.memref_slice %arg2[%dma_start3A_1881, %dma_start3A_1882] : memref<10000x128xf32, #tpu.memory_space<hbm>> -> memref<10000x128xf32, #tpu.memory_space<hbm>>
      tpu.enqueue_indirect_dma source(%dma_start3A_1883 : memref<10000x128xf32, #tpu.memory_space<hbm>>) target(%arg14 : memref<80x128xf32, #tpu.memory_space<vmem>>) offsets(%dma_start3A_1880 : memref<80xi32, #tpu.memory_space<vmem>>) semaphore(%arg17 : memref<!tpu.dma_semaphore, #tpu.memory_space<semaphore_mem>>)
      %dma_wait3A_1884 = arith.constant 19 : i32
      %dma_wait3A_1885 = arith.constant 0 : i32
      %dma_wait3A_1886 = tpu.memref_slice %arg12[%dma_wait3A_1884, %dma_wait3A_1885] : memref<25x80xi32, #tpu.memory_space<vmem>> -> memref<1x80xi32, #tpu.memory_space<vmem>>
      %dma_wait3A_1887 = tpu.memref_squeeze %dma_wait3A_1886 : memref<1x80xi32, #tpu.memory_space<vmem>> -> memref<80xi32, #tpu.memory_space<vmem>>
      %dma_wait3A_1888 = arith.constant 0 : i32
      %dma_wait3A_1889 = arith.constant 0 : i32
      %dma_wait3A_1890 = tpu.memref_slice %arg2[%dma_wait3A_1888, %dma_wait3A_1889] : memref<10000x128xf32, #tpu.memory_space<hbm>> -> memref<10000x128xf32, #tpu.memory_space<hbm>>
      tpu.wait_indirect_dma semaphore(%arg18 : memref<!tpu.dma_semaphore, #tpu.memory_space<semaphore_mem>>) src(%dma_wait3A_1890 : memref<10000x128xf32, #tpu.memory_space<hbm>>) dst(%arg15 : memref<80x128xf32, #tpu.memory_space<vmem>>)
      %dma_start3A_1891 = arith.constant 19 : i32
      %dma_start3A_1892 = arith.constant 0 : i32
      %dma_start3A_1893 = tpu.memref_slice %arg13[%dma_start3A_1891, %dma_start3A_1892] : memref<25x80xi32, #tpu.memory_space<vmem>> -> memref<1x80xi32, #tpu.memory_space<vmem>>
      %dma_start3A_1894 = tpu.memref_squeeze %dma_start3A_1893 : memref<1x80xi32, #tpu.memory_space<vmem>> -> memref<80xi32, #tpu.memory_space<vmem>>
      %dma_start3A_1895 = arith.constant 0 : i32
      %dma_start3A_1896 = arith.constant 0 : i32
      %dma_start3A_1897 = tpu.memref_slice %arg11[%dma_start3A_1895, %dma_start3A_1896] : memref<10240x128xf32, #tpu.memory_space<vmem_shared>> -> memref<10240x128xf32, #tpu.memory_space<vmem_shared>>
      tpu.enqueue_indirect_dma source(%arg15 : memref<80x128xf32, #tpu.memory_space<vmem>>) target(%dma_start3A_1897 : memref<10240x128xf32, #tpu.memory_space<vmem_shared>>) offsets(%dma_start3A_1894 : memref<80xi32, #tpu.memory_space<vmem>>) semaphore(%arg20 : memref<!tpu.dma_semaphore, #tpu.memory_space<semaphore_mem>>) {add = true}
      %get3A_1898 = arith.constant 20 : i32
      %get3A_1899 = arith.index_cast %get3A_1898 : i32 to index
      %get3A_1900 = arith.constant 0 : index
      %get3A_1901 = tpu.vector_load %arg13[%get3A_1899, %get3A_1900] {strides = array<i32>} : memref<25x80xi32, #tpu.memory_space<vmem>>, vector<16xi32>,
      %shift_right_logical3A_1902 = arith.constant 7 : i32
      %shift_right_logical3A_1903 = vector.broadcast %shift_right_logical3A_1902 : i32 to vector<16xi32>
      %shift_right_logical3A_1904 = arith.shrui %get3A_1901, %shift_right_logical3A_1903 : vector<16xi32>
      %and3A_1905 = arith.constant 127 : i32
      %and3A_1906 = vector.broadcast %and3A_1905 : i32 to vector<16xi32>
      %and3A_1907 = arith.andi %get3A_1901, %and3A_1906 : vector<16xi32>
      tpu.vector_store_idx %arg16[%shift_right_logical3A_1904, %and3A_1907], %broadcast_in_dim3A_1 {add = true} : memref<80x128xf32, #tpu.memory_space<vmem>>[vector<16xi32>, vector<16xi32>], vector<16xf32>,
      %get3A_1908 = arith.constant 20 : i32
      %get3A_1909 = arith.index_cast %get3A_1908 : i32 to index
      %get3A_1910 = arith.constant 16 : index
      %get3A_1911 = tpu.vector_load %arg13[%get3A_1909, %get3A_1910] {strides = array<i32>} : memref<25x80xi32, #tpu.memory_space<vmem>>, vector<16xi32>,
      %shift_right_logical3A_1912 = arith.constant 7 : i32
      %shift_right_logical3A_1913 = vector.broadcast %shift_right_logical3A_1912 : i32 to vector<16xi32>
      %shift_right_logical3A_1914 = arith.shrui %get3A_1911, %shift_right_logical3A_1913 : vector<16xi32>
      %and3A_1915 = arith.constant 127 : i32
      %and3A_1916 = vector.broadcast %and3A_1915 : i32 to vector<16xi32>
      %and3A_1917 = arith.andi %get3A_1911, %and3A_1916 : vector<16xi32>
      tpu.vector_store_idx %arg16[%shift_right_logical3A_1914, %and3A_1917], %broadcast_in_dim3A_1 {add = true} : memref<80x128xf32, #tpu.memory_space<vmem>>[vector<16xi32>, vector<16xi32>], vector<16xf32>,
      %get3A_1918 = arith.constant 20 : i32
      %get3A_1919 = arith.index_cast %get3A_1918 : i32 to index
      %get3A_1920 = arith.constant 32 : index
      %get3A_1921 = tpu.vector_load %arg13[%get3A_1919, %get3A_1920] {strides = array<i32>} : memref<25x80xi32, #tpu.memory_space<vmem>>, vector<16xi32>,
      %shift_right_logical3A_1922 = arith.constant 7 : i32
      %shift_right_logical3A_1923 = vector.broadcast %shift_right_logical3A_1922 : i32 to vector<16xi32>
      %shift_right_logical3A_1924 = arith.shrui %get3A_1921, %shift_right_logical3A_1923 : vector<16xi32>
      %and3A_1925 = arith.constant 127 : i32
      %and3A_1926 = vector.broadcast %and3A_1925 : i32 to vector<16xi32>
      %and3A_1927 = arith.andi %get3A_1921, %and3A_1926 : vector<16xi32>
      tpu.vector_store_idx %arg16[%shift_right_logical3A_1924, %and3A_1927], %broadcast_in_dim3A_1 {add = true} : memref<80x128xf32, #tpu.memory_space<vmem>>[vector<16xi32>, vector<16xi32>], vector<16xf32>,
      %get3A_1928 = arith.constant 20 : i32
      %get3A_1929 = arith.index_cast %get3A_1928 : i32 to index
      %get3A_1930 = arith.constant 48 : index
      %get3A_1931 = tpu.vector_load %arg13[%get3A_1929, %get3A_1930] {strides = array<i32>} : memref<25x80xi32, #tpu.memory_space<vmem>>, vector<16xi32>,
      %shift_right_logical3A_1932 = arith.constant 7 : i32
      %shift_right_logical3A_1933 = vector.broadcast %shift_right_logical3A_1932 : i32 to vector<16xi32>
      %shift_right_logical3A_1934 = arith.shrui %get3A_1931, %shift_right_logical3A_1933 : vector<16xi32>
      %and3A_1935 = arith.constant 127 : i32
      %and3A_1936 = vector.broadcast %and3A_1935 : i32 to vector<16xi32>
      %and3A_1937 = arith.andi %get3A_1931, %and3A_1936 : vector<16xi32>
      tpu.vector_store_idx %arg16[%shift_right_logical3A_1934, %and3A_1937], %broadcast_in_dim3A_1 {add = true} : memref<80x128xf32, #tpu.memory_space<vmem>>[vector<16xi32>, vector<16xi32>], vector<16xf32>,
      %get3A_1938 = arith.constant 20 : i32
      %get3A_1939 = arith.index_cast %get3A_1938 : i32 to index
      %get3A_1940 = arith.constant 64 : index
      %get3A_1941 = tpu.vector_load %arg13[%get3A_1939, %get3A_1940] {strides = array<i32>} : memref<25x80xi32, #tpu.memory_space<vmem>>, vector<16xi32>,
      %shift_right_logical3A_1942 = arith.constant 7 : i32
      %shift_right_logical3A_1943 = vector.broadcast %shift_right_logical3A_1942 : i32 to vector<16xi32>
      %shift_right_logical3A_1944 = arith.shrui %get3A_1941, %shift_right_logical3A_1943 : vector<16xi32>
      %and3A_1945 = arith.constant 127 : i32
      %and3A_1946 = vector.broadcast %and3A_1945 : i32 to vector<16xi32>
      %and3A_1947 = arith.andi %get3A_1941, %and3A_1946 : vector<16xi32>
      tpu.vector_store_idx %arg16[%shift_right_logical3A_1944, %and3A_1947], %broadcast_in_dim3A_1 {add = true} : memref<80x128xf32, #tpu.memory_space<vmem>>[vector<16xi32>, vector<16xi32>], vector<16xf32>,
      %dma_wait3A_1948 = arith.constant 19 : i32
      %dma_wait3A_1949 = arith.constant 0 : i32
      %dma_wait3A_1950 = tpu.memref_slice %arg13[%dma_wait3A_1948, %dma_wait3A_1949] : memref<25x80xi32, #tpu.memory_space<vmem>> -> memref<1x80xi32, #tpu.memory_space<vmem>>
      %dma_wait3A_1951 = tpu.memref_squeeze %dma_wait3A_1950 : memref<1x80xi32, #tpu.memory_space<vmem>> -> memref<80xi32, #tpu.memory_space<vmem>>
      %dma_wait3A_1952 = arith.constant 0 : i32
      %dma_wait3A_1953 = arith.constant 0 : i32
      %dma_wait3A_1954 = tpu.memref_slice %arg11[%dma_wait3A_1952, %dma_wait3A_1953] : memref<10240x128xf32, #tpu.memory_space<vmem_shared>> -> memref<10240x128xf32, #tpu.memory_space<vmem_shared>>
      tpu.wait_indirect_dma semaphore(%arg20 : memref<!tpu.dma_semaphore, #tpu.memory_space<semaphore_mem>>) src(%arg15 : memref<80x128xf32, #tpu.memory_space<vmem>>) dst(%dma_wait3A_1954 : memref<10240x128xf32, #tpu.memory_space<vmem_shared>>)
      %dma_start3A_1955 = arith.constant 21 : i32
      %dma_start3A_1956 = arith.constant 0 : i32
      %dma_start3A_1957 = tpu.memref_slice %arg12[%dma_start3A_1955, %dma_start3A_1956] : memref<25x80xi32, #tpu.memory_space<vmem>> -> memref<1x80xi32, #tpu.memory_space<vmem>>
      %dma_start3A_1958 = tpu.memref_squeeze %dma_start3A_1957 : memref<1x80xi32, #tpu.memory_space<vmem>> -> memref<80xi32, #tpu.memory_space<vmem>>
      %dma_start3A_1959 = arith.constant 0 : i32
      %dma_start3A_1960 = arith.constant 0 : i32
      %dma_start3A_1961 = tpu.memref_slice %arg2[%dma_start3A_1959, %dma_start3A_1960] : memref<10000x128xf32, #tpu.memory_space<hbm>> -> memref<10000x128xf32, #tpu.memory_space<hbm>>
      tpu.enqueue_indirect_dma source(%dma_start3A_1961 : memref<10000x128xf32, #tpu.memory_space<hbm>>) target(%arg15 : memref<80x128xf32, #tpu.memory_space<vmem>>) offsets(%dma_start3A_1958 : memref<80xi32, #tpu.memory_space<vmem>>) semaphore(%arg18 : memref<!tpu.dma_semaphore, #tpu.memory_space<semaphore_mem>>)
      %dma_wait3A_1962 = arith.constant 20 : i32
      %dma_wait3A_1963 = arith.constant 0 : i32
      %dma_wait3A_1964 = tpu.memref_slice %arg12[%dma_wait3A_1962, %dma_wait3A_1963] : memref<25x80xi32, #tpu.memory_space<vmem>> -> memref<1x80xi32, #tpu.memory_space<vmem>>
      %dma_wait3A_1965 = tpu.memref_squeeze %dma_wait3A_1964 : memref<1x80xi32, #tpu.memory_space<vmem>> -> memref<80xi32, #tpu.memory_space<vmem>>
      %dma_wait3A_1966 = arith.constant 0 : i32
      %dma_wait3A_1967 = arith.constant 0 : i32
      %dma_wait3A_1968 = tpu.memref_slice %arg2[%dma_wait3A_1966, %dma_wait3A_1967] : memref<10000x128xf32, #tpu.memory_space<hbm>> -> memref<10000x128xf32, #tpu.memory_space<hbm>>
      tpu.wait_indirect_dma semaphore(%arg17 : memref<!tpu.dma_semaphore, #tpu.memory_space<semaphore_mem>>) src(%dma_wait3A_1968 : memref<10000x128xf32, #tpu.memory_space<hbm>>) dst(%arg14 : memref<80x128xf32, #tpu.memory_space<vmem>>)
      %dma_start3A_1969 = arith.constant 20 : i32
      %dma_start3A_1970 = arith.constant 0 : i32
      %dma_start3A_1971 = tpu.memref_slice %arg13[%dma_start3A_1969, %dma_start3A_1970] : memref<25x80xi32, #tpu.memory_space<vmem>> -> memref<1x80xi32, #tpu.memory_space<vmem>>
      %dma_start3A_1972 = tpu.memref_squeeze %dma_start3A_1971 : memref<1x80xi32, #tpu.memory_space<vmem>> -> memref<80xi32, #tpu.memory_space<vmem>>
      %dma_start3A_1973 = arith.constant 0 : i32
      %dma_start3A_1974 = arith.constant 0 : i32
      %dma_start3A_1975 = tpu.memref_slice %arg11[%dma_start3A_1973, %dma_start3A_1974] : memref<10240x128xf32, #tpu.memory_space<vmem_shared>> -> memref<10240x128xf32, #tpu.memory_space<vmem_shared>>
      tpu.enqueue_indirect_dma source(%arg14 : memref<80x128xf32, #tpu.memory_space<vmem>>) target(%dma_start3A_1975 : memref<10240x128xf32, #tpu.memory_space<vmem_shared>>) offsets(%dma_start3A_1972 : memref<80xi32, #tpu.memory_space<vmem>>) semaphore(%arg19 : memref<!tpu.dma_semaphore, #tpu.memory_space<semaphore_mem>>) {add = true}
      %get3A_1976 = arith.constant 21 : i32
      %get3A_1977 = arith.index_cast %get3A_1976 : i32 to index
      %get3A_1978 = arith.constant 0 : index
      %get3A_1979 = tpu.vector_load %arg13[%get3A_1977, %get3A_1978] {strides = array<i32>} : memref<25x80xi32, #tpu.memory_space<vmem>>, vector<16xi32>,
      %shift_right_logical3A_1980 = arith.constant 7 : i32
      %shift_right_logical3A_1981 = vector.broadcast %shift_right_logical3A_1980 : i32 to vector<16xi32>
      %shift_right_logical3A_1982 = arith.shrui %get3A_1979, %shift_right_logical3A_1981 : vector<16xi32>
      %and3A_1983 = arith.constant 127 : i32
      %and3A_1984 = vector.broadcast %and3A_1983 : i32 to vector<16xi32>
      %and3A_1985 = arith.andi %get3A_1979, %and3A_1984 : vector<16xi32>
      tpu.vector_store_idx %arg16[%shift_right_logical3A_1982, %and3A_1985], %broadcast_in_dim3A_1 {add = true} : memref<80x128xf32, #tpu.memory_space<vmem>>[vector<16xi32>, vector<16xi32>], vector<16xf32>,
      %get3A_1986 = arith.constant 21 : i32
      %get3A_1987 = arith.index_cast %get3A_1986 : i32 to index
      %get3A_1988 = arith.constant 16 : index
      %get3A_1989 = tpu.vector_load %arg13[%get3A_1987, %get3A_1988] {strides = array<i32>} : memref<25x80xi32, #tpu.memory_space<vmem>>, vector<16xi32>,
      %shift_right_logical3A_1990 = arith.constant 7 : i32
      %shift_right_logical3A_1991 = vector.broadcast %shift_right_logical3A_1990 : i32 to vector<16xi32>
      %shift_right_logical3A_1992 = arith.shrui %get3A_1989, %shift_right_logical3A_1991 : vector<16xi32>
      %and3A_1993 = arith.constant 127 : i32
      %and3A_1994 = vector.broadcast %and3A_1993 : i32 to vector<16xi32>
      %and3A_1995 = arith.andi %get3A_1989, %and3A_1994 : vector<16xi32>
      tpu.vector_store_idx %arg16[%shift_right_logical3A_1992, %and3A_1995], %broadcast_in_dim3A_1 {add = true} : memref<80x128xf32, #tpu.memory_space<vmem>>[vector<16xi32>, vector<16xi32>], vector<16xf32>,
      %get3A_1996 = arith.constant 21 : i32
      %get3A_1997 = arith.index_cast %get3A_1996 : i32 to index
      %get3A_1998 = arith.constant 32 : index
      %get3A_1999 = tpu.vector_load %arg13[%get3A_1997, %get3A_1998] {strides = array<i32>} : memref<25x80xi32, #tpu.memory_space<vmem>>, vector<16xi32>,
      %shift_right_logical3A_2000 = arith.constant 7 : i32
      %shift_right_logical3A_2001 = vector.broadcast %shift_right_logical3A_2000 : i32 to vector<16xi32>
      %shift_right_logical3A_2002 = arith.shrui %get3A_1999, %shift_right_logical3A_2001 : vector<16xi32>
      %and3A_2003 = arith.constant 127 : i32
      %and3A_2004 = vector.broadcast %and3A_2003 : i32 to vector<16xi32>
      %and3A_2005 = arith.andi %get3A_1999, %and3A_2004 : vector<16xi32>
      tpu.vector_store_idx %arg16[%shift_right_logical3A_2002, %and3A_2005], %broadcast_in_dim3A_1 {add = true} : memref<80x128xf32, #tpu.memory_space<vmem>>[vector<16xi32>, vector<16xi32>], vector<16xf32>,
      %get3A_2006 = arith.constant 21 : i32
      %get3A_2007 = arith.index_cast %get3A_2006 : i32 to index
      %get3A_2008 = arith.constant 48 : index
      %get3A_2009 = tpu.vector_load %arg13[%get3A_2007, %get3A_2008] {strides = array<i32>} : memref<25x80xi32, #tpu.memory_space<vmem>>, vector<16xi32>,
      %shift_right_logical3A_2010 = arith.constant 7 : i32
      %shift_right_logical3A_2011 = vector.broadcast %shift_right_logical3A_2010 : i32 to vector<16xi32>
      %shift_right_logical3A_2012 = arith.shrui %get3A_2009, %shift_right_logical3A_2011 : vector<16xi32>
      %and3A_2013 = arith.constant 127 : i32
      %and3A_2014 = vector.broadcast %and3A_2013 : i32 to vector<16xi32>
      %and3A_2015 = arith.andi %get3A_2009, %and3A_2014 : vector<16xi32>
      tpu.vector_store_idx %arg16[%shift_right_logical3A_2012, %and3A_2015], %broadcast_in_dim3A_1 {add = true} : memref<80x128xf32, #tpu.memory_space<vmem>>[vector<16xi32>, vector<16xi32>], vector<16xf32>,
      %get3A_2016 = arith.constant 21 : i32
      %get3A_2017 = arith.index_cast %get3A_2016 : i32 to index
      %get3A_2018 = arith.constant 64 : index
      %get3A_2019 = tpu.vector_load %arg13[%get3A_2017, %get3A_2018] {strides = array<i32>} : memref<25x80xi32, #tpu.memory_space<vmem>>, vector<16xi32>,
      %shift_right_logical3A_2020 = arith.constant 7 : i32
      %shift_right_logical3A_2021 = vector.broadcast %shift_right_logical3A_2020 : i32 to vector<16xi32>
      %shift_right_logical3A_2022 = arith.shrui %get3A_2019, %shift_right_logical3A_2021 : vector<16xi32>
      %and3A_2023 = arith.constant 127 : i32
      %and3A_2024 = vector.broadcast %and3A_2023 : i32 to vector<16xi32>
      %and3A_2025 = arith.andi %get3A_2019, %and3A_2024 : vector<16xi32>
      tpu.vector_store_idx %arg16[%shift_right_logical3A_2022, %and3A_2025], %broadcast_in_dim3A_1 {add = true} : memref<80x128xf32, #tpu.memory_space<vmem>>[vector<16xi32>, vector<16xi32>], vector<16xf32>,
      %dma_wait3A_2026 = arith.constant 20 : i32
      %dma_wait3A_2027 = arith.constant 0 : i32
      %dma_wait3A_2028 = tpu.memref_slice %arg13[%dma_wait3A_2026, %dma_wait3A_2027] : memref<25x80xi32, #tpu.memory_space<vmem>> -> memref<1x80xi32, #tpu.memory_space<vmem>>
      %dma_wait3A_2029 = tpu.memref_squeeze %dma_wait3A_2028 : memref<1x80xi32, #tpu.memory_space<vmem>> -> memref<80xi32, #tpu.memory_space<vmem>>
      %dma_wait3A_2030 = arith.constant 0 : i32
      %dma_wait3A_2031 = arith.constant 0 : i32
      %dma_wait3A_2032 = tpu.memref_slice %arg11[%dma_wait3A_2030, %dma_wait3A_2031] : memref<10240x128xf32, #tpu.memory_space<vmem_shared>> -> memref<10240x128xf32, #tpu.memory_space<vmem_shared>>
      tpu.wait_indirect_dma semaphore(%arg19 : memref<!tpu.dma_semaphore, #tpu.memory_space<semaphore_mem>>) src(%arg14 : memref<80x128xf32, #tpu.memory_space<vmem>>) dst(%dma_wait3A_2032 : memref<10240x128xf32, #tpu.memory_space<vmem_shared>>)
      %dma_start3A_2033 = arith.constant 22 : i32
      %dma_start3A_2034 = arith.constant 0 : i32
      %dma_start3A_2035 = tpu.memref_slice %arg12[%dma_start3A_2033, %dma_start3A_2034] : memref<25x80xi32, #tpu.memory_space<vmem>> -> memref<1x80xi32, #tpu.memory_space<vmem>>
      %dma_start3A_2036 = tpu.memref_squeeze %dma_start3A_2035 : memref<1x80xi32, #tpu.memory_space<vmem>> -> memref<80xi32, #tpu.memory_space<vmem>>
      %dma_start3A_2037 = arith.constant 0 : i32
      %dma_start3A_2038 = arith.constant 0 : i32
      %dma_start3A_2039 = tpu.memref_slice %arg2[%dma_start3A_2037, %dma_start3A_2038] : memref<10000x128xf32, #tpu.memory_space<hbm>> -> memref<10000x128xf32, #tpu.memory_space<hbm>>
      tpu.enqueue_indirect_dma source(%dma_start3A_2039 : memref<10000x128xf32, #tpu.memory_space<hbm>>) target(%arg14 : memref<80x128xf32, #tpu.memory_space<vmem>>) offsets(%dma_start3A_2036 : memref<80xi32, #tpu.memory_space<vmem>>) semaphore(%arg17 : memref<!tpu.dma_semaphore, #tpu.memory_space<semaphore_mem>>)
      %dma_wait3A_2040 = arith.constant 21 : i32
      %dma_wait3A_2041 = arith.constant 0 : i32
      %dma_wait3A_2042 = tpu.memref_slice %arg12[%dma_wait3A_2040, %dma_wait3A_2041] : memref<25x80xi32, #tpu.memory_space<vmem>> -> memref<1x80xi32, #tpu.memory_space<vmem>>
      %dma_wait3A_2043 = tpu.memref_squeeze %dma_wait3A_2042 : memref<1x80xi32, #tpu.memory_space<vmem>> -> memref<80xi32, #tpu.memory_space<vmem>>
      %dma_wait3A_2044 = arith.constant 0 : i32
      %dma_wait3A_2045 = arith.constant 0 : i32
      %dma_wait3A_2046 = tpu.memref_slice %arg2[%dma_wait3A_2044, %dma_wait3A_2045] : memref<10000x128xf32, #tpu.memory_space<hbm>> -> memref<10000x128xf32, #tpu.memory_space<hbm>>
      tpu.wait_indirect_dma semaphore(%arg18 : memref<!tpu.dma_semaphore, #tpu.memory_space<semaphore_mem>>) src(%dma_wait3A_2046 : memref<10000x128xf32, #tpu.memory_space<hbm>>) dst(%arg15 : memref<80x128xf32, #tpu.memory_space<vmem>>)
      %dma_start3A_2047 = arith.constant 21 : i32
      %dma_start3A_2048 = arith.constant 0 : i32
      %dma_start3A_2049 = tpu.memref_slice %arg13[%dma_start3A_2047, %dma_start3A_2048] : memref<25x80xi32, #tpu.memory_space<vmem>> -> memref<1x80xi32, #tpu.memory_space<vmem>>
      %dma_start3A_2050 = tpu.memref_squeeze %dma_start3A_2049 : memref<1x80xi32, #tpu.memory_space<vmem>> -> memref<80xi32, #tpu.memory_space<vmem>>
      %dma_start3A_2051 = arith.constant 0 : i32
      %dma_start3A_2052 = arith.constant 0 : i32
      %dma_start3A_2053 = tpu.memref_slice %arg11[%dma_start3A_2051, %dma_start3A_2052] : memref<10240x128xf32, #tpu.memory_space<vmem_shared>> -> memref<10240x128xf32, #tpu.memory_space<vmem_shared>>
      tpu.enqueue_indirect_dma source(%arg15 : memref<80x128xf32, #tpu.memory_space<vmem>>) target(%dma_start3A_2053 : memref<10240x128xf32, #tpu.memory_space<vmem_shared>>) offsets(%dma_start3A_2050 : memref<80xi32, #tpu.memory_space<vmem>>) semaphore(%arg20 : memref<!tpu.dma_semaphore, #tpu.memory_space<semaphore_mem>>) {add = true}
      %get3A_2054 = arith.constant 22 : i32
      %get3A_2055 = arith.index_cast %get3A_2054 : i32 to index
      %get3A_2056 = arith.constant 0 : index
      %get3A_2057 = tpu.vector_load %arg13[%get3A_2055, %get3A_2056] {strides = array<i32>} : memref<25x80xi32, #tpu.memory_space<vmem>>, vector<16xi32>,
      %shift_right_logical3A_2058 = arith.constant 7 : i32
      %shift_right_logical3A_2059 = vector.broadcast %shift_right_logical3A_2058 : i32 to vector<16xi32>
      %shift_right_logical3A_2060 = arith.shrui %get3A_2057, %shift_right_logical3A_2059 : vector<16xi32>
      %and3A_2061 = arith.constant 127 : i32
      %and3A_2062 = vector.broadcast %and3A_2061 : i32 to vector<16xi32>
      %and3A_2063 = arith.andi %get3A_2057, %and3A_2062 : vector<16xi32>
      tpu.vector_store_idx %arg16[%shift_right_logical3A_2060, %and3A_2063], %broadcast_in_dim3A_1 {add = true} : memref<80x128xf32, #tpu.memory_space<vmem>>[vector<16xi32>, vector<16xi32>], vector<16xf32>,
      %get3A_2064 = arith.constant 22 : i32
      %get3A_2065 = arith.index_cast %get3A_2064 : i32 to index
      %get3A_2066 = arith.constant 16 : index
      %get3A_2067 = tpu.vector_load %arg13[%get3A_2065, %get3A_2066] {strides = array<i32>} : memref<25x80xi32, #tpu.memory_space<vmem>>, vector<16xi32>,
      %shift_right_logical3A_2068 = arith.constant 7 : i32
      %shift_right_logical3A_2069 = vector.broadcast %shift_right_logical3A_2068 : i32 to vector<16xi32>
      %shift_right_logical3A_2070 = arith.shrui %get3A_2067, %shift_right_logical3A_2069 : vector<16xi32>
      %and3A_2071 = arith.constant 127 : i32
      %and3A_2072 = vector.broadcast %and3A_2071 : i32 to vector<16xi32>
      %and3A_2073 = arith.andi %get3A_2067, %and3A_2072 : vector<16xi32>
      tpu.vector_store_idx %arg16[%shift_right_logical3A_2070, %and3A_2073], %broadcast_in_dim3A_1 {add = true} : memref<80x128xf32, #tpu.memory_space<vmem>>[vector<16xi32>, vector<16xi32>], vector<16xf32>,
      %get3A_2074 = arith.constant 22 : i32
      %get3A_2075 = arith.index_cast %get3A_2074 : i32 to index
      %get3A_2076 = arith.constant 32 : index
      %get3A_2077 = tpu.vector_load %arg13[%get3A_2075, %get3A_2076] {strides = array<i32>} : memref<25x80xi32, #tpu.memory_space<vmem>>, vector<16xi32>,
      %shift_right_logical3A_2078 = arith.constant 7 : i32
      %shift_right_logical3A_2079 = vector.broadcast %shift_right_logical3A_2078 : i32 to vector<16xi32>
      %shift_right_logical3A_2080 = arith.shrui %get3A_2077, %shift_right_logical3A_2079 : vector<16xi32>
      %and3A_2081 = arith.constant 127 : i32
      %and3A_2082 = vector.broadcast %and3A_2081 : i32 to vector<16xi32>
      %and3A_2083 = arith.andi %get3A_2077, %and3A_2082 : vector<16xi32>
      tpu.vector_store_idx %arg16[%shift_right_logical3A_2080, %and3A_2083], %broadcast_in_dim3A_1 {add = true} : memref<80x128xf32, #tpu.memory_space<vmem>>[vector<16xi32>, vector<16xi32>], vector<16xf32>,
      %get3A_2084 = arith.constant 22 : i32
      %get3A_2085 = arith.index_cast %get3A_2084 : i32 to index
      %get3A_2086 = arith.constant 48 : index
      %get3A_2087 = tpu.vector_load %arg13[%get3A_2085, %get3A_2086] {strides = array<i32>} : memref<25x80xi32, #tpu.memory_space<vmem>>, vector<16xi32>,
      %shift_right_logical3A_2088 = arith.constant 7 : i32
      %shift_right_logical3A_2089 = vector.broadcast %shift_right_logical3A_2088 : i32 to vector<16xi32>
      %shift_right_logical3A_2090 = arith.shrui %get3A_2087, %shift_right_logical3A_2089 : vector<16xi32>
      %and3A_2091 = arith.constant 127 : i32
      %and3A_2092 = vector.broadcast %and3A_2091 : i32 to vector<16xi32>
      %and3A_2093 = arith.andi %get3A_2087, %and3A_2092 : vector<16xi32>
      tpu.vector_store_idx %arg16[%shift_right_logical3A_2090, %and3A_2093], %broadcast_in_dim3A_1 {add = true} : memref<80x128xf32, #tpu.memory_space<vmem>>[vector<16xi32>, vector<16xi32>], vector<16xf32>,
      %get3A_2094 = arith.constant 22 : i32
      %get3A_2095 = arith.index_cast %get3A_2094 : i32 to index
      %get3A_2096 = arith.constant 64 : index
      %get3A_2097 = tpu.vector_load %arg13[%get3A_2095, %get3A_2096] {strides = array<i32>} : memref<25x80xi32, #tpu.memory_space<vmem>>, vector<16xi32>,
      %shift_right_logical3A_2098 = arith.constant 7 : i32
      %shift_right_logical3A_2099 = vector.broadcast %shift_right_logical3A_2098 : i32 to vector<16xi32>
      %shift_right_logical3A_2100 = arith.shrui %get3A_2097, %shift_right_logical3A_2099 : vector<16xi32>
      %and3A_2101 = arith.constant 127 : i32
      %and3A_2102 = vector.broadcast %and3A_2101 : i32 to vector<16xi32>
      %and3A_2103 = arith.andi %get3A_2097, %and3A_2102 : vector<16xi32>
      tpu.vector_store_idx %arg16[%shift_right_logical3A_2100, %and3A_2103], %broadcast_in_dim3A_1 {add = true} : memref<80x128xf32, #tpu.memory_space<vmem>>[vector<16xi32>, vector<16xi32>], vector<16xf32>,
      %dma_wait3A_2104 = arith.constant 21 : i32
      %dma_wait3A_2105 = arith.constant 0 : i32
      %dma_wait3A_2106 = tpu.memref_slice %arg13[%dma_wait3A_2104, %dma_wait3A_2105] : memref<25x80xi32, #tpu.memory_space<vmem>> -> memref<1x80xi32, #tpu.memory_space<vmem>>
      %dma_wait3A_2107 = tpu.memref_squeeze %dma_wait3A_2106 : memref<1x80xi32, #tpu.memory_space<vmem>> -> memref<80xi32, #tpu.memory_space<vmem>>
      %dma_wait3A_2108 = arith.constant 0 : i32
      %dma_wait3A_2109 = arith.constant 0 : i32
      %dma_wait3A_2110 = tpu.memref_slice %arg11[%dma_wait3A_2108, %dma_wait3A_2109] : memref<10240x128xf32, #tpu.memory_space<vmem_shared>> -> memref<10240x128xf32, #tpu.memory_space<vmem_shared>>
      tpu.wait_indirect_dma semaphore(%arg20 : memref<!tpu.dma_semaphore, #tpu.memory_space<semaphore_mem>>) src(%arg15 : memref<80x128xf32, #tpu.memory_space<vmem>>) dst(%dma_wait3A_2110 : memref<10240x128xf32, #tpu.memory_space<vmem_shared>>)
      %dma_start3A_2111 = arith.constant 23 : i32
      %dma_start3A_2112 = arith.constant 0 : i32
      %dma_start3A_2113 = tpu.memref_slice %arg12[%dma_start3A_2111, %dma_start3A_2112] : memref<25x80xi32, #tpu.memory_space<vmem>> -> memref<1x80xi32, #tpu.memory_space<vmem>>
      %dma_start3A_2114 = tpu.memref_squeeze %dma_start3A_2113 : memref<1x80xi32, #tpu.memory_space<vmem>> -> memref<80xi32, #tpu.memory_space<vmem>>
      %dma_start3A_2115 = arith.constant 0 : i32
      %dma_start3A_2116 = arith.constant 0 : i32
      %dma_start3A_2117 = tpu.memref_slice %arg2[%dma_start3A_2115, %dma_start3A_2116] : memref<10000x128xf32, #tpu.memory_space<hbm>> -> memref<10000x128xf32, #tpu.memory_space<hbm>>
      tpu.enqueue_indirect_dma source(%dma_start3A_2117 : memref<10000x128xf32, #tpu.memory_space<hbm>>) target(%arg15 : memref<80x128xf32, #tpu.memory_space<vmem>>) offsets(%dma_start3A_2114 : memref<80xi32, #tpu.memory_space<vmem>>) semaphore(%arg18 : memref<!tpu.dma_semaphore, #tpu.memory_space<semaphore_mem>>)
      %dma_wait3A_2118 = arith.constant 22 : i32
      %dma_wait3A_2119 = arith.constant 0 : i32
      %dma_wait3A_2120 = tpu.memref_slice %arg12[%dma_wait3A_2118, %dma_wait3A_2119] : memref<25x80xi32, #tpu.memory_space<vmem>> -> memref<1x80xi32, #tpu.memory_space<vmem>>
      %dma_wait3A_2121 = tpu.memref_squeeze %dma_wait3A_2120 : memref<1x80xi32, #tpu.memory_space<vmem>> -> memref<80xi32, #tpu.memory_space<vmem>>
      %dma_wait3A_2122 = arith.constant 0 : i32
      %dma_wait3A_2123 = arith.constant 0 : i32
      %dma_wait3A_2124 = tpu.memref_slice %arg2[%dma_wait3A_2122, %dma_wait3A_2123] : memref<10000x128xf32, #tpu.memory_space<hbm>> -> memref<10000x128xf32, #tpu.memory_space<hbm>>
      tpu.wait_indirect_dma semaphore(%arg17 : memref<!tpu.dma_semaphore, #tpu.memory_space<semaphore_mem>>) src(%dma_wait3A_2124 : memref<10000x128xf32, #tpu.memory_space<hbm>>) dst(%arg14 : memref<80x128xf32, #tpu.memory_space<vmem>>)
      %dma_start3A_2125 = arith.constant 22 : i32
      %dma_start3A_2126 = arith.constant 0 : i32
      %dma_start3A_2127 = tpu.memref_slice %arg13[%dma_start3A_2125, %dma_start3A_2126] : memref<25x80xi32, #tpu.memory_space<vmem>> -> memref<1x80xi32, #tpu.memory_space<vmem>>
      %dma_start3A_2128 = tpu.memref_squeeze %dma_start3A_2127 : memref<1x80xi32, #tpu.memory_space<vmem>> -> memref<80xi32, #tpu.memory_space<vmem>>
      %dma_start3A_2129 = arith.constant 0 : i32
      %dma_start3A_2130 = arith.constant 0 : i32
      %dma_start3A_2131 = tpu.memref_slice %arg11[%dma_start3A_2129, %dma_start3A_2130] : memref<10240x128xf32, #tpu.memory_space<vmem_shared>> -> memref<10240x128xf32, #tpu.memory_space<vmem_shared>>
      tpu.enqueue_indirect_dma source(%arg14 : memref<80x128xf32, #tpu.memory_space<vmem>>) target(%dma_start3A_2131 : memref<10240x128xf32, #tpu.memory_space<vmem_shared>>) offsets(%dma_start3A_2128 : memref<80xi32, #tpu.memory_space<vmem>>) semaphore(%arg19 : memref<!tpu.dma_semaphore, #tpu.memory_space<semaphore_mem>>) {add = true}
      %get3A_2132 = arith.constant 23 : i32
      %get3A_2133 = arith.index_cast %get3A_2132 : i32 to index
      %get3A_2134 = arith.constant 0 : index
      %get3A_2135 = tpu.vector_load %arg13[%get3A_2133, %get3A_2134] {strides = array<i32>} : memref<25x80xi32, #tpu.memory_space<vmem>>, vector<16xi32>,
      %shift_right_logical3A_2136 = arith.constant 7 : i32
      %shift_right_logical3A_2137 = vector.broadcast %shift_right_logical3A_2136 : i32 to vector<16xi32>
      %shift_right_logical3A_2138 = arith.shrui %get3A_2135, %shift_right_logical3A_2137 : vector<16xi32>
      %and3A_2139 = arith.constant 127 : i32
      %and3A_2140 = vector.broadcast %and3A_2139 : i32 to vector<16xi32>
      %and3A_2141 = arith.andi %get3A_2135, %and3A_2140 : vector<16xi32>
      tpu.vector_store_idx %arg16[%shift_right_logical3A_2138, %and3A_2141], %broadcast_in_dim3A_1 {add = true} : memref<80x128xf32, #tpu.memory_space<vmem>>[vector<16xi32>, vector<16xi32>], vector<16xf32>,
      %get3A_2142 = arith.constant 23 : i32
      %get3A_2143 = arith.index_cast %get3A_2142 : i32 to index
      %get3A_2144 = arith.constant 16 : index
      %get3A_2145 = tpu.vector_load %arg13[%get3A_2143, %get3A_2144] {strides = array<i32>} : memref<25x80xi32, #tpu.memory_space<vmem>>, vector<16xi32>,
      %shift_right_logical3A_2146 = arith.constant 7 : i32
      %shift_right_logical3A_2147 = vector.broadcast %shift_right_logical3A_2146 : i32 to vector<16xi32>
      %shift_right_logical3A_2148 = arith.shrui %get3A_2145, %shift_right_logical3A_2147 : vector<16xi32>
      %and3A_2149 = arith.constant 127 : i32
      %and3A_2150 = vector.broadcast %and3A_2149 : i32 to vector<16xi32>
      %and3A_2151 = arith.andi %get3A_2145, %and3A_2150 : vector<16xi32>
      tpu.vector_store_idx %arg16[%shift_right_logical3A_2148, %and3A_2151], %broadcast_in_dim3A_1 {add = true} : memref<80x128xf32, #tpu.memory_space<vmem>>[vector<16xi32>, vector<16xi32>], vector<16xf32>,
      %get3A_2152 = arith.constant 23 : i32
      %get3A_2153 = arith.index_cast %get3A_2152 : i32 to index
      %get3A_2154 = arith.constant 32 : index
      %get3A_2155 = tpu.vector_load %arg13[%get3A_2153, %get3A_2154] {strides = array<i32>} : memref<25x80xi32, #tpu.memory_space<vmem>>, vector<16xi32>,
      %shift_right_logical3A_2156 = arith.constant 7 : i32
      %shift_right_logical3A_2157 = vector.broadcast %shift_right_logical3A_2156 : i32 to vector<16xi32>
      %shift_right_logical3A_2158 = arith.shrui %get3A_2155, %shift_right_logical3A_2157 : vector<16xi32>
      %and3A_2159 = arith.constant 127 : i32
      %and3A_2160 = vector.broadcast %and3A_2159 : i32 to vector<16xi32>
      %and3A_2161 = arith.andi %get3A_2155, %and3A_2160 : vector<16xi32>
      tpu.vector_store_idx %arg16[%shift_right_logical3A_2158, %and3A_2161], %broadcast_in_dim3A_1 {add = true} : memref<80x128xf32, #tpu.memory_space<vmem>>[vector<16xi32>, vector<16xi32>], vector<16xf32>,
      %get3A_2162 = arith.constant 23 : i32
      %get3A_2163 = arith.index_cast %get3A_2162 : i32 to index
      %get3A_2164 = arith.constant 48 : index
      %get3A_2165 = tpu.vector_load %arg13[%get3A_2163, %get3A_2164] {strides = array<i32>} : memref<25x80xi32, #tpu.memory_space<vmem>>, vector<16xi32>,
      %shift_right_logical3A_2166 = arith.constant 7 : i32
      %shift_right_logical3A_2167 = vector.broadcast %shift_right_logical3A_2166 : i32 to vector<16xi32>
      %shift_right_logical3A_2168 = arith.shrui %get3A_2165, %shift_right_logical3A_2167 : vector<16xi32>
      %and3A_2169 = arith.constant 127 : i32
      %and3A_2170 = vector.broadcast %and3A_2169 : i32 to vector<16xi32>
      %and3A_2171 = arith.andi %get3A_2165, %and3A_2170 : vector<16xi32>
      tpu.vector_store_idx %arg16[%shift_right_logical3A_2168, %and3A_2171], %broadcast_in_dim3A_1 {add = true} : memref<80x128xf32, #tpu.memory_space<vmem>>[vector<16xi32>, vector<16xi32>], vector<16xf32>,
      %get3A_2172 = arith.constant 23 : i32
      %get3A_2173 = arith.index_cast %get3A_2172 : i32 to index
      %get3A_2174 = arith.constant 64 : index
      %get3A_2175 = tpu.vector_load %arg13[%get3A_2173, %get3A_2174] {strides = array<i32>} : memref<25x80xi32, #tpu.memory_space<vmem>>, vector<16xi32>,
      %shift_right_logical3A_2176 = arith.constant 7 : i32
      %shift_right_logical3A_2177 = vector.broadcast %shift_right_logical3A_2176 : i32 to vector<16xi32>
      %shift_right_logical3A_2178 = arith.shrui %get3A_2175, %shift_right_logical3A_2177 : vector<16xi32>
      %and3A_2179 = arith.constant 127 : i32
      %and3A_2180 = vector.broadcast %and3A_2179 : i32 to vector<16xi32>
      %and3A_2181 = arith.andi %get3A_2175, %and3A_2180 : vector<16xi32>
      tpu.vector_store_idx %arg16[%shift_right_logical3A_2178, %and3A_2181], %broadcast_in_dim3A_1 {add = true} : memref<80x128xf32, #tpu.memory_space<vmem>>[vector<16xi32>, vector<16xi32>], vector<16xf32>,
      %dma_wait3A_2182 = arith.constant 22 : i32
      %dma_wait3A_2183 = arith.constant 0 : i32
      %dma_wait3A_2184 = tpu.memref_slice %arg13[%dma_wait3A_2182, %dma_wait3A_2183] : memref<25x80xi32, #tpu.memory_space<vmem>> -> memref<1x80xi32, #tpu.memory_space<vmem>>
      %dma_wait3A_2185 = tpu.memref_squeeze %dma_wait3A_2184 : memref<1x80xi32, #tpu.memory_space<vmem>> -> memref<80xi32, #tpu.memory_space<vmem>>
      %dma_wait3A_2186 = arith.constant 0 : i32
      %dma_wait3A_2187 = arith.constant 0 : i32
      %dma_wait3A_2188 = tpu.memref_slice %arg11[%dma_wait3A_2186, %dma_wait3A_2187] : memref<10240x128xf32, #tpu.memory_space<vmem_shared>> -> memref<10240x128xf32, #tpu.memory_space<vmem_shared>>
      tpu.wait_indirect_dma semaphore(%arg19 : memref<!tpu.dma_semaphore, #tpu.memory_space<semaphore_mem>>) src(%arg14 : memref<80x128xf32, #tpu.memory_space<vmem>>) dst(%dma_wait3A_2188 : memref<10240x128xf32, #tpu.memory_space<vmem_shared>>)
      %dma_start3A_2189 = arith.constant 24 : i32
      %dma_start3A_2190 = arith.constant 0 : i32
      %dma_start3A_2191 = tpu.memref_slice %arg12[%dma_start3A_2189, %dma_start3A_2190] : memref<25x80xi32, #tpu.memory_space<vmem>> -> memref<1x80xi32, #tpu.memory_space<vmem>>
      %dma_start3A_2192 = tpu.memref_squeeze %dma_start3A_2191 : memref<1x80xi32, #tpu.memory_space<vmem>> -> memref<80xi32, #tpu.memory_space<vmem>>
      %dma_start3A_2193 = arith.constant 0 : i32
      %dma_start3A_2194 = arith.constant 0 : i32
      %dma_start3A_2195 = tpu.memref_slice %arg2[%dma_start3A_2193, %dma_start3A_2194] : memref<10000x128xf32, #tpu.memory_space<hbm>> -> memref<10000x128xf32, #tpu.memory_space<hbm>>
      tpu.enqueue_indirect_dma source(%dma_start3A_2195 : memref<10000x128xf32, #tpu.memory_space<hbm>>) target(%arg14 : memref<80x128xf32, #tpu.memory_space<vmem>>) offsets(%dma_start3A_2192 : memref<80xi32, #tpu.memory_space<vmem>>) semaphore(%arg17 : memref<!tpu.dma_semaphore, #tpu.memory_space<semaphore_mem>>)
      %dma_wait3A_2196 = arith.constant 23 : i32
      %dma_wait3A_2197 = arith.constant 0 : i32
      %dma_wait3A_2198 = tpu.memref_slice %arg12[%dma_wait3A_2196, %dma_wait3A_2197] : memref<25x80xi32, #tpu.memory_space<vmem>> -> memref<1x80xi32, #tpu.memory_space<vmem>>
      %dma_wait3A_2199 = tpu.memref_squeeze %dma_wait3A_2198 : memref<1x80xi32, #tpu.memory_space<vmem>> -> memref<80xi32, #tpu.memory_space<vmem>>
      %dma_wait3A_2200 = arith.constant 0 : i32
      %dma_wait3A_2201 = arith.constant 0 : i32
      %dma_wait3A_2202 = tpu.memref_slice %arg2[%dma_wait3A_2200, %dma_wait3A_2201] : memref<10000x128xf32, #tpu.memory_space<hbm>> -> memref<10000x128xf32, #tpu.memory_space<hbm>>
      tpu.wait_indirect_dma semaphore(%arg18 : memref<!tpu.dma_semaphore, #tpu.memory_space<semaphore_mem>>) src(%dma_wait3A_2202 : memref<10000x128xf32, #tpu.memory_space<hbm>>) dst(%arg15 : memref<80x128xf32, #tpu.memory_space<vmem>>)
      %dma_start3A_2203 = arith.constant 23 : i32
      %dma_start3A_2204 = arith.constant 0 : i32
      %dma_start3A_2205 = tpu.memref_slice %arg13[%dma_start3A_2203, %dma_start3A_2204] : memref<25x80xi32, #tpu.memory_space<vmem>> -> memref<1x80xi32, #tpu.memory_space<vmem>>
      %dma_start3A_2206 = tpu.memref_squeeze %dma_start3A_2205 : memref<1x80xi32, #tpu.memory_space<vmem>> -> memref<80xi32, #tpu.memory_space<vmem>>
      %dma_start3A_2207 = arith.constant 0 : i32
      %dma_start3A_2208 = arith.constant 0 : i32
      %dma_start3A_2209 = tpu.memref_slice %arg11[%dma_start3A_2207, %dma_start3A_2208] : memref<10240x128xf32, #tpu.memory_space<vmem_shared>> -> memref<10240x128xf32, #tpu.memory_space<vmem_shared>>
      tpu.enqueue_indirect_dma source(%arg15 : memref<80x128xf32, #tpu.memory_space<vmem>>) target(%dma_start3A_2209 : memref<10240x128xf32, #tpu.memory_space<vmem_shared>>) offsets(%dma_start3A_2206 : memref<80xi32, #tpu.memory_space<vmem>>) semaphore(%arg20 : memref<!tpu.dma_semaphore, #tpu.memory_space<semaphore_mem>>) {add = true}
      %get3A_2210 = arith.constant 24 : i32
      %get3A_2211 = arith.index_cast %get3A_2210 : i32 to index
      %get3A_2212 = arith.constant 0 : index
      %get3A_2213 = tpu.vector_load %arg13[%get3A_2211, %get3A_2212] {strides = array<i32>} : memref<25x80xi32, #tpu.memory_space<vmem>>, vector<16xi32>,
      %shift_right_logical3A_2214 = arith.constant 7 : i32
      %shift_right_logical3A_2215 = vector.broadcast %shift_right_logical3A_2214 : i32 to vector<16xi32>
      %shift_right_logical3A_2216 = arith.shrui %get3A_2213, %shift_right_logical3A_2215 : vector<16xi32>
      %and3A_2217 = arith.constant 127 : i32
      %and3A_2218 = vector.broadcast %and3A_2217 : i32 to vector<16xi32>
      %and3A_2219 = arith.andi %get3A_2213, %and3A_2218 : vector<16xi32>
      tpu.vector_store_idx %arg16[%shift_right_logical3A_2216, %and3A_2219], %broadcast_in_dim3A_1 {add = true} : memref<80x128xf32, #tpu.memory_space<vmem>>[vector<16xi32>, vector<16xi32>], vector<16xf32>,
      %get3A_2220 = arith.constant 24 : i32
      %get3A_2221 = arith.index_cast %get3A_2220 : i32 to index
      %get3A_2222 = arith.constant 16 : index
      %get3A_2223 = tpu.vector_load %arg13[%get3A_2221, %get3A_2222] {strides = array<i32>} : memref<25x80xi32, #tpu.memory_space<vmem>>, vector<16xi32>,
      %shift_right_logical3A_2224 = arith.constant 7 : i32
      %shift_right_logical3A_2225 = vector.broadcast %shift_right_logical3A_2224 : i32 to vector<16xi32>
      %shift_right_logical3A_2226 = arith.shrui %get3A_2223, %shift_right_logical3A_2225 : vector<16xi32>
      %and3A_2227 = arith.constant 127 : i32
      %and3A_2228 = vector.broadcast %and3A_2227 : i32 to vector<16xi32>
      %and3A_2229 = arith.andi %get3A_2223, %and3A_2228 : vector<16xi32>
      tpu.vector_store_idx %arg16[%shift_right_logical3A_2226, %and3A_2229], %broadcast_in_dim3A_1 {add = true} : memref<80x128xf32, #tpu.memory_space<vmem>>[vector<16xi32>, vector<16xi32>], vector<16xf32>,
      %get3A_2230 = arith.constant 24 : i32
      %get3A_2231 = arith.index_cast %get3A_2230 : i32 to index
      %get3A_2232 = arith.constant 32 : index
      %get3A_2233 = tpu.vector_load %arg13[%get3A_2231, %get3A_2232] {strides = array<i32>} : memref<25x80xi32, #tpu.memory_space<vmem>>, vector<16xi32>,
      %shift_right_logical3A_2234 = arith.constant 7 : i32
      %shift_right_logical3A_2235 = vector.broadcast %shift_right_logical3A_2234 : i32 to vector<16xi32>
      %shift_right_logical3A_2236 = arith.shrui %get3A_2233, %shift_right_logical3A_2235 : vector<16xi32>
      %and3A_2237 = arith.constant 127 : i32
      %and3A_2238 = vector.broadcast %and3A_2237 : i32 to vector<16xi32>
      %and3A_2239 = arith.andi %get3A_2233, %and3A_2238 : vector<16xi32>
      tpu.vector_store_idx %arg16[%shift_right_logical3A_2236, %and3A_2239], %broadcast_in_dim3A_1 {add = true} : memref<80x128xf32, #tpu.memory_space<vmem>>[vector<16xi32>, vector<16xi32>], vector<16xf32>,
      %get3A_2240 = arith.constant 24 : i32
      %get3A_2241 = arith.index_cast %get3A_2240 : i32 to index
      %get3A_2242 = arith.constant 48 : index
      %get3A_2243 = tpu.vector_load %arg13[%get3A_2241, %get3A_2242] {strides = array<i32>} : memref<25x80xi32, #tpu.memory_space<vmem>>, vector<16xi32>,
      %shift_right_logical3A_2244 = arith.constant 7 : i32
      %shift_right_logical3A_2245 = vector.broadcast %shift_right_logical3A_2244 : i32 to vector<16xi32>
      %shift_right_logical3A_2246 = arith.shrui %get3A_2243, %shift_right_logical3A_2245 : vector<16xi32>
      %and3A_2247 = arith.constant 127 : i32
      %and3A_2248 = vector.broadcast %and3A_2247 : i32 to vector<16xi32>
      %and3A_2249 = arith.andi %get3A_2243, %and3A_2248 : vector<16xi32>
      tpu.vector_store_idx %arg16[%shift_right_logical3A_2246, %and3A_2249], %broadcast_in_dim3A_1 {add = true} : memref<80x128xf32, #tpu.memory_space<vmem>>[vector<16xi32>, vector<16xi32>], vector<16xf32>,
      %get3A_2250 = arith.constant 24 : i32
      %get3A_2251 = arith.index_cast %get3A_2250 : i32 to index
      %get3A_2252 = arith.constant 64 : index
      %get3A_2253 = tpu.vector_load %arg13[%get3A_2251, %get3A_2252] {strides = array<i32>} : memref<25x80xi32, #tpu.memory_space<vmem>>, vector<16xi32>,
      %shift_right_logical3A_2254 = arith.constant 7 : i32
      %shift_right_logical3A_2255 = vector.broadcast %shift_right_logical3A_2254 : i32 to vector<16xi32>
      %shift_right_logical3A_2256 = arith.shrui %get3A_2253, %shift_right_logical3A_2255 : vector<16xi32>
      %and3A_2257 = arith.constant 127 : i32
      %and3A_2258 = vector.broadcast %and3A_2257 : i32 to vector<16xi32>
      %and3A_2259 = arith.andi %get3A_2253, %and3A_2258 : vector<16xi32>
      tpu.vector_store_idx %arg16[%shift_right_logical3A_2256, %and3A_2259], %broadcast_in_dim3A_1 {add = true} : memref<80x128xf32, #tpu.memory_space<vmem>>[vector<16xi32>, vector<16xi32>], vector<16xf32>,
      %dma_wait3A_2260 = arith.constant 24 : i32
      %dma_wait3A_2261 = arith.constant 0 : i32
      %dma_wait3A_2262 = tpu.memref_slice %arg12[%dma_wait3A_2260, %dma_wait3A_2261] : memref<25x80xi32, #tpu.memory_space<vmem>> -> memref<1x80xi32, #tpu.memory_space<vmem>>
      %dma_wait3A_2263 = tpu.memref_squeeze %dma_wait3A_2262 : memref<1x80xi32, #tpu.memory_space<vmem>> -> memref<80xi32, #tpu.memory_space<vmem>>
      %dma_wait3A_2264 = arith.constant 0 : i32
      %dma_wait3A_2265 = arith.constant 0 : i32
      %dma_wait3A_2266 = tpu.memref_slice %arg2[%dma_wait3A_2264, %dma_wait3A_2265] : memref<10000x128xf32, #tpu.memory_space<hbm>> -> memref<10000x128xf32, #tpu.memory_space<hbm>>
      tpu.wait_indirect_dma semaphore(%arg17 : memref<!tpu.dma_semaphore, #tpu.memory_space<semaphore_mem>>) src(%dma_wait3A_2266 : memref<10000x128xf32, #tpu.memory_space<hbm>>) dst(%arg14 : memref<80x128xf32, #tpu.memory_space<vmem>>)
      %dma_start3A_2267 = arith.constant 24 : i32
      %dma_start3A_2268 = arith.constant 0 : i32
      %dma_start3A_2269 = tpu.memref_slice %arg13[%dma_start3A_2267, %dma_start3A_2268] : memref<25x80xi32, #tpu.memory_space<vmem>> -> memref<1x80xi32, #tpu.memory_space<vmem>>
      %dma_start3A_2270 = tpu.memref_squeeze %dma_start3A_2269 : memref<1x80xi32, #tpu.memory_space<vmem>> -> memref<80xi32, #tpu.memory_space<vmem>>
      %dma_start3A_2271 = arith.constant 0 : i32
      %dma_start3A_2272 = arith.constant 0 : i32
      %dma_start3A_2273 = tpu.memref_slice %arg11[%dma_start3A_2271, %dma_start3A_2272] : memref<10240x128xf32, #tpu.memory_space<vmem_shared>> -> memref<10240x128xf32, #tpu.memory_space<vmem_shared>>
      tpu.enqueue_indirect_dma source(%arg14 : memref<80x128xf32, #tpu.memory_space<vmem>>) target(%dma_start3A_2273 : memref<10240x128xf32, #tpu.memory_space<vmem_shared>>) offsets(%dma_start3A_2270 : memref<80xi32, #tpu.memory_space<vmem>>) semaphore(%arg19 : memref<!tpu.dma_semaphore, #tpu.memory_space<semaphore_mem>>) {add = true}
      %dma_wait3A_2274 = arith.constant 23 : i32
      %dma_wait3A_2275 = arith.constant 0 : i32
      %dma_wait3A_2276 = tpu.memref_slice %arg13[%dma_wait3A_2274, %dma_wait3A_2275] : memref<25x80xi32, #tpu.memory_space<vmem>> -> memref<1x80xi32, #tpu.memory_space<vmem>>
      %dma_wait3A_2277 = tpu.memref_squeeze %dma_wait3A_2276 : memref<1x80xi32, #tpu.memory_space<vmem>> -> memref<80xi32, #tpu.memory_space<vmem>>
      %dma_wait3A_2278 = arith.constant 0 : i32
      %dma_wait3A_2279 = arith.constant 0 : i32
      %dma_wait3A_2280 = tpu.memref_slice %arg11[%dma_wait3A_2278, %dma_wait3A_2279] : memref<10240x128xf32, #tpu.memory_space<vmem_shared>> -> memref<10240x128xf32, #tpu.memory_space<vmem_shared>>
      tpu.wait_indirect_dma semaphore(%arg20 : memref<!tpu.dma_semaphore, #tpu.memory_space<semaphore_mem>>) src(%arg15 : memref<80x128xf32, #tpu.memory_space<vmem>>) dst(%dma_wait3A_2280 : memref<10240x128xf32, #tpu.memory_space<vmem_shared>>)
      %dma_wait3A_2281 = arith.constant 24 : i32
      %dma_wait3A_2282 = arith.constant 0 : i32
      %dma_wait3A_2283 = tpu.memref_slice %arg13[%dma_wait3A_2281, %dma_wait3A_2282] : memref<25x80xi32, #tpu.memory_space<vmem>> -> memref<1x80xi32, #tpu.memory_space<vmem>>
      %dma_wait3A_2284 = tpu.memref_squeeze %dma_wait3A_2283 : memref<1x80xi32, #tpu.memory_space<vmem>> -> memref<80xi32, #tpu.memory_space<vmem>>
      %dma_wait3A_2285 = arith.constant 0 : i32
      %dma_wait3A_2286 = arith.constant 0 : i32
      %dma_wait3A_2287 = tpu.memref_slice %arg11[%dma_wait3A_2285, %dma_wait3A_2286] : memref<10240x128xf32, #tpu.memory_space<vmem_shared>> -> memref<10240x128xf32, #tpu.memory_space<vmem_shared>>
      tpu.wait_indirect_dma semaphore(%arg19 : memref<!tpu.dma_semaphore, #tpu.memory_space<semaphore_mem>>) src(%arg14 : memref<80x128xf32, #tpu.memory_space<vmem>>) dst(%dma_wait3A_2287 : memref<10240x128xf32, #tpu.memory_space<vmem_shared>>)
    }
    %scan3A_8 = arith.constant 5 : i32
    "tpu.region"() ({
      %run_scoped3A_335 = tpu.sem_alloc : memref<!tpu.dma_semaphore, #tpu.memory_space<semaphore_mem>>
      %dma_start3A_336 = arith.constant 0 : i32
      %dma_start3A_337 = arith.constant 0 : i32
      %dma_start3A_338 = tpu.memref_slice %arg9[%arg0, %arg1, %dma_start3A_336, %dma_start3A_337] : memref<2x16x80x128xf32, #tpu.memory_space<hbm>> -> memref<1x1x80x128xf32, #tpu.memory_space<hbm>>
      %dma_start3A_339 = tpu.memref_squeeze %dma_start3A_338 : memref<1x1x80x128xf32, #tpu.memory_space<hbm>> -> memref<80x128xf32, #tpu.memory_space<hbm>>
      %dma_start3A_340 = arith.constant 0 : i32
      %dma_start3A_341 = arith.constant 0 : i32
      %dma_start3A_342 = tpu.memref_slice %arg9[%arg0, %arg1, %dma_start3A_340, %dma_start3A_341] : memref<2x16x80x128xf32, #tpu.memory_space<hbm>> -> memref<1x1x80x128xf32, #tpu.memory_space<hbm>>
      %dma_start3A_343 = tpu.memref_squeeze %dma_start3A_342 : memref<1x1x80x128xf32, #tpu.memory_space<hbm>> -> memref<80x128xf32, #tpu.memory_space<hbm>>
      tpu.enqueue_dma source(%arg16 : memref<80x128xf32, #tpu.memory_space<vmem>>) target(%dma_start3A_343 : memref<80x128xf32, #tpu.memory_space<hbm>>) target_semaphore(%run_scoped3A_335 : memref<!tpu.dma_semaphore, #tpu.memory_space<semaphore_mem>>)
      %dma_wait3A_344 = arith.constant 0 : i32
      %dma_wait3A_345 = arith.constant 0 : i32
      %dma_wait3A_346 = tpu.memref_slice %arg9[%arg0, %arg1, %dma_wait3A_344, %dma_wait3A_345] : memref<2x16x80x128xf32, #tpu.memory_space<hbm>> -> memref<1x1x80x128xf32, #tpu.memory_space<hbm>>
      %dma_wait3A_347 = tpu.memref_squeeze %dma_wait3A_346 : memref<1x1x80x128xf32, #tpu.memory_space<hbm>> -> memref<80x128xf32, #tpu.memory_space<hbm>>
      %dma_wait3A_348 = arith.constant 0 : i32
      %dma_wait3A_349 = arith.constant 0 : i32
      %dma_wait3A_350 = tpu.memref_slice %arg9[%arg0, %arg1, %dma_wait3A_348, %dma_wait3A_349] : memref<2x16x80x128xf32, #tpu.memory_space<hbm>> -> memref<1x1x80x128xf32, #tpu.memory_space<hbm>>
      %dma_wait3A_351 = tpu.memref_squeeze %dma_wait3A_350 : memref<1x1x80x128xf32, #tpu.memory_space<hbm>> -> memref<80x128xf32, #tpu.memory_space<hbm>>
      tpu.wait_dma2 semaphore(%run_scoped3A_335 : memref<!tpu.dma_semaphore, #tpu.memory_space<semaphore_mem>>) src(%arg16 : memref<80x128xf32, #tpu.memory_space<vmem>>) dst(%dma_wait3A_351 : memref<80x128xf32, #tpu.memory_space<hbm>>)
      tpu.yield
    }) : () -> ()
    %barrier3A_9 = arith.constant 0 : index
    tpu.barrier barrier_id(%barrier3A_9)
    %mul3A_10 = arith.constant 640 : i32
    %mul3A_11 = arith.muli %arg1, %mul3A_10 : i32
    %mul3A_12 = arith.constant 640 : i32
    %mul3A_13 = arith.muli %arg1, %mul3A_12 : i32
    "tpu.region"() ({
      %run_scoped3A_335 = tpu.sem_alloc : memref<!tpu.dma_semaphore, #tpu.memory_space<semaphore_mem>>
      %dma_start3A_336 = arith.constant 0 : i32
      %dma_start3A_337 = tpu.memref_slice %arg7[%arg0, %mul3A_13, %dma_start3A_336] : memref<2x10240x128xf32, #tpu.memory_space<hbm>> -> memref<1x640x128xf32, #tpu.memory_space<hbm>>
      %dma_start3A_338 = tpu.memref_squeeze %dma_start3A_337 : memref<1x640x128xf32, #tpu.memory_space<hbm>> -> memref<640x128xf32, #tpu.memory_space<hbm>>
      %dma_start3A_339 = arith.constant 0 : i32
      %dma_start3A_340 = tpu.memref_slice %arg11[%mul3A_11, %dma_start3A_339] : memref<10240x128xf32, #tpu.memory_space<vmem_shared>> -> memref<640x128xf32, #tpu.memory_space<vmem_shared>>
      tpu.enqueue_dma source(%dma_start3A_340 : memref<640x128xf32, #tpu.memory_space<vmem_shared>>) target(%dma_start3A_338 : memref<640x128xf32, #tpu.memory_space<hbm>>) target_semaphore(%run_scoped3A_335 : memref<!tpu.dma_semaphore, #tpu.memory_space<semaphore_mem>>)
      %dma_wait3A_341 = arith.constant 0 : i32
      %dma_wait3A_342 = tpu.memref_slice %arg7[%arg0, %mul3A_13, %dma_wait3A_341] : memref<2x10240x128xf32, #tpu.memory_space<hbm>> -> memref<1x640x128xf32, #tpu.memory_space<hbm>>
      %dma_wait3A_343 = tpu.memref_squeeze %dma_wait3A_342 : memref<1x640x128xf32, #tpu.memory_space<hbm>> -> memref<640x128xf32, #tpu.memory_space<hbm>>
      %dma_wait3A_344 = arith.constant 0 : i32
      %dma_wait3A_345 = tpu.memref_slice %arg11[%mul3A_11, %dma_wait3A_344] : memref<10240x128xf32, #tpu.memory_space<vmem_shared>> -> memref<640x128xf32, #tpu.memory_space<vmem_shared>>
      tpu.wait_dma2 semaphore(%run_scoped3A_335 : memref<!tpu.dma_semaphore, #tpu.memory_space<semaphore_mem>>) src(%dma_wait3A_345 : memref<640x128xf32, #tpu.memory_space<vmem_shared>>) dst(%dma_wait3A_343 : memref<640x128xf32, #tpu.memory_space<hbm>>)
      tpu.yield
    }) : () -> ()
    %barrier3A_14 = arith.constant 0 : index
    tpu.barrier barrier_id(%barrier3A_14)
    %mul3A_15 = arith.constant 640 : i32
    %mul3A_16 = arith.muli %arg1, %mul3A_15 : i32
    "tpu.region"() ({
      %run_scoped3A_335 = tpu.sem_alloc : memref<!tpu.dma_semaphore, #tpu.memory_space<semaphore_mem>>
      %dma_start3A_336 = arith.constant 0 : i32
      %dma_start3A_337 = tpu.memref_slice %arg11[%mul3A_16, %dma_start3A_336] : memref<10240x128xf32, #tpu.memory_space<vmem_shared>> -> memref<640x128xf32, #tpu.memory_space<vmem_shared>>
      tpu.enqueue_dma source(%arg6 : memref<640x128xf32, #tpu.memory_space<hbm>>) target(%dma_start3A_337 : memref<640x128xf32, #tpu.memory_space<vmem_shared>>) target_semaphore(%run_scoped3A_335 : memref<!tpu.dma_semaphore, #tpu.memory_space<semaphore_mem>>)
      %dma_wait3A_338 = arith.constant 0 : i32
      %dma_wait3A_339 = tpu.memref_slice %arg11[%mul3A_16, %dma_wait3A_338] : memref<10240x128xf32, #tpu.memory_space<vmem_shared>> -> memref<640x128xf32, #tpu.memory_space<vmem_shared>>
      tpu.wait_dma2 semaphore(%run_scoped3A_335 : memref<!tpu.dma_semaphore, #tpu.memory_space<semaphore_mem>>) src(%arg6 : memref<640x128xf32, #tpu.memory_space<hbm>>) dst(%dma_wait3A_339 : memref<640x128xf32, #tpu.memory_space<vmem_shared>>)
      tpu.yield
    }) : () -> ()
    "tpu.region"() ({
      %run_scoped3A_335 = tpu.sem_alloc : memref<!tpu.dma_semaphore, #tpu.memory_space<semaphore_mem>>
      %dma_start3A_336 = arith.constant 0 : i32
      %dma_start3A_337 = arith.constant 0 : i32
      %dma_start3A_338 = tpu.memref_slice %arg6[%dma_start3A_336, %dma_start3A_337] : memref<640x128xf32, #tpu.memory_space<hbm>> -> memref<80x128xf32, #tpu.memory_space<hbm>>
      %dma_start3A_339 = arith.constant 0 : i32
      %dma_start3A_340 = arith.constant 0 : i32
      %dma_start3A_341 = tpu.memref_slice %arg6[%dma_start3A_339, %dma_start3A_340] : memref<640x128xf32, #tpu.memory_space<hbm>> -> memref<80x128xf32, #tpu.memory_space<hbm>>
      tpu.enqueue_dma source(%dma_start3A_341 : memref<80x128xf32, #tpu.memory_space<hbm>>) target(%arg16 : memref<80x128xf32, #tpu.memory_space<vmem>>) target_semaphore(%run_scoped3A_335 : memref<!tpu.dma_semaphore, #tpu.memory_space<semaphore_mem>>)
      %dma_wait3A_342 = arith.constant 0 : i32
      %dma_wait3A_343 = arith.constant 0 : i32
      %dma_wait3A_344 = tpu.memref_slice %arg6[%dma_wait3A_342, %dma_wait3A_343] : memref<640x128xf32, #tpu.memory_space<hbm>> -> memref<80x128xf32, #tpu.memory_space<hbm>>
      %dma_wait3A_345 = arith.constant 0 : i32
      %dma_wait3A_346 = arith.constant 0 : i32
      %dma_wait3A_347 = tpu.memref_slice %arg6[%dma_wait3A_345, %dma_wait3A_346] : memref<640x128xf32, #tpu.memory_space<hbm>> -> memref<80x128xf32, #tpu.memory_space<hbm>>
      tpu.wait_dma2 semaphore(%run_scoped3A_335 : memref<!tpu.dma_semaphore, #tpu.memory_space<semaphore_mem>>) src(%dma_wait3A_347 : memref<80x128xf32, #tpu.memory_space<hbm>>) dst(%arg16 : memref<80x128xf32, #tpu.memory_space<vmem>>)
      tpu.yield
    }) : () -> ()
    %barrier3A_17 = arith.constant 0 : index
    tpu.barrier barrier_id(%barrier3A_17)
    %scan3A_18 = arith.constant 0 : i32
    %scan3A_19 = arith.constant 0 : i32
    %run_scoped3A = arith.constant 0 : i32
    "tpu.region"() ({
      %run_scoped3A_335 = tpu.sem_alloc : memref<!tpu.dma_semaphore, #tpu.memory_space<semaphore_mem>>
      %dma_start3A_336 = arith.constant 0 : i32
      %dma_start3A_337 = arith.constant 0 : i32
      %dma_start3A_338 = tpu.memref_slice %arg12[%dma_start3A_336, %dma_start3A_337] : memref<25x80xi32, #tpu.memory_space<vmem>> -> memref<4x80xi32, #tpu.memory_space<vmem>>
      %dma_start3A_339 = arith.constant 0 : i32
      %dma_start3A_340 = arith.constant 0 : i32
      %dma_start3A_341 = tpu.memref_slice %arg5[%run_scoped3A, %add3A, %scan3A_19, %dma_start3A_339, %dma_start3A_340] : memref<2x32x1x4x80xi32, #tpu.memory_space<hbm>> -> memref<1x1x1x4x80xi32, #tpu.memory_space<hbm>>
      %dma_start3A_342 = tpu.memref_squeeze %dma_start3A_341 : memref<1x1x1x4x80xi32, #tpu.memory_space<hbm>> -> memref<4x80xi32, #tpu.memory_space<hbm>>
      %dma_start3A_343 = arith.constant 0 : i32
      %dma_start3A_344 = arith.constant 0 : i32
      %dma_start3A_345 = tpu.memref_slice %arg12[%dma_start3A_343, %dma_start3A_344] : memref<25x80xi32, #tpu.memory_space<vmem>> -> memref<4x80xi32, #tpu.memory_space<vmem>>
      %dma_start3A_346 = arith.constant 0 : i32
      %dma_start3A_347 = arith.constant 0 : i32
      %dma_start3A_348 = tpu.memref_slice %arg5[%run_scoped3A, %add3A, %scan3A_19, %dma_start3A_346, %dma_start3A_347] : memref<2x32x1x4x80xi32, #tpu.memory_space<hbm>> -> memref<1x1x1x4x80xi32, #tpu.memory_space<hbm>>
      %dma_start3A_349 = tpu.memref_squeeze %dma_start3A_348 : memref<1x1x1x4x80xi32, #tpu.memory_space<hbm>> -> memref<4x80xi32, #tpu.memory_space<hbm>>
      tpu.enqueue_dma source(%dma_start3A_349 : memref<4x80xi32, #tpu.memory_space<hbm>>) target(%dma_start3A_345 : memref<4x80xi32, #tpu.memory_space<vmem>>) target_semaphore(%run_scoped3A_335 : memref<!tpu.dma_semaphore, #tpu.memory_space<semaphore_mem>>)
      %dma_wait3A_350 = arith.constant 0 : i32
      %dma_wait3A_351 = arith.constant 0 : i32
      %dma_wait3A_352 = tpu.memref_slice %arg12[%dma_wait3A_350, %dma_wait3A_351] : memref<25x80xi32, #tpu.memory_space<vmem>> -> memref<4x80xi32, #tpu.memory_space<vmem>>
      %dma_wait3A_353 = arith.constant 0 : i32
      %dma_wait3A_354 = arith.constant 0 : i32
      %dma_wait3A_355 = tpu.memref_slice %arg5[%run_scoped3A, %add3A, %scan3A_19, %dma_wait3A_353, %dma_wait3A_354] : memref<2x32x1x4x80xi32, #tpu.memory_space<hbm>> -> memref<1x1x1x4x80xi32, #tpu.memory_space<hbm>>
      %dma_wait3A_356 = tpu.memref_squeeze %dma_wait3A_355 : memref<1x1x1x4x80xi32, #tpu.memory_space<hbm>> -> memref<4x80xi32, #tpu.memory_space<hbm>>
      %dma_wait3A_357 = arith.constant 0 : i32
      %dma_wait3A_358 = arith.constant 0 : i32
      %dma_wait3A_359 = tpu.memref_slice %arg12[%dma_wait3A_357, %dma_wait3A_358] : memref<25x80xi32, #tpu.memory_space<vmem>> -> memref<4x80xi32, #tpu.memory_space<vmem>>
      %dma_wait3A_360 = arith.constant 0 : i32
      %dma_wait3A_361 = arith.constant 0 : i32
      %dma_wait3A_362 = tpu.memref_slice %arg5[%run_scoped3A, %add3A, %scan3A_19, %dma_wait3A_360, %dma_wait3A_361] : memref<2x32x1x4x80xi32, #tpu.memory_space<hbm>> -> memref<1x1x1x4x80xi32, #tpu.memory_space<hbm>>
      %dma_wait3A_363 = tpu.memref_squeeze %dma_wait3A_362 : memref<1x1x1x4x80xi32, #tpu.memory_space<hbm>> -> memref<4x80xi32, #tpu.memory_space<hbm>>
      tpu.wait_dma2 semaphore(%run_scoped3A_335 : memref<!tpu.dma_semaphore, #tpu.memory_space<semaphore_mem>>) src(%dma_wait3A_363 : memref<4x80xi32, #tpu.memory_space<hbm>>) dst(%dma_wait3A_359 : memref<4x80xi32, #tpu.memory_space<vmem>>)
      tpu.yield
    }) : () -> ()
    %run_scoped3A_20 = arith.constant 1 : i32
    "tpu.region"() ({
      %run_scoped3A_335 = tpu.sem_alloc : memref<!tpu.dma_semaphore, #tpu.memory_space<semaphore_mem>>
      %dma_start3A_336 = arith.constant 0 : i32
      %dma_start3A_337 = arith.constant 0 : i32
      %dma_start3A_338 = tpu.memref_slice %arg13[%dma_start3A_336, %dma_start3A_337] : memref<25x80xi32, #tpu.memory_space<vmem>> -> memref<4x80xi32, #tpu.memory_space<vmem>>
      %dma_start3A_339 = arith.constant 0 : i32
      %dma_start3A_340 = arith.constant 0 : i32
      %dma_start3A_341 = tpu.memref_slice %arg5[%run_scoped3A_20, %add3A, %scan3A_19, %dma_start3A_339, %dma_start3A_340] : memref<2x32x1x4x80xi32, #tpu.memory_space<hbm>> -> memref<1x1x1x4x80xi32, #tpu.memory_space<hbm>>
      %dma_start3A_342 = tpu.memref_squeeze %dma_start3A_341 : memref<1x1x1x4x80xi32, #tpu.memory_space<hbm>> -> memref<4x80xi32, #tpu.memory_space<hbm>>
      %dma_start3A_343 = arith.constant 0 : i32
      %dma_start3A_344 = arith.constant 0 : i32
      %dma_start3A_345 = tpu.memref_slice %arg13[%dma_start3A_343, %dma_start3A_344] : memref<25x80xi32, #tpu.memory_space<vmem>> -> memref<4x80xi32, #tpu.memory_space<vmem>>
      %dma_start3A_346 = arith.constant 0 : i32
      %dma_start3A_347 = arith.constant 0 : i32
      %dma_start3A_348 = tpu.memref_slice %arg5[%run_scoped3A_20, %add3A, %scan3A_19, %dma_start3A_346, %dma_start3A_347] : memref<2x32x1x4x80xi32, #tpu.memory_space<hbm>> -> memref<1x1x1x4x80xi32, #tpu.memory_space<hbm>>
      %dma_start3A_349 = tpu.memref_squeeze %dma_start3A_348 : memref<1x1x1x4x80xi32, #tpu.memory_space<hbm>> -> memref<4x80xi32, #tpu.memory_space<hbm>>
      tpu.enqueue_dma source(%dma_start3A_349 : memref<4x80xi32, #tpu.memory_space<hbm>>) target(%dma_start3A_345 : memref<4x80xi32, #tpu.memory_space<vmem>>) target_semaphore(%run_scoped3A_335 : memref<!tpu.dma_semaphore, #tpu.memory_space<semaphore_mem>>)
      %dma_wait3A_350 = arith.constant 0 : i32
      %dma_wait3A_351 = arith.constant 0 : i32
      %dma_wait3A_352 = tpu.memref_slice %arg13[%dma_wait3A_350, %dma_wait3A_351] : memref<25x80xi32, #tpu.memory_space<vmem>> -> memref<4x80xi32, #tpu.memory_space<vmem>>
      %dma_wait3A_353 = arith.constant 0 : i32
      %dma_wait3A_354 = arith.constant 0 : i32
      %dma_wait3A_355 = tpu.memref_slice %arg5[%run_scoped3A_20, %add3A, %scan3A_19, %dma_wait3A_353, %dma_wait3A_354] : memref<2x32x1x4x80xi32, #tpu.memory_space<hbm>> -> memref<1x1x1x4x80xi32, #tpu.memory_space<hbm>>
      %dma_wait3A_356 = tpu.memref_squeeze %dma_wait3A_355 : memref<1x1x1x4x80xi32, #tpu.memory_space<hbm>> -> memref<4x80xi32, #tpu.memory_space<hbm>>
      %dma_wait3A_357 = arith.constant 0 : i32
      %dma_wait3A_358 = arith.constant 0 : i32
      %dma_wait3A_359 = tpu.memref_slice %arg13[%dma_wait3A_357, %dma_wait3A_358] : memref<25x80xi32, #tpu.memory_space<vmem>> -> memref<4x80xi32, #tpu.memory_space<vmem>>
      %dma_wait3A_360 = arith.constant 0 : i32
      %dma_wait3A_361 = arith.constant 0 : i32
      %dma_wait3A_362 = tpu.memref_slice %arg5[%run_scoped3A_20, %add3A, %scan3A_19, %dma_wait3A_360, %dma_wait3A_361] : memref<2x32x1x4x80xi32, #tpu.memory_space<hbm>> -> memref<1x1x1x4x80xi32, #tpu.memory_space<hbm>>
      %dma_wait3A_363 = tpu.memref_squeeze %dma_wait3A_362 : memref<1x1x1x4x80xi32, #tpu.memory_space<hbm>> -> memref<4x80xi32, #tpu.memory_space<hbm>>
      tpu.wait_dma2 semaphore(%run_scoped3A_335 : memref<!tpu.dma_semaphore, #tpu.memory_space<semaphore_mem>>) src(%dma_wait3A_363 : memref<4x80xi32, #tpu.memory_space<hbm>>) dst(%dma_wait3A_359 : memref<4x80xi32, #tpu.memory_space<vmem>>)
      tpu.yield
    }) : () -> ()
    %dma_start3A = arith.constant 0 : i32
    %dma_start3A_21 = arith.constant 0 : i32
    %dma_start3A_22 = tpu.memref_slice %arg12[%dma_start3A, %dma_start3A_21] : memref<25x80xi32, #tpu.memory_space<vmem>> -> memref<1x80xi32, #tpu.memory_space<vmem>>
    %dma_start3A_23 = tpu.memref_squeeze %dma_start3A_22 : memref<1x80xi32, #tpu.memory_space<vmem>> -> memref<80xi32, #tpu.memory_space<vmem>>
    %dma_start3A_24 = arith.constant 0 : i32
    %dma_start3A_25 = arith.constant 0 : i32
    %dma_start3A_26 = tpu.memref_slice %arg3[%dma_start3A_24, %dma_start3A_25] : memref<64x128xf32, #tpu.memory_space<hbm>> -> memref<64x128xf32, #tpu.memory_space<hbm>>
    tpu.enqueue_indirect_dma source(%dma_start3A_26 : memref<64x128xf32, #tpu.memory_space<hbm>>) target(%arg14 : memref<80x128xf32, #tpu.memory_space<vmem>>) offsets(%dma_start3A_23 : memref<80xi32, #tpu.memory_space<vmem>>) semaphore(%arg17 : memref<!tpu.dma_semaphore, #tpu.memory_space<semaphore_mem>>)
    %get3A = arith.constant 0 : i32
    %get3A_27 = arith.index_cast %get3A : i32 to index
    %get3A_28 = arith.constant 0 : index
    %get3A_29 = tpu.vector_load %arg13[%get3A_27, %get3A_28] {strides = array<i32>} : memref<25x80xi32, #tpu.memory_space<vmem>>, vector<16xi32>,
    %shift_right_logical3A = arith.constant 7 : i32
    %shift_right_logical3A_30 = vector.broadcast %shift_right_logical3A : i32 to vector<16xi32>
    %shift_right_logical3A_31 = arith.shrui %get3A_29, %shift_right_logical3A_30 : vector<16xi32>
    %and3A = arith.constant 127 : i32
    %and3A_32 = vector.broadcast %and3A : i32 to vector<16xi32>
    %and3A_33 = arith.andi %get3A_29, %and3A_32 : vector<16xi32>
    tpu.vector_store_idx %arg16[%shift_right_logical3A_31, %and3A_33], %broadcast_in_dim3A_1 {add = true} : memref<80x128xf32, #tpu.memory_space<vmem>>[vector<16xi32>, vector<16xi32>], vector<16xf32>,
    %get3A_34 = arith.constant 0 : i32
    %get3A_35 = arith.index_cast %get3A_34 : i32 to index
    %get3A_36 = arith.constant 16 : index
    %get3A_37 = tpu.vector_load %arg13[%get3A_35, %get3A_36] {strides = array<i32>} : memref<25x80xi32, #tpu.memory_space<vmem>>, vector<16xi32>,
    %shift_right_logical3A_38 = arith.constant 7 : i32
    %shift_right_logical3A_39 = vector.broadcast %shift_right_logical3A_38 : i32 to vector<16xi32>
    %shift_right_logical3A_40 = arith.shrui %get3A_37, %shift_right_logical3A_39 : vector<16xi32>
    %and3A_41 = arith.constant 127 : i32
    %and3A_42 = vector.broadcast %and3A_41 : i32 to vector<16xi32>
    %and3A_43 = arith.andi %get3A_37, %and3A_42 : vector<16xi32>
    tpu.vector_store_idx %arg16[%shift_right_logical3A_40, %and3A_43], %broadcast_in_dim3A_1 {add = true} : memref<80x128xf32, #tpu.memory_space<vmem>>[vector<16xi32>, vector<16xi32>], vector<16xf32>,
    %get3A_44 = arith.constant 0 : i32
    %get3A_45 = arith.index_cast %get3A_44 : i32 to index
    %get3A_46 = arith.constant 32 : index
    %get3A_47 = tpu.vector_load %arg13[%get3A_45, %get3A_46] {strides = array<i32>} : memref<25x80xi32, #tpu.memory_space<vmem>>, vector<16xi32>,
    %shift_right_logical3A_48 = arith.constant 7 : i32
    %shift_right_logical3A_49 = vector.broadcast %shift_right_logical3A_48 : i32 to vector<16xi32>
    %shift_right_logical3A_50 = arith.shrui %get3A_47, %shift_right_logical3A_49 : vector<16xi32>
    %and3A_51 = arith.constant 127 : i32
    %and3A_52 = vector.broadcast %and3A_51 : i32 to vector<16xi32>
    %and3A_53 = arith.andi %get3A_47, %and3A_52 : vector<16xi32>
    tpu.vector_store_idx %arg16[%shift_right_logical3A_50, %and3A_53], %broadcast_in_dim3A_1 {add = true} : memref<80x128xf32, #tpu.memory_space<vmem>>[vector<16xi32>, vector<16xi32>], vector<16xf32>,
    %get3A_54 = arith.constant 0 : i32
    %get3A_55 = arith.index_cast %get3A_54 : i32 to index
    %get3A_56 = arith.constant 48 : index
    %get3A_57 = tpu.vector_load %arg13[%get3A_55, %get3A_56] {strides = array<i32>} : memref<25x80xi32, #tpu.memory_space<vmem>>, vector<16xi32>,
    %shift_right_logical3A_58 = arith.constant 7 : i32
    %shift_right_logical3A_59 = vector.broadcast %shift_right_logical3A_58 : i32 to vector<16xi32>
    %shift_right_logical3A_60 = arith.shrui %get3A_57, %shift_right_logical3A_59 : vector<16xi32>
    %and3A_61 = arith.constant 127 : i32
    %and3A_62 = vector.broadcast %and3A_61 : i32 to vector<16xi32>
    %and3A_63 = arith.andi %get3A_57, %and3A_62 : vector<16xi32>
    tpu.vector_store_idx %arg16[%shift_right_logical3A_60, %and3A_63], %broadcast_in_dim3A_1 {add = true} : memref<80x128xf32, #tpu.memory_space<vmem>>[vector<16xi32>, vector<16xi32>], vector<16xf32>,
    %get3A_64 = arith.constant 0 : i32
    %get3A_65 = arith.index_cast %get3A_64 : i32 to index
    %get3A_66 = arith.constant 64 : index
    %get3A_67 = tpu.vector_load %arg13[%get3A_65, %get3A_66] {strides = array<i32>} : memref<25x80xi32, #tpu.memory_space<vmem>>, vector<16xi32>,
    %shift_right_logical3A_68 = arith.constant 7 : i32
    %shift_right_logical3A_69 = vector.broadcast %shift_right_logical3A_68 : i32 to vector<16xi32>
    %shift_right_logical3A_70 = arith.shrui %get3A_67, %shift_right_logical3A_69 : vector<16xi32>
    %and3A_71 = arith.constant 127 : i32
    %and3A_72 = vector.broadcast %and3A_71 : i32 to vector<16xi32>
    %and3A_73 = arith.andi %get3A_67, %and3A_72 : vector<16xi32>
    tpu.vector_store_idx %arg16[%shift_right_logical3A_70, %and3A_73], %broadcast_in_dim3A_1 {add = true} : memref<80x128xf32, #tpu.memory_space<vmem>>[vector<16xi32>, vector<16xi32>], vector<16xf32>,
    %dma_start3A_74 = arith.constant 1 : i32
    %dma_start3A_75 = arith.constant 0 : i32
    %dma_start3A_76 = tpu.memref_slice %arg12[%dma_start3A_74, %dma_start3A_75] : memref<25x80xi32, #tpu.memory_space<vmem>> -> memref<1x80xi32, #tpu.memory_space<vmem>>
    %dma_start3A_77 = tpu.memref_squeeze %dma_start3A_76 : memref<1x80xi32, #tpu.memory_space<vmem>> -> memref<80xi32, #tpu.memory_space<vmem>>
    %dma_start3A_78 = arith.constant 0 : i32
    %dma_start3A_79 = arith.constant 0 : i32
    %dma_start3A_80 = tpu.memref_slice %arg3[%dma_start3A_78, %dma_start3A_79] : memref<64x128xf32, #tpu.memory_space<hbm>> -> memref<64x128xf32, #tpu.memory_space<hbm>>
    tpu.enqueue_indirect_dma source(%dma_start3A_80 : memref<64x128xf32, #tpu.memory_space<hbm>>) target(%arg15 : memref<80x128xf32, #tpu.memory_space<vmem>>) offsets(%dma_start3A_77 : memref<80xi32, #tpu.memory_space<vmem>>) semaphore(%arg18 : memref<!tpu.dma_semaphore, #tpu.memory_space<semaphore_mem>>)
    %dma_wait3A = arith.constant 0 : i32
    %dma_wait3A_81 = arith.constant 0 : i32
    %dma_wait3A_82 = tpu.memref_slice %arg12[%dma_wait3A, %dma_wait3A_81] : memref<25x80xi32, #tpu.memory_space<vmem>> -> memref<1x80xi32, #tpu.memory_space<vmem>>
    %dma_wait3A_83 = tpu.memref_squeeze %dma_wait3A_82 : memref<1x80xi32, #tpu.memory_space<vmem>> -> memref<80xi32, #tpu.memory_space<vmem>>
    %dma_wait3A_84 = arith.constant 0 : i32
    %dma_wait3A_85 = arith.constant 0 : i32
    %dma_wait3A_86 = tpu.memref_slice %arg3[%dma_wait3A_84, %dma_wait3A_85] : memref<64x128xf32, #tpu.memory_space<hbm>> -> memref<64x128xf32, #tpu.memory_space<hbm>>
    tpu.wait_indirect_dma semaphore(%arg17 : memref<!tpu.dma_semaphore, #tpu.memory_space<semaphore_mem>>) src(%dma_wait3A_86 : memref<64x128xf32, #tpu.memory_space<hbm>>) dst(%arg14 : memref<80x128xf32, #tpu.memory_space<vmem>>)
    %dma_start3A_87 = arith.constant 0 : i32
    %dma_start3A_88 = arith.constant 0 : i32
    %dma_start3A_89 = tpu.memref_slice %arg13[%dma_start3A_87, %dma_start3A_88] : memref<25x80xi32, #tpu.memory_space<vmem>> -> memref<1x80xi32, #tpu.memory_space<vmem>>
    %dma_start3A_90 = tpu.memref_squeeze %dma_start3A_89 : memref<1x80xi32, #tpu.memory_space<vmem>> -> memref<80xi32, #tpu.memory_space<vmem>>
    %dma_start3A_91 = arith.constant 0 : i32
    %dma_start3A_92 = arith.constant 0 : i32
    %dma_start3A_93 = tpu.memref_slice %arg11[%dma_start3A_91, %dma_start3A_92] : memref<10240x128xf32, #tpu.memory_space<vmem_shared>> -> memref<10240x128xf32, #tpu.memory_space<vmem_shared>>
    tpu.enqueue_indirect_dma source(%arg14 : memref<80x128xf32, #tpu.memory_space<vmem>>) target(%dma_start3A_93 : memref<10240x128xf32, #tpu.memory_space<vmem_shared>>) offsets(%dma_start3A_90 : memref<80xi32, #tpu.memory_space<vmem>>) semaphore(%arg19 : memref<!tpu.dma_semaphore, #tpu.memory_space<semaphore_mem>>) {add = true}
    %get3A_94 = arith.constant 1 : i32
    %get3A_95 = arith.index_cast %get3A_94 : i32 to index
    %get3A_96 = arith.constant 0 : index
    %get3A_97 = tpu.vector_load %arg13[%get3A_95, %get3A_96] {strides = array<i32>} : memref<25x80xi32, #tpu.memory_space<vmem>>, vector<16xi32>,
    %shift_right_logical3A_98 = arith.constant 7 : i32
    %shift_right_logical3A_99 = vector.broadcast %shift_right_logical3A_98 : i32 to vector<16xi32>
    %shift_right_logical3A_100 = arith.shrui %get3A_97, %shift_right_logical3A_99 : vector<16xi32>
    %and3A_101 = arith.constant 127 : i32
    %and3A_102 = vector.broadcast %and3A_101 : i32 to vector<16xi32>
    %and3A_103 = arith.andi %get3A_97, %and3A_102 : vector<16xi32>
    tpu.vector_store_idx %arg16[%shift_right_logical3A_100, %and3A_103], %broadcast_in_dim3A_1 {add = true} : memref<80x128xf32, #tpu.memory_space<vmem>>[vector<16xi32>, vector<16xi32>], vector<16xf32>,
    %get3A_104 = arith.constant 1 : i32
    %get3A_105 = arith.index_cast %get3A_104 : i32 to index
    %get3A_106 = arith.constant 16 : index
    %get3A_107 = tpu.vector_load %arg13[%get3A_105, %get3A_106] {strides = array<i32>} : memref<25x80xi32, #tpu.memory_space<vmem>>, vector<16xi32>,
    %shift_right_logical3A_108 = arith.constant 7 : i32
    %shift_right_logical3A_109 = vector.broadcast %shift_right_logical3A_108 : i32 to vector<16xi32>
    %shift_right_logical3A_110 = arith.shrui %get3A_107, %shift_right_logical3A_109 : vector<16xi32>
    %and3A_111 = arith.constant 127 : i32
    %and3A_112 = vector.broadcast %and3A_111 : i32 to vector<16xi32>
    %and3A_113 = arith.andi %get3A_107, %and3A_112 : vector<16xi32>
    tpu.vector_store_idx %arg16[%shift_right_logical3A_110, %and3A_113], %broadcast_in_dim3A_1 {add = true} : memref<80x128xf32, #tpu.memory_space<vmem>>[vector<16xi32>, vector<16xi32>], vector<16xf32>,
    %get3A_114 = arith.constant 1 : i32
    %get3A_115 = arith.index_cast %get3A_114 : i32 to index
    %get3A_116 = arith.constant 32 : index
    %get3A_117 = tpu.vector_load %arg13[%get3A_115, %get3A_116] {strides = array<i32>} : memref<25x80xi32, #tpu.memory_space<vmem>>, vector<16xi32>,
    %shift_right_logical3A_118 = arith.constant 7 : i32
    %shift_right_logical3A_119 = vector.broadcast %shift_right_logical3A_118 : i32 to vector<16xi32>
    %shift_right_logical3A_120 = arith.shrui %get3A_117, %shift_right_logical3A_119 : vector<16xi32>
    %and3A_121 = arith.constant 127 : i32
    %and3A_122 = vector.broadcast %and3A_121 : i32 to vector<16xi32>
    %and3A_123 = arith.andi %get3A_117, %and3A_122 : vector<16xi32>
    tpu.vector_store_idx %arg16[%shift_right_logical3A_120, %and3A_123], %broadcast_in_dim3A_1 {add = true} : memref<80x128xf32, #tpu.memory_space<vmem>>[vector<16xi32>, vector<16xi32>], vector<16xf32>,
    %get3A_124 = arith.constant 1 : i32
    %get3A_125 = arith.index_cast %get3A_124 : i32 to index
    %get3A_126 = arith.constant 48 : index
    %get3A_127 = tpu.vector_load %arg13[%get3A_125, %get3A_126] {strides = array<i32>} : memref<25x80xi32, #tpu.memory_space<vmem>>, vector<16xi32>,
    %shift_right_logical3A_128 = arith.constant 7 : i32
    %shift_right_logical3A_129 = vector.broadcast %shift_right_logical3A_128 : i32 to vector<16xi32>
    %shift_right_logical3A_130 = arith.shrui %get3A_127, %shift_right_logical3A_129 : vector<16xi32>
    %and3A_131 = arith.constant 127 : i32
    %and3A_132 = vector.broadcast %and3A_131 : i32 to vector<16xi32>
    %and3A_133 = arith.andi %get3A_127, %and3A_132 : vector<16xi32>
    tpu.vector_store_idx %arg16[%shift_right_logical3A_130, %and3A_133], %broadcast_in_dim3A_1 {add = true} : memref<80x128xf32, #tpu.memory_space<vmem>>[vector<16xi32>, vector<16xi32>], vector<16xf32>,
    %get3A_134 = arith.constant 1 : i32
    %get3A_135 = arith.index_cast %get3A_134 : i32 to index
    %get3A_136 = arith.constant 64 : index
    %get3A_137 = tpu.vector_load %arg13[%get3A_135, %get3A_136] {strides = array<i32>} : memref<25x80xi32, #tpu.memory_space<vmem>>, vector<16xi32>,
    %shift_right_logical3A_138 = arith.constant 7 : i32
    %shift_right_logical3A_139 = vector.broadcast %shift_right_logical3A_138 : i32 to vector<16xi32>
    %shift_right_logical3A_140 = arith.shrui %get3A_137, %shift_right_logical3A_139 : vector<16xi32>
    %and3A_141 = arith.constant 127 : i32
    %and3A_142 = vector.broadcast %and3A_141 : i32 to vector<16xi32>
    %and3A_143 = arith.andi %get3A_137, %and3A_142 : vector<16xi32>
    tpu.vector_store_idx %arg16[%shift_right_logical3A_140, %and3A_143], %broadcast_in_dim3A_1 {add = true} : memref<80x128xf32, #tpu.memory_space<vmem>>[vector<16xi32>, vector<16xi32>], vector<16xf32>,
    %dma_wait3A_144 = arith.constant 0 : i32
    %dma_wait3A_145 = arith.constant 0 : i32
    %dma_wait3A_146 = tpu.memref_slice %arg13[%dma_wait3A_144, %dma_wait3A_145] : memref<25x80xi32, #tpu.memory_space<vmem>> -> memref<1x80xi32, #tpu.memory_space<vmem>>
    %dma_wait3A_147 = tpu.memref_squeeze %dma_wait3A_146 : memref<1x80xi32, #tpu.memory_space<vmem>> -> memref<80xi32, #tpu.memory_space<vmem>>
    %dma_wait3A_148 = arith.constant 0 : i32
    %dma_wait3A_149 = arith.constant 0 : i32
    %dma_wait3A_150 = tpu.memref_slice %arg11[%dma_wait3A_148, %dma_wait3A_149] : memref<10240x128xf32, #tpu.memory_space<vmem_shared>> -> memref<10240x128xf32, #tpu.memory_space<vmem_shared>>
    tpu.wait_indirect_dma semaphore(%arg19 : memref<!tpu.dma_semaphore, #tpu.memory_space<semaphore_mem>>) src(%arg14 : memref<80x128xf32, #tpu.memory_space<vmem>>) dst(%dma_wait3A_150 : memref<10240x128xf32, #tpu.memory_space<vmem_shared>>)
    %dma_start3A_151 = arith.constant 2 : i32
    %dma_start3A_152 = arith.constant 0 : i32
    %dma_start3A_153 = tpu.memref_slice %arg12[%dma_start3A_151, %dma_start3A_152] : memref<25x80xi32, #tpu.memory_space<vmem>> -> memref<1x80xi32, #tpu.memory_space<vmem>>
    %dma_start3A_154 = tpu.memref_squeeze %dma_start3A_153 : memref<1x80xi32, #tpu.memory_space<vmem>> -> memref<80xi32, #tpu.memory_space<vmem>>
    %dma_start3A_155 = arith.constant 0 : i32
    %dma_start3A_156 = arith.constant 0 : i32
    %dma_start3A_157 = tpu.memref_slice %arg3[%dma_start3A_155, %dma_start3A_156] : memref<64x128xf32, #tpu.memory_space<hbm>> -> memref<64x128xf32, #tpu.memory_space<hbm>>
    tpu.enqueue_indirect_dma source(%dma_start3A_157 : memref<64x128xf32, #tpu.memory_space<hbm>>) target(%arg14 : memref<80x128xf32, #tpu.memory_space<vmem>>) offsets(%dma_start3A_154 : memref<80xi32, #tpu.memory_space<vmem>>) semaphore(%arg17 : memref<!tpu.dma_semaphore, #tpu.memory_space<semaphore_mem>>)
    %dma_wait3A_158 = arith.constant 1 : i32
    %dma_wait3A_159 = arith.constant 0 : i32
    %dma_wait3A_160 = tpu.memref_slice %arg12[%dma_wait3A_158, %dma_wait3A_159] : memref<25x80xi32, #tpu.memory_space<vmem>> -> memref<1x80xi32, #tpu.memory_space<vmem>>
    %dma_wait3A_161 = tpu.memref_squeeze %dma_wait3A_160 : memref<1x80xi32, #tpu.memory_space<vmem>> -> memref<80xi32, #tpu.memory_space<vmem>>
    %dma_wait3A_162 = arith.constant 0 : i32
    %dma_wait3A_163 = arith.constant 0 : i32
    %dma_wait3A_164 = tpu.memref_slice %arg3[%dma_wait3A_162, %dma_wait3A_163] : memref<64x128xf32, #tpu.memory_space<hbm>> -> memref<64x128xf32, #tpu.memory_space<hbm>>
    tpu.wait_indirect_dma semaphore(%arg18 : memref<!tpu.dma_semaphore, #tpu.memory_space<semaphore_mem>>) src(%dma_wait3A_164 : memref<64x128xf32, #tpu.memory_space<hbm>>) dst(%arg15 : memref<80x128xf32, #tpu.memory_space<vmem>>)
    %dma_start3A_165 = arith.constant 1 : i32
    %dma_start3A_166 = arith.constant 0 : i32
    %dma_start3A_167 = tpu.memref_slice %arg13[%dma_start3A_165, %dma_start3A_166] : memref<25x80xi32, #tpu.memory_space<vmem>> -> memref<1x80xi32, #tpu.memory_space<vmem>>
    %dma_start3A_168 = tpu.memref_squeeze %dma_start3A_167 : memref<1x80xi32, #tpu.memory_space<vmem>> -> memref<80xi32, #tpu.memory_space<vmem>>
    %dma_start3A_169 = arith.constant 0 : i32
    %dma_start3A_170 = arith.constant 0 : i32
    %dma_start3A_171 = tpu.memref_slice %arg11[%dma_start3A_169, %dma_start3A_170] : memref<10240x128xf32, #tpu.memory_space<vmem_shared>> -> memref<10240x128xf32, #tpu.memory_space<vmem_shared>>
    tpu.enqueue_indirect_dma source(%arg15 : memref<80x128xf32, #tpu.memory_space<vmem>>) target(%dma_start3A_171 : memref<10240x128xf32, #tpu.memory_space<vmem_shared>>) offsets(%dma_start3A_168 : memref<80xi32, #tpu.memory_space<vmem>>) semaphore(%arg20 : memref<!tpu.dma_semaphore, #tpu.memory_space<semaphore_mem>>) {add = true}
    %get3A_172 = arith.constant 2 : i32
    %get3A_173 = arith.index_cast %get3A_172 : i32 to index
    %get3A_174 = arith.constant 0 : index
    %get3A_175 = tpu.vector_load %arg13[%get3A_173, %get3A_174] {strides = array<i32>} : memref<25x80xi32, #tpu.memory_space<vmem>>, vector<16xi32>,
    %shift_right_logical3A_176 = arith.constant 7 : i32
    %shift_right_logical3A_177 = vector.broadcast %shift_right_logical3A_176 : i32 to vector<16xi32>
    %shift_right_logical3A_178 = arith.shrui %get3A_175, %shift_right_logical3A_177 : vector<16xi32>
    %and3A_179 = arith.constant 127 : i32
    %and3A_180 = vector.broadcast %and3A_179 : i32 to vector<16xi32>
    %and3A_181 = arith.andi %get3A_175, %and3A_180 : vector<16xi32>
    tpu.vector_store_idx %arg16[%shift_right_logical3A_178, %and3A_181], %broadcast_in_dim3A_1 {add = true} : memref<80x128xf32, #tpu.memory_space<vmem>>[vector<16xi32>, vector<16xi32>], vector<16xf32>,
    %get3A_182 = arith.constant 2 : i32
    %get3A_183 = arith.index_cast %get3A_182 : i32 to index
    %get3A_184 = arith.constant 16 : index
    %get3A_185 = tpu.vector_load %arg13[%get3A_183, %get3A_184] {strides = array<i32>} : memref<25x80xi32, #tpu.memory_space<vmem>>, vector<16xi32>,
    %shift_right_logical3A_186 = arith.constant 7 : i32
    %shift_right_logical3A_187 = vector.broadcast %shift_right_logical3A_186 : i32 to vector<16xi32>
    %shift_right_logical3A_188 = arith.shrui %get3A_185, %shift_right_logical3A_187 : vector<16xi32>
    %and3A_189 = arith.constant 127 : i32
    %and3A_190 = vector.broadcast %and3A_189 : i32 to vector<16xi32>
    %and3A_191 = arith.andi %get3A_185, %and3A_190 : vector<16xi32>
    tpu.vector_store_idx %arg16[%shift_right_logical3A_188, %and3A_191], %broadcast_in_dim3A_1 {add = true} : memref<80x128xf32, #tpu.memory_space<vmem>>[vector<16xi32>, vector<16xi32>], vector<16xf32>,
    %get3A_192 = arith.constant 2 : i32
    %get3A_193 = arith.index_cast %get3A_192 : i32 to index
    %get3A_194 = arith.constant 32 : index
    %get3A_195 = tpu.vector_load %arg13[%get3A_193, %get3A_194] {strides = array<i32>} : memref<25x80xi32, #tpu.memory_space<vmem>>, vector<16xi32>,
    %shift_right_logical3A_196 = arith.constant 7 : i32
    %shift_right_logical3A_197 = vector.broadcast %shift_right_logical3A_196 : i32 to vector<16xi32>
    %shift_right_logical3A_198 = arith.shrui %get3A_195, %shift_right_logical3A_197 : vector<16xi32>
    %and3A_199 = arith.constant 127 : i32
    %and3A_200 = vector.broadcast %and3A_199 : i32 to vector<16xi32>
    %and3A_201 = arith.andi %get3A_195, %and3A_200 : vector<16xi32>
    tpu.vector_store_idx %arg16[%shift_right_logical3A_198, %and3A_201], %broadcast_in_dim3A_1 {add = true} : memref<80x128xf32, #tpu.memory_space<vmem>>[vector<16xi32>, vector<16xi32>], vector<16xf32>,
    %get3A_202 = arith.constant 2 : i32
    %get3A_203 = arith.index_cast %get3A_202 : i32 to index
    %get3A_204 = arith.constant 48 : index
    %get3A_205 = tpu.vector_load %arg13[%get3A_203, %get3A_204] {strides = array<i32>} : memref<25x80xi32, #tpu.memory_space<vmem>>, vector<16xi32>,
    %shift_right_logical3A_206 = arith.constant 7 : i32
    %shift_right_logical3A_207 = vector.broadcast %shift_right_logical3A_206 : i32 to vector<16xi32>
    %shift_right_logical3A_208 = arith.shrui %get3A_205, %shift_right_logical3A_207 : vector<16xi32>
    %and3A_209 = arith.constant 127 : i32
    %and3A_210 = vector.broadcast %and3A_209 : i32 to vector<16xi32>
    %and3A_211 = arith.andi %get3A_205, %and3A_210 : vector<16xi32>
    tpu.vector_store_idx %arg16[%shift_right_logical3A_208, %and3A_211], %broadcast_in_dim3A_1 {add = true} : memref<80x128xf32, #tpu.memory_space<vmem>>[vector<16xi32>, vector<16xi32>], vector<16xf32>,
    %get3A_212 = arith.constant 2 : i32
    %get3A_213 = arith.index_cast %get3A_212 : i32 to index
    %get3A_214 = arith.constant 64 : index
    %get3A_215 = tpu.vector_load %arg13[%get3A_213, %get3A_214] {strides = array<i32>} : memref<25x80xi32, #tpu.memory_space<vmem>>, vector<16xi32>,
    %shift_right_logical3A_216 = arith.constant 7 : i32
    %shift_right_logical3A_217 = vector.broadcast %shift_right_logical3A_216 : i32 to vector<16xi32>
    %shift_right_logical3A_218 = arith.shrui %get3A_215, %shift_right_logical3A_217 : vector<16xi32>
    %and3A_219 = arith.constant 127 : i32
    %and3A_220 = vector.broadcast %and3A_219 : i32 to vector<16xi32>
    %and3A_221 = arith.andi %get3A_215, %and3A_220 : vector<16xi32>
    tpu.vector_store_idx %arg16[%shift_right_logical3A_218, %and3A_221], %broadcast_in_dim3A_1 {add = true} : memref<80x128xf32, #tpu.memory_space<vmem>>[vector<16xi32>, vector<16xi32>], vector<16xf32>,
    %dma_wait3A_222 = arith.constant 1 : i32
    %dma_wait3A_223 = arith.constant 0 : i32
    %dma_wait3A_224 = tpu.memref_slice %arg13[%dma_wait3A_222, %dma_wait3A_223] : memref<25x80xi32, #tpu.memory_space<vmem>> -> memref<1x80xi32, #tpu.memory_space<vmem>>
    %dma_wait3A_225 = tpu.memref_squeeze %dma_wait3A_224 : memref<1x80xi32, #tpu.memory_space<vmem>> -> memref<80xi32, #tpu.memory_space<vmem>>
    %dma_wait3A_226 = arith.constant 0 : i32
    %dma_wait3A_227 = arith.constant 0 : i32
    %dma_wait3A_228 = tpu.memref_slice %arg11[%dma_wait3A_226, %dma_wait3A_227] : memref<10240x128xf32, #tpu.memory_space<vmem_shared>> -> memref<10240x128xf32, #tpu.memory_space<vmem_shared>>
    tpu.wait_indirect_dma semaphore(%arg20 : memref<!tpu.dma_semaphore, #tpu.memory_space<semaphore_mem>>) src(%arg15 : memref<80x128xf32, #tpu.memory_space<vmem>>) dst(%dma_wait3A_228 : memref<10240x128xf32, #tpu.memory_space<vmem_shared>>)
    %dma_start3A_229 = arith.constant 3 : i32
    %dma_start3A_230 = arith.constant 0 : i32
    %dma_start3A_231 = tpu.memref_slice %arg12[%dma_start3A_229, %dma_start3A_230] : memref<25x80xi32, #tpu.memory_space<vmem>> -> memref<1x80xi32, #tpu.memory_space<vmem>>
    %dma_start3A_232 = tpu.memref_squeeze %dma_start3A_231 : memref<1x80xi32, #tpu.memory_space<vmem>> -> memref<80xi32, #tpu.memory_space<vmem>>
    %dma_start3A_233 = arith.constant 0 : i32
    %dma_start3A_234 = arith.constant 0 : i32
    %dma_start3A_235 = tpu.memref_slice %arg3[%dma_start3A_233, %dma_start3A_234] : memref<64x128xf32, #tpu.memory_space<hbm>> -> memref<64x128xf32, #tpu.memory_space<hbm>>
    tpu.enqueue_indirect_dma source(%dma_start3A_235 : memref<64x128xf32, #tpu.memory_space<hbm>>) target(%arg15 : memref<80x128xf32, #tpu.memory_space<vmem>>) offsets(%dma_start3A_232 : memref<80xi32, #tpu.memory_space<vmem>>) semaphore(%arg18 : memref<!tpu.dma_semaphore, #tpu.memory_space<semaphore_mem>>)
    %dma_wait3A_236 = arith.constant 2 : i32
    %dma_wait3A_237 = arith.constant 0 : i32
    %dma_wait3A_238 = tpu.memref_slice %arg12[%dma_wait3A_236, %dma_wait3A_237] : memref<25x80xi32, #tpu.memory_space<vmem>> -> memref<1x80xi32, #tpu.memory_space<vmem>>
    %dma_wait3A_239 = tpu.memref_squeeze %dma_wait3A_238 : memref<1x80xi32, #tpu.memory_space<vmem>> -> memref<80xi32, #tpu.memory_space<vmem>>
    %dma_wait3A_240 = arith.constant 0 : i32
    %dma_wait3A_241 = arith.constant 0 : i32
    %dma_wait3A_242 = tpu.memref_slice %arg3[%dma_wait3A_240, %dma_wait3A_241] : memref<64x128xf32, #tpu.memory_space<hbm>> -> memref<64x128xf32, #tpu.memory_space<hbm>>
    tpu.wait_indirect_dma semaphore(%arg17 : memref<!tpu.dma_semaphore, #tpu.memory_space<semaphore_mem>>) src(%dma_wait3A_242 : memref<64x128xf32, #tpu.memory_space<hbm>>) dst(%arg14 : memref<80x128xf32, #tpu.memory_space<vmem>>)
    %dma_start3A_243 = arith.constant 2 : i32
    %dma_start3A_244 = arith.constant 0 : i32
    %dma_start3A_245 = tpu.memref_slice %arg13[%dma_start3A_243, %dma_start3A_244] : memref<25x80xi32, #tpu.memory_space<vmem>> -> memref<1x80xi32, #tpu.memory_space<vmem>>
    %dma_start3A_246 = tpu.memref_squeeze %dma_start3A_245 : memref<1x80xi32, #tpu.memory_space<vmem>> -> memref<80xi32, #tpu.memory_space<vmem>>
    %dma_start3A_247 = arith.constant 0 : i32
    %dma_start3A_248 = arith.constant 0 : i32
    %dma_start3A_249 = tpu.memref_slice %arg11[%dma_start3A_247, %dma_start3A_248] : memref<10240x128xf32, #tpu.memory_space<vmem_shared>> -> memref<10240x128xf32, #tpu.memory_space<vmem_shared>>
    tpu.enqueue_indirect_dma source(%arg14 : memref<80x128xf32, #tpu.memory_space<vmem>>) target(%dma_start3A_249 : memref<10240x128xf32, #tpu.memory_space<vmem_shared>>) offsets(%dma_start3A_246 : memref<80xi32, #tpu.memory_space<vmem>>) semaphore(%arg19 : memref<!tpu.dma_semaphore, #tpu.memory_space<semaphore_mem>>) {add = true}
    %get3A_250 = arith.constant 3 : i32
    %get3A_251 = arith.index_cast %get3A_250 : i32 to index
    %get3A_252 = arith.constant 0 : index
    %get3A_253 = tpu.vector_load %arg13[%get3A_251, %get3A_252] {strides = array<i32>} : memref<25x80xi32, #tpu.memory_space<vmem>>, vector<16xi32>,
    %shift_right_logical3A_254 = arith.constant 7 : i32
    %shift_right_logical3A_255 = vector.broadcast %shift_right_logical3A_254 : i32 to vector<16xi32>
    %shift_right_logical3A_256 = arith.shrui %get3A_253, %shift_right_logical3A_255 : vector<16xi32>
    %and3A_257 = arith.constant 127 : i32
    %and3A_258 = vector.broadcast %and3A_257 : i32 to vector<16xi32>
    %and3A_259 = arith.andi %get3A_253, %and3A_258 : vector<16xi32>
    tpu.vector_store_idx %arg16[%shift_right_logical3A_256, %and3A_259], %broadcast_in_dim3A_1 {add = true} : memref<80x128xf32, #tpu.memory_space<vmem>>[vector<16xi32>, vector<16xi32>], vector<16xf32>,
    %get3A_260 = arith.constant 3 : i32
    %get3A_261 = arith.index_cast %get3A_260 : i32 to index
    %get3A_262 = arith.constant 16 : index
    %get3A_263 = tpu.vector_load %arg13[%get3A_261, %get3A_262] {strides = array<i32>} : memref<25x80xi32, #tpu.memory_space<vmem>>, vector<16xi32>,
    %shift_right_logical3A_264 = arith.constant 7 : i32
    %shift_right_logical3A_265 = vector.broadcast %shift_right_logical3A_264 : i32 to vector<16xi32>
    %shift_right_logical3A_266 = arith.shrui %get3A_263, %shift_right_logical3A_265 : vector<16xi32>
    %and3A_267 = arith.constant 127 : i32
    %and3A_268 = vector.broadcast %and3A_267 : i32 to vector<16xi32>
    %and3A_269 = arith.andi %get3A_263, %and3A_268 : vector<16xi32>
    tpu.vector_store_idx %arg16[%shift_right_logical3A_266, %and3A_269], %broadcast_in_dim3A_1 {add = true} : memref<80x128xf32, #tpu.memory_space<vmem>>[vector<16xi32>, vector<16xi32>], vector<16xf32>,
    %get3A_270 = arith.constant 3 : i32
    %get3A_271 = arith.index_cast %get3A_270 : i32 to index
    %get3A_272 = arith.constant 32 : index
    %get3A_273 = tpu.vector_load %arg13[%get3A_271, %get3A_272] {strides = array<i32>} : memref<25x80xi32, #tpu.memory_space<vmem>>, vector<16xi32>,
    %shift_right_logical3A_274 = arith.constant 7 : i32
    %shift_right_logical3A_275 = vector.broadcast %shift_right_logical3A_274 : i32 to vector<16xi32>
    %shift_right_logical3A_276 = arith.shrui %get3A_273, %shift_right_logical3A_275 : vector<16xi32>
    %and3A_277 = arith.constant 127 : i32
    %and3A_278 = vector.broadcast %and3A_277 : i32 to vector<16xi32>
    %and3A_279 = arith.andi %get3A_273, %and3A_278 : vector<16xi32>
    tpu.vector_store_idx %arg16[%shift_right_logical3A_276, %and3A_279], %broadcast_in_dim3A_1 {add = true} : memref<80x128xf32, #tpu.memory_space<vmem>>[vector<16xi32>, vector<16xi32>], vector<16xf32>,
    %get3A_280 = arith.constant 3 : i32
    %get3A_281 = arith.index_cast %get3A_280 : i32 to index
    %get3A_282 = arith.constant 48 : index
    %get3A_283 = tpu.vector_load %arg13[%get3A_281, %get3A_282] {strides = array<i32>} : memref<25x80xi32, #tpu.memory_space<vmem>>, vector<16xi32>,
    %shift_right_logical3A_284 = arith.constant 7 : i32
    %shift_right_logical3A_285 = vector.broadcast %shift_right_logical3A_284 : i32 to vector<16xi32>
    %shift_right_logical3A_286 = arith.shrui %get3A_283, %shift_right_logical3A_285 : vector<16xi32>
    %and3A_287 = arith.constant 127 : i32
    %and3A_288 = vector.broadcast %and3A_287 : i32 to vector<16xi32>
    %and3A_289 = arith.andi %get3A_283, %and3A_288 : vector<16xi32>
    tpu.vector_store_idx %arg16[%shift_right_logical3A_286, %and3A_289], %broadcast_in_dim3A_1 {add = true} : memref<80x128xf32, #tpu.memory_space<vmem>>[vector<16xi32>, vector<16xi32>], vector<16xf32>,
    %get3A_290 = arith.constant 3 : i32
    %get3A_291 = arith.index_cast %get3A_290 : i32 to index
    %get3A_292 = arith.constant 64 : index
    %get3A_293 = tpu.vector_load %arg13[%get3A_291, %get3A_292] {strides = array<i32>} : memref<25x80xi32, #tpu.memory_space<vmem>>, vector<16xi32>,
    %shift_right_logical3A_294 = arith.constant 7 : i32
    %shift_right_logical3A_295 = vector.broadcast %shift_right_logical3A_294 : i32 to vector<16xi32>
    %shift_right_logical3A_296 = arith.shrui %get3A_293, %shift_right_logical3A_295 : vector<16xi32>
    %and3A_297 = arith.constant 127 : i32
    %and3A_298 = vector.broadcast %and3A_297 : i32 to vector<16xi32>
    %and3A_299 = arith.andi %get3A_293, %and3A_298 : vector<16xi32>
    tpu.vector_store_idx %arg16[%shift_right_logical3A_296, %and3A_299], %broadcast_in_dim3A_1 {add = true} : memref<80x128xf32, #tpu.memory_space<vmem>>[vector<16xi32>, vector<16xi32>], vector<16xf32>,
    %dma_wait3A_300 = arith.constant 3 : i32
    %dma_wait3A_301 = arith.constant 0 : i32
    %dma_wait3A_302 = tpu.memref_slice %arg12[%dma_wait3A_300, %dma_wait3A_301] : memref<25x80xi32, #tpu.memory_space<vmem>> -> memref<1x80xi32, #tpu.memory_space<vmem>>
    %dma_wait3A_303 = tpu.memref_squeeze %dma_wait3A_302 : memref<1x80xi32, #tpu.memory_space<vmem>> -> memref<80xi32, #tpu.memory_space<vmem>>
    %dma_wait3A_304 = arith.constant 0 : i32
    %dma_wait3A_305 = arith.constant 0 : i32
    %dma_wait3A_306 = tpu.memref_slice %arg3[%dma_wait3A_304, %dma_wait3A_305] : memref<64x128xf32, #tpu.memory_space<hbm>> -> memref<64x128xf32, #tpu.memory_space<hbm>>
    tpu.wait_indirect_dma semaphore(%arg18 : memref<!tpu.dma_semaphore, #tpu.memory_space<semaphore_mem>>) src(%dma_wait3A_306 : memref<64x128xf32, #tpu.memory_space<hbm>>) dst(%arg15 : memref<80x128xf32, #tpu.memory_space<vmem>>)
    %dma_start3A_307 = arith.constant 3 : i32
    %dma_start3A_308 = arith.constant 0 : i32
    %dma_start3A_309 = tpu.memref_slice %arg13[%dma_start3A_307, %dma_start3A_308] : memref<25x80xi32, #tpu.memory_space<vmem>> -> memref<1x80xi32, #tpu.memory_space<vmem>>
    %dma_start3A_310 = tpu.memref_squeeze %dma_start3A_309 : memref<1x80xi32, #tpu.memory_space<vmem>> -> memref<80xi32, #tpu.memory_space<vmem>>
    %dma_start3A_311 = arith.constant 0 : i32
    %dma_start3A_312 = arith.constant 0 : i32
    %dma_start3A_313 = tpu.memref_slice %arg11[%dma_start3A_311, %dma_start3A_312] : memref<10240x128xf32, #tpu.memory_space<vmem_shared>> -> memref<10240x128xf32, #tpu.memory_space<vmem_shared>>
    tpu.enqueue_indirect_dma source(%arg15 : memref<80x128xf32, #tpu.memory_space<vmem>>) target(%dma_start3A_313 : memref<10240x128xf32, #tpu.memory_space<vmem_shared>>) offsets(%dma_start3A_310 : memref<80xi32, #tpu.memory_space<vmem>>) semaphore(%arg20 : memref<!tpu.dma_semaphore, #tpu.memory_space<semaphore_mem>>) {add = true}
    %dma_wait3A_314 = arith.constant 2 : i32
    %dma_wait3A_315 = arith.constant 0 : i32
    %dma_wait3A_316 = tpu.memref_slice %arg13[%dma_wait3A_314, %dma_wait3A_315] : memref<25x80xi32, #tpu.memory_space<vmem>> -> memref<1x80xi32, #tpu.memory_space<vmem>>
    %dma_wait3A_317 = tpu.memref_squeeze %dma_wait3A_316 : memref<1x80xi32, #tpu.memory_space<vmem>> -> memref<80xi32, #tpu.memory_space<vmem>>
    %dma_wait3A_318 = arith.constant 0 : i32
    %dma_wait3A_319 = arith.constant 0 : i32
    %dma_wait3A_320 = tpu.memref_slice %arg11[%dma_wait3A_318, %dma_wait3A_319] : memref<10240x128xf32, #tpu.memory_space<vmem_shared>> -> memref<10240x128xf32, #tpu.memory_space<vmem_shared>>
    tpu.wait_indirect_dma semaphore(%arg19 : memref<!tpu.dma_semaphore, #tpu.memory_space<semaphore_mem>>) src(%arg14 : memref<80x128xf32, #tpu.memory_space<vmem>>) dst(%dma_wait3A_320 : memref<10240x128xf32, #tpu.memory_space<vmem_shared>>)
    %dma_wait3A_321 = arith.constant 3 : i32
    %dma_wait3A_322 = arith.constant 0 : i32
    %dma_wait3A_323 = tpu.memref_slice %arg13[%dma_wait3A_321, %dma_wait3A_322] : memref<25x80xi32, #tpu.memory_space<vmem>> -> memref<1x80xi32, #tpu.memory_space<vmem>>
    %dma_wait3A_324 = tpu.memref_squeeze %dma_wait3A_323 : memref<1x80xi32, #tpu.memory_space<vmem>> -> memref<80xi32, #tpu.memory_space<vmem>>
    %dma_wait3A_325 = arith.constant 0 : i32
    %dma_wait3A_326 = arith.constant 0 : i32
    %dma_wait3A_327 = tpu.memref_slice %arg11[%dma_wait3A_325, %dma_wait3A_326] : memref<10240x128xf32, #tpu.memory_space<vmem_shared>> -> memref<10240x128xf32, #tpu.memory_space<vmem_shared>>
    tpu.wait_indirect_dma semaphore(%arg20 : memref<!tpu.dma_semaphore, #tpu.memory_space<semaphore_mem>>) src(%arg15 : memref<80x128xf32, #tpu.memory_space<vmem>>) dst(%dma_wait3A_327 : memref<10240x128xf32, #tpu.memory_space<vmem_shared>>)
    %scan3A_328 = arith.constant 1 : i32
    "tpu.region"() ({
      %run_scoped3A_335 = tpu.sem_alloc : memref<!tpu.dma_semaphore, #tpu.memory_space<semaphore_mem>>
      %dma_start3A_336 = arith.constant 0 : i32
      %dma_start3A_337 = arith.constant 0 : i32
      %dma_start3A_338 = tpu.memref_slice %arg10[%arg0, %arg1, %dma_start3A_336, %dma_start3A_337] : memref<2x16x80x128xf32, #tpu.memory_space<hbm>> -> memref<1x1x80x128xf32, #tpu.memory_space<hbm>>
      %dma_start3A_339 = tpu.memref_squeeze %dma_start3A_338 : memref<1x1x80x128xf32, #tpu.memory_space<hbm>> -> memref<80x128xf32, #tpu.memory_space<hbm>>
      %dma_start3A_340 = arith.constant 0 : i32
      %dma_start3A_341 = arith.constant 0 : i32
      %dma_start3A_342 = tpu.memref_slice %arg10[%arg0, %arg1, %dma_start3A_340, %dma_start3A_341] : memref<2x16x80x128xf32, #tpu.memory_space<hbm>> -> memref<1x1x80x128xf32, #tpu.memory_space<hbm>>
      %dma_start3A_343 = tpu.memref_squeeze %dma_start3A_342 : memref<1x1x80x128xf32, #tpu.memory_space<hbm>> -> memref<80x128xf32, #tpu.memory_space<hbm>>
      tpu.enqueue_dma source(%arg16 : memref<80x128xf32, #tpu.memory_space<vmem>>) target(%dma_start3A_343 : memref<80x128xf32, #tpu.memory_space<hbm>>) target_semaphore(%run_scoped3A_335 : memref<!tpu.dma_semaphore, #tpu.memory_space<semaphore_mem>>)
      %dma_wait3A_344 = arith.constant 0 : i32
      %dma_wait3A_345 = arith.constant 0 : i32
      %dma_wait3A_346 = tpu.memref_slice %arg10[%arg0, %arg1, %dma_wait3A_344, %dma_wait3A_345] : memref<2x16x80x128xf32, #tpu.memory_space<hbm>> -> memref<1x1x80x128xf32, #tpu.memory_space<hbm>>
      %dma_wait3A_347 = tpu.memref_squeeze %dma_wait3A_346 : memref<1x1x80x128xf32, #tpu.memory_space<hbm>> -> memref<80x128xf32, #tpu.memory_space<hbm>>
      %dma_wait3A_348 = arith.constant 0 : i32
      %dma_wait3A_349 = arith.constant 0 : i32
      %dma_wait3A_350 = tpu.memref_slice %arg10[%arg0, %arg1, %dma_wait3A_348, %dma_wait3A_349] : memref<2x16x80x128xf32, #tpu.memory_space<hbm>> -> memref<1x1x80x128xf32, #tpu.memory_space<hbm>>
      %dma_wait3A_351 = tpu.memref_squeeze %dma_wait3A_350 : memref<1x1x80x128xf32, #tpu.memory_space<hbm>> -> memref<80x128xf32, #tpu.memory_space<hbm>>
      tpu.wait_dma2 semaphore(%run_scoped3A_335 : memref<!tpu.dma_semaphore, #tpu.memory_space<semaphore_mem>>) src(%arg16 : memref<80x128xf32, #tpu.memory_space<vmem>>) dst(%dma_wait3A_351 : memref<80x128xf32, #tpu.memory_space<hbm>>)
      tpu.yield
    }) : () -> ()
    %barrier3A_329 = arith.constant 0 : index
    tpu.barrier barrier_id(%barrier3A_329)
    %mul3A_330 = arith.constant 640 : i32
    %mul3A_331 = arith.muli %arg1, %mul3A_330 : i32
    %mul3A_332 = arith.constant 640 : i32
    %mul3A_333 = arith.muli %arg1, %mul3A_332 : i32
    "tpu.region"() ({
      %run_scoped3A_335 = tpu.sem_alloc : memref<!tpu.dma_semaphore, #tpu.memory_space<semaphore_mem>>
      %dma_start3A_336 = arith.constant 0 : i32
      %dma_start3A_337 = tpu.memref_slice %arg8[%arg0, %mul3A_333, %dma_start3A_336] : memref<2x10240x128xf32, #tpu.memory_space<hbm>> -> memref<1x640x128xf32, #tpu.memory_space<hbm>>
      %dma_start3A_338 = tpu.memref_squeeze %dma_start3A_337 : memref<1x640x128xf32, #tpu.memory_space<hbm>> -> memref<640x128xf32, #tpu.memory_space<hbm>>
      %dma_start3A_339 = arith.constant 0 : i32
      %dma_start3A_340 = tpu.memref_slice %arg11[%mul3A_331, %dma_start3A_339] : memref<10240x128xf32, #tpu.memory_space<vmem_shared>> -> memref<640x128xf32, #tpu.memory_space<vmem_shared>>
      tpu.enqueue_dma source(%dma_start3A_340 : memref<640x128xf32, #tpu.memory_space<vmem_shared>>) target(%dma_start3A_338 : memref<640x128xf32, #tpu.memory_space<hbm>>) target_semaphore(%run_scoped3A_335 : memref<!tpu.dma_semaphore, #tpu.memory_space<semaphore_mem>>)
      %dma_wait3A_341 = arith.constant 0 : i32
      %dma_wait3A_342 = tpu.memref_slice %arg8[%arg0, %mul3A_333, %dma_wait3A_341] : memref<2x10240x128xf32, #tpu.memory_space<hbm>> -> memref<1x640x128xf32, #tpu.memory_space<hbm>>
      %dma_wait3A_343 = tpu.memref_squeeze %dma_wait3A_342 : memref<1x640x128xf32, #tpu.memory_space<hbm>> -> memref<640x128xf32, #tpu.memory_space<hbm>>
      %dma_wait3A_344 = arith.constant 0 : i32
      %dma_wait3A_345 = tpu.memref_slice %arg11[%mul3A_331, %dma_wait3A_344] : memref<10240x128xf32, #tpu.memory_space<vmem_shared>> -> memref<640x128xf32, #tpu.memory_space<vmem_shared>>
      tpu.wait_dma2 semaphore(%run_scoped3A_335 : memref<!tpu.dma_semaphore, #tpu.memory_space<semaphore_mem>>) src(%dma_wait3A_345 : memref<640x128xf32, #tpu.memory_space<vmem_shared>>) dst(%dma_wait3A_343 : memref<640x128xf32, #tpu.memory_space<hbm>>)
      tpu.yield
    }) : () -> ()
    %barrier3A_334 = arith.constant 0 : index
    tpu.barrier barrier_id(%barrier3A_334)
    return
  }
}

module attributes {stable_mosaic.version = 14 : i64} {
  func.func @_deg_sum_body(%arg0: memref<32x80x128xf32, #tpu.memory_space<vmem>>, %arg1: memref<32x80x128xf32, #tpu.memory_space<vmem>>, %arg2: memref<80x128xf32, #tpu.memory_space<vmem>>, %arg3: memref<80x128xf32, #tpu.memory_space<vmem>>) attributes {dimension_semantics = [], scalar_prefetch = 0 : i64, scratch_operands = 0 : i64, tpu.core_type = #tpu.core_type<tc>} {
    %get3A = arith.constant 0 : index
    %get3A_0 = arith.constant 0 : index
    %get3A_1 = arith.constant 0 : index
    %get3A_2 = vector.load %arg0[%get3A, %get3A_0, %get3A_1] : memref<32x80x128xf32, #tpu.memory_space<vmem>>, vector<32x80x128xf32>
    %reduce_sum3A = arith.constant dense<0.000000e+00> : vector<80x128xf32>
    %reduce_sum3A_3 = vector.multi_reduction <add>, %get3A_2, %reduce_sum3A [0] : vector<32x80x128xf32> to vector<80x128xf32>
    %swap3A = arith.constant 0 : index
    %swap3A_4 = arith.constant 0 : index
    %swap3A_5 = vector.load %arg2[%swap3A, %swap3A_4] : memref<80x128xf32, #tpu.memory_space<vmem>>, vector<80x128xf32>
    tpu.vector_store %arg2[%swap3A, %swap3A_4], %reduce_sum3A_3 {strides = array<i32>} : memref<80x128xf32, #tpu.memory_space<vmem>>, vector<80x128xf32>,
    %get3A_6 = arith.constant 0 : index
    %get3A_7 = arith.constant 0 : index
    %get3A_8 = arith.constant 0 : index
    %get3A_9 = vector.load %arg1[%get3A_6, %get3A_7, %get3A_8] : memref<32x80x128xf32, #tpu.memory_space<vmem>>, vector<32x80x128xf32>
    %reduce_sum3A_10 = arith.constant dense<0.000000e+00> : vector<80x128xf32>
    %reduce_sum3A_11 = vector.multi_reduction <add>, %get3A_9, %reduce_sum3A_10 [0] : vector<32x80x128xf32> to vector<80x128xf32>
    %swap3A_12 = arith.constant 0 : index
    %swap3A_13 = arith.constant 0 : index
    %swap3A_14 = vector.load %arg3[%swap3A_12, %swap3A_13] : memref<80x128xf32, #tpu.memory_space<vmem>>, vector<80x128xf32>
    tpu.vector_store %arg3[%swap3A_12, %swap3A_13], %reduce_sum3A_11 {strides = array<i32>} : memref<80x128xf32, #tpu.memory_space<vmem>>, vector<80x128xf32>,
    return
  }
}

module attributes {stable_mosaic.version = 14 : i64} {
  func.func @_lambda_(%arg0: i32, %arg1: memref<2048x128xf32, #tpu.memory_space<vmem>>, %arg2: memref<1x2048x128xf32, #tpu.memory_space<vmem>>, %arg3: memref<1x2048x128xf32, #tpu.memory_space<vmem>>, %arg4: memref<1x2048x128xf32, #tpu.memory_space<vmem>>, %arg5: memref<1x2048x128xf32, #tpu.memory_space<vmem>>, %arg6: memref<2048x1xf32, #tpu.memory_space<vmem>>, %arg7: memref<2048x1xf32, #tpu.memory_space<vmem>>, %arg8: memref<128x64xf32, #tpu.memory_space<vmem>>, %arg9: memref<128x64xf32, #tpu.memory_space<vmem>>, %arg10: memref<128x64xf32, #tpu.memory_space<vmem>>, %arg11: memref<1x64xf32, #tpu.memory_space<vmem>>, %arg12: memref<64x64xf32, #tpu.memory_space<vmem>>, %arg13: memref<1x64xf32, #tpu.memory_space<vmem>>, %arg14: memref<64x32xf32, #tpu.memory_space<vmem>>, %arg15: memref<1x32xf32, #tpu.memory_space<vmem>>, %arg16: memref<2048x32xf32, #tpu.memory_space<vmem>>) attributes {dimension_semantics = [#tpu.dimension_semantics<arbitrary>], iteration_bounds = array<i64: 5>, scalar_prefetch = 0 : i64, scratch_operands = 0 : i64, tpu.core_type = #tpu.core_type<tc>, window_params = [{transform_indices = @transform_0, window_bounds = array<i64: 2048, 128>}, {transform_indices = @transform_1, window_bounds = array<i64: 1, 2048, 128>}, {transform_indices = @transform_2, window_bounds = array<i64: 1, 2048, 128>}, {transform_indices = @transform_3, window_bounds = array<i64: 1, 2048, 128>}, {transform_indices = @transform_4, window_bounds = array<i64: 1, 2048, 128>}, {transform_indices = @transform_5, window_bounds = array<i64: 2048, 1>}, {transform_indices = @transform_6, window_bounds = array<i64: 2048, 1>}, {pipeline_mode = #tpu.pipeline_mode<synchronous>, transform_indices = @transform_7, window_bounds = array<i64: 128, 64>}, {pipeline_mode = #tpu.pipeline_mode<synchronous>, transform_indices = @transform_8, window_bounds = array<i64: 128, 64>}, {pipeline_mode = #tpu.pipeline_mode<synchronous>, transform_indices = @transform_9, window_bounds = array<i64: 128, 64>}, {pipeline_mode = #tpu.pipeline_mode<synchronous>, transform_indices = @transform_10, window_bounds = array<i64: 1, 64>}, {pipeline_mode = #tpu.pipeline_mode<synchronous>, transform_indices = @transform_11, window_bounds = array<i64: 64, 64>}, {pipeline_mode = #tpu.pipeline_mode<synchronous>, transform_indices = @transform_12, window_bounds = array<i64: 1, 64>}, {pipeline_mode = #tpu.pipeline_mode<synchronous>, transform_indices = @transform_13, window_bounds = array<i64: 64, 32>}, {pipeline_mode = #tpu.pipeline_mode<synchronous>, transform_indices = @transform_14, window_bounds = array<i64: 1, 32>}, {transform_indices = @transform_15, window_bounds = array<i64: 2048, 32>}]} {
    %get3A = arith.constant 0 : index
    %get3A_0 = arith.constant 0 : index
    %get3A_1 = vector.load %arg1[%get3A, %get3A_0] : memref<2048x128xf32, #tpu.memory_space<vmem>>, vector<2048x128xf32>
    %get3A_2 = arith.constant 0 : index
    %get3A_3 = arith.constant 0 : index
    %get3A_4 = arith.constant 0 : index
    %get3A_5 = vector.load %arg2[%get3A_2, %get3A_3, %get3A_4] : memref<1x2048x128xf32, #tpu.memory_space<vmem>>, vector<1x2048x128xf32>
    %get3A_6 = vector.shape_cast %get3A_5 : vector<1x2048x128xf32> to vector<2048x128xf32>
    %get3A_7 = arith.constant 0 : index
    %get3A_8 = arith.constant 0 : index
    %get3A_9 = arith.constant 0 : index
    %get3A_10 = vector.load %arg3[%get3A_7, %get3A_8, %get3A_9] : memref<1x2048x128xf32, #tpu.memory_space<vmem>>, vector<1x2048x128xf32>
    %get3A_11 = vector.shape_cast %get3A_10 : vector<1x2048x128xf32> to vector<2048x128xf32>
    %get3A_12 = arith.constant 0 : index
    %get3A_13 = arith.constant 0 : index
    %get3A_14 = arith.constant 0 : index
    %get3A_15 = vector.load %arg4[%get3A_12, %get3A_13, %get3A_14] : memref<1x2048x128xf32, #tpu.memory_space<vmem>>, vector<1x2048x128xf32>
    %get3A_16 = vector.shape_cast %get3A_15 : vector<1x2048x128xf32> to vector<2048x128xf32>
    %get3A_17 = arith.constant 0 : index
    %get3A_18 = arith.constant 0 : index
    %get3A_19 = arith.constant 0 : index
    %get3A_20 = vector.load %arg5[%get3A_17, %get3A_18, %get3A_19] : memref<1x2048x128xf32, #tpu.memory_space<vmem>>, vector<1x2048x128xf32>
    %get3A_21 = vector.shape_cast %get3A_20 : vector<1x2048x128xf32> to vector<2048x128xf32>
    %get3A_22 = arith.constant 0 : index
    %get3A_23 = arith.constant 0 : index
    %get3A_24 = vector.load %arg6[%get3A_22, %get3A_23] : memref<2048x1xf32, #tpu.memory_space<vmem>>, vector<2048x1xf32>
    %get3A_25 = arith.constant 0 : index
    %get3A_26 = arith.constant 0 : index
    %get3A_27 = vector.load %arg7[%get3A_25, %get3A_26] : memref<2048x1xf32, #tpu.memory_space<vmem>>, vector<2048x1xf32>
    %get3A_28 = arith.constant 0 : index
    %get3A_29 = arith.constant 0 : index
    %get3A_30 = vector.load %arg8[%get3A_28, %get3A_29] : memref<128x64xf32, #tpu.memory_space<vmem>>, vector<128x64xf32>
    %get3A_31 = arith.constant 0 : index
    %get3A_32 = arith.constant 0 : index
    %get3A_33 = vector.load %arg9[%get3A_31, %get3A_32] : memref<128x64xf32, #tpu.memory_space<vmem>>, vector<128x64xf32>
    %get3A_34 = arith.constant 0 : index
    %get3A_35 = arith.constant 0 : index
    %get3A_36 = vector.load %arg10[%get3A_34, %get3A_35] : memref<128x64xf32, #tpu.memory_space<vmem>>, vector<128x64xf32>
    %get3A_37 = arith.constant 0 : index
    %get3A_38 = arith.constant 0 : index
    %get3A_39 = vector.load %arg11[%get3A_37, %get3A_38] : memref<1x64xf32, #tpu.memory_space<vmem>>, vector<1x64xf32>
    %get3A_40 = arith.constant 0 : index
    %get3A_41 = arith.constant 0 : index
    %get3A_42 = vector.load %arg12[%get3A_40, %get3A_41] : memref<64x64xf32, #tpu.memory_space<vmem>>, vector<64x64xf32>
    %get3A_43 = arith.constant 0 : index
    %get3A_44 = arith.constant 0 : index
    %get3A_45 = vector.load %arg13[%get3A_43, %get3A_44] : memref<1x64xf32, #tpu.memory_space<vmem>>, vector<1x64xf32>
    %get3A_46 = arith.constant 0 : index
    %get3A_47 = arith.constant 0 : index
    %get3A_48 = vector.load %arg14[%get3A_46, %get3A_47] : memref<64x32xf32, #tpu.memory_space<vmem>>, vector<64x32xf32>
    %get3A_49 = arith.constant 0 : index
    %get3A_50 = arith.constant 0 : index
    %get3A_51 = vector.load %arg15[%get3A_49, %get3A_50] : memref<1x32xf32, #tpu.memory_space<vmem>>, vector<1x32xf32>
    %add3A = arith.addf %get3A_6, %get3A_11 : vector<2048x128xf32>
    %max3A = arith.constant 1.000000e+00 : f32
    %max3A_52 = vector.broadcast %max3A : f32 to vector<2048x1xf32>
    %max3A_53 = arith.maximumf %get3A_24, %max3A_52 : vector<2048x1xf32>
    %div3A = vector.broadcast %max3A_53 : vector<2048x1xf32> to vector<2048x128xf32>
    %div3A_54 = arith.divf %add3A, %div3A : vector<2048x128xf32>
    %add3A_55 = arith.addf %get3A_16, %get3A_21 : vector<2048x128xf32>
    %max3A_56 = arith.constant 1.000000e+00 : f32
    %max3A_57 = vector.broadcast %max3A_56 : f32 to vector<2048x1xf32>
    %max3A_58 = arith.maximumf %get3A_27, %max3A_57 : vector<2048x1xf32>
    %div3A_59 = vector.broadcast %max3A_58 : vector<2048x1xf32> to vector<2048x128xf32>
    %div3A_60 = arith.divf %add3A_55, %div3A_59 : vector<2048x128xf32>
    %dot_general3A = arith.constant dense<0.000000e+00> : vector<2048x64xf32>
    %dot_general3A_61 = tpu.matmul %get3A_1, %get3A_30, %dot_general3A {dimension_numbers = #tpu.dot_dimension_numbers<[1], [0], [0], [1], [0, 0, 1, 1], [], []>, transpose_lhs_hint = false} : vector<2048x128xf32>, vector<128x64xf32>, vector<2048x64xf32> -> vector<2048x64xf32>
    %dot_general3A_62 = arith.constant dense<0.000000e+00> : vector<2048x64xf32>
    %dot_general3A_63 = tpu.matmul %div3A_54, %get3A_33, %dot_general3A_62 {dimension_numbers = #tpu.dot_dimension_numbers<[1], [0], [0], [1], [0, 0, 1, 1], [], []>, transpose_lhs_hint = false} : vector<2048x128xf32>, vector<128x64xf32>, vector<2048x64xf32> -> vector<2048x64xf32>
    %add3A_64 = arith.addf %dot_general3A_61, %dot_general3A_63 : vector<2048x64xf32>
    %dot_general3A_65 = arith.constant dense<0.000000e+00> : vector<2048x64xf32>
    %dot_general3A_66 = tpu.matmul %div3A_60, %get3A_36, %dot_general3A_65 {dimension_numbers = #tpu.dot_dimension_numbers<[1], [0], [0], [1], [0, 0, 1, 1], [], []>, transpose_lhs_hint = false} : vector<2048x128xf32>, vector<128x64xf32>, vector<2048x64xf32> -> vector<2048x64xf32>
    %add3A_67 = arith.addf %add3A_64, %dot_general3A_66 : vector<2048x64xf32>
    %add3A_68 = vector.broadcast %get3A_39 : vector<1x64xf32> to vector<2048x64xf32>
    %add3A_69 = arith.addf %add3A_67, %add3A_68 : vector<2048x64xf32>
    %max3A_70 = arith.constant 0.000000e+00 : f32
    %max3A_71 = vector.broadcast %max3A_70 : f32 to vector<2048x64xf32>
    %max3A_72 = arith.maximumf %add3A_69, %max3A_71 : vector<2048x64xf32>
    %neg3A = arith.constant 0.000000e+00 : f32
    %neg3A_73 = vector.broadcast %neg3A : f32 to vector<2048x64xf32>
    %neg3A_74 = arith.subf %neg3A_73, %max3A_72 : vector<2048x64xf32>
    %exp3A = math.exp %neg3A_74 : vector<2048x64xf32>
    %sub3A = arith.subf %add3A_69, %max3A_72 : vector<2048x64xf32>
    %exp3A_75 = math.exp %sub3A : vector<2048x64xf32>
    %add3A_76 = arith.addf %exp3A, %exp3A_75 : vector<2048x64xf32>
    %log3A = math.log %add3A_76 : vector<2048x64xf32>
    %add3A_77 = arith.addf %max3A_72, %log3A : vector<2048x64xf32>
    %dot_general3A_78 = arith.constant dense<0.000000e+00> : vector<2048x64xf32>
    %dot_general3A_79 = tpu.matmul %add3A_77, %get3A_42, %dot_general3A_78 {dimension_numbers = #tpu.dot_dimension_numbers<[1], [0], [0], [1], [0, 0, 1, 1], [], []>, transpose_lhs_hint = false} : vector<2048x64xf32>, vector<64x64xf32>, vector<2048x64xf32> -> vector<2048x64xf32>
    %add3A_80 = vector.broadcast %get3A_45 : vector<1x64xf32> to vector<2048x64xf32>
    %add3A_81 = arith.addf %dot_general3A_79, %add3A_80 : vector<2048x64xf32>
    %max3A_82 = arith.constant 0.000000e+00 : f32
    %max3A_83 = vector.broadcast %max3A_82 : f32 to vector<2048x64xf32>
    %max3A_84 = arith.maximumf %add3A_81, %max3A_83 : vector<2048x64xf32>
    %neg3A_85 = arith.constant 0.000000e+00 : f32
    %neg3A_86 = vector.broadcast %neg3A_85 : f32 to vector<2048x64xf32>
    %neg3A_87 = arith.subf %neg3A_86, %max3A_84 : vector<2048x64xf32>
    %exp3A_88 = math.exp %neg3A_87 : vector<2048x64xf32>
    %sub3A_89 = arith.subf %add3A_81, %max3A_84 : vector<2048x64xf32>
    %exp3A_90 = math.exp %sub3A_89 : vector<2048x64xf32>
    %add3A_91 = arith.addf %exp3A_88, %exp3A_90 : vector<2048x64xf32>
    %log3A_92 = math.log %add3A_91 : vector<2048x64xf32>
    %add3A_93 = arith.addf %max3A_84, %log3A_92 : vector<2048x64xf32>
    %dot_general3A_94 = arith.constant dense<0.000000e+00> : vector<2048x32xf32>
    %dot_general3A_95 = tpu.matmul %add3A_93, %get3A_48, %dot_general3A_94 {dimension_numbers = #tpu.dot_dimension_numbers<[1], [0], [0], [1], [0, 0, 1, 1], [], []>, transpose_lhs_hint = false} : vector<2048x64xf32>, vector<64x32xf32>, vector<2048x32xf32> -> vector<2048x32xf32>
    %add3A_96 = vector.broadcast %get3A_51 : vector<1x32xf32> to vector<2048x32xf32>
    %add3A_97 = arith.addf %dot_general3A_95, %add3A_96 : vector<2048x32xf32>
    %swap3A = arith.constant 0 : index
    %swap3A_98 = arith.constant 0 : index
    %swap3A_99 = vector.load %arg16[%swap3A, %swap3A_98] : memref<2048x32xf32, #tpu.memory_space<vmem>>, vector<2048x32xf32>
    tpu.vector_store %arg16[%swap3A, %swap3A_98], %add3A_97 {strides = array<i32>} : memref<2048x32xf32, #tpu.memory_space<vmem>>, vector<2048x32xf32>,
    return
  }
  func.func @transform_0(%arg0: i32) -> (i32, i32) {
    %c0_i32 = arith.constant 0 : i32
    %c0_i32_0 = arith.constant 0 : i32
    return %arg0, %c0_i32 : i32, i32
  }
  func.func @transform_1(%arg0: i32) -> (i32, i32, i32) {
    %c0_i32 = arith.constant 0 : i32
    %c0_i32_0 = arith.constant 0 : i32
    %c0_i32_1 = arith.constant 0 : i32
    return %c0_i32, %arg0, %c0_i32_0 : i32, i32, i32
  }
  func.func @transform_2(%arg0: i32) -> (i32, i32, i32) {
    %c1_i32 = arith.constant 1 : i32
    %c0_i32 = arith.constant 0 : i32
    %c0_i32_0 = arith.constant 0 : i32
    return %c1_i32, %arg0, %c0_i32 : i32, i32, i32
  }
  func.func @transform_3(%arg0: i32) -> (i32, i32, i32) {
    %c0_i32 = arith.constant 0 : i32
    %c0_i32_0 = arith.constant 0 : i32
    %c0_i32_1 = arith.constant 0 : i32
    return %c0_i32, %arg0, %c0_i32_0 : i32, i32, i32
  }
  func.func @transform_4(%arg0: i32) -> (i32, i32, i32) {
    %c1_i32 = arith.constant 1 : i32
    %c0_i32 = arith.constant 0 : i32
    %c0_i32_0 = arith.constant 0 : i32
    return %c1_i32, %arg0, %c0_i32 : i32, i32, i32
  }
  func.func @transform_5(%arg0: i32) -> (i32, i32) {
    %c0_i32 = arith.constant 0 : i32
    %c0_i32_0 = arith.constant 0 : i32
    return %arg0, %c0_i32 : i32, i32
  }
  func.func @transform_6(%arg0: i32) -> (i32, i32) {
    %c0_i32 = arith.constant 0 : i32
    %c0_i32_0 = arith.constant 0 : i32
    return %arg0, %c0_i32 : i32, i32
  }
  func.func @transform_7(%arg0: i32) -> (i32, i32) {
    %c0_i32 = arith.constant 0 : i32
    %c0_i32_0 = arith.constant 0 : i32
    %c0_i32_1 = arith.constant 0 : i32
    return %c0_i32, %c0_i32_0 : i32, i32
  }
  func.func @transform_8(%arg0: i32) -> (i32, i32) {
    %c0_i32 = arith.constant 0 : i32
    %c0_i32_0 = arith.constant 0 : i32
    %c0_i32_1 = arith.constant 0 : i32
    return %c0_i32, %c0_i32_0 : i32, i32
  }
  func.func @transform_9(%arg0: i32) -> (i32, i32) {
    %c0_i32 = arith.constant 0 : i32
    %c0_i32_0 = arith.constant 0 : i32
    %c0_i32_1 = arith.constant 0 : i32
    return %c0_i32, %c0_i32_0 : i32, i32
  }
  func.func @transform_10(%arg0: i32) -> (i32, i32) {
    %c0_i32 = arith.constant 0 : i32
    %c0_i32_0 = arith.constant 0 : i32
    %c0_i32_1 = arith.constant 0 : i32
    return %c0_i32, %c0_i32_0 : i32, i32
  }
  func.func @transform_11(%arg0: i32) -> (i32, i32) {
    %c0_i32 = arith.constant 0 : i32
    %c0_i32_0 = arith.constant 0 : i32
    %c0_i32_1 = arith.constant 0 : i32
    return %c0_i32, %c0_i32_0 : i32, i32
  }
  func.func @transform_12(%arg0: i32) -> (i32, i32) {
    %c0_i32 = arith.constant 0 : i32
    %c0_i32_0 = arith.constant 0 : i32
    %c0_i32_1 = arith.constant 0 : i32
    return %c0_i32, %c0_i32_0 : i32, i32
  }
  func.func @transform_13(%arg0: i32) -> (i32, i32) {
    %c0_i32 = arith.constant 0 : i32
    %c0_i32_0 = arith.constant 0 : i32
    %c0_i32_1 = arith.constant 0 : i32
    return %c0_i32, %c0_i32_0 : i32, i32
  }
  func.func @transform_14(%arg0: i32) -> (i32, i32) {
    %c0_i32 = arith.constant 0 : i32
    %c0_i32_0 = arith.constant 0 : i32
    %c0_i32_1 = arith.constant 0 : i32
    return %c0_i32, %c0_i32_0 : i32, i32
  }
  func.func @transform_15(%arg0: i32) -> (i32, i32) {
    %c0_i32 = arith.constant 0 : i32
    %c0_i32_0 = arith.constant 0 : i32
    return %arg0, %c0_i32 : i32, i32
  }
}

</mosaic_0001>

<sc_bundles>
// kernel: kernel.5.cloned.1.call-start
scs
__scs_entry_jumppad:
0x0: {  	(pc) =	sbr.rel $0x88, $3  }
0x1: {  	(tag) =	ssettag $0x0;
	lr =	simm.s32 $0x1  }
0x2: {  	[smem:$0x3F95] =	sst lr;
	_ =	strace $0xD0000000  }
0x3: {  	_ = 	snop  }
0x4: {  	_ = 	snop  }
0x5: {  	_ = 	snop  }
0x6: {  	_ = 	snop  }
0x7: {  	_ = 	snop  }
__scs_overlays_trampoline_lowered:
0x8: {  	[smem:$0x3FA4] =	sst s0  }
0x9: {  	[smem:$0x3FA5] =	sst s1  }
0xa: {  	[smem:$0x3FA6] =	sst s2  }
0xb: {  	[smem:$0x3FA7] =	sst s3  }
0xc: {  	[smem:$0x3FA8] =	sst s4  }
0xd: {  	[smem:$0x3FA9] =	sst s5  }
0xe: {  	[smem:$0x3FAA] =	sst s6  }
0xf: {  	[smem:$0x3FAB] =	sst s7  }
0x10: {  	[smem:$0x3FAC] =	sst s8  }
0x11: {  	[smem:$0x3FAD] =	sst s9;
	s0 =	simm.s32 @!p0 $0x0  }
0x12: {  	s1 =	sld [smem:$0x3F93];
	s0 =	simm.s32 @p0 $0x1  }
0x13: {  	[smem:$0x3FAE] =	sst s0;
	s0 =	simm.s32 @!p1 $0x0  }
0x14: {  	s2 =	sld [smem:$0x3F92];
	s0 =	simm.s32 @p1 $0x1  }
0x15: {  	[smem:$0x3FAF] =	sst s0;
	s0 =	simm.s32 @!p2 $0x0  }
0x16: {  	s3 =	sld [smem:$0x3FDB];
	s0 =	simm.s32 @p2 $0x1  }
0x17: {  	s4 =	simm.s32 $0x1BF5;
	[smem:$0x3FB1] =	sst s0  }
0x18: {  	s0 =	sld [smem:$0x3F94];
	_ =	swait.ge [sflag:s4], $0x0  }
0x19: {  	s7 =	sld [smem:$0x3F95]  }
0x1a: {  	s8 =	sadd.s32 $0xFFFFE003, lr  }
0x1b: {  	s9 =	sadd.s32 $0xFFFFFEF7, lr;
	s5 =	simm.s32 $0xFFFFFFFF;
	p2 =	slt.u32 s8, $0xFFFFF086  }
0x1c: {  	p1 =	slt.u32 s9, $0xF7A;
	s5 =	simm.s32 @!p2 $0x0  }
0x1d: {  	s5 =	simm.s32 @p1 $0x1;
	p0 =	seq.s32 s7, s2  }
0x1e: {  	s7 =	smul.u32 @!p0 $0xF7A, s2;
	p2 =	seq.s32 @!p0 s5, $0x0  }
0x1f: {  	s9 =	smul.u32 $0xF7A, s1;
	s8 =	simm.s32 @!p0 $0x1BF5;
	p2 =	por !p2, p0  }
0x20: {  	[sflag:s8] =	ssyncset.s32 @!p0 $0xFFFFF086;
	s6 =	sadd.s32 @!p0 s3, s7;
	s7 =	simm.s32 @!p0 $0x108  }
0x21: {  	s3 =	sadd.s32 s3, s9;
	s6 =	sadd.s32 @!p0 $0x88, s6;
	s7 =	simm.s32 @p2 $0x1082  }
0x22: {  	[simem:s7], [sflag:s8] =	dma.local @!p0 [hbm:s6], $0xF7A  }
0x23: {  	s9 =	sor.u32 $0xD0000000, s2;
	s6 =	simm.s32 $0x108;
	_ =	swait.ge @!p0 [sflag:s8], $0x0  }
0x24: {  	s3 =	sadd.s32 $0x88, s3;
	s6 =	simm.s32 @!p1 $0x1082;
	[sflag:s4] =	ssyncset.s32 $0xFFFFF086  }
0x25: {  	[simem:s6], [sflag:s4] =	dma.local [hbm:s3], $0xF7A  }
0x26: {  	[smem:$0x3F95] =	sst s1;
	(tag) =	ssettag s2;
	_ =	strace s9  }
0x27: {  	s1 =	sld [smem:$0x3FA5]  }
0x28: {  	s2 =	sld [smem:$0x3FA6]  }
0x29: {  	s4 =	sld [smem:$0x3FA8]  }
0x2a: {  	p0 =	seq.s32 s5, $0x0;
	s5 =	sld [smem:$0x3FA9]  }
0x2b: {  	s6 =	sld [smem:$0x3FAA]  }
0x2c: {  	s7 =	sld [smem:$0x3FAB]  }
0x2d: {  	s3 =	simm.s32 $0x108;
	s8 =	sld [smem:$0x3FAC]  }
0x2e: {  	s3 =	simm.s32 @!p0 $0x1082;
	s9 =	sld [smem:$0x3FAD]  }
0x2f: {  	lr =	sadd.s32 s0, s3;
	s0 =	sld [smem:$0x3FA4]  }
0x30: {  	s3 =	sld [smem:$0x3FA7]  }
0x31: {  	[smem:$0x3FB0] =	sst s10  }
0x32: {  	s10 =	sld [smem:$0x3FAE];
	_ =	sdelay $0x3  }
0x33: {  	p0 =	seq.s32 s10, $0x1;
	s10 =	sld [smem:$0x3FB0];
	_ =	sdelay $0x3  }
0x34: {  	[smem:$0x3FB0] =	sst s10  }
0x35: {  	s10 =	sld [smem:$0x3FAF];
	_ =	sdelay $0x3  }
0x36: {  	p1 =	seq.s32 s10, $0x1;
	s10 =	sld [smem:$0x3FB0];
	_ =	sdelay $0x3  }
0x37: {  	[smem:$0x3FB0] =	sst s10  }
0x38: {  	s10 =	sld [smem:$0x3FB1]  }
0x39: {  	_ = 	snop;
	(pc) =	sbr.ind lr, $3  }
0x3a: {  	_ = 	snop  }
0x3b: {  	_ = 	snop  }
0x3c: {  	p2 =	seq.s32 s10, $0x1;
	s10 =	sld [smem:$0x3FB0]  }
0x3d: {  	_ =	shalt  }
0x3e: {  	_ =	shalt  }
0x3f: {  	_ =	shalt  }
0x40: {  	_ =	shalt  }
0x41: {  	_ =	shalt  }
0x42: {  	_ =	shalt  }
0x43: {  	_ =	shalt  }
0x44: {  	_ =	shalt  }
0x45: {  	_ =	shalt  }
0x46: {  	_ =	shalt  }
0x47: {  	_ =	shalt  }
0x48: {  	_ =	shalt  }
0x49: {  	_ =	shalt  }
0x4a: {  	_ =	shalt  }
0x4b: {  	_ =	shalt  }
0x4c: {  	_ =	shalt  }
0x4d: {  	_ =	shalt  }
0x4e: {  	_ =	shalt  }
0x4f: {  	_ =	shalt  }
0x50: {  	_ =	shalt  }
0x51: {  	_ =	shalt  }
0x52: {  	_ =	shalt  }
0x53: {  	_ =	shalt  }
0x54: {  	_ =	shalt  }
0x55: {  	_ =	shalt  }
0x56: {  	_ =	shalt  }
0x57: {  	_ =	shalt  }
0x58: {  	_ =	shalt  }
0x59: {  	_ =	shalt  }
0x5a: {  	_ =	shalt  }
0x5b: {  	_ =	shalt  }
0x5c: {  	_ =	shalt  }
0x5d: {  	_ =	shalt  }
0x5e: {  	_ =	shalt  }
0x5f: {  	_ =	shalt  }
0x60: {  	_ =	shalt  }
0x61: {  	_ =	shalt  }
0x62: {  	_ =	shalt  }
0x63: {  	_ =	shalt  }
0x64: {  	_ =	shalt  }
0x65: {  	_ =	shalt  }
0x66: {  	_ =	shalt  }
0x67: {  	_ =	shalt  }
0x68: {  	_ =	shalt  }
0x69: {  	_ =	shalt  }
0x6a: {  	_ =	shalt  }
0x6b: {  	_ =	shalt  }
0x6c: {  	_ =	shalt  }
0x6d: {  	_ =	shalt  }
0x6e: {  	_ =	shalt  }
0x6f: {  	_ =	shalt  }
0x70: {  	_ =	shalt  }
0x71: {  	_ =	shalt  }
0x72: {  	_ =	shalt  }
0x73: {  	_ =	shalt  }
0x74: {  	_ =	shalt  }
0x75: {  	_ =	shalt  }
0x76: {  	_ =	shalt  }
0x77: {  	_ =	shalt  }
0x78: {  	_ =	shalt  }
0x79: {  	_ =	shalt  }
0x7a: {  	_ =	shalt  }
0x7b: {  	_ =	shalt  }
0x7c: {  	_ =	shalt  }
0x7d: {  	_ =	shalt  }
0x7e: {  	_ =	shalt  }
0x7f: {  	_ =	shalt  }
0x80: {  	_ =	shalt  }
0x81: {  	_ =	shalt  }
0x82: {  	_ =	shalt  }
0x83: {  	_ =	shalt  }
0x84: {  	_ =	shalt  }
0x85: {  	_ =	shalt  }
0x86: {  	_ =	shalt  }
0x87: {  	_ =	shalt  }
.Lfunc_end0:
.L_simem_size_0:
called_computation_lowered:
.L_overlay_start_0:
0x88: {  	s2 =	sld [smem:$0x3FD9]  }
0x89: {  	s3 =	sld [smem:$0x3FFE];
	_ =	sdelay $0x1  }
0x8a: {  	s1 =	srdreg.scid  }
0x8b: {  	s0 =	sand.u32 $0x1, s1  }
0x8c: {  	s17 =	sshll.u32 s0, $0xA;
	s2 =	sadd.s32 s3, s2  }
0x8d: {  	s2 =	sadd.s32 s2, s17  }
0x8e: {  	[smem:$0x3FBC] =	sst s2  }
0x8f: {  	_ = 	snop  }
0x90: {  	s2 =	sld [smem:$0x3FC8]  }
0x91: {  	s18 =	sld [smem:$0x3FC7]  }
0x92: {  	s4 =	sld [smem:$0x3FD0];
	(tm) =	ssettm $0x1  }
0x93: {  	s5 =	sld [smem:$0x3FFB];
	_ =	sdelay $0x3  }
0x94: {  	_ =	strace s5  }
0x95: {  	s5 =	sld [smem:$0x3FFC];
	_ =	sdelay $0x3  }
0x96: {  	_ =	strace s5  }
0x97: {  	s5 =	sld [smem:$0x3FFD];
	_ =	sdelay $0x3  }
0x98: {  	_ =	strace s5  }
0x99: {  	_ =	strace $0x8FFFFFFF  }
0x9a: {  	s19 =	sld [smem:$0x3FDB];
	_ =	sdelay $0x1  }
0x9b: {  	s6 =	simm.s32 $_scs_section_size  }
0x9c: {  	s7 =	simm.s32 $_size__tile_overlayer_lowered;
	s8 =	simm.s32 $_tile_overlayer_lowered  }
0x9d: {  	s22 =	simm.s32 $0x1BFF;
	s21 =	sshll.u32 s8, $0x1;
	s5 =	sadd.s32 s6, s19  }
0x9e: {  	s9 =	simm.s32 $0x0;
	s20 =	sshll.u32 s7, $0x1;
	s7 =	sadd.s32 s21, s5  }
0x9f: {  	[timem:s9], [sflag:s22] =	dma.local [hbm:s7], s20  }
0xa0: {  	_ =	swait.ge [sflag:s22], s20  }
0xa1: {  	s6 =	ssub.s32 $0x0, s20;
	[sflag:s22] =	ssyncset.done $0x0  }
0xa2: {  	[sflag:s22] =	ssyncadd.s32 s6;
	_ =	sdelay $0x1  }
0xa3: {  	s23 =	simm.s32 $0x1B8B  }
0xa4: {  	_ =	swait.ge [sflag:s23], $0x1  }
0xa5: {  	[sflag:s23] =	ssyncset.done $0x0  }
0xa6: {  	s25 =	simm.s32 $0x1B8E;
	s24 =	sld [smem:$0x3FFE];
	[sflag:s23] =	ssyncadd.s32 $0xFFFFFFFF  }
0xa7: {  	s26 =	simm.s32 $execute0_lowered;
	[smem:$0x3FD2] =	sst s25  }
0xa8: {  	s7 =	sshll.u32 s26, $0x1;
	_ =	strace $0x80000046;
	[dreg:$0x1] =	wrdreg $0xFFFFFFFF  }
0xa9: {  	s28 =	simm.s32 $_size_execute0_lowered;
	s5 =	sadd.s32 s5, s7;
	[dreg:$0x0] =	wrdreg $0x0  }
0xaa: {  	s7 =	sshll.u32 s28, $0x1;
	[dreg:$0x2] =	wrdreg s5  }
0xab: {  	[dreg:$0x3] =	wrdreg s7  }
0xac: {  	[dreg:$0x4] =	wrdreg $0xC0  }
0xad: {  	_ =	task [dreg:s9], $0x5FFFF  }
0xae: {  	[dreg:$0x1] =	wrdreg $0xFFFFFFFF  }
0xaf: {  	[dreg:$0x0] =	wrdreg $0x60  }
0xb0: {  	[dreg:$0x2] =	wrdreg s2  }
0xb1: {  	[dreg:$0x3] =	wrdreg s18  }
0xb2: {  	[dreg:$0x4] =	wrdreg s24  }
0xb3: {  	[dreg:$0x5] =	wrdreg s4  }
0xb4: {  	[dreg:$0x6] =	wrdreg $0x0  }
0xb5: {  	[dreg:$0x7] =	wrdreg $0x9  }
0xb6: {  	_ =	task.clear_ibuf [dreg:s9], $0x8FFFF;
	_ =	strace $0x90000046  }
0xb7: {  	s29 =	simm.s32 $0x9;
	_ =	strace $0x80000048  }
0xb8: {  	_ =	swait.ge [sflag:s29], $0x1  }
0xb9: {  	[sflag:s29] =	ssyncadd.s32 $0xFFFFFFFF  }
0xba: {  	_ =	strace $0x90000048  }
0xbb: {  	_ =	sfence  }
0xbc: {  	s30 =	sld [smem:$0x0];
	_ =	sdelay $0x2  }
0xbd: {  	s31 =	sshll.u32 s1, $0xD;
	s1 =	sshrl.u32 s1, $0x2  }
0xbe: {  	s3 =	sand.u32 $0x4000, s31;
	s1 =	sadd.s32 s1, s30  }
0xbf: {  	s0 =	sor.u32 s3, s0;
	s1 =	sshll.u32 s1, $0x11  }
0xc0: {  	s0 =	sor.u32 s1, s0  }
0xc1: {  	s0 =	sadd.s32 $0x8F2B, s0  }
0xc2: {  	[sflag:s0] =	ssyncadd.remote.s32 $0x1  }
0xc3: {  	_ =	sfence.sel $0xFFFF  }
0xc4: {  	[dreg:$0x0] =	wrdreg $0xFFFFFFFF;
	(pc) =	sbr.abs _section_cstart, $3  }
0xc5: {  	[dreg:$0x1] =	wrdreg $0xFFFFFFFF  }
0xc6: {  	_ =	task.clear_ibuf [dreg:s9], $0x2FFFF;
	_ =	strace $0x9FFFFFFF  }
0xc7: {  	(tm) =	ssettm $0x7FFFFFFF  }
tec
execute0_lowered:
.L_overlay_start_1:
0x0: {  	(tag) =	ssettag $0x1  }
0x1: {  	s0 =	rddreg [dreg:$0x0]  }
0x2: {  	s2 =	rddreg [dreg:$0x2]  }
0x3: {  	s1 =	srdreg.scid;
	s13 =	rddreg [dreg:$0x3]  }
0x4: {  	s12 =	stileid.u32;
	s5 =	rddreg [dreg:$0x4];
	s6 =	simm.s32 $0x0  }
0x5: {  	s10 =	simm.s32 $0x14200;
	s14 =	simm.s32 $0x14280;
	[smem:$0x7FF] =	sst s6  }
0x6: {  	s16 =	simm.s32 $0x15200;
	_ =	strace $0x80000047;
	[dreg:$0x8] =	wrdreg s10  }
0x7: {  	s17 =	simm.s32 $0x14300;
	s18 =	simm.s32 $0x15280;
	[dreg:$0x9] =	wrdreg s14  }
0x8: {  	s19 =	simm.s32 $0x14380;
	s21 =	simm.s32 $0x15300;
	[dreg:$0xa] =	wrdreg s16  }
0x9: {  	s22 =	simm.s32 $0x14400;
	s23 =	simm.s32 $0x15380;
	[dreg:$0xb] =	wrdreg s17  }
0xa: {  	s25 =	simm.s32 $0x14480;
	s26 =	simm.s32 $0x15400;
	[dreg:$0xc] =	wrdreg s18  }
0xb: {  	s28 =	simm.s32 $0x2;
	s29 =	simm.s32 $0x15080;
	[dreg:$0xd] =	wrdreg s19  }
0xc: {  	s30 =	simm.s32 $0x4;
	s31 =	simm.s32 $0x14180;
	[dreg:$0xe] =	wrdreg s21  }
0xd: {  	s1 =	sand.u32 $0x1, s1;
	s4 =	smul.u32 $0x5000, s12;
	[dreg:$0xf] =	wrdreg s22  }
0xe: {  	s7 =	sadd.s32 $0x2400, s2;
	s15 =	smul.u32 $0x14000, s12;
	[dreg:$0x10] =	wrdreg s23  }
0xf: {  	s8 =	sshll.u32 s12, $0x6;
	s3 =	smul.u32 $0x50000, s1;
	[dreg:$0x11] =	wrdreg s25  }
0x10: {  	s9 =	sshll.u32 s1, $0xA;
	[dreg:$0x12] =	wrdreg s26;
	s14 =	simm.s32 $0x14580  }
0x11: {  	s11 =	smul.u32 $0x140000, s1;
	s16 =	simm.s32 $0x15500;
	[dreg:$0x15] =	wrdreg s14  }
0x12: {  	s20 =	smul.u32 $0x28000, s1;
	s17 =	simm.s32 $0x14600;
	[dreg:$0x16] =	wrdreg s16  }
0x13: {  	s10 =	smul.u32 $0x2800, s12;
	s19 =	simm.s32 $0x15580;
	[dreg:$0x17] =	wrdreg s17  }
0x14: {  	s1 =	ssub.s32 $0x2, s1;
	s21 =	simm.s32 $0x15600;
	[dreg:$0x18] =	wrdreg s19  }
0x15: {  	s23 =	simm.s32 $0x14700;
	s25 =	simm.s32 $0x15680;
	[dreg:$0x1a] =	wrdreg s21  }
0x16: {  	s9 =	sor.u32 s8, s9;
	s8 =	sor.u32 $0x1C05, s8;
	[dreg:$0x1b] =	wrdreg s23  }
0x17: {  	[dreg:$0x1c] =	wrdreg s25;
	s14 =	simm.s32 $0x14800;
	s16 =	simm.s32 $0x15780  }
0x18: {  	s17 =	simm.s32 $0x14880;
	s19 =	simm.s32 $0x14900;
	[dreg:$0x1f] =	wrdreg s14  }
0x19: {  	s21 =	simm.s32 $0x14980;
	s23 =	simm.s32 $0x14A00;
	[smem:$0x7F0] =	sst s16  }
0x1a: {  	s25 =	simm.s32 $0x14A80;
	s3 =	sadd.s32 s4, s3;
	[smem:$0x7F1] =	sst s17  }
0x1b: {  	s24 =	sadd.s32 s10, s20;
	s10 =	sshrl.u32 s1, $0x1;
	[smem:$0x7F3] =	sst s19  }
0x1c: {  	s20 =	simm.s32 $0x14680;
	s16 =	simm.s32 $0x5;
	[smem:$0x7F5] =	sst s21  }
0x1d: {  	s17 =	simm.s32 $0x1B000;
	s19 =	simm.s32 $0x15000;
	[smem:$0x7F7] =	sst s23  }
0x1e: {  	s21 =	simm.s32 $0x16000;
	s23 =	simm.s32 $0x18800;
	[smem:$0x7F9] =	sst s25  }
0x1f: {  	s25 =	simm.s32 $0x3;
	s14 =	simm.s32 $0x15C00;
	s4 =	sadd.s32 $0xA0000, s3  }
0x20: {  	s3 =	sshrl.u32 s3, $0x3;
	s1 =	ssub.s32 s1, s10;
	[dreg:$0x19] =	wrdreg s20  }
0x21: {  	s20 =	simm.s32 $0x15880;
	s10 =	simm.s32 $0x14B80;
	s4 =	sshrl.u32 s4, $0x3  }
0x22: {  	s3 =	sadd.s32 s3, s7;
	s1 =	smax.u32 s1, $0x1;
	[smem:$0x7F4] =	sst s20  }
0x23: {  	s20 =	simm.s32 $0x50;
	s4 =	sadd.s32 s4, s7;
	[dreg:$0x7] =	wrdreg s3  }
0x24: {  	s7 =	sadd.s32 s15, s11;
	s15 =	smul.u32 $0x50000, s12;
	[smem:$0x7EF] =	sst s1  }
0x25: {  	s12 =	simm.s32 $0x14780;
	[dreg:$0x6] =	wrdreg s4;
	s4 =	sadd.s32 s9, s2  }
0x26: {  	s7 =	sshrl.u32 s7, $0x3;
	s9 =	simm.s32 $0x15480;
	[dreg:$0x1d] =	wrdreg s12  }
0x27: {  	s11 =	sadd.s32 s7, s2;
	[dreg:$0x14] =	wrdreg s9;
	s26 =	sadd.s32 $0x2A400, s4  }
0x28: {  	s7 =	sshrl.u32 s24, $0x3;
	s4 =	sadd.s32 $0x2AC00, s4;
	[smem:$0x7EB] =	sst s26  }
0x29: {  	s2 =	sadd.s32 s7, s2;
	s7 =	simm.s32 $0x14500;
	[smem:$0x7EC] =	sst s4  }
0x2a: {  	s3 =	simm.s32 $0x15100;
	s24 =	sadd.s32 $0x3F400, s11;
	[dreg:$0x13] =	wrdreg s7  }
0x2b: {  	s18 =	sshrl.u32 s15, $0x2;
	s15 =	sadd.s32 $0x8F400, s11;
	[smem:$0x7EA] =	sst s24  }
0x2c: {  	s9 =	sadd.s32 s18, s5;
	s18 =	simm.s32 $0x15800;
	[smem:$0x7EE] =	sst s15  }
0x2d: {  	s1 =	simm.s32 $0x15180;
	s26 =	simm.s32 $0x15A00;
	[smem:$0x7F2] =	sst s18  }
0x2e: {  	s12 =	simm.s32 $0x14C00;
	s4 =	smov.u32 s8;
	[smem:$0x7FA] =	sst s26  }
0x2f: {  	s8 =	simm.s32 $0x14B00;
	s22 =	sadd.s32 $0x2B400, s2;
	[smem:$0x7FC] =	sst s4  }
0x30: {  	s11 =	simm.s32 $0x15B00;
	s2 =	sadd.s32 $0x35400, s2;
	[smem:$0x7E9] =	sst s22  }
0x31: {  	s7 =	smov.u32 s13;
	s13 =	simm.s32 $0x15700;
	[smem:$0x7ED] =	sst s2  }
0x32: {  	s18 =	simm.s32 $0x14000;
	s24 =	simm.s32 $0x15980;
	[dreg:$0x1e] =	wrdreg s13  }
0x33: {  	s26 =	simm.s32 $0x14100;
	s15 =	simm.s32 $0x0;
	[smem:$0x7F8] =	sst s24  }
0x34: {  	s2 =	sshrl.u32 s9, $0x3;
	s22 =	simm.s32 $0x15900;
	[smem:$0x7FB] =	sst s15  }
0x35: {  	s24 =	simm.s32 $0x1;
	s9 =	simm.s32 $0x15A80;
	[smem:$0x7F6] =	sst s22  }
0x36: {  	v0 =	vimm.f32 $1.000000000e+00;
	s13 =	simm.s32 $0x15B80;
	s22 =	simm.s32 $0x14080;
	[smem:$0x7FD] =	sst s2  }
.LBB2_1:
0x37: {  	[spmem:s2], [sflag:s4] =	dma.local [hbm:s7], $0x2800  }
0x38: {  	_ =	swait.ge [sflag:s16], $0x2800  }
0x39: {  	[sflag:s16] =	ssyncset.done $0x0  }
0x3a: {  	[sflag:s16] =	ssyncadd.s32 $0xFFFFD800  }
0x3b: {  	[tilespmem:s17], [sflag:$0x5] =	stream.linear.gather [hbm4b:s7+s6], $0x2800, $0x38;
	[tilespmem:$0x1D800] =	vst v63  }
0x3c: {  	_ =	swait.ge [sflag:s16], $0x2800  }
0x3d: {  	[sflag:s16] =	ssyncset.done $0x0  }
0x3e: {  	[sflag:s16] =	ssyncadd.s32 $0xFFFFD800  }
0x3f: {  	s4 =	simm.s32 $0x0;
	[bflag:$0x0] =	sbarrier.arrive $0xFFFF  }
.LBB2_2:
0x40: {  	s7 =	rddreg [dreg:$0x7]  }
0x41: {  	s7 =	sadd.s32 s4, s7  }
0x42: {  	[tilespmem:s18], [sflag:$0x5] =	stream.linear.gather [hbm4b:s7+s6], $0xC80, $0x38;
	[tilespmem:$0x1D800] =	vst v63  }
0x43: {  	_ =	swait.ge [sflag:s16], $0xC80  }
0x44: {  	s2 =	rddreg [dreg:$0x6];
	[sflag:s16] =	ssyncset.done $0x0  }
0x45: {  	[sflag:s16] =	ssyncadd.s32 $0xFFFFF380;
	s7 =	sadd.s32 s4, s2  }
0x46: {  	[tilespmem:s19], [sflag:$0x5] =	stream.linear.gather [hbm4b:s7+s6], $0xC80, $0x38;
	[tilespmem:$0x1D800] =	vst v63  }
0x47: {  	_ =	swait.ge [sflag:s16], $0xC80  }
0x48: {  	[sflag:s16] =	ssyncset.done $0x0  }
0x49: {  	[sflag:s16] =	ssyncadd.s32 $0xFFFFF380  }
0x4a: {  	[tilespmem:s21], [sflag:$0x1] =	stream.indirect.gather [hbm4b:s0+s20], $0x80, s18, s20, $0xb8;
	[tilespmem:$0x1D800] =	vst v63  }
0x4b: {  	v1 =	vld [tilespmem:$0x15000];
	_ =	sdelay $0x7  }
0x4c: {  	[tilespmem:v1+s17+$0x0] =	vst.idx.add.f32.msk $0xffff, v0  }
0x4d: {  	v1 =	vld [tilespmem:$0x15010];
	_ =	sdelay $0x7  }
0x4e: {  	[tilespmem:v1+s17+$0x0] =	vst.idx.add.f32.msk $0xffff, v0  }
0x4f: {  	v1 =	vld [tilespmem:$0x15020];
	_ =	sdelay $0x7  }
0x50: {  	[tilespmem:v1+s17+$0x0] =	vst.idx.add.f32.msk $0xffff, v0  }
0x51: {  	v1 =	vld [tilespmem:$0x15030];
	_ =	sdelay $0x7  }
0x52: {  	[tilespmem:v1+s17+$0x0] =	vst.idx.add.f32.msk $0xffff, v0  }
0x53: {  	v1 =	vld [tilespmem:$0x15040];
	_ =	sdelay $0x7  }
0x54: {  	[tilespmem:v1+s17+$0x0] =	vst.idx.add.f32.msk $0xffff, v0  }
0x55: {  	[tilespmem:s23], [sflag:$0x2] =	stream.indirect.gather [hbm4b:s0+s20], $0x80, s22, s20, $0xb8;
	[tilespmem:$0x1D800] =	vst v63  }
0x56: {  	_ =	swait.ge [sflag:s24], $0x2800  }
0x57: {  	[sflag:s24] =	ssyncset.done $0x0  }
0x58: {  	[sflag:s24] =	ssyncadd.s32 $0xFFFFD800  }
0x59: {  	[spmem:s5] =	stream.indirect.scatter.add.f32 [tilespmem:s21], [sflag:$0x3], $0x80, s19, s20, $0xb8;
	[tilespmem:$0x1D800] =	vst v63  }
0x5a: {  	v1 =	vld [tilespmem:$0x15080];
	_ =	sdelay $0x7  }
0x5b: {  	[tilespmem:v1+s17+$0x0] =	vst.idx.add.f32.msk $0xffff, v0  }
0x5c: {  	v1 =	vld [tilespmem:$0x15090];
	_ =	sdelay $0x7  }
0x5d: {  	[tilespmem:v1+s17+$0x0] =	vst.idx.add.f32.msk $0xffff, v0  }
0x5e: {  	v1 =	vld [tilespmem:$0x150A0];
	_ =	sdelay $0x7  }
0x5f: {  	[tilespmem:v1+s17+$0x0] =	vst.idx.add.f32.msk $0xffff, v0  }
0x60: {  	v1 =	vld [tilespmem:$0x150B0];
	_ =	sdelay $0x7  }
0x61: {  	[tilespmem:v1+s17+$0x0] =	vst.idx.add.f32.msk $0xffff, v0  }
0x62: {  	v1 =	vld [tilespmem:$0x150C0];
	_ =	sdelay $0x7  }
0x63: {  	[tilespmem:v1+s17+$0x0] =	vst.idx.add.f32.msk $0xffff, v0  }
0x64: {  	_ =	swait.ge [sflag:s25], $0x2800  }
0x65: {  	[sflag:s25] =	ssyncset.done $0x0  }
0x66: {  	[sflag:s25] =	ssyncadd.s32 $0xFFFFD800  }
0x67: {  	[tilespmem:s21], [sflag:$0x1] =	stream.indirect.gather [hbm4b:s0+s20], $0x80, s26, s20, $0xb8;
	[tilespmem:$0x1D800] =	vst v63  }
0x68: {  	_ =	swait.ge [sflag:s28], $0x2800  }
0x69: {  	[sflag:s28] =	ssyncset.done $0x0  }
0x6a: {  	[sflag:s28] =	ssyncadd.s32 $0xFFFFD800  }
0x6b: {  	[spmem:s5] =	stream.indirect.scatter.add.f32 [tilespmem:s23], [sflag:$0x4], $0x80, s29, s20, $0xb8;
	[tilespmem:$0x1D800] =	vst v63  }
0x6c: {  	v1 =	vld [tilespmem:$0x15100];
	_ =	sdelay $0x7  }
0x6d: {  	[tilespmem:v1+s17+$0x0] =	vst.idx.add.f32.msk $0xffff, v0  }
0x6e: {  	v1 =	vld [tilespmem:$0x15110];
	_ =	sdelay $0x7  }
0x6f: {  	[tilespmem:v1+s17+$0x0] =	vst.idx.add.f32.msk $0xffff, v0  }
0x70: {  	v1 =	vld [tilespmem:$0x15120];
	_ =	sdelay $0x7  }
0x71: {  	[tilespmem:v1+s17+$0x0] =	vst.idx.add.f32.msk $0xffff, v0  }
0x72: {  	v1 =	vld [tilespmem:$0x15130];
	_ =	sdelay $0x7  }
0x73: {  	[tilespmem:v1+s17+$0x0] =	vst.idx.add.f32.msk $0xffff, v0  }
0x74: {  	v1 =	vld [tilespmem:$0x15140];
	_ =	sdelay $0x7  }
0x75: {  	[tilespmem:v1+s17+$0x0] =	vst.idx.add.f32.msk $0xffff, v0  }
0x76: {  	_ =	swait.ge [sflag:s30], $0x2800  }
0x77: {  	[sflag:s30] =	ssyncset.done $0x0  }
0x78: {  	[sflag:s30] =	ssyncadd.s32 $0xFFFFD800  }
0x79: {  	[tilespmem:s23], [sflag:$0x2] =	stream.indirect.gather [hbm4b:s0+s20], $0x80, s31, s20, $0xb8;
	[tilespmem:$0x1D800] =	vst v63  }
0x7a: {  	_ =	swait.ge [sflag:s24], $0x2800  }
0x7b: {  	[sflag:s24] =	ssyncset.done $0x0  }
0x7c: {  	[sflag:s24] =	ssyncadd.s32 $0xFFFFD800  }
0x7d: {  	[spmem:s5] =	stream.indirect.scatter.add.f32 [tilespmem:s21], [sflag:$0x3], $0x80, s3, s20, $0xb8;
	[tilespmem:$0x1D800] =	vst v63  }
0x7e: {  	v1 =	vld [tilespmem:$0x15180];
	_ =	sdelay $0x7  }
0x7f: {  	[tilespmem:v1+s17+$0x0] =	vst.idx.add.f32.msk $0xffff, v0  }
0x80: {  	v1 =	vld [tilespmem:$0x15190];
	_ =	sdelay $0x7  }
0x81: {  	[tilespmem:v1+s17+$0x0] =	vst.idx.add.f32.msk $0xffff, v0  }
0x82: {  	v1 =	vld [tilespmem:$0x151A0];
	_ =	sdelay $0x7  }
0x83: {  	[tilespmem:v1+s17+$0x0] =	vst.idx.add.f32.msk $0xffff, v0  }
0x84: {  	v1 =	vld [tilespmem:$0x151B0];
	_ =	sdelay $0x7  }
0x85: {  	[tilespmem:v1+s17+$0x0] =	vst.idx.add.f32.msk $0xffff, v0  }
0x86: {  	v1 =	vld [tilespmem:$0x151C0];
	_ =	sdelay $0x7  }
0x87: {  	[tilespmem:v1+s17+$0x0] =	vst.idx.add.f32.msk $0xffff, v0  }
0x88: {  	_ =	swait.ge [sflag:s25], $0x2800  }
0x89: {  	[sflag:s25] =	ssyncset.done $0x0  }
0x8a: {  	s15 =	rddreg [dreg:$0x8];
	[sflag:s25] =	ssyncadd.s32 $0xFFFFD800  }
0x8b: {  	[tilespmem:s21], [sflag:$0x1] =	stream.indirect.gather [hbm4b:s0+s20], $0x80, s15, s20, $0xb8;
	[tilespmem:$0x1D800] =	vst v63  }
0x8c: {  	_ =	swait.ge [sflag:s28], $0x2800  }
0x8d: {  	[sflag:s28] =	ssyncset.done $0x0  }
0x8e: {  	[sflag:s28] =	ssyncadd.s32 $0xFFFFD800  }
0x8f: {  	[spmem:s5] =	stream.indirect.scatter.add.f32 [tilespmem:s23], [sflag:$0x4], $0x80, s1, s20, $0xb8;
	[tilespmem:$0x1D800] =	vst v63  }
0x90: {  	v1 =	vld [tilespmem:$0x15200];
	_ =	sdelay $0x7  }
0x91: {  	[tilespmem:v1+s17+$0x0] =	vst.idx.add.f32.msk $0xffff, v0  }
0x92: {  	v1 =	vld [tilespmem:$0x15210];
	_ =	sdelay $0x7  }
0x93: {  	[tilespmem:v1+s17+$0x0] =	vst.idx.add.f32.msk $0xffff, v0  }
0x94: {  	v1 =	vld [tilespmem:$0x15220];
	_ =	sdelay $0x7  }
0x95: {  	[tilespmem:v1+s17+$0x0] =	vst.idx.add.f32.msk $0xffff, v0  }
0x96: {  	v1 =	vld [tilespmem:$0x15230];
	_ =	sdelay $0x7  }
0x97: {  	[tilespmem:v1+s17+$0x0] =	vst.idx.add.f32.msk $0xffff, v0  }
0x98: {  	v1 =	vld [tilespmem:$0x15240];
	_ =	sdelay $0x7  }
0x99: {  	[tilespmem:v1+s17+$0x0] =	vst.idx.add.f32.msk $0xffff, v0  }
0x9a: {  	_ =	swait.ge [sflag:s30], $0x2800  }
0x9b: {  	[sflag:s30] =	ssyncset.done $0x0  }
0x9c: {  	s2 =	rddreg [dreg:$0x9];
	[sflag:s30] =	ssyncadd.s32 $0xFFFFD800  }
0x9d: {  	[tilespmem:s23], [sflag:$0x2] =	stream.indirect.gather [hbm4b:s0+s20], $0x80, s2, s20, $0xb8;
	[tilespmem:$0x1D800] =	vst v63  }
0x9e: {  	_ =	swait.ge [sflag:s24], $0x2800  }
0x9f: {  	[sflag:s24] =	ssyncset.done $0x0  }
0xa0: {  	s15 =	rddreg [dreg:$0xa];
	[sflag:s24] =	ssyncadd.s32 $0xFFFFD800  }
0xa1: {  	[spmem:s5] =	stream.indirect.scatter.add.f32 [tilespmem:s21], [sflag:$0x3], $0x80, s15, s20, $0xb8;
	[tilespmem:$0x1D800] =	vst v63  }
0xa2: {  	v1 =	vld [tilespmem:$0x15280];
	_ =	sdelay $0x7  }
0xa3: {  	[tilespmem:v1+s17+$0x0] =	vst.idx.add.f32.msk $0xffff, v0  }
0xa4: {  	v1 =	vld [tilespmem:$0x15290];
	_ =	sdelay $0x7  }
0xa5: {  	[tilespmem:v1+s17+$0x0] =	vst.idx.add.f32.msk $0xffff, v0  }
0xa6: {  	v1 =	vld [tilespmem:$0x152A0];
	_ =	sdelay $0x7  }
0xa7: {  	[tilespmem:v1+s17+$0x0] =	vst.idx.add.f32.msk $0xffff, v0  }
0xa8: {  	v1 =	vld [tilespmem:$0x152B0];
	_ =	sdelay $0x7  }
0xa9: {  	[tilespmem:v1+s17+$0x0] =	vst.idx.add.f32.msk $0xffff, v0  }
0xaa: {  	v1 =	vld [tilespmem:$0x152C0];
	_ =	sdelay $0x7  }
0xab: {  	[tilespmem:v1+s17+$0x0] =	vst.idx.add.f32.msk $0xffff, v0  }
0xac: {  	_ =	swait.ge [sflag:s25], $0x2800  }
0xad: {  	[sflag:s25] =	ssyncset.done $0x0  }
0xae: {  	s2 =	rddreg [dreg:$0xb];
	[sflag:s25] =	ssyncadd.s32 $0xFFFFD800  }
0xaf: {  	[tilespmem:s21], [sflag:$0x1] =	stream.indirect.gather [hbm4b:s0+s20], $0x80, s2, s20, $0xb8;
	[tilespmem:$0x1D800] =	vst v63  }
0xb0: {  	_ =	swait.ge [sflag:s28], $0x2800  }
0xb1: {  	[sflag:s28] =	ssyncset.done $0x0  }
0xb2: {  	s15 =	rddreg [dreg:$0xc];
	[sflag:s28] =	ssyncadd.s32 $0xFFFFD800  }
0xb3: {  	[spmem:s5] =	stream.indirect.scatter.add.f32 [tilespmem:s23], [sflag:$0x4], $0x80, s15, s20, $0xb8;
	[tilespmem:$0x1D800] =	vst v63  }
0xb4: {  	v1 =	vld [tilespmem:$0x15300];
	_ =	sdelay $0x7  }
0xb5: {  	[tilespmem:v1+s17+$0x0] =	vst.idx.add.f32.msk $0xffff, v0  }
0xb6: {  	v1 =	vld [tilespmem:$0x15310];
	_ =	sdelay $0x7  }
0xb7: {  	[tilespmem:v1+s17+$0x0] =	vst.idx.add.f32.msk $0xffff, v0  }
0xb8: {  	v1 =	vld [tilespmem:$0x15320];
	_ =	sdelay $0x7  }
0xb9: {  	[tilespmem:v1+s17+$0x0] =	vst.idx.add.f32.msk $0xffff, v0  }
0xba: {  	v1 =	vld [tilespmem:$0x15330];
	_ =	sdelay $0x7  }
0xbb: {  	[tilespmem:v1+s17+$0x0] =	vst.idx.add.f32.msk $0xffff, v0  }
0xbc: {  	v1 =	vld [tilespmem:$0x15340];
	_ =	sdelay $0x7  }
0xbd: {  	[tilespmem:v1+s17+$0x0] =	vst.idx.add.f32.msk $0xffff, v0  }
0xbe: {  	_ =	swait.ge [sflag:s30], $0x2800  }
0xbf: {  	[sflag:s30] =	ssyncset.done $0x0  }
0xc0: {  	s2 =	rddreg [dreg:$0xd];
	[sflag:s30] =	ssyncadd.s32 $0xFFFFD800  }
0xc1: {  	[tilespmem:s23], [sflag:$0x2] =	stream.indirect.gather [hbm4b:s0+s20], $0x80, s2, s20, $0xb8;
	[tilespmem:$0x1D800] =	vst v63  }
0xc2: {  	_ =	swait.ge [sflag:s24], $0x2800  }
0xc3: {  	[sflag:s24] =	ssyncset.done $0x0  }
0xc4: {  	s15 =	rddreg [dreg:$0xe];
	[sflag:s24] =	ssyncadd.s32 $0xFFFFD800  }
0xc5: {  	[spmem:s5] =	stream.indirect.scatter.add.f32 [tilespmem:s21], [sflag:$0x3], $0x80, s15, s20, $0xb8;
	[tilespmem:$0x1D800] =	vst v63  }
0xc6: {  	v1 =	vld [tilespmem:$0x15380];
	_ =	sdelay $0x7  }
0xc7: {  	[tilespmem:v1+s17+$0x0] =	vst.idx.add.f32.msk $0xffff, v0  }
0xc8: {  	v1 =	vld [tilespmem:$0x15390];
	_ =	sdelay $0x7  }
0xc9: {  	[tilespmem:v1+s17+$0x0] =	vst.idx.add.f32.msk $0xffff, v0  }
0xca: {  	v1 =	vld [tilespmem:$0x153A0];
	_ =	sdelay $0x7  }
0xcb: {  	[tilespmem:v1+s17+$0x0] =	vst.idx.add.f32.msk $0xffff, v0  }
0xcc: {  	v1 =	vld [tilespmem:$0x153B0];
	_ =	sdelay $0x7  }
0xcd: {  	[tilespmem:v1+s17+$0x0] =	vst.idx.add.f32.msk $0xffff, v0  }
0xce: {  	v1 =	vld [tilespmem:$0x153C0];
	_ =	sdelay $0x7  }
0xcf: {  	[tilespmem:v1+s17+$0x0] =	vst.idx.add.f32.msk $0xffff, v0  }
0xd0: {  	_ =	swait.ge [sflag:s25], $0x2800  }
0xd1: {  	[sflag:s25] =	ssyncset.done $0x0  }
0xd2: {  	s2 =	rddreg [dreg:$0xf];
	[sflag:s25] =	ssyncadd.s32 $0xFFFFD800  }
0xd3: {  	[tilespmem:s21], [sflag:$0x1] =	stream.indirect.gather [hbm4b:s0+s20], $0x80, s2, s20, $0xb8;
	[tilespmem:$0x1D800] =	vst v63  }
0xd4: {  	_ =	swait.ge [sflag:s28], $0x2800  }
0xd5: {  	[sflag:s28] =	ssyncset.done $0x0  }
0xd6: {  	s15 =	rddreg [dreg:$0x10];
	[sflag:s28] =	ssyncadd.s32 $0xFFFFD800  }
0xd7: {  	[spmem:s5] =	stream.indirect.scatter.add.f32 [tilespmem:s23], [sflag:$0x4], $0x80, s15, s20, $0xb8;
	[tilespmem:$0x1D800] =	vst v63  }
0xd8: {  	v1 =	vld [tilespmem:$0x15400];
	_ =	sdelay $0x7  }
0xd9: {  	[tilespmem:v1+s17+$0x0] =	vst.idx.add.f32.msk $0xffff, v0  }
0xda: {  	v1 =	vld [tilespmem:$0x15410];
	_ =	sdelay $0x7  }
0xdb: {  	[tilespmem:v1+s17+$0x0] =	vst.idx.add.f32.msk $0xffff, v0  }
0xdc: {  	v1 =	vld [tilespmem:$0x15420];
	_ =	sdelay $0x7  }
0xdd: {  	[tilespmem:v1+s17+$0x0] =	vst.idx.add.f32.msk $0xffff, v0  }
0xde: {  	v1 =	vld [tilespmem:$0x15430];
	_ =	sdelay $0x7  }
0xdf: {  	[tilespmem:v1+s17+$0x0] =	vst.idx.add.f32.msk $0xffff, v0  }
0xe0: {  	v1 =	vld [tilespmem:$0x15440];
	_ =	sdelay $0x7  }
0xe1: {  	[tilespmem:v1+s17+$0x0] =	vst.idx.add.f32.msk $0xffff, v0  }
0xe2: {  	_ =	swait.ge [sflag:s30], $0x2800  }
0xe3: {  	[sflag:s30] =	ssyncset.done $0x0  }
0xe4: {  	s2 =	rddreg [dreg:$0x11];
	[sflag:s30] =	ssyncadd.s32 $0xFFFFD800  }
0xe5: {  	[tilespmem:s23], [sflag:$0x2] =	stream.indirect.gather [hbm4b:s0+s20], $0x80, s2, s20, $0xb8;
	[tilespmem:$0x1D800] =	vst v63  }
0xe6: {  	_ =	swait.ge [sflag:s24], $0x2800  }
0xe7: {  	[sflag:s24] =	ssyncset.done $0x0  }
0xe8: {  	s15 =	rddreg [dreg:$0x12];
	[sflag:s24] =	ssyncadd.s32 $0xFFFFD800  }
0xe9: {  	[spmem:s5] =	stream.indirect.scatter.add.f32 [tilespmem:s21], [sflag:$0x3], $0x80, s15, s20, $0xb8;
	[tilespmem:$0x1D800] =	vst v63  }
0xea: {  	v1 =	vld [tilespmem:$0x15480];
	_ =	sdelay $0x7  }
0xeb: {  	[tilespmem:v1+s17+$0x0] =	vst.idx.add.f32.msk $0xffff, v0  }
0xec: {  	v1 =	vld [tilespmem:$0x15490];
	_ =	sdelay $0x7  }
0xed: {  	[tilespmem:v1+s17+$0x0] =	vst.idx.add.f32.msk $0xffff, v0  }
0xee: {  	v1 =	vld [tilespmem:$0x154A0];
	_ =	sdelay $0x7  }
0xef: {  	[tilespmem:v1+s17+$0x0] =	vst.idx.add.f32.msk $0xffff, v0  }
0xf0: {  	v1 =	vld [tilespmem:$0x154B0];
	_ =	sdelay $0x7  }
0xf1: {  	[tilespmem:v1+s17+$0x0] =	vst.idx.add.f32.msk $0xffff, v0  }
0xf2: {  	v1 =	vld [tilespmem:$0x154C0];
	_ =	sdelay $0x7  }
0xf3: {  	[tilespmem:v1+s17+$0x0] =	vst.idx.add.f32.msk $0xffff, v0  }
0xf4: {  	_ =	swait.ge [sflag:s25], $0x2800  }
0xf5: {  	[sflag:s25] =	ssyncset.done $0x0  }
0xf6: {  	s2 =	rddreg [dreg:$0x13];
	[sflag:s25] =	ssyncadd.s32 $0xFFFFD800  }
0xf7: {  	[tilespmem:s21], [sflag:$0x1] =	stream.indirect.gather [hbm4b:s0+s20], $0x80, s2, s20, $0xb8;
	[tilespmem:$0x1D800] =	vst v63  }
0xf8: {  	_ =	swait.ge [sflag:s28], $0x2800  }
0xf9: {  	[sflag:s28] =	ssyncset.done $0x0  }
0xfa: {  	s15 =	rddreg [dreg:$0x14];
	[sflag:s28] =	ssyncadd.s32 $0xFFFFD800  }
0xfb: {  	[spmem:s5] =	stream.indirect.scatter.add.f32 [tilespmem:s23], [sflag:$0x4], $0x80, s15, s20, $0xb8;
	[tilespmem:$0x1D800] =	vst v63  }
0xfc: {  	v1 =	vld [tilespmem:$0x15500];
	_ =	sdelay $0x7  }
0xfd: {  	[tilespmem:v1+s17+$0x0] =	vst.idx.add.f32.msk $0xffff, v0  }
0xfe: {  	v1 =	vld [tilespmem:$0x15510];
	_ =	sdelay $0x7  }
0xff: {  	[tilespmem:v1+s17+$0x0] =	vst.idx.add.f32.msk $0xffff, v0  }
0x100: {  	v1 =	vld [tilespmem:$0x15520];
	_ =	sdelay $0x7  }
0x101: {  	[tilespmem:v1+s17+$0x0] =	vst.idx.add.f32.msk $0xffff, v0  }
0x102: {  	v1 =	vld [tilespmem:$0x15530];
	_ =	sdelay $0x7  }
0x103: {  	[tilespmem:v1+s17+$0x0] =	vst.idx.add.f32.msk $0xffff, v0  }
0x104: {  	v1 =	vld [tilespmem:$0x15540];
	_ =	sdelay $0x7  }
0x105: {  	[tilespmem:v1+s17+$0x0] =	vst.idx.add.f32.msk $0xffff, v0  }
0x106: {  	_ =	swait.ge [sflag:s30], $0x2800  }
0x107: {  	[sflag:s30] =	ssyncset.done $0x0  }
0x108: {  	s2 =	rddreg [dreg:$0x15];
	[sflag:s30] =	ssyncadd.s32 $0xFFFFD800  }
0x109: {  	[tilespmem:s23], [sflag:$0x2] =	stream.indirect.gather [hbm4b:s0+s20], $0x80, s2, s20, $0xb8;
	[tilespmem:$0x1D800] =	vst v63  }
0x10a: {  	_ =	swait.ge [sflag:s24], $0x2800  }
0x10b: {  	[sflag:s24] =	ssyncset.done $0x0  }
0x10c: {  	s15 =	rddreg [dreg:$0x16];
	[sflag:s24] =	ssyncadd.s32 $0xFFFFD800  }
0x10d: {  	[spmem:s5] =	stream.indirect.scatter.add.f32 [tilespmem:s21], [sflag:$0x3], $0x80, s15, s20, $0xb8;
	[tilespmem:$0x1D800] =	vst v63  }
0x10e: {  	v1 =	vld [tilespmem:$0x15580];
	_ =	sdelay $0x7  }
0x10f: {  	[tilespmem:v1+s17+$0x0] =	vst.idx.add.f32.msk $0xffff, v0  }
0x110: {  	v1 =	vld [tilespmem:$0x15590];
	_ =	sdelay $0x7  }
0x111: {  	[tilespmem:v1+s17+$0x0] =	vst.idx.add.f32.msk $0xffff, v0  }
0x112: {  	v1 =	vld [tilespmem:$0x155A0];
	_ =	sdelay $0x7  }
0x113: {  	[tilespmem:v1+s17+$0x0] =	vst.idx.add.f32.msk $0xffff, v0  }
0x114: {  	v1 =	vld [tilespmem:$0x155B0];
	_ =	sdelay $0x7  }
0x115: {  	[tilespmem:v1+s17+$0x0] =	vst.idx.add.f32.msk $0xffff, v0  }
0x116: {  	v1 =	vld [tilespmem:$0x155C0];
	_ =	sdelay $0x7  }
0x117: {  	[tilespmem:v1+s17+$0x0] =	vst.idx.add.f32.msk $0xffff, v0  }
0x118: {  	_ =	swait.ge [sflag:s25], $0x2800  }
0x119: {  	[sflag:s25] =	ssyncset.done $0x0  }
0x11a: {  	s2 =	rddreg [dreg:$0x17];
	[sflag:s25] =	ssyncadd.s32 $0xFFFFD800  }
0x11b: {  	[tilespmem:s21], [sflag:$0x1] =	stream.indirect.gather [hbm4b:s0+s20], $0x80, s2, s20, $0xb8;
	[tilespmem:$0x1D800] =	vst v63  }
0x11c: {  	_ =	swait.ge [sflag:s28], $0x2800  }
0x11d: {  	[sflag:s28] =	ssyncset.done $0x0  }
0x11e: {  	s15 =	rddreg [dreg:$0x18];
	[sflag:s28] =	ssyncadd.s32 $0xFFFFD800  }
0x11f: {  	[spmem:s5] =	stream.indirect.scatter.add.f32 [tilespmem:s23], [sflag:$0x4], $0x80, s15, s20, $0xb8;
	[tilespmem:$0x1D800] =	vst v63  }
0x120: {  	v1 =	vld [tilespmem:$0x15600];
	_ =	sdelay $0x7  }
0x121: {  	[tilespmem:v1+s17+$0x0] =	vst.idx.add.f32.msk $0xffff, v0  }
0x122: {  	v1 =	vld [tilespmem:$0x15610];
	_ =	sdelay $0x7  }
0x123: {  	[tilespmem:v1+s17+$0x0] =	vst.idx.add.f32.msk $0xffff, v0  }
0x124: {  	v1 =	vld [tilespmem:$0x15620];
	_ =	sdelay $0x7  }
0x125: {  	[tilespmem:v1+s17+$0x0] =	vst.idx.add.f32.msk $0xffff, v0  }
0x126: {  	v1 =	vld [tilespmem:$0x15630];
	_ =	sdelay $0x7  }
0x127: {  	[tilespmem:v1+s17+$0x0] =	vst.idx.add.f32.msk $0xffff, v0  }
0x128: {  	v1 =	vld [tilespmem:$0x15640];
	_ =	sdelay $0x7  }
0x129: {  	[tilespmem:v1+s17+$0x0] =	vst.idx.add.f32.msk $0xffff, v0  }
0x12a: {  	_ =	swait.ge [sflag:s30], $0x2800  }
0x12b: {  	[sflag:s30] =	ssyncset.done $0x0  }
0x12c: {  	s2 =	rddreg [dreg:$0x19];
	[sflag:s30] =	ssyncadd.s32 $0xFFFFD800  }
0x12d: {  	[tilespmem:s23], [sflag:$0x2] =	stream.indirect.gather [hbm4b:s0+s20], $0x80, s2, s20, $0xb8;
	[tilespmem:$0x1D800] =	vst v63  }
0x12e: {  	_ =	swait.ge [sflag:s24], $0x2800  }
0x12f: {  	[sflag:s24] =	ssyncset.done $0x0  }
0x130: {  	s15 =	rddreg [dreg:$0x1a];
	[sflag:s24] =	ssyncadd.s32 $0xFFFFD800  }
0x131: {  	[spmem:s5] =	stream.indirect.scatter.add.f32 [tilespmem:s21], [sflag:$0x3], $0x80, s15, s20, $0xb8;
	[tilespmem:$0x1D800] =	vst v63  }
0x132: {  	v1 =	vld [tilespmem:$0x15680];
	_ =	sdelay $0x7  }
0x133: {  	[tilespmem:v1+s17+$0x0] =	vst.idx.add.f32.msk $0xffff, v0  }
0x134: {  	v1 =	vld [tilespmem:$0x15690];
	_ =	sdelay $0x7  }
0x135: {  	[tilespmem:v1+s17+$0x0] =	vst.idx.add.f32.msk $0xffff, v0  }
0x136: {  	v1 =	vld [tilespmem:$0x156A0];
	_ =	sdelay $0x7  }
0x137: {  	[tilespmem:v1+s17+$0x0] =	vst.idx.add.f32.msk $0xffff, v0  }
0x138: {  	v1 =	vld [tilespmem:$0x156B0];
	_ =	sdelay $0x7  }
0x139: {  	[tilespmem:v1+s17+$0x0] =	vst.idx.add.f32.msk $0xffff, v0  }
0x13a: {  	v1 =	vld [tilespmem:$0x156C0];
	_ =	sdelay $0x7  }
0x13b: {  	[tilespmem:v1+s17+$0x0] =	vst.idx.add.f32.msk $0xffff, v0  }
0x13c: {  	_ =	swait.ge [sflag:s25], $0x2800  }
0x13d: {  	[sflag:s25] =	ssyncset.done $0x0  }
0x13e: {  	s2 =	rddreg [dreg:$0x1b];
	[sflag:s25] =	ssyncadd.s32 $0xFFFFD800  }
0x13f: {  	[tilespmem:s21], [sflag:$0x1] =	stream.indirect.gather [hbm4b:s0+s20], $0x80, s2, s20, $0xb8;
	[tilespmem:$0x1D800] =	vst v63  }
0x140: {  	_ =	swait.ge [sflag:s28], $0x2800  }
0x141: {  	[sflag:s28] =	ssyncset.done $0x0  }
0x142: {  	s15 =	rddreg [dreg:$0x1c];
	[sflag:s28] =	ssyncadd.s32 $0xFFFFD800  }
0x143: {  	[spmem:s5] =	stream.indirect.scatter.add.f32 [tilespmem:s23], [sflag:$0x4], $0x80, s15, s20, $0xb8;
	[tilespmem:$0x1D800] =	vst v63  }
0x144: {  	v1 =	vld [tilespmem:$0x15700];
	_ =	sdelay $0x7  }
0x145: {  	[tilespmem:v1+s17+$0x0] =	vst.idx.add.f32.msk $0xffff, v0  }
0x146: {  	v1 =	vld [tilespmem:$0x15710];
	_ =	sdelay $0x7  }
0x147: {  	[tilespmem:v1+s17+$0x0] =	vst.idx.add.f32.msk $0xffff, v0  }
0x148: {  	v1 =	vld [tilespmem:$0x15720];
	_ =	sdelay $0x7  }
0x149: {  	[tilespmem:v1+s17+$0x0] =	vst.idx.add.f32.msk $0xffff, v0  }
0x14a: {  	v1 =	vld [tilespmem:$0x15730];
	_ =	sdelay $0x7  }
0x14b: {  	[tilespmem:v1+s17+$0x0] =	vst.idx.add.f32.msk $0xffff, v0  }
0x14c: {  	v1 =	vld [tilespmem:$0x15740];
	_ =	sdelay $0x7  }
0x14d: {  	[tilespmem:v1+s17+$0x0] =	vst.idx.add.f32.msk $0xffff, v0  }
0x14e: {  	_ =	swait.ge [sflag:s30], $0x2800  }
0x14f: {  	[sflag:s30] =	ssyncset.done $0x0  }
0x150: {  	s2 =	rddreg [dreg:$0x1d];
	[sflag:s30] =	ssyncadd.s32 $0xFFFFD800  }
0x151: {  	[tilespmem:s23], [sflag:$0x2] =	stream.indirect.gather [hbm4b:s0+s20], $0x80, s2, s20, $0xb8;
	[tilespmem:$0x1D800] =	vst v63  }
0x152: {  	_ =	swait.ge [sflag:s24], $0x2800  }
0x153: {  	[sflag:s24] =	ssyncset.done $0x0  }
0x154: {  	s15 =	rddreg [dreg:$0x1e];
	[sflag:s24] =	ssyncadd.s32 $0xFFFFD800  }
0x155: {  	[spmem:s5] =	stream.indirect.scatter.add.f32 [tilespmem:s21], [sflag:$0x3], $0x80, s15, s20, $0xb8;
	[tilespmem:$0x1D800] =	vst v63  }
0x156: {  	v1 =	vld [tilespmem:$0x15780];
	_ =	sdelay $0x7  }
0x157: {  	[tilespmem:v1+s17+$0x0] =	vst.idx.add.f32.msk $0xffff, v0  }
0x158: {  	v1 =	vld [tilespmem:$0x15790];
	_ =	sdelay $0x7  }
0x159: {  	[tilespmem:v1+s17+$0x0] =	vst.idx.add.f32.msk $0xffff, v0  }
0x15a: {  	v1 =	vld [tilespmem:$0x157A0];
	_ =	sdelay $0x7  }
0x15b: {  	[tilespmem:v1+s17+$0x0] =	vst.idx.add.f32.msk $0xffff, v0  }
0x15c: {  	v1 =	vld [tilespmem:$0x157B0];
	_ =	sdelay $0x7  }
0x15d: {  	[tilespmem:v1+s17+$0x0] =	vst.idx.add.f32.msk $0xffff, v0  }
0x15e: {  	v1 =	vld [tilespmem:$0x157C0];
	_ =	sdelay $0x7  }
0x15f: {  	[tilespmem:v1+s17+$0x0] =	vst.idx.add.f32.msk $0xffff, v0  }
0x160: {  	_ =	swait.ge [sflag:s25], $0x2800  }
0x161: {  	[sflag:s25] =	ssyncset.done $0x0  }
0x162: {  	s2 =	rddreg [dreg:$0x1f];
	[sflag:s25] =	ssyncadd.s32 $0xFFFFD800  }
0x163: {  	[tilespmem:s21], [sflag:$0x1] =	stream.indirect.gather [hbm4b:s0+s20], $0x80, s2, s20, $0xb8;
	[tilespmem:$0x1D800] =	vst v63  }
0x164: {  	_ =	swait.ge [sflag:s28], $0x2800  }
0x165: {  	s15 =	sld [smem:$0x7F0]  }
0x166: {  	[sflag:s28] =	ssyncset.done $0x0  }
0x167: {  	[sflag:s28] =	ssyncadd.s32 $0xFFFFD800  }
0x168: {  	[spmem:s5] =	stream.indirect.scatter.add.f32 [tilespmem:s23], [sflag:$0x4], $0x80, s15, s20, $0xb8;
	[tilespmem:$0x1D800] =	vst v63  }
0x169: {  	v1 =	vld [tilespmem:$0x15800];
	_ =	sdelay $0x7  }
0x16a: {  	[tilespmem:v1+s17+$0x0] =	vst.idx.add.f32.msk $0xffff, v0  }
0x16b: {  	v1 =	vld [tilespmem:$0x15810];
	_ =	sdelay $0x7  }
0x16c: {  	[tilespmem:v1+s17+$0x0] =	vst.idx.add.f32.msk $0xffff, v0  }
0x16d: {  	v1 =	vld [tilespmem:$0x15820];
	_ =	sdelay $0x7  }
0x16e: {  	[tilespmem:v1+s17+$0x0] =	vst.idx.add.f32.msk $0xffff, v0  }
0x16f: {  	v1 =	vld [tilespmem:$0x15830];
	_ =	sdelay $0x7  }
0x170: {  	[tilespmem:v1+s17+$0x0] =	vst.idx.add.f32.msk $0xffff, v0  }
0x171: {  	v1 =	vld [tilespmem:$0x15840];
	_ =	sdelay $0x7  }
0x172: {  	[tilespmem:v1+s17+$0x0] =	vst.idx.add.f32.msk $0xffff, v0  }
0x173: {  	_ =	swait.ge [sflag:s30], $0x2800  }
0x174: {  	s2 =	sld [smem:$0x7F1]  }
0x175: {  	[sflag:s30] =	ssyncset.done $0x0  }
0x176: {  	[sflag:s30] =	ssyncadd.s32 $0xFFFFD800  }
0x177: {  	[tilespmem:s23], [sflag:$0x2] =	stream.indirect.gather [hbm4b:s0+s20], $0x80, s2, s20, $0xb8;
	[tilespmem:$0x1D800] =	vst v63  }
0x178: {  	_ =	swait.ge [sflag:s24], $0x2800  }
0x179: {  	s15 =	sld [smem:$0x7F2]  }
0x17a: {  	[sflag:s24] =	ssyncset.done $0x0  }
0x17b: {  	[sflag:s24] =	ssyncadd.s32 $0xFFFFD800  }
0x17c: {  	[spmem:s5] =	stream.indirect.scatter.add.f32 [tilespmem:s21], [sflag:$0x3], $0x80, s15, s20, $0xb8;
	[tilespmem:$0x1D800] =	vst v63  }
0x17d: {  	v1 =	vld [tilespmem:$0x15880];
	_ =	sdelay $0x7  }
0x17e: {  	[tilespmem:v1+s17+$0x0] =	vst.idx.add.f32.msk $0xffff, v0  }
0x17f: {  	v1 =	vld [tilespmem:$0x15890];
	_ =	sdelay $0x7  }
0x180: {  	[tilespmem:v1+s17+$0x0] =	vst.idx.add.f32.msk $0xffff, v0  }
0x181: {  	v1 =	vld [tilespmem:$0x158A0];
	_ =	sdelay $0x7  }
0x182: {  	[tilespmem:v1+s17+$0x0] =	vst.idx.add.f32.msk $0xffff, v0  }
0x183: {  	v1 =	vld [tilespmem:$0x158B0];
	_ =	sdelay $0x7  }
0x184: {  	[tilespmem:v1+s17+$0x0] =	vst.idx.add.f32.msk $0xffff, v0  }
0x185: {  	v1 =	vld [tilespmem:$0x158C0];
	_ =	sdelay $0x7  }
0x186: {  	[tilespmem:v1+s17+$0x0] =	vst.idx.add.f32.msk $0xffff, v0  }
0x187: {  	_ =	swait.ge [sflag:s25], $0x2800  }
0x188: {  	s2 =	sld [smem:$0x7F3]  }
0x189: {  	[sflag:s25] =	ssyncset.done $0x0  }
0x18a: {  	[sflag:s25] =	ssyncadd.s32 $0xFFFFD800  }
0x18b: {  	[tilespmem:s21], [sflag:$0x1] =	stream.indirect.gather [hbm4b:s0+s20], $0x80, s2, s20, $0xb8;
	[tilespmem:$0x1D800] =	vst v63  }
0x18c: {  	_ =	swait.ge [sflag:s28], $0x2800  }
0x18d: {  	s15 =	sld [smem:$0x7F4]  }
0x18e: {  	[sflag:s28] =	ssyncset.done $0x0  }
0x18f: {  	[sflag:s28] =	ssyncadd.s32 $0xFFFFD800  }
0x190: {  	[spmem:s5] =	stream.indirect.scatter.add.f32 [tilespmem:s23], [sflag:$0x4], $0x80, s15, s20, $0xb8;
	[tilespmem:$0x1D800] =	vst v63  }
0x191: {  	v1 =	vld [tilespmem:$0x15900];
	_ =	sdelay $0x7  }
0x192: {  	[tilespmem:v1+s17+$0x0] =	vst.idx.add.f32.msk $0xffff, v0  }
0x193: {  	v1 =	vld [tilespmem:$0x15910];
	_ =	sdelay $0x7  }
0x194: {  	[tilespmem:v1+s17+$0x0] =	vst.idx.add.f32.msk $0xffff, v0  }
0x195: {  	v1 =	vld [tilespmem:$0x15920];
	_ =	sdelay $0x7  }
0x196: {  	[tilespmem:v1+s17+$0x0] =	vst.idx.add.f32.msk $0xffff, v0  }
0x197: {  	v1 =	vld [tilespmem:$0x15930];
	_ =	sdelay $0x7  }
0x198: {  	[tilespmem:v1+s17+$0x0] =	vst.idx.add.f32.msk $0xffff, v0  }
0x199: {  	v1 =	vld [tilespmem:$0x15940];
	_ =	sdelay $0x7  }
0x19a: {  	[tilespmem:v1+s17+$0x0] =	vst.idx.add.f32.msk $0xffff, v0  }
0x19b: {  	_ =	swait.ge [sflag:s30], $0x2800  }
0x19c: {  	s2 =	sld [smem:$0x7F5]  }
0x19d: {  	[sflag:s30] =	ssyncset.done $0x0  }
0x19e: {  	[sflag:s30] =	ssyncadd.s32 $0xFFFFD800  }
0x19f: {  	[tilespmem:s23], [sflag:$0x2] =	stream.indirect.gather [hbm4b:s0+s20], $0x80, s2, s20, $0xb8;
	[tilespmem:$0x1D800] =	vst v63  }
0x1a0: {  	_ =	swait.ge [sflag:s24], $0x2800  }
0x1a1: {  	s15 =	sld [smem:$0x7F6]  }
0x1a2: {  	[sflag:s24] =	ssyncset.done $0x0  }
0x1a3: {  	[sflag:s24] =	ssyncadd.s32 $0xFFFFD800  }
0x1a4: {  	[spmem:s5] =	stream.indirect.scatter.add.f32 [tilespmem:s21], [sflag:$0x3], $0x80, s15, s20, $0xb8;
	[tilespmem:$0x1D800] =	vst v63  }
0x1a5: {  	v1 =	vld [tilespmem:$0x15980];
	_ =	sdelay $0x7  }
0x1a6: {  	[tilespmem:v1+s17+$0x0] =	vst.idx.add.f32.msk $0xffff, v0  }
0x1a7: {  	v1 =	vld [tilespmem:$0x15990];
	_ =	sdelay $0x7  }
0x1a8: {  	[tilespmem:v1+s17+$0x0] =	vst.idx.add.f32.msk $0xffff, v0  }
0x1a9: {  	v1 =	vld [tilespmem:$0x159A0];
	_ =	sdelay $0x7  }
0x1aa: {  	[tilespmem:v1+s17+$0x0] =	vst.idx.add.f32.msk $0xffff, v0  }
0x1ab: {  	v1 =	vld [tilespmem:$0x159B0];
	_ =	sdelay $0x7  }
0x1ac: {  	[tilespmem:v1+s17+$0x0] =	vst.idx.add.f32.msk $0xffff, v0  }
0x1ad: {  	v1 =	vld [tilespmem:$0x159C0];
	_ =	sdelay $0x7  }
0x1ae: {  	[tilespmem:v1+s17+$0x0] =	vst.idx.add.f32.msk $0xffff, v0  }
0x1af: {  	_ =	swait.ge [sflag:s25], $0x2800  }
0x1b0: {  	s2 =	sld [smem:$0x7F7]  }
0x1b1: {  	[sflag:s25] =	ssyncset.done $0x0  }
0x1b2: {  	[sflag:s25] =	ssyncadd.s32 $0xFFFFD800  }
0x1b3: {  	[tilespmem:s21], [sflag:$0x1] =	stream.indirect.gather [hbm4b:s0+s20], $0x80, s2, s20, $0xb8;
	[tilespmem:$0x1D800] =	vst v63  }
0x1b4: {  	_ =	swait.ge [sflag:s28], $0x2800  }
0x1b5: {  	s15 =	sld [smem:$0x7F8]  }
0x1b6: {  	[sflag:s28] =	ssyncset.done $0x0  }
0x1b7: {  	[sflag:s28] =	ssyncadd.s32 $0xFFFFD800  }
0x1b8: {  	[spmem:s5] =	stream.indirect.scatter.add.f32 [tilespmem:s23], [sflag:$0x4], $0x80, s15, s20, $0xb8;
	[tilespmem:$0x1D800] =	vst v63  }
0x1b9: {  	v1 =	vld [tilespmem:$0x15A00];
	_ =	sdelay $0x7  }
0x1ba: {  	[tilespmem:v1+s17+$0x0] =	vst.idx.add.f32.msk $0xffff, v0  }
0x1bb: {  	v1 =	vld [tilespmem:$0x15A10];
	_ =	sdelay $0x7  }
0x1bc: {  	[tilespmem:v1+s17+$0x0] =	vst.idx.add.f32.msk $0xffff, v0  }
0x1bd: {  	v1 =	vld [tilespmem:$0x15A20];
	_ =	sdelay $0x7  }
0x1be: {  	[tilespmem:v1+s17+$0x0] =	vst.idx.add.f32.msk $0xffff, v0  }
0x1bf: {  	v1 =	vld [tilespmem:$0x15A30];
	_ =	sdelay $0x7  }
0x1c0: {  	[tilespmem:v1+s17+$0x0] =	vst.idx.add.f32.msk $0xffff, v0  }
0x1c1: {  	v1 =	vld [tilespmem:$0x15A40];
	_ =	sdelay $0x7  }
0x1c2: {  	[tilespmem:v1+s17+$0x0] =	vst.idx.add.f32.msk $0xffff, v0  }
0x1c3: {  	_ =	swait.ge [sflag:s30], $0x2800  }
0x1c4: {  	s2 =	sld [smem:$0x7F9]  }
0x1c5: {  	[sflag:s30] =	ssyncset.done $0x0  }
0x1c6: {  	[sflag:s30] =	ssyncadd.s32 $0xFFFFD800  }
0x1c7: {  	[tilespmem:s23], [sflag:$0x2] =	stream.indirect.gather [hbm4b:s0+s20], $0x80, s2, s20, $0xb8;
	[tilespmem:$0x1D800] =	vst v63  }
0x1c8: {  	_ =	swait.ge [sflag:s24], $0x2800  }
0x1c9: {  	s15 =	sld [smem:$0x7FA]  }
0x1ca: {  	[sflag:s24] =	ssyncset.done $0x0  }
0x1cb: {  	[sflag:s24] =	ssyncadd.s32 $0xFFFFD800  }
0x1cc: {  	[spmem:s5] =	stream.indirect.scatter.add.f32 [tilespmem:s21], [sflag:$0x3], $0x80, s15, s20, $0xb8;
	[tilespmem:$0x1D800] =	vst v63  }
0x1cd: {  	v1 =	vld [tilespmem:$0x15A80];
	_ =	sdelay $0x7  }
0x1ce: {  	[tilespmem:v1+s17+$0x0] =	vst.idx.add.f32.msk $0xffff, v0  }
0x1cf: {  	v1 =	vld [tilespmem:$0x15A90];
	_ =	sdelay $0x7  }
0x1d0: {  	[tilespmem:v1+s17+$0x0] =	vst.idx.add.f32.msk $0xffff, v0  }
0x1d1: {  	v1 =	vld [tilespmem:$0x15AA0];
	_ =	sdelay $0x7  }
0x1d2: {  	[tilespmem:v1+s17+$0x0] =	vst.idx.add.f32.msk $0xffff, v0  }
0x1d3: {  	v1 =	vld [tilespmem:$0x15AB0];
	_ =	sdelay $0x7  }
0x1d4: {  	[tilespmem:v1+s17+$0x0] =	vst.idx.add.f32.msk $0xffff, v0  }
0x1d5: {  	v1 =	vld [tilespmem:$0x15AC0];
	_ =	sdelay $0x7  }
0x1d6: {  	[tilespmem:v1+s17+$0x0] =	vst.idx.add.f32.msk $0xffff, v0  }
0x1d7: {  	_ =	swait.ge [sflag:s25], $0x2800  }
0x1d8: {  	[sflag:s25] =	ssyncset.done $0x0  }
0x1d9: {  	[sflag:s25] =	ssyncadd.s32 $0xFFFFD800  }
0x1da: {  	[tilespmem:s21], [sflag:$0x1] =	stream.indirect.gather [hbm4b:s0+s20], $0x80, s8, s20, $0xb8;
	[tilespmem:$0x1D800] =	vst v63  }
0x1db: {  	_ =	swait.ge [sflag:s28], $0x2800  }
0x1dc: {  	[sflag:s28] =	ssyncset.done $0x0  }
0x1dd: {  	[sflag:s28] =	ssyncadd.s32 $0xFFFFD800  }
0x1de: {  	[spmem:s5] =	stream.indirect.scatter.add.f32 [tilespmem:s23], [sflag:$0x4], $0x80, s9, s20, $0xb8;
	[tilespmem:$0x1D800] =	vst v63  }
0x1df: {  	v1 =	vld [tilespmem:$0x15B00];
	_ =	sdelay $0x7  }
0x1e0: {  	[tilespmem:v1+s17+$0x0] =	vst.idx.add.f32.msk $0xffff, v0  }
0x1e1: {  	v1 =	vld [tilespmem:$0x15B10];
	_ =	sdelay $0x7  }
0x1e2: {  	[tilespmem:v1+s17+$0x0] =	vst.idx.add.f32.msk $0xffff, v0  }
0x1e3: {  	v1 =	vld [tilespmem:$0x15B20];
	_ =	sdelay $0x7  }
0x1e4: {  	[tilespmem:v1+s17+$0x0] =	vst.idx.add.f32.msk $0xffff, v0  }
0x1e5: {  	v1 =	vld [tilespmem:$0x15B30];
	_ =	sdelay $0x7  }
0x1e6: {  	[tilespmem:v1+s17+$0x0] =	vst.idx.add.f32.msk $0xffff, v0  }
0x1e7: {  	v1 =	vld [tilespmem:$0x15B40];
	_ =	sdelay $0x7  }
0x1e8: {  	[tilespmem:v1+s17+$0x0] =	vst.idx.add.f32.msk $0xffff, v0  }
0x1e9: {  	_ =	swait.ge [sflag:s30], $0x2800  }
0x1ea: {  	[sflag:s30] =	ssyncset.done $0x0  }
0x1eb: {  	[sflag:s30] =	ssyncadd.s32 $0xFFFFD800  }
0x1ec: {  	[tilespmem:s23], [sflag:$0x2] =	stream.indirect.gather [hbm4b:s0+s20], $0x80, s10, s20, $0xb8;
	[tilespmem:$0x1D800] =	vst v63  }
0x1ed: {  	_ =	swait.ge [sflag:s24], $0x2800  }
0x1ee: {  	[sflag:s24] =	ssyncset.done $0x0  }
0x1ef: {  	[sflag:s24] =	ssyncadd.s32 $0xFFFFD800  }
0x1f0: {  	[spmem:s5] =	stream.indirect.scatter.add.f32 [tilespmem:s21], [sflag:$0x3], $0x80, s11, s20, $0xb8;
	[tilespmem:$0x1D800] =	vst v63  }
0x1f1: {  	v1 =	vld [tilespmem:$0x15B80];
	_ =	sdelay $0x7  }
0x1f2: {  	[tilespmem:v1+s17+$0x0] =	vst.idx.add.f32.msk $0xffff, v0  }
0x1f3: {  	v1 =	vld [tilespmem:$0x15B90];
	_ =	sdelay $0x7  }
0x1f4: {  	[tilespmem:v1+s17+$0x0] =	vst.idx.add.f32.msk $0xffff, v0  }
0x1f5: {  	v1 =	vld [tilespmem:$0x15BA0];
	_ =	sdelay $0x7  }
0x1f6: {  	[tilespmem:v1+s17+$0x0] =	vst.idx.add.f32.msk $0xffff, v0  }
0x1f7: {  	v1 =	vld [tilespmem:$0x15BB0];
	_ =	sdelay $0x7  }
0x1f8: {  	[tilespmem:v1+s17+$0x0] =	vst.idx.add.f32.msk $0xffff, v0  }
0x1f9: {  	v1 =	vld [tilespmem:$0x15BC0];
	_ =	sdelay $0x7  }
0x1fa: {  	[tilespmem:v1+s17+$0x0] =	vst.idx.add.f32.msk $0xffff, v0  }
0x1fb: {  	_ =	swait.ge [sflag:s25], $0x2800  }
0x1fc: {  	[sflag:s25] =	ssyncset.done $0x0  }
0x1fd: {  	[sflag:s25] =	ssyncadd.s32 $0xFFFFD800  }
0x1fe: {  	[tilespmem:s21], [sflag:$0x1] =	stream.indirect.gather [hbm4b:s0+s20], $0x80, s12, s20, $0xb8;
	[tilespmem:$0x1D800] =	vst v63  }
0x1ff: {  	_ =	swait.ge [sflag:s28], $0x2800  }
0x200: {  	[sflag:s28] =	ssyncset.done $0x0  }
0x201: {  	[sflag:s28] =	ssyncadd.s32 $0xFFFFD800  }
0x202: {  	[spmem:s5] =	stream.indirect.scatter.add.f32 [tilespmem:s23], [sflag:$0x4], $0x80, s13, s20, $0xb8;
	[tilespmem:$0x1D800] =	vst v63  }
0x203: {  	v1 =	vld [tilespmem:$0x15C00];
	_ =	sdelay $0x7  }
0x204: {  	[tilespmem:v1+s17+$0x0] =	vst.idx.add.f32.msk $0xffff, v0  }
0x205: {  	v1 =	vld [tilespmem:$0x15C10];
	_ =	sdelay $0x7  }
0x206: {  	[tilespmem:v1+s17+$0x0] =	vst.idx.add.f32.msk $0xffff, v0  }
0x207: {  	v1 =	vld [tilespmem:$0x15C20];
	_ =	sdelay $0x7  }
0x208: {  	[tilespmem:v1+s17+$0x0] =	vst.idx.add.f32.msk $0xffff, v0  }
0x209: {  	v1 =	vld [tilespmem:$0x15C30];
	_ =	sdelay $0x7  }
0x20a: {  	[tilespmem:v1+s17+$0x0] =	vst.idx.add.f32.msk $0xffff, v0  }
0x20b: {  	v1 =	vld [tilespmem:$0x15C40];
	_ =	sdelay $0x7  }
0x20c: {  	[tilespmem:v1+s17+$0x0] =	vst.idx.add.f32.msk $0xffff, v0  }
0x20d: {  	_ =	swait.ge [sflag:s24], $0x2800  }
0x20e: {  	[sflag:s24] =	ssyncset.done $0x0  }
0x20f: {  	[sflag:s24] =	ssyncadd.s32 $0xFFFFD800  }
0x210: {  	[spmem:s5] =	stream.indirect.scatter.add.f32 [tilespmem:s21], [sflag:$0x3], $0x80, s14, s20, $0xb8;
	[tilespmem:$0x1D800] =	vst v63  }
0x211: {  	p0 =	sne.s32 s4, $0x800;
	_ =	swait.ge [sflag:s30], $0x2800  }
.Ltmp0:
0x212: {  	[sflag:s30] =	ssyncset.done $0x0;
	(pc) =	sbr.rel @p0 .LBB2_2-.Ltmp0, $4  }
0x213: {  	[sflag:s30] =	ssyncadd.s32 $0xFFFFD800  }
0x214: {  	_ =	swait.ge [sflag:s25], $0x2800  }
0x215: {  	[sflag:s25] =	ssyncset.done $0x0  }
0x216: {  	s4 =	sadd.s32 $0x200, s4;
	[sflag:s25] =	ssyncadd.s32 $0xFFFFD800  }
0x217: {  	s4 =	sld [smem:$0x7E9];
	_ =	sdelay $0x2  }
0x218: {  	[hbm4b:s4+s6] =	stream.linear.scatter [tilespmem:s17], [sflag:$0x5], $0x2800, $0x38;
	[tilespmem:$0x1D800] =	vst v63  }
0x219: {  	_ =	swait.ge [sflag:s16], $0x2800  }
0x21a: {  	[sflag:s16] =	ssyncset.done $0x0  }
0x21b: {  	[sflag:s16] =	ssyncadd.s32 $0xFFFFD800  }
0x21c: {  	[bflag:$0x0] =	sbarrier.arrive $0xFFFF  }
0x21d: {  	s15 =	sld [smem:$0x7FC]  }
0x21e: {  	s7 =	sld [smem:$0x7EA]  }
0x21f: {  	s2 =	sld [smem:$0x7FD];
	_ =	sdelay $0x2  }
0x220: {  	[hbm:s7], [sflag:s15] =	dma.local [spmem:s2], $0x2800  }
0x221: {  	_ =	swait.ge [sflag:s16], $0x2800  }
0x222: {  	[sflag:s16] =	ssyncset.done $0x0  }
0x223: {  	[sflag:s16] =	ssyncadd.s32 $0xFFFFD800  }
0x224: {  	[bflag:$0x0] =	sbarrier.arrive $0xFFFF  }
0x225: {  	s7 =	rddreg [dreg:$0x3]  }
0x226: {  	[spmem:s2], [sflag:s15] =	dma.local [hbm:s7], $0x2800  }
0x227: {  	_ =	swait.ge [sflag:s16], $0x2800  }
0x228: {  	[sflag:s16] =	ssyncset.done $0x0  }
0x229: {  	[sflag:s16] =	ssyncadd.s32 $0xFFFFD800  }
0x22a: {  	[tilespmem:s17], [sflag:$0x5] =	stream.linear.gather [hbm4b:s7+s6], $0x2800, $0x38;
	[tilespmem:$0x1D800] =	vst v63  }
0x22b: {  	_ =	swait.ge [sflag:s16], $0x2800  }
0x22c: {  	[sflag:s16] =	ssyncset.done $0x0  }
0x22d: {  	[sflag:s16] =	ssyncadd.s32 $0xFFFFD800  }
0x22e: {  	[bflag:$0x0] =	sbarrier.arrive $0xFFFF  }
0x22f: {  	s8 =	sld [smem:$0x7EB];
	_ =	sdelay $0x2  }
0x230: {  	[tilespmem:s18], [sflag:$0x5] =	stream.linear.gather [hbm4b:s8+s6], $0x200, $0x38;
	[tilespmem:$0x1D800] =	vst v63  }
0x231: {  	_ =	swait.ge [sflag:s16], $0x200  }
0x232: {  	s8 =	sld [smem:$0x7EC]  }
0x233: {  	[sflag:s16] =	ssyncset.done $0x0  }
0x234: {  	[sflag:s16] =	ssyncadd.s32 $0xFFFFFE00  }
0x235: {  	[tilespmem:s19], [sflag:$0x5] =	stream.linear.gather [hbm4b:s8+s6], $0x200, $0x38;
	[tilespmem:$0x1D800] =	vst v63  }
0x236: {  	_ =	swait.ge [sflag:s16], $0x200  }
0x237: {  	[sflag:s16] =	ssyncset.done $0x0  }
0x238: {  	[sflag:s16] =	ssyncadd.s32 $0xFFFFFE00  }
0x239: {  	s8 =	rddreg [dreg:$0x1]  }
0x23a: {  	[tilespmem:s21], [sflag:$0x1] =	stream.indirect.gather [hbm4b:s8+s20], $0x80, s18, s20, $0xb8;
	[tilespmem:$0x1D800] =	vst v63  }
0x23b: {  	v1 =	vld [tilespmem:$0x15000];
	_ =	sdelay $0x7  }
0x23c: {  	[tilespmem:v1+s17+$0x0] =	vst.idx.add.f32.msk $0xffff, v0  }
0x23d: {  	v1 =	vld [tilespmem:$0x15010];
	_ =	sdelay $0x7  }
0x23e: {  	[tilespmem:v1+s17+$0x0] =	vst.idx.add.f32.msk $0xffff, v0  }
0x23f: {  	v1 =	vld [tilespmem:$0x15020];
	_ =	sdelay $0x7  }
0x240: {  	[tilespmem:v1+s17+$0x0] =	vst.idx.add.f32.msk $0xffff, v0  }
0x241: {  	v1 =	vld [tilespmem:$0x15030];
	_ =	sdelay $0x7  }
0x242: {  	[tilespmem:v1+s17+$0x0] =	vst.idx.add.f32.msk $0xffff, v0  }
0x243: {  	v1 =	vld [tilespmem:$0x15040];
	_ =	sdelay $0x7  }
0x244: {  	[tilespmem:v1+s17+$0x0] =	vst.idx.add.f32.msk $0xffff, v0  }
0x245: {  	[tilespmem:s23], [sflag:$0x2] =	stream.indirect.gather [hbm4b:s8+s20], $0x80, s22, s20, $0xb8;
	[tilespmem:$0x1D800] =	vst v63  }
0x246: {  	_ =	swait.ge [sflag:s24], $0x2800  }
0x247: {  	[sflag:s24] =	ssyncset.done $0x0  }
0x248: {  	[sflag:s24] =	ssyncadd.s32 $0xFFFFD800  }
0x249: {  	[spmem:s5] =	stream.indirect.scatter.add.f32 [tilespmem:s21], [sflag:$0x3], $0x80, s19, s20, $0xb8;
	[tilespmem:$0x1D800] =	vst v63  }
0x24a: {  	v1 =	vld [tilespmem:$0x15080];
	_ =	sdelay $0x7  }
0x24b: {  	[tilespmem:v1+s17+$0x0] =	vst.idx.add.f32.msk $0xffff, v0  }
0x24c: {  	v1 =	vld [tilespmem:$0x15090];
	_ =	sdelay $0x7  }
0x24d: {  	[tilespmem:v1+s17+$0x0] =	vst.idx.add.f32.msk $0xffff, v0  }
0x24e: {  	v1 =	vld [tilespmem:$0x150A0];
	_ =	sdelay $0x7  }
0x24f: {  	[tilespmem:v1+s17+$0x0] =	vst.idx.add.f32.msk $0xffff, v0  }
0x250: {  	v1 =	vld [tilespmem:$0x150B0];
	_ =	sdelay $0x7  }
0x251: {  	[tilespmem:v1+s17+$0x0] =	vst.idx.add.f32.msk $0xffff, v0  }
0x252: {  	v1 =	vld [tilespmem:$0x150C0];
	_ =	sdelay $0x7  }
0x253: {  	[tilespmem:v1+s17+$0x0] =	vst.idx.add.f32.msk $0xffff, v0  }
0x254: {  	_ =	swait.ge [sflag:s25], $0x2800  }
0x255: {  	[sflag:s25] =	ssyncset.done $0x0  }
0x256: {  	[sflag:s25] =	ssyncadd.s32 $0xFFFFD800  }
0x257: {  	[tilespmem:s21], [sflag:$0x1] =	stream.indirect.gather [hbm4b:s8+s20], $0x80, s26, s20, $0xb8;
	[tilespmem:$0x1D800] =	vst v63  }
0x258: {  	_ =	swait.ge [sflag:s28], $0x2800  }
0x259: {  	[sflag:s28] =	ssyncset.done $0x0  }
0x25a: {  	[sflag:s28] =	ssyncadd.s32 $0xFFFFD800  }
0x25b: {  	[spmem:s5] =	stream.indirect.scatter.add.f32 [tilespmem:s23], [sflag:$0x4], $0x80, s29, s20, $0xb8;
	[tilespmem:$0x1D800] =	vst v63  }
0x25c: {  	v1 =	vld [tilespmem:$0x15100];
	_ =	sdelay $0x7  }
0x25d: {  	[tilespmem:v1+s17+$0x0] =	vst.idx.add.f32.msk $0xffff, v0  }
0x25e: {  	v1 =	vld [tilespmem:$0x15110];
	_ =	sdelay $0x7  }
0x25f: {  	[tilespmem:v1+s17+$0x0] =	vst.idx.add.f32.msk $0xffff, v0  }
0x260: {  	v1 =	vld [tilespmem:$0x15120];
	_ =	sdelay $0x7  }
0x261: {  	[tilespmem:v1+s17+$0x0] =	vst.idx.add.f32.msk $0xffff, v0  }
0x262: {  	v1 =	vld [tilespmem:$0x15130];
	_ =	sdelay $0x7  }
0x263: {  	[tilespmem:v1+s17+$0x0] =	vst.idx.add.f32.msk $0xffff, v0  }
0x264: {  	v1 =	vld [tilespmem:$0x15140];
	_ =	sdelay $0x7  }
0x265: {  	[tilespmem:v1+s17+$0x0] =	vst.idx.add.f32.msk $0xffff, v0  }
0x266: {  	_ =	swait.ge [sflag:s30], $0x2800  }
0x267: {  	[sflag:s30] =	ssyncset.done $0x0  }
0x268: {  	[sflag:s30] =	ssyncadd.s32 $0xFFFFD800  }
0x269: {  	[tilespmem:s23], [sflag:$0x2] =	stream.indirect.gather [hbm4b:s8+s20], $0x80, s31, s20, $0xb8;
	[tilespmem:$0x1D800] =	vst v63  }
0x26a: {  	_ =	swait.ge [sflag:s24], $0x2800  }
0x26b: {  	[sflag:s24] =	ssyncset.done $0x0  }
0x26c: {  	[sflag:s24] =	ssyncadd.s32 $0xFFFFD800  }
0x26d: {  	[spmem:s5] =	stream.indirect.scatter.add.f32 [tilespmem:s21], [sflag:$0x3], $0x80, s3, s20, $0xb8;
	[tilespmem:$0x1D800] =	vst v63  }
0x26e: {  	v1 =	vld [tilespmem:$0x15180];
	_ =	sdelay $0x7  }
0x26f: {  	[tilespmem:v1+s17+$0x0] =	vst.idx.add.f32.msk $0xffff, v0  }
0x270: {  	v1 =	vld [tilespmem:$0x15190];
	_ =	sdelay $0x7  }
0x271: {  	[tilespmem:v1+s17+$0x0] =	vst.idx.add.f32.msk $0xffff, v0  }
0x272: {  	v1 =	vld [tilespmem:$0x151A0];
	_ =	sdelay $0x7  }
0x273: {  	[tilespmem:v1+s17+$0x0] =	vst.idx.add.f32.msk $0xffff, v0  }
0x274: {  	v1 =	vld [tilespmem:$0x151B0];
	_ =	sdelay $0x7  }
0x275: {  	[tilespmem:v1+s17+$0x0] =	vst.idx.add.f32.msk $0xffff, v0  }
0x276: {  	v1 =	vld [tilespmem:$0x151C0];
	_ =	sdelay $0x7  }
0x277: {  	[tilespmem:v1+s17+$0x0] =	vst.idx.add.f32.msk $0xffff, v0  }
0x278: {  	_ =	swait.ge [sflag:s28], $0x2800  }
0x279: {  	[sflag:s28] =	ssyncset.done $0x0  }
0x27a: {  	[sflag:s28] =	ssyncadd.s32 $0xFFFFD800  }
0x27b: {  	[spmem:s5] =	stream.indirect.scatter.add.f32 [tilespmem:s23], [sflag:$0x4], $0x80, s1, s20, $0xb8;
	[tilespmem:$0x1D800] =	vst v63  }
0x27c: {  	_ =	swait.ge [sflag:s25], $0x2800  }
0x27d: {  	[sflag:s25] =	ssyncset.done $0x0  }
0x27e: {  	[sflag:s25] =	ssyncadd.s32 $0xFFFFD800  }
0x27f: {  	_ =	swait.ge [sflag:s30], $0x2800  }
0x280: {  	s8 =	sld [smem:$0x7ED]  }
0x281: {  	[sflag:s30] =	ssyncset.done $0x0  }
0x282: {  	[sflag:s30] =	ssyncadd.s32 $0xFFFFD800  }
0x283: {  	[hbm4b:s8+s6] =	stream.linear.scatter [tilespmem:s17], [sflag:$0x5], $0x2800, $0x38;
	[tilespmem:$0x1D800] =	vst v63  }
0x284: {  	_ =	swait.ge [sflag:s16], $0x2800  }
0x285: {  	[sflag:s16] =	ssyncset.done $0x0  }
0x286: {  	[sflag:s16] =	ssyncadd.s32 $0xFFFFD800  }
0x287: {  	[bflag:$0x0] =	sbarrier.arrive $0xFFFF  }
0x288: {  	s8 =	sld [smem:$0x7EE];
	_ =	sdelay $0x1  }
0x289: {  	s4 =	smov.u32 s15  }
0x28a: {  	[hbm:s8], [sflag:s4] =	dma.local [spmem:s2], $0x2800  }
0x28b: {  	_ =	swait.ge [sflag:s16], $0x2800  }
0x28c: {  	s8 =	sld [smem:$0x7FB]  }
0x28d: {  	s15 =	sld [smem:$0x7EF];
	_ =	sdelay $0x1  }
0x28e: {  	s8 =	sadd.s32 $0x1, s8  }
0x28f: {  	p0 =	sne.s32 s8, s15  }
.Ltmp1:
0x290: {  	_ = 	snop;
	(pc) =	sbr.rel @p0 .LBB2_1-.Ltmp1, $4  }
0x291: {  	[sflag:s16] =	ssyncset.done $0x0  }
0x292: {  	[sflag:s16] =	ssyncadd.s32 $0xFFFFD800;
	[smem:$0x7FB] =	sst s8  }
0x293: {  	[bflag:$0x0] =	sbarrier.arrive $0xFFFF  }
0x294: {  	s8 =	simm.s32 $0x14B00  }
0x295: {  	_ =	sfence.sel $0x180000  }
0x296: {  	[bflag:$0x0] =	sbarrier.arrive $0xFFFF  }
0x297: {  	_ =	strace $0x90000047  }
0x298: {  	s0 =	stileid.u32;
	[bflag:$0x2] =	sbarrier.arrive $0xFFFF  }
0x299: {  	p0 =	sne.s32 s0, $0x0;
	s0 =	rddreg [dreg:$0x5]  }
0x29a: {  	s0 =	sadd.s32 @!p0 $0x100000, s0  }
0x29b: {  	[sflag:s0] =	ssyncadd.tile.s32 @!p0 $0x1;
	_ =	shalt  }
.Lfunc_end2:
_tile_overlayer_lowered:
.L_overlay_start_2:
0x29c: {  	(tag) =	ssettag $0x2  }
0x29d: {  	s0 =	rddreg [dreg:$0x0];
	s2 =	stileid.u32  }
0x29e: {  	s1 =	rddreg [dreg:$0x1];
	p0 =	sne.s32 s2, $0x0  }
0x29f: {  	s3 =	rddreg [dreg:$0x2];
	[bflag:$0x3] =	sbarrier.arrive $0xFFFF;
	s2 =	simm.s32 @!p0 $0x1C05  }
0x2a0: {  	[timem:s3], [sflag:s2] =	dma.local @!p0 [hbm:s0], s1  }
0x2a1: {  	s0 =	simm.s32 @!p0 $0x5  }
0x2a2: {  	_ =	swait.ge @!p0 [sflag:s0], s1  }
0x2a3: {  	s1 =	ssub.s32 @!p0 $0x0, s1;
	[sflag:s0] =	ssyncset.done @!p0 $0x0  }
0x2a4: {  	[sflag:s0] =	ssyncadd.s32 @!p0 s1  }
0x2a5: {  	[bflag:$0x3] =	sbarrier.arrive $0xFFFF  }
0x2a6: {  	_ =	shalt  }

</sc_bundles>
